<compile_context>
chip_gen: v7x
topology: tpu7x:2x2x1
jax: 0.10.2.dev20260603
libtpu: 0.0.44.dev20260713+nightly
codegen_flags: <defaults>
</compile_context>

<pallas_src>
import functools

import jax
import jax.numpy as jnp
from jax import lax
from jax.experimental import pallas as pl
from jax.experimental.pallas import tpu as pltpu
from jax.experimental.pallas import tpu_sc as plsc

NC = 2
NS = 16
NW = NC * NS

_EPS = 1e-5


_CHUNK = 50
_SLOTS = 5


def _sc_segment_sum(x, src3, dst3, zeros):
    n, d = x.shape
    _, steps, chunk = dst3.shape
    units = n // 8
    upt = units // NS
    rpt = upt * 8
    extras = units - upt * NS
    mesh = plsc.VectorSubcoreMesh(core_axis_name="c", subcore_axis_name="s")

    @functools.partial(
        pl.kernel,
        out_type=jax.ShapeDtypeStruct((NC, n, d), jnp.float32),
        mesh=mesh,
        scratch_types=[
            [pltpu.VMEM((chunk,), jnp.int32)] * _SLOTS,
            [pltpu.VMEM((chunk,), jnp.int32)] * _SLOTS,
            [pltpu.VMEM((chunk, d), jnp.float32)] * _SLOTS,
            pltpu.MemorySpace.VMEM_SHARED((n, d), jnp.float32),
            [pltpu.SemaphoreType.DMA] * _SLOTS,
            [pltpu.SemaphoreType.DMA] * _SLOTS,
            [pltpu.SemaphoreType.DMA] * _SLOTS,
            [pltpu.SemaphoreType.DMA] * _SLOTS,
        ],
    )
    def k(x_hbm, src_hbm, dst_hbm, z_hbm, out_hbm, sidx, didx, rows, acc,
          isem, dsem, gsem, ssem):
        cid = lax.axis_index("c")
        sid = lax.axis_index("s")
        wid = sid * NC + cid
        rbase = pl.multiple_of(sid * rpt, 8)
        xbase = pl.multiple_of(upt * NS * 8 + sid * 8, 8)

        def init_from(ref):
            pltpu.sync_copy(ref.at[pl.ds(rbase, rpt)], acc.at[pl.ds(rbase, rpt)])

            @pl.when(sid < extras)
            def _():
                pltpu.sync_copy(ref.at[pl.ds(xbase, 8)], acc.at[pl.ds(xbase, 8)])

        @pl.when(cid == 0)
        def _():
            init_from(x_hbm)

        @pl.when(cid != 0)
        def _():
            init_from(z_hbm)

        def start_idx(j, slot):
            pltpu.async_copy(src_hbm.at[wid].at[j], sidx[slot], isem[slot])
            pltpu.async_copy(dst_hbm.at[wid].at[j], didx[slot], dsem[slot])

        def wait_idx(slot):
            pltpu.make_async_copy(src_hbm.at[wid].at[0], sidx[slot],
                                  isem[slot]).wait()
            pltpu.make_async_copy(dst_hbm.at[wid].at[0], didx[slot],
                                  dsem[slot]).wait()

        def wait_gather(slot):
            pltpu.make_async_copy(x_hbm.at[sidx[0]], rows[slot],
                                  gsem[slot]).wait()

        for s in range(_SLOTS):
            start_idx(s, s)

        def body(i, carry):
            j = i * _SLOTS
            scat = []
            for s in range(_SLOTS):
                wait_idx(s)
                pltpu.async_copy(x_hbm.at[sidx[s]], rows[s], gsem[s])
            for s in range(_SLOTS):
                wait_gather(s)
                scat.append(pltpu.async_copy(rows[s], acc.at[didx[s]],
                                             ssem[s], add=True))
            for s in range(_SLOTS):
                scat[s].wait()
                start_idx(j + s + _SLOTS, s)
            return carry

        lax.fori_loop(0, steps // _SLOTS - 1, body, 0)
        for s in range(_SLOTS):
            wait_idx(s)
            pltpu.async_copy(x_hbm.at[sidx[s]], rows[s], gsem[s])
        for s in range(_SLOTS):
            wait_gather(s)
            pltpu.async_copy(rows[s], acc.at[didx[s]],
                             ssem[s], add=True).wait()
        plsc.subcore_barrier()
        pltpu.sync_copy(acc.at[pl.ds(rbase, rpt)],
                        out_hbm.at[cid].at[pl.ds(rbase, rpt)])

        @pl.when(sid < extras)
        def _():
            pltpu.sync_copy(acc.at[pl.ds(xbase, 8)],
                            out_hbm.at[cid].at[pl.ds(xbase, 8)])

    return k(x, src3, dst3, zeros)


def _hp_dot(a, b):
    return jnp.dot(a, b, preferred_element_type=jnp.float32,
                   precision=lax.Precision.HIGHEST)


def _bn_mlp(agg, w1, b1, gamma, beta, w2, b2):
    _, n, d = agg.shape
    inv_n = 1.0 / n

    def body(ar, w1r, b1r, gr, br, w2r, b2r, hr):
        xin = ar[0] + ar[1]
        hpre = _hp_dot(xin, w1r[...]) + b1r[...]
        m = jnp.mean(hpre, axis=0, keepdims=True)
        c = hpre - m
        v = jnp.sum(c * c, axis=0, keepdims=True) * inv_n
        h1 = jnp.maximum(c * (gr[...] * lax.rsqrt(v + _EPS)) + br[...], 0.0)
        hr[...] = jnp.maximum(_hp_dot(h1, w2r[...]) + b2r[...], 0.0)

    full = lambda r, c: pl.BlockSpec((r, c), lambda: (0, 0))
    return pl.pallas_call(
        body,
        in_specs=[pl.BlockSpec((2, n, d), lambda: (0, 0, 0)),
                  full(d, d), full(1, d),
                  full(1, d), full(1, d), full(d, d), full(1, d)],
        out_specs=full(n, d),
        out_shape=jax.ShapeDtypeStruct((n, d), jnp.float32),
    )(agg, w1, b1, gamma, beta, w2, b2)


def _bn_mlp_pool(agg, w1, b1, gamma, beta, w2, b2, bid, g):
    _, n, d = agg.shape
    inv_n = 1.0 / n

    def body(ar, w1r, b1r, gr, br, w2r, b2r, bidr, outr):
        xin = ar[0] + ar[1]
        hpre = _hp_dot(xin, w1r[...]) + b1r[...]
        m = jnp.mean(hpre, axis=0, keepdims=True)
        c = hpre - m
        v = jnp.sum(c * c, axis=0, keepdims=True) * inv_n
        h1 = jnp.maximum(c * (gr[...] * lax.rsqrt(v + _EPS)) + br[...], 0.0)
        h2 = jnp.maximum(_hp_dot(h1, w2r[...]) + b2r[...], 0.0)
        ids = bidr[...]
        gcol = lax.broadcasted_iota(jnp.int32, (n, g), 1).astype(jnp.float32)
        onehot = (ids == gcol).astype(jnp.float32)
        sums = lax.dot_general(onehot, h2, (((0,), (0,)), ((), ())),
                               preferred_element_type=jnp.float32,
                               precision=lax.Precision.HIGHEST)
        cnt = jnp.sum(onehot, axis=0)[:, None]
        outr[...] = sums / jnp.maximum(cnt, 1.0)

    full = lambda r, c: pl.BlockSpec((r, c), lambda: (0, 0))
    return pl.pallas_call(
        body,
        in_specs=[pl.BlockSpec((2, n, d), lambda: (0, 0, 0)),
                  full(d, d), full(1, d),
                  full(1, d), full(1, d), full(d, d), full(1, d),
                  full(n, 1)],
        out_specs=full(g, d),
        out_shape=jax.ShapeDtypeStruct((g, d), jnp.float32),
    )(agg, w1, b1, gamma, beta, w2, b2, bid)


def kernel(x, edge_index, batch, W1_0, b1_0, gamma_0, beta_0, W2_0, b2_0,
           W1_1, b1_1, gamma_1, beta_1, W2_1, b2_1):
    n, d = x.shape
    g = 64
    src3 = edge_index[0].reshape(NW, -1, _CHUNK)
    dst3 = edge_index[1].reshape(NW, -1, _CHUNK)
    z = jnp.zeros_like(x)
    bid = batch.astype(jnp.float32).reshape(n, 1)

    agg = _sc_segment_sum(x, src3, dst3, z)
    h = _bn_mlp(agg, W1_0, b1_0.reshape(1, d),
                gamma_0.reshape(1, d), beta_0.reshape(1, d),
                W2_0, b2_0.reshape(1, d))

    agg2 = _sc_segment_sum(h, src3, dst3, z)
    out = _bn_mlp_pool(agg2, W1_1, b1_1.reshape(1, d),
                       gamma_1.reshape(1, d), beta_1.reshape(1, d),
                       W2_1, b2_1.reshape(1, d), bid, g)
    return out

# --- scband reference (transcript-rebuilt; emitter-appended) ---
"""Pipeline reference for scband-ginfeatures-13675175870656 (READ-ONLY COPY).

The authoritative reference and input builder live on the scoring server;
editing this copy changes nothing except your own understanding.
"""

import jax, jax.numpy as jnp
import numpy as np

N = 10000
E = 320000
D = 128
G = 64

def _init_linear(key, fan_in, fan_out):
    kw, kb = jax.random.split(key)
    lim = 1.0 / np.sqrt(fan_in)
    W = jax.random.uniform(kw, (fan_in, fan_out), minval=-lim, maxval=lim, dtype=jnp.float32)
    b = jax.random.uniform(kb, (fan_out,), minval=-lim, maxval=lim, dtype=jnp.float32)
    return W, b

def setup_inputs(seed: int = 0):
    key = jax.random.key(seed)
    ks = jax.random.split(key, 8)
    inp = {}
    inp['x'] = jax.random.normal(ks[0], (N, D), dtype=jnp.float32)
    inp['edge_index'] = jax.random.randint(ks[1], (2, E), 0, N, dtype=jnp.int32)
    inp['batch'] = jnp.sort(jax.random.randint(ks[2], (N,), 0, G, dtype=jnp.int32))
    for l in range(2):
        k1, k2 = jax.random.split(ks[3 + l])
        W1, b1 = _init_linear(k1, D, D)
        W2, b2 = _init_linear(k2, D, D)
        inp['W1_%d' % l] = W1
        inp['b1_%d' % l] = b1
        inp['gamma_%d' % l] = jnp.ones((D,), dtype=jnp.float32)
        inp['beta_%d' % l] = jnp.zeros((D,), dtype=jnp.float32)
        inp['W2_%d' % l] = W2
        inp['b2_%d' % l] = b2
    return inp

def _gin_conv(x, edge_index, W1, b1, gamma, beta, W2, b2):
    src = edge_index[0]
    dst = edge_index[1]
    agg = jax.ops.segment_sum(x[src], dst, num_segments=x.shape[0])
    h = x + agg  # GINConv: (1 + eps) * x + sum_j x_j with eps = 0 (default)
    h = h @ W1 + b1
    mu = jnp.mean(h, axis=0)
    var = jnp.var(h, axis=0)
    h = (h - mu) / jnp.sqrt(var + 1e-5) * gamma + beta  # BatchNorm1d, training-mode batch stats
    h = jax.nn.relu(h)
    h = h @ W2 + b2
    h = jax.nn.relu(h)
    return h

def reference(x, edge_index, batch, W1_0, b1_0, gamma_0, beta_0, W2_0, b2_0, W1_1, b1_1, gamma_1, beta_1, W2_1, b2_1):
    h = _gin_conv(x, edge_index, W1_0, b1_0, gamma_0, beta_0, W2_0, b2_0)
    h = _gin_conv(h, edge_index, W1_1, b1_1, gamma_1, beta_1, W2_1, b2_1)
    sums = jax.ops.segment_sum(h, batch, num_segments=G)
    counts = jax.ops.segment_sum(jnp.ones((h.shape[0],), dtype=h.dtype), batch, num_segments=G)
    out = sums / jnp.maximum(counts, 1.0)[:, None]  # global_mean_pool
    return out

if __name__ == "__main__":
    import jax
    _d = setup_inputs()
    print(jax.jit(kernel)(*tuple(_d.values())))

</pallas_src>

<mosaic_0001>
#map = affine_map<(d0, d1) -> (0, 0)>
#map1 = affine_map<(d0, d1) -> (0, 0, 0)>
module attributes {stable_mosaic.version = 14 : i64} {
  func.func @k(%arg0: i32, %arg1: i32, %arg2: memref<10000x128xf32, #tpu.memory_space<hbm>>, %arg3: memref<32x200x50xi32, #tpu.memory_space<hbm>>, %arg4: memref<32x200x50xi32, #tpu.memory_space<hbm>>, %arg5: memref<10000x128xf32, #tpu.memory_space<hbm>>, %arg6: memref<2x10000x128xf32, #tpu.memory_space<hbm>>, %arg7: memref<50xi32, #tpu.memory_space<vmem>>, %arg8: memref<50xi32, #tpu.memory_space<vmem>>, %arg9: memref<50xi32, #tpu.memory_space<vmem>>, %arg10: memref<50xi32, #tpu.memory_space<vmem>>, %arg11: memref<50xi32, #tpu.memory_space<vmem>>, %arg12: memref<50xi32, #tpu.memory_space<vmem>>, %arg13: memref<50xi32, #tpu.memory_space<vmem>>, %arg14: memref<50xi32, #tpu.memory_space<vmem>>, %arg15: memref<50xi32, #tpu.memory_space<vmem>>, %arg16: memref<50xi32, #tpu.memory_space<vmem>>, %arg17: memref<50x128xf32, #tpu.memory_space<vmem>>, %arg18: memref<50x128xf32, #tpu.memory_space<vmem>>, %arg19: memref<50x128xf32, #tpu.memory_space<vmem>>, %arg20: memref<50x128xf32, #tpu.memory_space<vmem>>, %arg21: memref<50x128xf32, #tpu.memory_space<vmem>>, %arg22: memref<10000x128xf32, #tpu.memory_space<vmem_shared>>, %arg23: memref<!tpu.dma_semaphore, #tpu.memory_space<semaphore_mem>>, %arg24: memref<!tpu.dma_semaphore, #tpu.memory_space<semaphore_mem>>, %arg25: memref<!tpu.dma_semaphore, #tpu.memory_space<semaphore_mem>>, %arg26: memref<!tpu.dma_semaphore, #tpu.memory_space<semaphore_mem>>, %arg27: memref<!tpu.dma_semaphore, #tpu.memory_space<semaphore_mem>>, %arg28: memref<!tpu.dma_semaphore, #tpu.memory_space<semaphore_mem>>, %arg29: memref<!tpu.dma_semaphore, #tpu.memory_space<semaphore_mem>>, %arg30: memref<!tpu.dma_semaphore, #tpu.memory_space<semaphore_mem>>, %arg31: memref<!tpu.dma_semaphore, #tpu.memory_space<semaphore_mem>>, %arg32: memref<!tpu.dma_semaphore, #tpu.memory_space<semaphore_mem>>, %arg33: memref<!tpu.dma_semaphore, #tpu.memory_space<semaphore_mem>>, %arg34: memref<!tpu.dma_semaphore, #tpu.memory_space<semaphore_mem>>, %arg35: memref<!tpu.dma_semaphore, #tpu.memory_space<semaphore_mem>>, %arg36: memref<!tpu.dma_semaphore, #tpu.memory_space<semaphore_mem>>, %arg37: memref<!tpu.dma_semaphore, #tpu.memory_space<semaphore_mem>>, %arg38: memref<!tpu.dma_semaphore, #tpu.memory_space<semaphore_mem>>, %arg39: memref<!tpu.dma_semaphore, #tpu.memory_space<semaphore_mem>>, %arg40: memref<!tpu.dma_semaphore, #tpu.memory_space<semaphore_mem>>, %arg41: memref<!tpu.dma_semaphore, #tpu.memory_space<semaphore_mem>>, %arg42: memref<!tpu.dma_semaphore, #tpu.memory_space<semaphore_mem>>) attributes {dimension_semantics = [#tpu.dimension_semantics<core_parallel>, #tpu.dimension_semantics<subcore_parallel>], iteration_bounds = array<i64: 2, 16>, scalar_prefetch = 0 : i64, scratch_operands = 36 : i64, tpu.core_type = #tpu.core_type<sc_vector_subcore>, window_params = [{transform_indices = #map}, {transform_indices = #map1}, {transform_indices = #map1}, {transform_indices = #map}, {transform_indices = #map1}]} {
    %mul3A = arith.constant 2 : i32
    %mul3A_0 = arith.muli %arg1, %mul3A : i32
    %add3A = arith.addi %mul3A_0, %arg0 : i32
    %mul3A_1 = arith.constant 624 : i32
    %mul3A_2 = arith.muli %arg1, %mul3A_1 : i32
    %multiple_of3A = tpu.assume_multiple %mul3A_2, 8 : i32
    %mul3A_3 = arith.constant 8 : i32
    %mul3A_4 = arith.muli %arg1, %mul3A_3 : i32
    %add3A_5 = arith.constant 9984 : i32
    %add3A_6 = arith.addi %add3A_5, %mul3A_4 : i32
    %multiple_of3A_7 = tpu.assume_multiple %add3A_6, 8 : i32
    %eq3A = arith.constant 0 : i32
    %eq3A_8 = arith.cmpi eq, %arg0, %eq3A : i32
    %convert_element_type3A = arith.extui %eq3A_8 : i1 to i32
    %cond3A = arith.constant 0 : i32
    %cond3A_9 = arith.cmpi ne, %convert_element_type3A, %cond3A : i32
    scf.if %cond3A_9 {
      "tpu.region"() ({
        %run_scoped3A = tpu.sem_alloc : memref<!tpu.dma_semaphore, #tpu.memory_space<semaphore_mem>>
        %dma_start3A_386 = arith.constant 0 : i32
        %dma_start3A_387 = tpu.memref_slice %arg22[%multiple_of3A, %dma_start3A_386] : memref<10000x128xf32, #tpu.memory_space<vmem_shared>> -> memref<624x128xf32, #tpu.memory_space<vmem_shared>>
        %dma_start3A_388 = arith.constant 0 : i32
        %dma_start3A_389 = tpu.memref_slice %arg2[%multiple_of3A, %dma_start3A_388] : memref<10000x128xf32, #tpu.memory_space<hbm>> -> memref<624x128xf32, #tpu.memory_space<hbm>>
        tpu.enqueue_dma source(%dma_start3A_389 : memref<624x128xf32, #tpu.memory_space<hbm>>) target(%dma_start3A_387 : memref<624x128xf32, #tpu.memory_space<vmem_shared>>) target_semaphore(%run_scoped3A : memref<!tpu.dma_semaphore, #tpu.memory_space<semaphore_mem>>)
        %dma_wait3A_390 = arith.constant 0 : i32
        %dma_wait3A_391 = tpu.memref_slice %arg22[%multiple_of3A, %dma_wait3A_390] : memref<10000x128xf32, #tpu.memory_space<vmem_shared>> -> memref<624x128xf32, #tpu.memory_space<vmem_shared>>
        %dma_wait3A_392 = arith.constant 0 : i32
        %dma_wait3A_393 = tpu.memref_slice %arg2[%multiple_of3A, %dma_wait3A_392] : memref<10000x128xf32, #tpu.memory_space<hbm>> -> memref<624x128xf32, #tpu.memory_space<hbm>>
        tpu.wait_dma2 semaphore(%run_scoped3A : memref<!tpu.dma_semaphore, #tpu.memory_space<semaphore_mem>>) src(%dma_wait3A_393 : memref<624x128xf32, #tpu.memory_space<hbm>>) dst(%dma_wait3A_391 : memref<624x128xf32, #tpu.memory_space<vmem_shared>>)
        tpu.yield
      }) : () -> ()
      %lt3A_381 = arith.constant 2 : i32
      %lt3A_382 = arith.cmpi slt, %arg1, %lt3A_381 : i32
      %convert_element_type3A_383 = arith.extui %lt3A_382 : i1 to i32
      %cond3A_384 = arith.constant 0 : i32
      %cond3A_385 = arith.cmpi ne, %convert_element_type3A_383, %cond3A_384 : i32
      scf.if %cond3A_385 {
        "tpu.region"() ({
          %run_scoped3A = tpu.sem_alloc : memref<!tpu.dma_semaphore, #tpu.memory_space<semaphore_mem>>
          %dma_start3A_386 = arith.constant 0 : i32
          %dma_start3A_387 = tpu.memref_slice %arg22[%multiple_of3A_7, %dma_start3A_386] : memref<10000x128xf32, #tpu.memory_space<vmem_shared>> -> memref<8x128xf32, #tpu.memory_space<vmem_shared>>
          %dma_start3A_388 = arith.constant 0 : i32
          %dma_start3A_389 = tpu.memref_slice %arg2[%multiple_of3A_7, %dma_start3A_388] : memref<10000x128xf32, #tpu.memory_space<hbm>> -> memref<8x128xf32, #tpu.memory_space<hbm>>
          tpu.enqueue_dma source(%dma_start3A_389 : memref<8x128xf32, #tpu.memory_space<hbm>>) target(%dma_start3A_387 : memref<8x128xf32, #tpu.memory_space<vmem_shared>>) target_semaphore(%run_scoped3A : memref<!tpu.dma_semaphore, #tpu.memory_space<semaphore_mem>>)
          %dma_wait3A_390 = arith.constant 0 : i32
          %dma_wait3A_391 = tpu.memref_slice %arg22[%multiple_of3A_7, %dma_wait3A_390] : memref<10000x128xf32, #tpu.memory_space<vmem_shared>> -> memref<8x128xf32, #tpu.memory_space<vmem_shared>>
          %dma_wait3A_392 = arith.constant 0 : i32
          %dma_wait3A_393 = tpu.memref_slice %arg2[%multiple_of3A_7, %dma_wait3A_392] : memref<10000x128xf32, #tpu.memory_space<hbm>> -> memref<8x128xf32, #tpu.memory_space<hbm>>
          tpu.wait_dma2 semaphore(%run_scoped3A : memref<!tpu.dma_semaphore, #tpu.memory_space<semaphore_mem>>) src(%dma_wait3A_393 : memref<8x128xf32, #tpu.memory_space<hbm>>) dst(%dma_wait3A_391 : memref<8x128xf32, #tpu.memory_space<vmem_shared>>)
          tpu.yield
        }) : () -> ()
      } else {
      }
    } else {
    }
    %ne3A = arith.constant 0 : i32
    %ne3A_10 = arith.cmpi ne, %arg0, %ne3A : i32
    %convert_element_type3A_11 = arith.extui %ne3A_10 : i1 to i32
    %cond3A_12 = arith.constant 0 : i32
    %cond3A_13 = arith.cmpi ne, %convert_element_type3A_11, %cond3A_12 : i32
    scf.if %cond3A_13 {
      "tpu.region"() ({
        %run_scoped3A = tpu.sem_alloc : memref<!tpu.dma_semaphore, #tpu.memory_space<semaphore_mem>>
        %dma_start3A_386 = arith.constant 0 : i32
        %dma_start3A_387 = tpu.memref_slice %arg22[%multiple_of3A, %dma_start3A_386] : memref<10000x128xf32, #tpu.memory_space<vmem_shared>> -> memref<624x128xf32, #tpu.memory_space<vmem_shared>>
        %dma_start3A_388 = arith.constant 0 : i32
        %dma_start3A_389 = tpu.memref_slice %arg5[%multiple_of3A, %dma_start3A_388] : memref<10000x128xf32, #tpu.memory_space<hbm>> -> memref<624x128xf32, #tpu.memory_space<hbm>>
        tpu.enqueue_dma source(%dma_start3A_389 : memref<624x128xf32, #tpu.memory_space<hbm>>) target(%dma_start3A_387 : memref<624x128xf32, #tpu.memory_space<vmem_shared>>) target_semaphore(%run_scoped3A : memref<!tpu.dma_semaphore, #tpu.memory_space<semaphore_mem>>)
        %dma_wait3A_390 = arith.constant 0 : i32
        %dma_wait3A_391 = tpu.memref_slice %arg22[%multiple_of3A, %dma_wait3A_390] : memref<10000x128xf32, #tpu.memory_space<vmem_shared>> -> memref<624x128xf32, #tpu.memory_space<vmem_shared>>
        %dma_wait3A_392 = arith.constant 0 : i32
        %dma_wait3A_393 = tpu.memref_slice %arg5[%multiple_of3A, %dma_wait3A_392] : memref<10000x128xf32, #tpu.memory_space<hbm>> -> memref<624x128xf32, #tpu.memory_space<hbm>>
        tpu.wait_dma2 semaphore(%run_scoped3A : memref<!tpu.dma_semaphore, #tpu.memory_space<semaphore_mem>>) src(%dma_wait3A_393 : memref<624x128xf32, #tpu.memory_space<hbm>>) dst(%dma_wait3A_391 : memref<624x128xf32, #tpu.memory_space<vmem_shared>>)
        tpu.yield
      }) : () -> ()
      %lt3A_381 = arith.constant 2 : i32
      %lt3A_382 = arith.cmpi slt, %arg1, %lt3A_381 : i32
      %convert_element_type3A_383 = arith.extui %lt3A_382 : i1 to i32
      %cond3A_384 = arith.constant 0 : i32
      %cond3A_385 = arith.cmpi ne, %convert_element_type3A_383, %cond3A_384 : i32
      scf.if %cond3A_385 {
        "tpu.region"() ({
          %run_scoped3A = tpu.sem_alloc : memref<!tpu.dma_semaphore, #tpu.memory_space<semaphore_mem>>
          %dma_start3A_386 = arith.constant 0 : i32
          %dma_start3A_387 = tpu.memref_slice %arg22[%multiple_of3A_7, %dma_start3A_386] : memref<10000x128xf32, #tpu.memory_space<vmem_shared>> -> memref<8x128xf32, #tpu.memory_space<vmem_shared>>
          %dma_start3A_388 = arith.constant 0 : i32
          %dma_start3A_389 = tpu.memref_slice %arg5[%multiple_of3A_7, %dma_start3A_388] : memref<10000x128xf32, #tpu.memory_space<hbm>> -> memref<8x128xf32, #tpu.memory_space<hbm>>
          tpu.enqueue_dma source(%dma_start3A_389 : memref<8x128xf32, #tpu.memory_space<hbm>>) target(%dma_start3A_387 : memref<8x128xf32, #tpu.memory_space<vmem_shared>>) target_semaphore(%run_scoped3A : memref<!tpu.dma_semaphore, #tpu.memory_space<semaphore_mem>>)
          %dma_wait3A_390 = arith.constant 0 : i32
          %dma_wait3A_391 = tpu.memref_slice %arg22[%multiple_of3A_7, %dma_wait3A_390] : memref<10000x128xf32, #tpu.memory_space<vmem_shared>> -> memref<8x128xf32, #tpu.memory_space<vmem_shared>>
          %dma_wait3A_392 = arith.constant 0 : i32
          %dma_wait3A_393 = tpu.memref_slice %arg5[%multiple_of3A_7, %dma_wait3A_392] : memref<10000x128xf32, #tpu.memory_space<hbm>> -> memref<8x128xf32, #tpu.memory_space<hbm>>
          tpu.wait_dma2 semaphore(%run_scoped3A : memref<!tpu.dma_semaphore, #tpu.memory_space<semaphore_mem>>) src(%dma_wait3A_393 : memref<8x128xf32, #tpu.memory_space<hbm>>) dst(%dma_wait3A_391 : memref<8x128xf32, #tpu.memory_space<vmem_shared>>)
          tpu.yield
        }) : () -> ()
      } else {
      }
    } else {
    }
    %dma_start3A = arith.constant 0 : i32
    %dma_start3A_14 = arith.constant 0 : i32
    %dma_start3A_15 = arith.constant 0 : i32
    %dma_start3A_16 = tpu.memref_slice %arg3[%add3A, %dma_start3A_14, %dma_start3A_15] : memref<32x200x50xi32, #tpu.memory_space<hbm>> -> memref<1x200x50xi32, #tpu.memory_space<hbm>>
    %dma_start3A_17 = tpu.memref_squeeze %dma_start3A_16 : memref<1x200x50xi32, #tpu.memory_space<hbm>> -> memref<200x50xi32, #tpu.memory_space<hbm>>
    %dma_start3A_18 = arith.constant 0 : i32
    %dma_start3A_19 = tpu.memref_slice %dma_start3A_17[%dma_start3A, %dma_start3A_18] : memref<200x50xi32, #tpu.memory_space<hbm>> -> memref<1x50xi32, #tpu.memory_space<hbm>>
    %dma_start3A_20 = tpu.memref_squeeze %dma_start3A_19 : memref<1x50xi32, #tpu.memory_space<hbm>> -> memref<50xi32, #tpu.memory_space<hbm>>
    %dma_start3A_21 = arith.constant 0 : i32
    %dma_start3A_22 = arith.constant 0 : i32
    %dma_start3A_23 = tpu.memref_slice %arg3[%add3A, %dma_start3A_21, %dma_start3A_22] : memref<32x200x50xi32, #tpu.memory_space<hbm>> -> memref<1x200x50xi32, #tpu.memory_space<hbm>>
    %dma_start3A_24 = tpu.memref_squeeze %dma_start3A_23 : memref<1x200x50xi32, #tpu.memory_space<hbm>> -> memref<200x50xi32, #tpu.memory_space<hbm>>
    %dma_start3A_25 = arith.constant 0 : i32
    %dma_start3A_26 = tpu.memref_slice %dma_start3A_24[%dma_start3A, %dma_start3A_25] : memref<200x50xi32, #tpu.memory_space<hbm>> -> memref<1x50xi32, #tpu.memory_space<hbm>>
    %dma_start3A_27 = tpu.memref_squeeze %dma_start3A_26 : memref<1x50xi32, #tpu.memory_space<hbm>> -> memref<50xi32, #tpu.memory_space<hbm>>
    tpu.enqueue_dma source(%dma_start3A_27 : memref<50xi32, #tpu.memory_space<hbm>>) target(%arg7 : memref<50xi32, #tpu.memory_space<vmem>>) target_semaphore(%arg23 : memref<!tpu.dma_semaphore, #tpu.memory_space<semaphore_mem>>)
    %dma_start3A_28 = arith.constant 0 : i32
    %dma_start3A_29 = arith.constant 0 : i32
    %dma_start3A_30 = arith.constant 0 : i32
    %dma_start3A_31 = tpu.memref_slice %arg4[%add3A, %dma_start3A_29, %dma_start3A_30] : memref<32x200x50xi32, #tpu.memory_space<hbm>> -> memref<1x200x50xi32, #tpu.memory_space<hbm>>
    %dma_start3A_32 = tpu.memref_squeeze %dma_start3A_31 : memref<1x200x50xi32, #tpu.memory_space<hbm>> -> memref<200x50xi32, #tpu.memory_space<hbm>>
    %dma_start3A_33 = arith.constant 0 : i32
    %dma_start3A_34 = tpu.memref_slice %dma_start3A_32[%dma_start3A_28, %dma_start3A_33] : memref<200x50xi32, #tpu.memory_space<hbm>> -> memref<1x50xi32, #tpu.memory_space<hbm>>
    %dma_start3A_35 = tpu.memref_squeeze %dma_start3A_34 : memref<1x50xi32, #tpu.memory_space<hbm>> -> memref<50xi32, #tpu.memory_space<hbm>>
    %dma_start3A_36 = arith.constant 0 : i32
    %dma_start3A_37 = arith.constant 0 : i32
    %dma_start3A_38 = tpu.memref_slice %arg4[%add3A, %dma_start3A_36, %dma_start3A_37] : memref<32x200x50xi32, #tpu.memory_space<hbm>> -> memref<1x200x50xi32, #tpu.memory_space<hbm>>
    %dma_start3A_39 = tpu.memref_squeeze %dma_start3A_38 : memref<1x200x50xi32, #tpu.memory_space<hbm>> -> memref<200x50xi32, #tpu.memory_space<hbm>>
    %dma_start3A_40 = arith.constant 0 : i32
    %dma_start3A_41 = tpu.memref_slice %dma_start3A_39[%dma_start3A_28, %dma_start3A_40] : memref<200x50xi32, #tpu.memory_space<hbm>> -> memref<1x50xi32, #tpu.memory_space<hbm>>
    %dma_start3A_42 = tpu.memref_squeeze %dma_start3A_41 : memref<1x50xi32, #tpu.memory_space<hbm>> -> memref<50xi32, #tpu.memory_space<hbm>>
    tpu.enqueue_dma source(%dma_start3A_42 : memref<50xi32, #tpu.memory_space<hbm>>) target(%arg12 : memref<50xi32, #tpu.memory_space<vmem>>) target_semaphore(%arg28 : memref<!tpu.dma_semaphore, #tpu.memory_space<semaphore_mem>>)
    %dma_start3A_43 = arith.constant 1 : i32
    %dma_start3A_44 = arith.constant 0 : i32
    %dma_start3A_45 = arith.constant 0 : i32
    %dma_start3A_46 = tpu.memref_slice %arg3[%add3A, %dma_start3A_44, %dma_start3A_45] : memref<32x200x50xi32, #tpu.memory_space<hbm>> -> memref<1x200x50xi32, #tpu.memory_space<hbm>>
    %dma_start3A_47 = tpu.memref_squeeze %dma_start3A_46 : memref<1x200x50xi32, #tpu.memory_space<hbm>> -> memref<200x50xi32, #tpu.memory_space<hbm>>
    %dma_start3A_48 = arith.constant 0 : i32
    %dma_start3A_49 = tpu.memref_slice %dma_start3A_47[%dma_start3A_43, %dma_start3A_48] : memref<200x50xi32, #tpu.memory_space<hbm>> -> memref<1x50xi32, #tpu.memory_space<hbm>>
    %dma_start3A_50 = tpu.memref_squeeze %dma_start3A_49 : memref<1x50xi32, #tpu.memory_space<hbm>> -> memref<50xi32, #tpu.memory_space<hbm>>
    %dma_start3A_51 = arith.constant 0 : i32
    %dma_start3A_52 = arith.constant 0 : i32
    %dma_start3A_53 = tpu.memref_slice %arg3[%add3A, %dma_start3A_51, %dma_start3A_52] : memref<32x200x50xi32, #tpu.memory_space<hbm>> -> memref<1x200x50xi32, #tpu.memory_space<hbm>>
    %dma_start3A_54 = tpu.memref_squeeze %dma_start3A_53 : memref<1x200x50xi32, #tpu.memory_space<hbm>> -> memref<200x50xi32, #tpu.memory_space<hbm>>
    %dma_start3A_55 = arith.constant 0 : i32
    %dma_start3A_56 = tpu.memref_slice %dma_start3A_54[%dma_start3A_43, %dma_start3A_55] : memref<200x50xi32, #tpu.memory_space<hbm>> -> memref<1x50xi32, #tpu.memory_space<hbm>>
    %dma_start3A_57 = tpu.memref_squeeze %dma_start3A_56 : memref<1x50xi32, #tpu.memory_space<hbm>> -> memref<50xi32, #tpu.memory_space<hbm>>
    tpu.enqueue_dma source(%dma_start3A_57 : memref<50xi32, #tpu.memory_space<hbm>>) target(%arg8 : memref<50xi32, #tpu.memory_space<vmem>>) target_semaphore(%arg24 : memref<!tpu.dma_semaphore, #tpu.memory_space<semaphore_mem>>)
    %dma_start3A_58 = arith.constant 1 : i32
    %dma_start3A_59 = arith.constant 0 : i32
    %dma_start3A_60 = arith.constant 0 : i32
    %dma_start3A_61 = tpu.memref_slice %arg4[%add3A, %dma_start3A_59, %dma_start3A_60] : memref<32x200x50xi32, #tpu.memory_space<hbm>> -> memref<1x200x50xi32, #tpu.memory_space<hbm>>
    %dma_start3A_62 = tpu.memref_squeeze %dma_start3A_61 : memref<1x200x50xi32, #tpu.memory_space<hbm>> -> memref<200x50xi32, #tpu.memory_space<hbm>>
    %dma_start3A_63 = arith.constant 0 : i32
    %dma_start3A_64 = tpu.memref_slice %dma_start3A_62[%dma_start3A_58, %dma_start3A_63] : memref<200x50xi32, #tpu.memory_space<hbm>> -> memref<1x50xi32, #tpu.memory_space<hbm>>
    %dma_start3A_65 = tpu.memref_squeeze %dma_start3A_64 : memref<1x50xi32, #tpu.memory_space<hbm>> -> memref<50xi32, #tpu.memory_space<hbm>>
    %dma_start3A_66 = arith.constant 0 : i32
    %dma_start3A_67 = arith.constant 0 : i32
    %dma_start3A_68 = tpu.memref_slice %arg4[%add3A, %dma_start3A_66, %dma_start3A_67] : memref<32x200x50xi32, #tpu.memory_space<hbm>> -> memref<1x200x50xi32, #tpu.memory_space<hbm>>
    %dma_start3A_69 = tpu.memref_squeeze %dma_start3A_68 : memref<1x200x50xi32, #tpu.memory_space<hbm>> -> memref<200x50xi32, #tpu.memory_space<hbm>>
    %dma_start3A_70 = arith.constant 0 : i32
    %dma_start3A_71 = tpu.memref_slice %dma_start3A_69[%dma_start3A_58, %dma_start3A_70] : memref<200x50xi32, #tpu.memory_space<hbm>> -> memref<1x50xi32, #tpu.memory_space<hbm>>
    %dma_start3A_72 = tpu.memref_squeeze %dma_start3A_71 : memref<1x50xi32, #tpu.memory_space<hbm>> -> memref<50xi32, #tpu.memory_space<hbm>>
    tpu.enqueue_dma source(%dma_start3A_72 : memref<50xi32, #tpu.memory_space<hbm>>) target(%arg13 : memref<50xi32, #tpu.memory_space<vmem>>) target_semaphore(%arg29 : memref<!tpu.dma_semaphore, #tpu.memory_space<semaphore_mem>>)
    %dma_start3A_73 = arith.constant 2 : i32
    %dma_start3A_74 = arith.constant 0 : i32
    %dma_start3A_75 = arith.constant 0 : i32
    %dma_start3A_76 = tpu.memref_slice %arg3[%add3A, %dma_start3A_74, %dma_start3A_75] : memref<32x200x50xi32, #tpu.memory_space<hbm>> -> memref<1x200x50xi32, #tpu.memory_space<hbm>>
    %dma_start3A_77 = tpu.memref_squeeze %dma_start3A_76 : memref<1x200x50xi32, #tpu.memory_space<hbm>> -> memref<200x50xi32, #tpu.memory_space<hbm>>
    %dma_start3A_78 = arith.constant 0 : i32
    %dma_start3A_79 = tpu.memref_slice %dma_start3A_77[%dma_start3A_73, %dma_start3A_78] : memref<200x50xi32, #tpu.memory_space<hbm>> -> memref<1x50xi32, #tpu.memory_space<hbm>>
    %dma_start3A_80 = tpu.memref_squeeze %dma_start3A_79 : memref<1x50xi32, #tpu.memory_space<hbm>> -> memref<50xi32, #tpu.memory_space<hbm>>
    %dma_start3A_81 = arith.constant 0 : i32
    %dma_start3A_82 = arith.constant 0 : i32
    %dma_start3A_83 = tpu.memref_slice %arg3[%add3A, %dma_start3A_81, %dma_start3A_82] : memref<32x200x50xi32, #tpu.memory_space<hbm>> -> memref<1x200x50xi32, #tpu.memory_space<hbm>>
    %dma_start3A_84 = tpu.memref_squeeze %dma_start3A_83 : memref<1x200x50xi32, #tpu.memory_space<hbm>> -> memref<200x50xi32, #tpu.memory_space<hbm>>
    %dma_start3A_85 = arith.constant 0 : i32
    %dma_start3A_86 = tpu.memref_slice %dma_start3A_84[%dma_start3A_73, %dma_start3A_85] : memref<200x50xi32, #tpu.memory_space<hbm>> -> memref<1x50xi32, #tpu.memory_space<hbm>>
    %dma_start3A_87 = tpu.memref_squeeze %dma_start3A_86 : memref<1x50xi32, #tpu.memory_space<hbm>> -> memref<50xi32, #tpu.memory_space<hbm>>
    tpu.enqueue_dma source(%dma_start3A_87 : memref<50xi32, #tpu.memory_space<hbm>>) target(%arg9 : memref<50xi32, #tpu.memory_space<vmem>>) target_semaphore(%arg25 : memref<!tpu.dma_semaphore, #tpu.memory_space<semaphore_mem>>)
    %dma_start3A_88 = arith.constant 2 : i32
    %dma_start3A_89 = arith.constant 0 : i32
    %dma_start3A_90 = arith.constant 0 : i32
    %dma_start3A_91 = tpu.memref_slice %arg4[%add3A, %dma_start3A_89, %dma_start3A_90] : memref<32x200x50xi32, #tpu.memory_space<hbm>> -> memref<1x200x50xi32, #tpu.memory_space<hbm>>
    %dma_start3A_92 = tpu.memref_squeeze %dma_start3A_91 : memref<1x200x50xi32, #tpu.memory_space<hbm>> -> memref<200x50xi32, #tpu.memory_space<hbm>>
    %dma_start3A_93 = arith.constant 0 : i32
    %dma_start3A_94 = tpu.memref_slice %dma_start3A_92[%dma_start3A_88, %dma_start3A_93] : memref<200x50xi32, #tpu.memory_space<hbm>> -> memref<1x50xi32, #tpu.memory_space<hbm>>
    %dma_start3A_95 = tpu.memref_squeeze %dma_start3A_94 : memref<1x50xi32, #tpu.memory_space<hbm>> -> memref<50xi32, #tpu.memory_space<hbm>>
    %dma_start3A_96 = arith.constant 0 : i32
    %dma_start3A_97 = arith.constant 0 : i32
    %dma_start3A_98 = tpu.memref_slice %arg4[%add3A, %dma_start3A_96, %dma_start3A_97] : memref<32x200x50xi32, #tpu.memory_space<hbm>> -> memref<1x200x50xi32, #tpu.memory_space<hbm>>
    %dma_start3A_99 = tpu.memref_squeeze %dma_start3A_98 : memref<1x200x50xi32, #tpu.memory_space<hbm>> -> memref<200x50xi32, #tpu.memory_space<hbm>>
    %dma_start3A_100 = arith.constant 0 : i32
    %dma_start3A_101 = tpu.memref_slice %dma_start3A_99[%dma_start3A_88, %dma_start3A_100] : memref<200x50xi32, #tpu.memory_space<hbm>> -> memref<1x50xi32, #tpu.memory_space<hbm>>
    %dma_start3A_102 = tpu.memref_squeeze %dma_start3A_101 : memref<1x50xi32, #tpu.memory_space<hbm>> -> memref<50xi32, #tpu.memory_space<hbm>>
    tpu.enqueue_dma source(%dma_start3A_102 : memref<50xi32, #tpu.memory_space<hbm>>) target(%arg14 : memref<50xi32, #tpu.memory_space<vmem>>) target_semaphore(%arg30 : memref<!tpu.dma_semaphore, #tpu.memory_space<semaphore_mem>>)
    %dma_start3A_103 = arith.constant 3 : i32
    %dma_start3A_104 = arith.constant 0 : i32
    %dma_start3A_105 = arith.constant 0 : i32
    %dma_start3A_106 = tpu.memref_slice %arg3[%add3A, %dma_start3A_104, %dma_start3A_105] : memref<32x200x50xi32, #tpu.memory_space<hbm>> -> memref<1x200x50xi32, #tpu.memory_space<hbm>>
    %dma_start3A_107 = tpu.memref_squeeze %dma_start3A_106 : memref<1x200x50xi32, #tpu.memory_space<hbm>> -> memref<200x50xi32, #tpu.memory_space<hbm>>
    %dma_start3A_108 = arith.constant 0 : i32
    %dma_start3A_109 = tpu.memref_slice %dma_start3A_107[%dma_start3A_103, %dma_start3A_108] : memref<200x50xi32, #tpu.memory_space<hbm>> -> memref<1x50xi32, #tpu.memory_space<hbm>>
    %dma_start3A_110 = tpu.memref_squeeze %dma_start3A_109 : memref<1x50xi32, #tpu.memory_space<hbm>> -> memref<50xi32, #tpu.memory_space<hbm>>
    %dma_start3A_111 = arith.constant 0 : i32
    %dma_start3A_112 = arith.constant 0 : i32
    %dma_start3A_113 = tpu.memref_slice %arg3[%add3A, %dma_start3A_111, %dma_start3A_112] : memref<32x200x50xi32, #tpu.memory_space<hbm>> -> memref<1x200x50xi32, #tpu.memory_space<hbm>>
    %dma_start3A_114 = tpu.memref_squeeze %dma_start3A_113 : memref<1x200x50xi32, #tpu.memory_space<hbm>> -> memref<200x50xi32, #tpu.memory_space<hbm>>
    %dma_start3A_115 = arith.constant 0 : i32
    %dma_start3A_116 = tpu.memref_slice %dma_start3A_114[%dma_start3A_103, %dma_start3A_115] : memref<200x50xi32, #tpu.memory_space<hbm>> -> memref<1x50xi32, #tpu.memory_space<hbm>>
    %dma_start3A_117 = tpu.memref_squeeze %dma_start3A_116 : memref<1x50xi32, #tpu.memory_space<hbm>> -> memref<50xi32, #tpu.memory_space<hbm>>
    tpu.enqueue_dma source(%dma_start3A_117 : memref<50xi32, #tpu.memory_space<hbm>>) target(%arg10 : memref<50xi32, #tpu.memory_space<vmem>>) target_semaphore(%arg26 : memref<!tpu.dma_semaphore, #tpu.memory_space<semaphore_mem>>)
    %dma_start3A_118 = arith.constant 3 : i32
    %dma_start3A_119 = arith.constant 0 : i32
    %dma_start3A_120 = arith.constant 0 : i32
    %dma_start3A_121 = tpu.memref_slice %arg4[%add3A, %dma_start3A_119, %dma_start3A_120] : memref<32x200x50xi32, #tpu.memory_space<hbm>> -> memref<1x200x50xi32, #tpu.memory_space<hbm>>
    %dma_start3A_122 = tpu.memref_squeeze %dma_start3A_121 : memref<1x200x50xi32, #tpu.memory_space<hbm>> -> memref<200x50xi32, #tpu.memory_space<hbm>>
    %dma_start3A_123 = arith.constant 0 : i32
    %dma_start3A_124 = tpu.memref_slice %dma_start3A_122[%dma_start3A_118, %dma_start3A_123] : memref<200x50xi32, #tpu.memory_space<hbm>> -> memref<1x50xi32, #tpu.memory_space<hbm>>
    %dma_start3A_125 = tpu.memref_squeeze %dma_start3A_124 : memref<1x50xi32, #tpu.memory_space<hbm>> -> memref<50xi32, #tpu.memory_space<hbm>>
    %dma_start3A_126 = arith.constant 0 : i32
    %dma_start3A_127 = arith.constant 0 : i32
    %dma_start3A_128 = tpu.memref_slice %arg4[%add3A, %dma_start3A_126, %dma_start3A_127] : memref<32x200x50xi32, #tpu.memory_space<hbm>> -> memref<1x200x50xi32, #tpu.memory_space<hbm>>
    %dma_start3A_129 = tpu.memref_squeeze %dma_start3A_128 : memref<1x200x50xi32, #tpu.memory_space<hbm>> -> memref<200x50xi32, #tpu.memory_space<hbm>>
    %dma_start3A_130 = arith.constant 0 : i32
    %dma_start3A_131 = tpu.memref_slice %dma_start3A_129[%dma_start3A_118, %dma_start3A_130] : memref<200x50xi32, #tpu.memory_space<hbm>> -> memref<1x50xi32, #tpu.memory_space<hbm>>
    %dma_start3A_132 = tpu.memref_squeeze %dma_start3A_131 : memref<1x50xi32, #tpu.memory_space<hbm>> -> memref<50xi32, #tpu.memory_space<hbm>>
    tpu.enqueue_dma source(%dma_start3A_132 : memref<50xi32, #tpu.memory_space<hbm>>) target(%arg15 : memref<50xi32, #tpu.memory_space<vmem>>) target_semaphore(%arg31 : memref<!tpu.dma_semaphore, #tpu.memory_space<semaphore_mem>>)
    %dma_start3A_133 = arith.constant 4 : i32
    %dma_start3A_134 = arith.constant 0 : i32
    %dma_start3A_135 = arith.constant 0 : i32
    %dma_start3A_136 = tpu.memref_slice %arg3[%add3A, %dma_start3A_134, %dma_start3A_135] : memref<32x200x50xi32, #tpu.memory_space<hbm>> -> memref<1x200x50xi32, #tpu.memory_space<hbm>>
    %dma_start3A_137 = tpu.memref_squeeze %dma_start3A_136 : memref<1x200x50xi32, #tpu.memory_space<hbm>> -> memref<200x50xi32, #tpu.memory_space<hbm>>
    %dma_start3A_138 = arith.constant 0 : i32
    %dma_start3A_139 = tpu.memref_slice %dma_start3A_137[%dma_start3A_133, %dma_start3A_138] : memref<200x50xi32, #tpu.memory_space<hbm>> -> memref<1x50xi32, #tpu.memory_space<hbm>>
    %dma_start3A_140 = tpu.memref_squeeze %dma_start3A_139 : memref<1x50xi32, #tpu.memory_space<hbm>> -> memref<50xi32, #tpu.memory_space<hbm>>
    %dma_start3A_141 = arith.constant 0 : i32
    %dma_start3A_142 = arith.constant 0 : i32
    %dma_start3A_143 = tpu.memref_slice %arg3[%add3A, %dma_start3A_141, %dma_start3A_142] : memref<32x200x50xi32, #tpu.memory_space<hbm>> -> memref<1x200x50xi32, #tpu.memory_space<hbm>>
    %dma_start3A_144 = tpu.memref_squeeze %dma_start3A_143 : memref<1x200x50xi32, #tpu.memory_space<hbm>> -> memref<200x50xi32, #tpu.memory_space<hbm>>
    %dma_start3A_145 = arith.constant 0 : i32
    %dma_start3A_146 = tpu.memref_slice %dma_start3A_144[%dma_start3A_133, %dma_start3A_145] : memref<200x50xi32, #tpu.memory_space<hbm>> -> memref<1x50xi32, #tpu.memory_space<hbm>>
    %dma_start3A_147 = tpu.memref_squeeze %dma_start3A_146 : memref<1x50xi32, #tpu.memory_space<hbm>> -> memref<50xi32, #tpu.memory_space<hbm>>
    tpu.enqueue_dma source(%dma_start3A_147 : memref<50xi32, #tpu.memory_space<hbm>>) target(%arg11 : memref<50xi32, #tpu.memory_space<vmem>>) target_semaphore(%arg27 : memref<!tpu.dma_semaphore, #tpu.memory_space<semaphore_mem>>)
    %dma_start3A_148 = arith.constant 4 : i32
    %dma_start3A_149 = arith.constant 0 : i32
    %dma_start3A_150 = arith.constant 0 : i32
    %dma_start3A_151 = tpu.memref_slice %arg4[%add3A, %dma_start3A_149, %dma_start3A_150] : memref<32x200x50xi32, #tpu.memory_space<hbm>> -> memref<1x200x50xi32, #tpu.memory_space<hbm>>
    %dma_start3A_152 = tpu.memref_squeeze %dma_start3A_151 : memref<1x200x50xi32, #tpu.memory_space<hbm>> -> memref<200x50xi32, #tpu.memory_space<hbm>>
    %dma_start3A_153 = arith.constant 0 : i32
    %dma_start3A_154 = tpu.memref_slice %dma_start3A_152[%dma_start3A_148, %dma_start3A_153] : memref<200x50xi32, #tpu.memory_space<hbm>> -> memref<1x50xi32, #tpu.memory_space<hbm>>
    %dma_start3A_155 = tpu.memref_squeeze %dma_start3A_154 : memref<1x50xi32, #tpu.memory_space<hbm>> -> memref<50xi32, #tpu.memory_space<hbm>>
    %dma_start3A_156 = arith.constant 0 : i32
    %dma_start3A_157 = arith.constant 0 : i32
    %dma_start3A_158 = tpu.memref_slice %arg4[%add3A, %dma_start3A_156, %dma_start3A_157] : memref<32x200x50xi32, #tpu.memory_space<hbm>> -> memref<1x200x50xi32, #tpu.memory_space<hbm>>
    %dma_start3A_159 = tpu.memref_squeeze %dma_start3A_158 : memref<1x200x50xi32, #tpu.memory_space<hbm>> -> memref<200x50xi32, #tpu.memory_space<hbm>>
    %dma_start3A_160 = arith.constant 0 : i32
    %dma_start3A_161 = tpu.memref_slice %dma_start3A_159[%dma_start3A_148, %dma_start3A_160] : memref<200x50xi32, #tpu.memory_space<hbm>> -> memref<1x50xi32, #tpu.memory_space<hbm>>
    %dma_start3A_162 = tpu.memref_squeeze %dma_start3A_161 : memref<1x50xi32, #tpu.memory_space<hbm>> -> memref<50xi32, #tpu.memory_space<hbm>>
    tpu.enqueue_dma source(%dma_start3A_162 : memref<50xi32, #tpu.memory_space<hbm>>) target(%arg16 : memref<50xi32, #tpu.memory_space<vmem>>) target_semaphore(%arg32 : memref<!tpu.dma_semaphore, #tpu.memory_space<semaphore_mem>>)
    %scan3A = arith.constant 0 : i32
    %scan3A_163 = arith.constant 0 : i32
    %scan3A_164 = arith.constant 39 : i32
    %scan3A_165 = arith.addi %scan3A_163, %scan3A_164 : i32
    %scan3A_166 = arith.constant 1 : i32
    scf.for %scan3A_381 = %scan3A_163 to %scan3A_165 step %scan3A_166  : i32 {
      %mul3A_382 = arith.constant 5 : i32
      %mul3A_383 = arith.muli %scan3A_381, %mul3A_382 : i32
      %dma_wait3A_384 = arith.constant 0 : i32
      %dma_wait3A_385 = arith.constant 0 : i32
      %dma_wait3A_386 = arith.constant 0 : i32
      %dma_wait3A_387 = tpu.memref_slice %arg3[%add3A, %dma_wait3A_385, %dma_wait3A_386] : memref<32x200x50xi32, #tpu.memory_space<hbm>> -> memref<1x200x50xi32, #tpu.memory_space<hbm>>
      %dma_wait3A_388 = tpu.memref_squeeze %dma_wait3A_387 : memref<1x200x50xi32, #tpu.memory_space<hbm>> -> memref<200x50xi32, #tpu.memory_space<hbm>>
      %dma_wait3A_389 = arith.constant 0 : i32
      %dma_wait3A_390 = tpu.memref_slice %dma_wait3A_388[%dma_wait3A_384, %dma_wait3A_389] : memref<200x50xi32, #tpu.memory_space<hbm>> -> memref<1x50xi32, #tpu.memory_space<hbm>>
      %dma_wait3A_391 = tpu.memref_squeeze %dma_wait3A_390 : memref<1x50xi32, #tpu.memory_space<hbm>> -> memref<50xi32, #tpu.memory_space<hbm>>
      %dma_wait3A_392 = arith.constant 0 : i32
      %dma_wait3A_393 = arith.constant 0 : i32
      %dma_wait3A_394 = tpu.memref_slice %arg3[%add3A, %dma_wait3A_392, %dma_wait3A_393] : memref<32x200x50xi32, #tpu.memory_space<hbm>> -> memref<1x200x50xi32, #tpu.memory_space<hbm>>
      %dma_wait3A_395 = tpu.memref_squeeze %dma_wait3A_394 : memref<1x200x50xi32, #tpu.memory_space<hbm>> -> memref<200x50xi32, #tpu.memory_space<hbm>>
      %dma_wait3A_396 = arith.constant 0 : i32
      %dma_wait3A_397 = tpu.memref_slice %dma_wait3A_395[%dma_wait3A_384, %dma_wait3A_396] : memref<200x50xi32, #tpu.memory_space<hbm>> -> memref<1x50xi32, #tpu.memory_space<hbm>>
      %dma_wait3A_398 = tpu.memref_squeeze %dma_wait3A_397 : memref<1x50xi32, #tpu.memory_space<hbm>> -> memref<50xi32, #tpu.memory_space<hbm>>
      tpu.wait_dma2 semaphore(%arg23 : memref<!tpu.dma_semaphore, #tpu.memory_space<semaphore_mem>>) src(%dma_wait3A_398 : memref<50xi32, #tpu.memory_space<hbm>>) dst(%arg7 : memref<50xi32, #tpu.memory_space<vmem>>)
      %dma_wait3A_399 = arith.constant 0 : i32
      %dma_wait3A_400 = arith.constant 0 : i32
      %dma_wait3A_401 = arith.constant 0 : i32
      %dma_wait3A_402 = tpu.memref_slice %arg4[%add3A, %dma_wait3A_400, %dma_wait3A_401] : memref<32x200x50xi32, #tpu.memory_space<hbm>> -> memref<1x200x50xi32, #tpu.memory_space<hbm>>
      %dma_wait3A_403 = tpu.memref_squeeze %dma_wait3A_402 : memref<1x200x50xi32, #tpu.memory_space<hbm>> -> memref<200x50xi32, #tpu.memory_space<hbm>>
      %dma_wait3A_404 = arith.constant 0 : i32
      %dma_wait3A_405 = tpu.memref_slice %dma_wait3A_403[%dma_wait3A_399, %dma_wait3A_404] : memref<200x50xi32, #tpu.memory_space<hbm>> -> memref<1x50xi32, #tpu.memory_space<hbm>>
      %dma_wait3A_406 = tpu.memref_squeeze %dma_wait3A_405 : memref<1x50xi32, #tpu.memory_space<hbm>> -> memref<50xi32, #tpu.memory_space<hbm>>
      %dma_wait3A_407 = arith.constant 0 : i32
      %dma_wait3A_408 = arith.constant 0 : i32
      %dma_wait3A_409 = tpu.memref_slice %arg4[%add3A, %dma_wait3A_407, %dma_wait3A_408] : memref<32x200x50xi32, #tpu.memory_space<hbm>> -> memref<1x200x50xi32, #tpu.memory_space<hbm>>
      %dma_wait3A_410 = tpu.memref_squeeze %dma_wait3A_409 : memref<1x200x50xi32, #tpu.memory_space<hbm>> -> memref<200x50xi32, #tpu.memory_space<hbm>>
      %dma_wait3A_411 = arith.constant 0 : i32
      %dma_wait3A_412 = tpu.memref_slice %dma_wait3A_410[%dma_wait3A_399, %dma_wait3A_411] : memref<200x50xi32, #tpu.memory_space<hbm>> -> memref<1x50xi32, #tpu.memory_space<hbm>>
      %dma_wait3A_413 = tpu.memref_squeeze %dma_wait3A_412 : memref<1x50xi32, #tpu.memory_space<hbm>> -> memref<50xi32, #tpu.memory_space<hbm>>
      tpu.wait_dma2 semaphore(%arg28 : memref<!tpu.dma_semaphore, #tpu.memory_space<semaphore_mem>>) src(%dma_wait3A_413 : memref<50xi32, #tpu.memory_space<hbm>>) dst(%arg12 : memref<50xi32, #tpu.memory_space<vmem>>)
      %dma_start3A_414 = arith.constant 0 : i32
      %dma_start3A_415 = arith.constant 0 : i32
      %dma_start3A_416 = tpu.memref_slice %arg2[%dma_start3A_414, %dma_start3A_415] : memref<10000x128xf32, #tpu.memory_space<hbm>> -> memref<10000x128xf32, #tpu.memory_space<hbm>>
      tpu.enqueue_indirect_dma source(%dma_start3A_416 : memref<10000x128xf32, #tpu.memory_space<hbm>>) target(%arg17 : memref<50x128xf32, #tpu.memory_space<vmem>>) offsets(%arg7 : memref<50xi32, #tpu.memory_space<vmem>>) semaphore(%arg33 : memref<!tpu.dma_semaphore, #tpu.memory_space<semaphore_mem>>)
      %dma_wait3A_417 = arith.constant 0 : i32
      %dma_wait3A_418 = arith.constant 0 : i32
      %dma_wait3A_419 = arith.constant 0 : i32
      %dma_wait3A_420 = tpu.memref_slice %arg3[%add3A, %dma_wait3A_418, %dma_wait3A_419] : memref<32x200x50xi32, #tpu.memory_space<hbm>> -> memref<1x200x50xi32, #tpu.memory_space<hbm>>
      %dma_wait3A_421 = tpu.memref_squeeze %dma_wait3A_420 : memref<1x200x50xi32, #tpu.memory_space<hbm>> -> memref<200x50xi32, #tpu.memory_space<hbm>>
      %dma_wait3A_422 = arith.constant 0 : i32
      %dma_wait3A_423 = tpu.memref_slice %dma_wait3A_421[%dma_wait3A_417, %dma_wait3A_422] : memref<200x50xi32, #tpu.memory_space<hbm>> -> memref<1x50xi32, #tpu.memory_space<hbm>>
      %dma_wait3A_424 = tpu.memref_squeeze %dma_wait3A_423 : memref<1x50xi32, #tpu.memory_space<hbm>> -> memref<50xi32, #tpu.memory_space<hbm>>
      %dma_wait3A_425 = arith.constant 0 : i32
      %dma_wait3A_426 = arith.constant 0 : i32
      %dma_wait3A_427 = tpu.memref_slice %arg3[%add3A, %dma_wait3A_425, %dma_wait3A_426] : memref<32x200x50xi32, #tpu.memory_space<hbm>> -> memref<1x200x50xi32, #tpu.memory_space<hbm>>
      %dma_wait3A_428 = tpu.memref_squeeze %dma_wait3A_427 : memref<1x200x50xi32, #tpu.memory_space<hbm>> -> memref<200x50xi32, #tpu.memory_space<hbm>>
      %dma_wait3A_429 = arith.constant 0 : i32
      %dma_wait3A_430 = tpu.memref_slice %dma_wait3A_428[%dma_wait3A_417, %dma_wait3A_429] : memref<200x50xi32, #tpu.memory_space<hbm>> -> memref<1x50xi32, #tpu.memory_space<hbm>>
      %dma_wait3A_431 = tpu.memref_squeeze %dma_wait3A_430 : memref<1x50xi32, #tpu.memory_space<hbm>> -> memref<50xi32, #tpu.memory_space<hbm>>
      tpu.wait_dma2 semaphore(%arg24 : memref<!tpu.dma_semaphore, #tpu.memory_space<semaphore_mem>>) src(%dma_wait3A_431 : memref<50xi32, #tpu.memory_space<hbm>>) dst(%arg8 : memref<50xi32, #tpu.memory_space<vmem>>)
      %dma_wait3A_432 = arith.constant 0 : i32
      %dma_wait3A_433 = arith.constant 0 : i32
      %dma_wait3A_434 = arith.constant 0 : i32
      %dma_wait3A_435 = tpu.memref_slice %arg4[%add3A, %dma_wait3A_433, %dma_wait3A_434] : memref<32x200x50xi32, #tpu.memory_space<hbm>> -> memref<1x200x50xi32, #tpu.memory_space<hbm>>
      %dma_wait3A_436 = tpu.memref_squeeze %dma_wait3A_435 : memref<1x200x50xi32, #tpu.memory_space<hbm>> -> memref<200x50xi32, #tpu.memory_space<hbm>>
      %dma_wait3A_437 = arith.constant 0 : i32
      %dma_wait3A_438 = tpu.memref_slice %dma_wait3A_436[%dma_wait3A_432, %dma_wait3A_437] : memref<200x50xi32, #tpu.memory_space<hbm>> -> memref<1x50xi32, #tpu.memory_space<hbm>>
      %dma_wait3A_439 = tpu.memref_squeeze %dma_wait3A_438 : memref<1x50xi32, #tpu.memory_space<hbm>> -> memref<50xi32, #tpu.memory_space<hbm>>
      %dma_wait3A_440 = arith.constant 0 : i32
      %dma_wait3A_441 = arith.constant 0 : i32
      %dma_wait3A_442 = tpu.memref_slice %arg4[%add3A, %dma_wait3A_440, %dma_wait3A_441] : memref<32x200x50xi32, #tpu.memory_space<hbm>> -> memref<1x200x50xi32, #tpu.memory_space<hbm>>
      %dma_wait3A_443 = tpu.memref_squeeze %dma_wait3A_442 : memref<1x200x50xi32, #tpu.memory_space<hbm>> -> memref<200x50xi32, #tpu.memory_space<hbm>>
      %dma_wait3A_444 = arith.constant 0 : i32
      %dma_wait3A_445 = tpu.memref_slice %dma_wait3A_443[%dma_wait3A_432, %dma_wait3A_444] : memref<200x50xi32, #tpu.memory_space<hbm>> -> memref<1x50xi32, #tpu.memory_space<hbm>>
      %dma_wait3A_446 = tpu.memref_squeeze %dma_wait3A_445 : memref<1x50xi32, #tpu.memory_space<hbm>> -> memref<50xi32, #tpu.memory_space<hbm>>
      tpu.wait_dma2 semaphore(%arg29 : memref<!tpu.dma_semaphore, #tpu.memory_space<semaphore_mem>>) src(%dma_wait3A_446 : memref<50xi32, #tpu.memory_space<hbm>>) dst(%arg13 : memref<50xi32, #tpu.memory_space<vmem>>)
      %dma_start3A_447 = arith.constant 0 : i32
      %dma_start3A_448 = arith.constant 0 : i32
      %dma_start3A_449 = tpu.memref_slice %arg2[%dma_start3A_447, %dma_start3A_448] : memref<10000x128xf32, #tpu.memory_space<hbm>> -> memref<10000x128xf32, #tpu.memory_space<hbm>>
      tpu.enqueue_indirect_dma source(%dma_start3A_449 : memref<10000x128xf32, #tpu.memory_space<hbm>>) target(%arg18 : memref<50x128xf32, #tpu.memory_space<vmem>>) offsets(%arg8 : memref<50xi32, #tpu.memory_space<vmem>>) semaphore(%arg34 : memref<!tpu.dma_semaphore, #tpu.memory_space<semaphore_mem>>)
      %dma_wait3A_450 = arith.constant 0 : i32
      %dma_wait3A_451 = arith.constant 0 : i32
      %dma_wait3A_452 = arith.constant 0 : i32
      %dma_wait3A_453 = tpu.memref_slice %arg3[%add3A, %dma_wait3A_451, %dma_wait3A_452] : memref<32x200x50xi32, #tpu.memory_space<hbm>> -> memref<1x200x50xi32, #tpu.memory_space<hbm>>
      %dma_wait3A_454 = tpu.memref_squeeze %dma_wait3A_453 : memref<1x200x50xi32, #tpu.memory_space<hbm>> -> memref<200x50xi32, #tpu.memory_space<hbm>>
      %dma_wait3A_455 = arith.constant 0 : i32
      %dma_wait3A_456 = tpu.memref_slice %dma_wait3A_454[%dma_wait3A_450, %dma_wait3A_455] : memref<200x50xi32, #tpu.memory_space<hbm>> -> memref<1x50xi32, #tpu.memory_space<hbm>>
      %dma_wait3A_457 = tpu.memref_squeeze %dma_wait3A_456 : memref<1x50xi32, #tpu.memory_space<hbm>> -> memref<50xi32, #tpu.memory_space<hbm>>
      %dma_wait3A_458 = arith.constant 0 : i32
      %dma_wait3A_459 = arith.constant 0 : i32
      %dma_wait3A_460 = tpu.memref_slice %arg3[%add3A, %dma_wait3A_458, %dma_wait3A_459] : memref<32x200x50xi32, #tpu.memory_space<hbm>> -> memref<1x200x50xi32, #tpu.memory_space<hbm>>
      %dma_wait3A_461 = tpu.memref_squeeze %dma_wait3A_460 : memref<1x200x50xi32, #tpu.memory_space<hbm>> -> memref<200x50xi32, #tpu.memory_space<hbm>>
      %dma_wait3A_462 = arith.constant 0 : i32
      %dma_wait3A_463 = tpu.memref_slice %dma_wait3A_461[%dma_wait3A_450, %dma_wait3A_462] : memref<200x50xi32, #tpu.memory_space<hbm>> -> memref<1x50xi32, #tpu.memory_space<hbm>>
      %dma_wait3A_464 = tpu.memref_squeeze %dma_wait3A_463 : memref<1x50xi32, #tpu.memory_space<hbm>> -> memref<50xi32, #tpu.memory_space<hbm>>
      tpu.wait_dma2 semaphore(%arg25 : memref<!tpu.dma_semaphore, #tpu.memory_space<semaphore_mem>>) src(%dma_wait3A_464 : memref<50xi32, #tpu.memory_space<hbm>>) dst(%arg9 : memref<50xi32, #tpu.memory_space<vmem>>)
      %dma_wait3A_465 = arith.constant 0 : i32
      %dma_wait3A_466 = arith.constant 0 : i32
      %dma_wait3A_467 = arith.constant 0 : i32
      %dma_wait3A_468 = tpu.memref_slice %arg4[%add3A, %dma_wait3A_466, %dma_wait3A_467] : memref<32x200x50xi32, #tpu.memory_space<hbm>> -> memref<1x200x50xi32, #tpu.memory_space<hbm>>
      %dma_wait3A_469 = tpu.memref_squeeze %dma_wait3A_468 : memref<1x200x50xi32, #tpu.memory_space<hbm>> -> memref<200x50xi32, #tpu.memory_space<hbm>>
      %dma_wait3A_470 = arith.constant 0 : i32
      %dma_wait3A_471 = tpu.memref_slice %dma_wait3A_469[%dma_wait3A_465, %dma_wait3A_470] : memref<200x50xi32, #tpu.memory_space<hbm>> -> memref<1x50xi32, #tpu.memory_space<hbm>>
      %dma_wait3A_472 = tpu.memref_squeeze %dma_wait3A_471 : memref<1x50xi32, #tpu.memory_space<hbm>> -> memref<50xi32, #tpu.memory_space<hbm>>
      %dma_wait3A_473 = arith.constant 0 : i32
      %dma_wait3A_474 = arith.constant 0 : i32
      %dma_wait3A_475 = tpu.memref_slice %arg4[%add3A, %dma_wait3A_473, %dma_wait3A_474] : memref<32x200x50xi32, #tpu.memory_space<hbm>> -> memref<1x200x50xi32, #tpu.memory_space<hbm>>
      %dma_wait3A_476 = tpu.memref_squeeze %dma_wait3A_475 : memref<1x200x50xi32, #tpu.memory_space<hbm>> -> memref<200x50xi32, #tpu.memory_space<hbm>>
      %dma_wait3A_477 = arith.constant 0 : i32
      %dma_wait3A_478 = tpu.memref_slice %dma_wait3A_476[%dma_wait3A_465, %dma_wait3A_477] : memref<200x50xi32, #tpu.memory_space<hbm>> -> memref<1x50xi32, #tpu.memory_space<hbm>>
      %dma_wait3A_479 = tpu.memref_squeeze %dma_wait3A_478 : memref<1x50xi32, #tpu.memory_space<hbm>> -> memref<50xi32, #tpu.memory_space<hbm>>
      tpu.wait_dma2 semaphore(%arg30 : memref<!tpu.dma_semaphore, #tpu.memory_space<semaphore_mem>>) src(%dma_wait3A_479 : memref<50xi32, #tpu.memory_space<hbm>>) dst(%arg14 : memref<50xi32, #tpu.memory_space<vmem>>)
      %dma_start3A_480 = arith.constant 0 : i32
      %dma_start3A_481 = arith.constant 0 : i32
      %dma_start3A_482 = tpu.memref_slice %arg2[%dma_start3A_480, %dma_start3A_481] : memref<10000x128xf32, #tpu.memory_space<hbm>> -> memref<10000x128xf32, #tpu.memory_space<hbm>>
      tpu.enqueue_indirect_dma source(%dma_start3A_482 : memref<10000x128xf32, #tpu.memory_space<hbm>>) target(%arg19 : memref<50x128xf32, #tpu.memory_space<vmem>>) offsets(%arg9 : memref<50xi32, #tpu.memory_space<vmem>>) semaphore(%arg35 : memref<!tpu.dma_semaphore, #tpu.memory_space<semaphore_mem>>)
      %dma_wait3A_483 = arith.constant 0 : i32
      %dma_wait3A_484 = arith.constant 0 : i32
      %dma_wait3A_485 = arith.constant 0 : i32
      %dma_wait3A_486 = tpu.memref_slice %arg3[%add3A, %dma_wait3A_484, %dma_wait3A_485] : memref<32x200x50xi32, #tpu.memory_space<hbm>> -> memref<1x200x50xi32, #tpu.memory_space<hbm>>
      %dma_wait3A_487 = tpu.memref_squeeze %dma_wait3A_486 : memref<1x200x50xi32, #tpu.memory_space<hbm>> -> memref<200x50xi32, #tpu.memory_space<hbm>>
      %dma_wait3A_488 = arith.constant 0 : i32
      %dma_wait3A_489 = tpu.memref_slice %dma_wait3A_487[%dma_wait3A_483, %dma_wait3A_488] : memref<200x50xi32, #tpu.memory_space<hbm>> -> memref<1x50xi32, #tpu.memory_space<hbm>>
      %dma_wait3A_490 = tpu.memref_squeeze %dma_wait3A_489 : memref<1x50xi32, #tpu.memory_space<hbm>> -> memref<50xi32, #tpu.memory_space<hbm>>
      %dma_wait3A_491 = arith.constant 0 : i32
      %dma_wait3A_492 = arith.constant 0 : i32
      %dma_wait3A_493 = tpu.memref_slice %arg3[%add3A, %dma_wait3A_491, %dma_wait3A_492] : memref<32x200x50xi32, #tpu.memory_space<hbm>> -> memref<1x200x50xi32, #tpu.memory_space<hbm>>
      %dma_wait3A_494 = tpu.memref_squeeze %dma_wait3A_493 : memref<1x200x50xi32, #tpu.memory_space<hbm>> -> memref<200x50xi32, #tpu.memory_space<hbm>>
      %dma_wait3A_495 = arith.constant 0 : i32
      %dma_wait3A_496 = tpu.memref_slice %dma_wait3A_494[%dma_wait3A_483, %dma_wait3A_495] : memref<200x50xi32, #tpu.memory_space<hbm>> -> memref<1x50xi32, #tpu.memory_space<hbm>>
      %dma_wait3A_497 = tpu.memref_squeeze %dma_wait3A_496 : memref<1x50xi32, #tpu.memory_space<hbm>> -> memref<50xi32, #tpu.memory_space<hbm>>
      tpu.wait_dma2 semaphore(%arg26 : memref<!tpu.dma_semaphore, #tpu.memory_space<semaphore_mem>>) src(%dma_wait3A_497 : memref<50xi32, #tpu.memory_space<hbm>>) dst(%arg10 : memref<50xi32, #tpu.memory_space<vmem>>)
      %dma_wait3A_498 = arith.constant 0 : i32
      %dma_wait3A_499 = arith.constant 0 : i32
      %dma_wait3A_500 = arith.constant 0 : i32
      %dma_wait3A_501 = tpu.memref_slice %arg4[%add3A, %dma_wait3A_499, %dma_wait3A_500] : memref<32x200x50xi32, #tpu.memory_space<hbm>> -> memref<1x200x50xi32, #tpu.memory_space<hbm>>
      %dma_wait3A_502 = tpu.memref_squeeze %dma_wait3A_501 : memref<1x200x50xi32, #tpu.memory_space<hbm>> -> memref<200x50xi32, #tpu.memory_space<hbm>>
      %dma_wait3A_503 = arith.constant 0 : i32
      %dma_wait3A_504 = tpu.memref_slice %dma_wait3A_502[%dma_wait3A_498, %dma_wait3A_503] : memref<200x50xi32, #tpu.memory_space<hbm>> -> memref<1x50xi32, #tpu.memory_space<hbm>>
      %dma_wait3A_505 = tpu.memref_squeeze %dma_wait3A_504 : memref<1x50xi32, #tpu.memory_space<hbm>> -> memref<50xi32, #tpu.memory_space<hbm>>
      %dma_wait3A_506 = arith.constant 0 : i32
      %dma_wait3A_507 = arith.constant 0 : i32
      %dma_wait3A_508 = tpu.memref_slice %arg4[%add3A, %dma_wait3A_506, %dma_wait3A_507] : memref<32x200x50xi32, #tpu.memory_space<hbm>> -> memref<1x200x50xi32, #tpu.memory_space<hbm>>
      %dma_wait3A_509 = tpu.memref_squeeze %dma_wait3A_508 : memref<1x200x50xi32, #tpu.memory_space<hbm>> -> memref<200x50xi32, #tpu.memory_space<hbm>>
      %dma_wait3A_510 = arith.constant 0 : i32
      %dma_wait3A_511 = tpu.memref_slice %dma_wait3A_509[%dma_wait3A_498, %dma_wait3A_510] : memref<200x50xi32, #tpu.memory_space<hbm>> -> memref<1x50xi32, #tpu.memory_space<hbm>>
      %dma_wait3A_512 = tpu.memref_squeeze %dma_wait3A_511 : memref<1x50xi32, #tpu.memory_space<hbm>> -> memref<50xi32, #tpu.memory_space<hbm>>
      tpu.wait_dma2 semaphore(%arg31 : memref<!tpu.dma_semaphore, #tpu.memory_space<semaphore_mem>>) src(%dma_wait3A_512 : memref<50xi32, #tpu.memory_space<hbm>>) dst(%arg15 : memref<50xi32, #tpu.memory_space<vmem>>)
      %dma_start3A_513 = arith.constant 0 : i32
      %dma_start3A_514 = arith.constant 0 : i32
      %dma_start3A_515 = tpu.memref_slice %arg2[%dma_start3A_513, %dma_start3A_514] : memref<10000x128xf32, #tpu.memory_space<hbm>> -> memref<10000x128xf32, #tpu.memory_space<hbm>>
      tpu.enqueue_indirect_dma source(%dma_start3A_515 : memref<10000x128xf32, #tpu.memory_space<hbm>>) target(%arg20 : memref<50x128xf32, #tpu.memory_space<vmem>>) offsets(%arg10 : memref<50xi32, #tpu.memory_space<vmem>>) semaphore(%arg36 : memref<!tpu.dma_semaphore, #tpu.memory_space<semaphore_mem>>)
      %dma_wait3A_516 = arith.constant 0 : i32
      %dma_wait3A_517 = arith.constant 0 : i32
      %dma_wait3A_518 = arith.constant 0 : i32
      %dma_wait3A_519 = tpu.memref_slice %arg3[%add3A, %dma_wait3A_517, %dma_wait3A_518] : memref<32x200x50xi32, #tpu.memory_space<hbm>> -> memref<1x200x50xi32, #tpu.memory_space<hbm>>
      %dma_wait3A_520 = tpu.memref_squeeze %dma_wait3A_519 : memref<1x200x50xi32, #tpu.memory_space<hbm>> -> memref<200x50xi32, #tpu.memory_space<hbm>>
      %dma_wait3A_521 = arith.constant 0 : i32
      %dma_wait3A_522 = tpu.memref_slice %dma_wait3A_520[%dma_wait3A_516, %dma_wait3A_521] : memref<200x50xi32, #tpu.memory_space<hbm>> -> memref<1x50xi32, #tpu.memory_space<hbm>>
      %dma_wait3A_523 = tpu.memref_squeeze %dma_wait3A_522 : memref<1x50xi32, #tpu.memory_space<hbm>> -> memref<50xi32, #tpu.memory_space<hbm>>
      %dma_wait3A_524 = arith.constant 0 : i32
      %dma_wait3A_525 = arith.constant 0 : i32
      %dma_wait3A_526 = tpu.memref_slice %arg3[%add3A, %dma_wait3A_524, %dma_wait3A_525] : memref<32x200x50xi32, #tpu.memory_space<hbm>> -> memref<1x200x50xi32, #tpu.memory_space<hbm>>
      %dma_wait3A_527 = tpu.memref_squeeze %dma_wait3A_526 : memref<1x200x50xi32, #tpu.memory_space<hbm>> -> memref<200x50xi32, #tpu.memory_space<hbm>>
      %dma_wait3A_528 = arith.constant 0 : i32
      %dma_wait3A_529 = tpu.memref_slice %dma_wait3A_527[%dma_wait3A_516, %dma_wait3A_528] : memref<200x50xi32, #tpu.memory_space<hbm>> -> memref<1x50xi32, #tpu.memory_space<hbm>>
      %dma_wait3A_530 = tpu.memref_squeeze %dma_wait3A_529 : memref<1x50xi32, #tpu.memory_space<hbm>> -> memref<50xi32, #tpu.memory_space<hbm>>
      tpu.wait_dma2 semaphore(%arg27 : memref<!tpu.dma_semaphore, #tpu.memory_space<semaphore_mem>>) src(%dma_wait3A_530 : memref<50xi32, #tpu.memory_space<hbm>>) dst(%arg11 : memref<50xi32, #tpu.memory_space<vmem>>)
      %dma_wait3A_531 = arith.constant 0 : i32
      %dma_wait3A_532 = arith.constant 0 : i32
      %dma_wait3A_533 = arith.constant 0 : i32
      %dma_wait3A_534 = tpu.memref_slice %arg4[%add3A, %dma_wait3A_532, %dma_wait3A_533] : memref<32x200x50xi32, #tpu.memory_space<hbm>> -> memref<1x200x50xi32, #tpu.memory_space<hbm>>
      %dma_wait3A_535 = tpu.memref_squeeze %dma_wait3A_534 : memref<1x200x50xi32, #tpu.memory_space<hbm>> -> memref<200x50xi32, #tpu.memory_space<hbm>>
      %dma_wait3A_536 = arith.constant 0 : i32
      %dma_wait3A_537 = tpu.memref_slice %dma_wait3A_535[%dma_wait3A_531, %dma_wait3A_536] : memref<200x50xi32, #tpu.memory_space<hbm>> -> memref<1x50xi32, #tpu.memory_space<hbm>>
      %dma_wait3A_538 = tpu.memref_squeeze %dma_wait3A_537 : memref<1x50xi32, #tpu.memory_space<hbm>> -> memref<50xi32, #tpu.memory_space<hbm>>
      %dma_wait3A_539 = arith.constant 0 : i32
      %dma_wait3A_540 = arith.constant 0 : i32
      %dma_wait3A_541 = tpu.memref_slice %arg4[%add3A, %dma_wait3A_539, %dma_wait3A_540] : memref<32x200x50xi32, #tpu.memory_space<hbm>> -> memref<1x200x50xi32, #tpu.memory_space<hbm>>
      %dma_wait3A_542 = tpu.memref_squeeze %dma_wait3A_541 : memref<1x200x50xi32, #tpu.memory_space<hbm>> -> memref<200x50xi32, #tpu.memory_space<hbm>>
      %dma_wait3A_543 = arith.constant 0 : i32
      %dma_wait3A_544 = tpu.memref_slice %dma_wait3A_542[%dma_wait3A_531, %dma_wait3A_543] : memref<200x50xi32, #tpu.memory_space<hbm>> -> memref<1x50xi32, #tpu.memory_space<hbm>>
      %dma_wait3A_545 = tpu.memref_squeeze %dma_wait3A_544 : memref<1x50xi32, #tpu.memory_space<hbm>> -> memref<50xi32, #tpu.memory_space<hbm>>
      tpu.wait_dma2 semaphore(%arg32 : memref<!tpu.dma_semaphore, #tpu.memory_space<semaphore_mem>>) src(%dma_wait3A_545 : memref<50xi32, #tpu.memory_space<hbm>>) dst(%arg16 : memref<50xi32, #tpu.memory_space<vmem>>)
      %dma_start3A_546 = arith.constant 0 : i32
      %dma_start3A_547 = arith.constant 0 : i32
      %dma_start3A_548 = tpu.memref_slice %arg2[%dma_start3A_546, %dma_start3A_547] : memref<10000x128xf32, #tpu.memory_space<hbm>> -> memref<10000x128xf32, #tpu.memory_space<hbm>>
      tpu.enqueue_indirect_dma source(%dma_start3A_548 : memref<10000x128xf32, #tpu.memory_space<hbm>>) target(%arg21 : memref<50x128xf32, #tpu.memory_space<vmem>>) offsets(%arg11 : memref<50xi32, #tpu.memory_space<vmem>>) semaphore(%arg37 : memref<!tpu.dma_semaphore, #tpu.memory_space<semaphore_mem>>)
      %dma_wait3A_549 = arith.constant 0 : i32
      %dma_wait3A_550 = arith.constant 0 : i32
      %dma_wait3A_551 = tpu.memref_slice %arg2[%dma_wait3A_549, %dma_wait3A_550] : memref<10000x128xf32, #tpu.memory_space<hbm>> -> memref<10000x128xf32, #tpu.memory_space<hbm>>
      tpu.wait_indirect_dma semaphore(%arg33 : memref<!tpu.dma_semaphore, #tpu.memory_space<semaphore_mem>>) src(%dma_wait3A_551 : memref<10000x128xf32, #tpu.memory_space<hbm>>) dst(%arg17 : memref<50x128xf32, #tpu.memory_space<vmem>>)
      %dma_start3A_552 = arith.constant 0 : i32
      %dma_start3A_553 = arith.constant 0 : i32
      %dma_start3A_554 = tpu.memref_slice %arg22[%dma_start3A_552, %dma_start3A_553] : memref<10000x128xf32, #tpu.memory_space<vmem_shared>> -> memref<10000x128xf32, #tpu.memory_space<vmem_shared>>
      tpu.enqueue_indirect_dma source(%arg17 : memref<50x128xf32, #tpu.memory_space<vmem>>) target(%dma_start3A_554 : memref<10000x128xf32, #tpu.memory_space<vmem_shared>>) offsets(%arg12 : memref<50xi32, #tpu.memory_space<vmem>>) semaphore(%arg38 : memref<!tpu.dma_semaphore, #tpu.memory_space<semaphore_mem>>) {add = true}
      %dma_wait3A_555 = arith.constant 0 : i32
      %dma_wait3A_556 = arith.constant 0 : i32
      %dma_wait3A_557 = tpu.memref_slice %arg2[%dma_wait3A_555, %dma_wait3A_556] : memref<10000x128xf32, #tpu.memory_space<hbm>> -> memref<10000x128xf32, #tpu.memory_space<hbm>>
      tpu.wait_indirect_dma semaphore(%arg34 : memref<!tpu.dma_semaphore, #tpu.memory_space<semaphore_mem>>) src(%dma_wait3A_557 : memref<10000x128xf32, #tpu.memory_space<hbm>>) dst(%arg18 : memref<50x128xf32, #tpu.memory_space<vmem>>)
      %dma_start3A_558 = arith.constant 0 : i32
      %dma_start3A_559 = arith.constant 0 : i32
      %dma_start3A_560 = tpu.memref_slice %arg22[%dma_start3A_558, %dma_start3A_559] : memref<10000x128xf32, #tpu.memory_space<vmem_shared>> -> memref<10000x128xf32, #tpu.memory_space<vmem_shared>>
      tpu.enqueue_indirect_dma source(%arg18 : memref<50x128xf32, #tpu.memory_space<vmem>>) target(%dma_start3A_560 : memref<10000x128xf32, #tpu.memory_space<vmem_shared>>) offsets(%arg13 : memref<50xi32, #tpu.memory_space<vmem>>) semaphore(%arg39 : memref<!tpu.dma_semaphore, #tpu.memory_space<semaphore_mem>>) {add = true}
      %dma_wait3A_561 = arith.constant 0 : i32
      %dma_wait3A_562 = arith.constant 0 : i32
      %dma_wait3A_563 = tpu.memref_slice %arg2[%dma_wait3A_561, %dma_wait3A_562] : memref<10000x128xf32, #tpu.memory_space<hbm>> -> memref<10000x128xf32, #tpu.memory_space<hbm>>
      tpu.wait_indirect_dma semaphore(%arg35 : memref<!tpu.dma_semaphore, #tpu.memory_space<semaphore_mem>>) src(%dma_wait3A_563 : memref<10000x128xf32, #tpu.memory_space<hbm>>) dst(%arg19 : memref<50x128xf32, #tpu.memory_space<vmem>>)
      %dma_start3A_564 = arith.constant 0 : i32
      %dma_start3A_565 = arith.constant 0 : i32
      %dma_start3A_566 = tpu.memref_slice %arg22[%dma_start3A_564, %dma_start3A_565] : memref<10000x128xf32, #tpu.memory_space<vmem_shared>> -> memref<10000x128xf32, #tpu.memory_space<vmem_shared>>
      tpu.enqueue_indirect_dma source(%arg19 : memref<50x128xf32, #tpu.memory_space<vmem>>) target(%dma_start3A_566 : memref<10000x128xf32, #tpu.memory_space<vmem_shared>>) offsets(%arg14 : memref<50xi32, #tpu.memory_space<vmem>>) semaphore(%arg40 : memref<!tpu.dma_semaphore, #tpu.memory_space<semaphore_mem>>) {add = true}
      %dma_wait3A_567 = arith.constant 0 : i32
      %dma_wait3A_568 = arith.constant 0 : i32
      %dma_wait3A_569 = tpu.memref_slice %arg2[%dma_wait3A_567, %dma_wait3A_568] : memref<10000x128xf32, #tpu.memory_space<hbm>> -> memref<10000x128xf32, #tpu.memory_space<hbm>>
      tpu.wait_indirect_dma semaphore(%arg36 : memref<!tpu.dma_semaphore, #tpu.memory_space<semaphore_mem>>) src(%dma_wait3A_569 : memref<10000x128xf32, #tpu.memory_space<hbm>>) dst(%arg20 : memref<50x128xf32, #tpu.memory_space<vmem>>)
      %dma_start3A_570 = arith.constant 0 : i32
      %dma_start3A_571 = arith.constant 0 : i32
      %dma_start3A_572 = tpu.memref_slice %arg22[%dma_start3A_570, %dma_start3A_571] : memref<10000x128xf32, #tpu.memory_space<vmem_shared>> -> memref<10000x128xf32, #tpu.memory_space<vmem_shared>>
      tpu.enqueue_indirect_dma source(%arg20 : memref<50x128xf32, #tpu.memory_space<vmem>>) target(%dma_start3A_572 : memref<10000x128xf32, #tpu.memory_space<vmem_shared>>) offsets(%arg15 : memref<50xi32, #tpu.memory_space<vmem>>) semaphore(%arg41 : memref<!tpu.dma_semaphore, #tpu.memory_space<semaphore_mem>>) {add = true}
      %dma_wait3A_573 = arith.constant 0 : i32
      %dma_wait3A_574 = arith.constant 0 : i32
      %dma_wait3A_575 = tpu.memref_slice %arg2[%dma_wait3A_573, %dma_wait3A_574] : memref<10000x128xf32, #tpu.memory_space<hbm>> -> memref<10000x128xf32, #tpu.memory_space<hbm>>
      tpu.wait_indirect_dma semaphore(%arg37 : memref<!tpu.dma_semaphore, #tpu.memory_space<semaphore_mem>>) src(%dma_wait3A_575 : memref<10000x128xf32, #tpu.memory_space<hbm>>) dst(%arg21 : memref<50x128xf32, #tpu.memory_space<vmem>>)
      %dma_start3A_576 = arith.constant 0 : i32
      %dma_start3A_577 = arith.constant 0 : i32
      %dma_start3A_578 = tpu.memref_slice %arg22[%dma_start3A_576, %dma_start3A_577] : memref<10000x128xf32, #tpu.memory_space<vmem_shared>> -> memref<10000x128xf32, #tpu.memory_space<vmem_shared>>
      tpu.enqueue_indirect_dma source(%arg21 : memref<50x128xf32, #tpu.memory_space<vmem>>) target(%dma_start3A_578 : memref<10000x128xf32, #tpu.memory_space<vmem_shared>>) offsets(%arg16 : memref<50xi32, #tpu.memory_space<vmem>>) semaphore(%arg42 : memref<!tpu.dma_semaphore, #tpu.memory_space<semaphore_mem>>) {add = true}
      %dma_wait3A_579 = arith.constant 0 : i32
      %dma_wait3A_580 = arith.constant 0 : i32
      %dma_wait3A_581 = tpu.memref_slice %arg22[%dma_wait3A_579, %dma_wait3A_580] : memref<10000x128xf32, #tpu.memory_space<vmem_shared>> -> memref<10000x128xf32, #tpu.memory_space<vmem_shared>>
      tpu.wait_indirect_dma semaphore(%arg38 : memref<!tpu.dma_semaphore, #tpu.memory_space<semaphore_mem>>) src(%arg17 : memref<50x128xf32, #tpu.memory_space<vmem>>) dst(%dma_wait3A_581 : memref<10000x128xf32, #tpu.memory_space<vmem_shared>>)
      %add3A_582 = arith.constant 0 : i32
      %add3A_583 = arith.addi %mul3A_383, %add3A_582 : i32
      %add3A_584 = arith.constant 5 : i32
      %add3A_585 = arith.addi %add3A_583, %add3A_584 : i32
      %dma_start3A_586 = arith.constant 0 : i32
      %dma_start3A_587 = arith.constant 0 : i32
      %dma_start3A_588 = tpu.memref_slice %arg3[%add3A, %dma_start3A_586, %dma_start3A_587] : memref<32x200x50xi32, #tpu.memory_space<hbm>> -> memref<1x200x50xi32, #tpu.memory_space<hbm>>
      %dma_start3A_589 = tpu.memref_squeeze %dma_start3A_588 : memref<1x200x50xi32, #tpu.memory_space<hbm>> -> memref<200x50xi32, #tpu.memory_space<hbm>>
      %dma_start3A_590 = arith.constant 0 : i32
      %dma_start3A_591 = tpu.memref_slice %dma_start3A_589[%add3A_585, %dma_start3A_590] : memref<200x50xi32, #tpu.memory_space<hbm>> -> memref<1x50xi32, #tpu.memory_space<hbm>>
      %dma_start3A_592 = tpu.memref_squeeze %dma_start3A_591 : memref<1x50xi32, #tpu.memory_space<hbm>> -> memref<50xi32, #tpu.memory_space<hbm>>
      %dma_start3A_593 = arith.constant 0 : i32
      %dma_start3A_594 = arith.constant 0 : i32
      %dma_start3A_595 = tpu.memref_slice %arg3[%add3A, %dma_start3A_593, %dma_start3A_594] : memref<32x200x50xi32, #tpu.memory_space<hbm>> -> memref<1x200x50xi32, #tpu.memory_space<hbm>>
      %dma_start3A_596 = tpu.memref_squeeze %dma_start3A_595 : memref<1x200x50xi32, #tpu.memory_space<hbm>> -> memref<200x50xi32, #tpu.memory_space<hbm>>
      %dma_start3A_597 = arith.constant 0 : i32
      %dma_start3A_598 = tpu.memref_slice %dma_start3A_596[%add3A_585, %dma_start3A_597] : memref<200x50xi32, #tpu.memory_space<hbm>> -> memref<1x50xi32, #tpu.memory_space<hbm>>
      %dma_start3A_599 = tpu.memref_squeeze %dma_start3A_598 : memref<1x50xi32, #tpu.memory_space<hbm>> -> memref<50xi32, #tpu.memory_space<hbm>>
      tpu.enqueue_dma source(%dma_start3A_599 : memref<50xi32, #tpu.memory_space<hbm>>) target(%arg7 : memref<50xi32, #tpu.memory_space<vmem>>) target_semaphore(%arg23 : memref<!tpu.dma_semaphore, #tpu.memory_space<semaphore_mem>>)
      %dma_start3A_600 = arith.constant 0 : i32
      %dma_start3A_601 = arith.constant 0 : i32
      %dma_start3A_602 = tpu.memref_slice %arg4[%add3A, %dma_start3A_600, %dma_start3A_601] : memref<32x200x50xi32, #tpu.memory_space<hbm>> -> memref<1x200x50xi32, #tpu.memory_space<hbm>>
      %dma_start3A_603 = tpu.memref_squeeze %dma_start3A_602 : memref<1x200x50xi32, #tpu.memory_space<hbm>> -> memref<200x50xi32, #tpu.memory_space<hbm>>
      %dma_start3A_604 = arith.constant 0 : i32
      %dma_start3A_605 = tpu.memref_slice %dma_start3A_603[%add3A_585, %dma_start3A_604] : memref<200x50xi32, #tpu.memory_space<hbm>> -> memref<1x50xi32, #tpu.memory_space<hbm>>
      %dma_start3A_606 = tpu.memref_squeeze %dma_start3A_605 : memref<1x50xi32, #tpu.memory_space<hbm>> -> memref<50xi32, #tpu.memory_space<hbm>>
      %dma_start3A_607 = arith.constant 0 : i32
      %dma_start3A_608 = arith.constant 0 : i32
      %dma_start3A_609 = tpu.memref_slice %arg4[%add3A, %dma_start3A_607, %dma_start3A_608] : memref<32x200x50xi32, #tpu.memory_space<hbm>> -> memref<1x200x50xi32, #tpu.memory_space<hbm>>
      %dma_start3A_610 = tpu.memref_squeeze %dma_start3A_609 : memref<1x200x50xi32, #tpu.memory_space<hbm>> -> memref<200x50xi32, #tpu.memory_space<hbm>>
      %dma_start3A_611 = arith.constant 0 : i32
      %dma_start3A_612 = tpu.memref_slice %dma_start3A_610[%add3A_585, %dma_start3A_611] : memref<200x50xi32, #tpu.memory_space<hbm>> -> memref<1x50xi32, #tpu.memory_space<hbm>>
      %dma_start3A_613 = tpu.memref_squeeze %dma_start3A_612 : memref<1x50xi32, #tpu.memory_space<hbm>> -> memref<50xi32, #tpu.memory_space<hbm>>
      tpu.enqueue_dma source(%dma_start3A_613 : memref<50xi32, #tpu.memory_space<hbm>>) target(%arg12 : memref<50xi32, #tpu.memory_space<vmem>>) target_semaphore(%arg28 : memref<!tpu.dma_semaphore, #tpu.memory_space<semaphore_mem>>)
      %dma_wait3A_614 = arith.constant 0 : i32
      %dma_wait3A_615 = arith.constant 0 : i32
      %dma_wait3A_616 = tpu.memref_slice %arg22[%dma_wait3A_614, %dma_wait3A_615] : memref<10000x128xf32, #tpu.memory_space<vmem_shared>> -> memref<10000x128xf32, #tpu.memory_space<vmem_shared>>
      tpu.wait_indirect_dma semaphore(%arg39 : memref<!tpu.dma_semaphore, #tpu.memory_space<semaphore_mem>>) src(%arg18 : memref<50x128xf32, #tpu.memory_space<vmem>>) dst(%dma_wait3A_616 : memref<10000x128xf32, #tpu.memory_space<vmem_shared>>)
      %add3A_617 = arith.constant 1 : i32
      %add3A_618 = arith.addi %mul3A_383, %add3A_617 : i32
      %add3A_619 = arith.constant 5 : i32
      %add3A_620 = arith.addi %add3A_618, %add3A_619 : i32
      %dma_start3A_621 = arith.constant 0 : i32
      %dma_start3A_622 = arith.constant 0 : i32
      %dma_start3A_623 = tpu.memref_slice %arg3[%add3A, %dma_start3A_621, %dma_start3A_622] : memref<32x200x50xi32, #tpu.memory_space<hbm>> -> memref<1x200x50xi32, #tpu.memory_space<hbm>>
      %dma_start3A_624 = tpu.memref_squeeze %dma_start3A_623 : memref<1x200x50xi32, #tpu.memory_space<hbm>> -> memref<200x50xi32, #tpu.memory_space<hbm>>
      %dma_start3A_625 = arith.constant 0 : i32
      %dma_start3A_626 = tpu.memref_slice %dma_start3A_624[%add3A_620, %dma_start3A_625] : memref<200x50xi32, #tpu.memory_space<hbm>> -> memref<1x50xi32, #tpu.memory_space<hbm>>
      %dma_start3A_627 = tpu.memref_squeeze %dma_start3A_626 : memref<1x50xi32, #tpu.memory_space<hbm>> -> memref<50xi32, #tpu.memory_space<hbm>>
      %dma_start3A_628 = arith.constant 0 : i32
      %dma_start3A_629 = arith.constant 0 : i32
      %dma_start3A_630 = tpu.memref_slice %arg3[%add3A, %dma_start3A_628, %dma_start3A_629] : memref<32x200x50xi32, #tpu.memory_space<hbm>> -> memref<1x200x50xi32, #tpu.memory_space<hbm>>
      %dma_start3A_631 = tpu.memref_squeeze %dma_start3A_630 : memref<1x200x50xi32, #tpu.memory_space<hbm>> -> memref<200x50xi32, #tpu.memory_space<hbm>>
      %dma_start3A_632 = arith.constant 0 : i32
      %dma_start3A_633 = tpu.memref_slice %dma_start3A_631[%add3A_620, %dma_start3A_632] : memref<200x50xi32, #tpu.memory_space<hbm>> -> memref<1x50xi32, #tpu.memory_space<hbm>>
      %dma_start3A_634 = tpu.memref_squeeze %dma_start3A_633 : memref<1x50xi32, #tpu.memory_space<hbm>> -> memref<50xi32, #tpu.memory_space<hbm>>
      tpu.enqueue_dma source(%dma_start3A_634 : memref<50xi32, #tpu.memory_space<hbm>>) target(%arg8 : memref<50xi32, #tpu.memory_space<vmem>>) target_semaphore(%arg24 : memref<!tpu.dma_semaphore, #tpu.memory_space<semaphore_mem>>)
      %dma_start3A_635 = arith.constant 0 : i32
      %dma_start3A_636 = arith.constant 0 : i32
      %dma_start3A_637 = tpu.memref_slice %arg4[%add3A, %dma_start3A_635, %dma_start3A_636] : memref<32x200x50xi32, #tpu.memory_space<hbm>> -> memref<1x200x50xi32, #tpu.memory_space<hbm>>
      %dma_start3A_638 = tpu.memref_squeeze %dma_start3A_637 : memref<1x200x50xi32, #tpu.memory_space<hbm>> -> memref<200x50xi32, #tpu.memory_space<hbm>>
      %dma_start3A_639 = arith.constant 0 : i32
      %dma_start3A_640 = tpu.memref_slice %dma_start3A_638[%add3A_620, %dma_start3A_639] : memref<200x50xi32, #tpu.memory_space<hbm>> -> memref<1x50xi32, #tpu.memory_space<hbm>>
      %dma_start3A_641 = tpu.memref_squeeze %dma_start3A_640 : memref<1x50xi32, #tpu.memory_space<hbm>> -> memref<50xi32, #tpu.memory_space<hbm>>
      %dma_start3A_642 = arith.constant 0 : i32
      %dma_start3A_643 = arith.constant 0 : i32
      %dma_start3A_644 = tpu.memref_slice %arg4[%add3A, %dma_start3A_642, %dma_start3A_643] : memref<32x200x50xi32, #tpu.memory_space<hbm>> -> memref<1x200x50xi32, #tpu.memory_space<hbm>>
      %dma_start3A_645 = tpu.memref_squeeze %dma_start3A_644 : memref<1x200x50xi32, #tpu.memory_space<hbm>> -> memref<200x50xi32, #tpu.memory_space<hbm>>
      %dma_start3A_646 = arith.constant 0 : i32
      %dma_start3A_647 = tpu.memref_slice %dma_start3A_645[%add3A_620, %dma_start3A_646] : memref<200x50xi32, #tpu.memory_space<hbm>> -> memref<1x50xi32, #tpu.memory_space<hbm>>
      %dma_start3A_648 = tpu.memref_squeeze %dma_start3A_647 : memref<1x50xi32, #tpu.memory_space<hbm>> -> memref<50xi32, #tpu.memory_space<hbm>>
      tpu.enqueue_dma source(%dma_start3A_648 : memref<50xi32, #tpu.memory_space<hbm>>) target(%arg13 : memref<50xi32, #tpu.memory_space<vmem>>) target_semaphore(%arg29 : memref<!tpu.dma_semaphore, #tpu.memory_space<semaphore_mem>>)
      %dma_wait3A_649 = arith.constant 0 : i32
      %dma_wait3A_650 = arith.constant 0 : i32
      %dma_wait3A_651 = tpu.memref_slice %arg22[%dma_wait3A_649, %dma_wait3A_650] : memref<10000x128xf32, #tpu.memory_space<vmem_shared>> -> memref<10000x128xf32, #tpu.memory_space<vmem_shared>>
      tpu.wait_indirect_dma semaphore(%arg40 : memref<!tpu.dma_semaphore, #tpu.memory_space<semaphore_mem>>) src(%arg19 : memref<50x128xf32, #tpu.memory_space<vmem>>) dst(%dma_wait3A_651 : memref<10000x128xf32, #tpu.memory_space<vmem_shared>>)
      %add3A_652 = arith.constant 2 : i32
      %add3A_653 = arith.addi %mul3A_383, %add3A_652 : i32
      %add3A_654 = arith.constant 5 : i32
      %add3A_655 = arith.addi %add3A_653, %add3A_654 : i32
      %dma_start3A_656 = arith.constant 0 : i32
      %dma_start3A_657 = arith.constant 0 : i32
      %dma_start3A_658 = tpu.memref_slice %arg3[%add3A, %dma_start3A_656, %dma_start3A_657] : memref<32x200x50xi32, #tpu.memory_space<hbm>> -> memref<1x200x50xi32, #tpu.memory_space<hbm>>
      %dma_start3A_659 = tpu.memref_squeeze %dma_start3A_658 : memref<1x200x50xi32, #tpu.memory_space<hbm>> -> memref<200x50xi32, #tpu.memory_space<hbm>>
      %dma_start3A_660 = arith.constant 0 : i32
      %dma_start3A_661 = tpu.memref_slice %dma_start3A_659[%add3A_655, %dma_start3A_660] : memref<200x50xi32, #tpu.memory_space<hbm>> -> memref<1x50xi32, #tpu.memory_space<hbm>>
      %dma_start3A_662 = tpu.memref_squeeze %dma_start3A_661 : memref<1x50xi32, #tpu.memory_space<hbm>> -> memref<50xi32, #tpu.memory_space<hbm>>
      %dma_start3A_663 = arith.constant 0 : i32
      %dma_start3A_664 = arith.constant 0 : i32
      %dma_start3A_665 = tpu.memref_slice %arg3[%add3A, %dma_start3A_663, %dma_start3A_664] : memref<32x200x50xi32, #tpu.memory_space<hbm>> -> memref<1x200x50xi32, #tpu.memory_space<hbm>>
      %dma_start3A_666 = tpu.memref_squeeze %dma_start3A_665 : memref<1x200x50xi32, #tpu.memory_space<hbm>> -> memref<200x50xi32, #tpu.memory_space<hbm>>
      %dma_start3A_667 = arith.constant 0 : i32
      %dma_start3A_668 = tpu.memref_slice %dma_start3A_666[%add3A_655, %dma_start3A_667] : memref<200x50xi32, #tpu.memory_space<hbm>> -> memref<1x50xi32, #tpu.memory_space<hbm>>
      %dma_start3A_669 = tpu.memref_squeeze %dma_start3A_668 : memref<1x50xi32, #tpu.memory_space<hbm>> -> memref<50xi32, #tpu.memory_space<hbm>>
      tpu.enqueue_dma source(%dma_start3A_669 : memref<50xi32, #tpu.memory_space<hbm>>) target(%arg9 : memref<50xi32, #tpu.memory_space<vmem>>) target_semaphore(%arg25 : memref<!tpu.dma_semaphore, #tpu.memory_space<semaphore_mem>>)
      %dma_start3A_670 = arith.constant 0 : i32
      %dma_start3A_671 = arith.constant 0 : i32
      %dma_start3A_672 = tpu.memref_slice %arg4[%add3A, %dma_start3A_670, %dma_start3A_671] : memref<32x200x50xi32, #tpu.memory_space<hbm>> -> memref<1x200x50xi32, #tpu.memory_space<hbm>>
      %dma_start3A_673 = tpu.memref_squeeze %dma_start3A_672 : memref<1x200x50xi32, #tpu.memory_space<hbm>> -> memref<200x50xi32, #tpu.memory_space<hbm>>
      %dma_start3A_674 = arith.constant 0 : i32
      %dma_start3A_675 = tpu.memref_slice %dma_start3A_673[%add3A_655, %dma_start3A_674] : memref<200x50xi32, #tpu.memory_space<hbm>> -> memref<1x50xi32, #tpu.memory_space<hbm>>
      %dma_start3A_676 = tpu.memref_squeeze %dma_start3A_675 : memref<1x50xi32, #tpu.memory_space<hbm>> -> memref<50xi32, #tpu.memory_space<hbm>>
      %dma_start3A_677 = arith.constant 0 : i32
      %dma_start3A_678 = arith.constant 0 : i32
      %dma_start3A_679 = tpu.memref_slice %arg4[%add3A, %dma_start3A_677, %dma_start3A_678] : memref<32x200x50xi32, #tpu.memory_space<hbm>> -> memref<1x200x50xi32, #tpu.memory_space<hbm>>
      %dma_start3A_680 = tpu.memref_squeeze %dma_start3A_679 : memref<1x200x50xi32, #tpu.memory_space<hbm>> -> memref<200x50xi32, #tpu.memory_space<hbm>>
      %dma_start3A_681 = arith.constant 0 : i32
      %dma_start3A_682 = tpu.memref_slice %dma_start3A_680[%add3A_655, %dma_start3A_681] : memref<200x50xi32, #tpu.memory_space<hbm>> -> memref<1x50xi32, #tpu.memory_space<hbm>>
      %dma_start3A_683 = tpu.memref_squeeze %dma_start3A_682 : memref<1x50xi32, #tpu.memory_space<hbm>> -> memref<50xi32, #tpu.memory_space<hbm>>
      tpu.enqueue_dma source(%dma_start3A_683 : memref<50xi32, #tpu.memory_space<hbm>>) target(%arg14 : memref<50xi32, #tpu.memory_space<vmem>>) target_semaphore(%arg30 : memref<!tpu.dma_semaphore, #tpu.memory_space<semaphore_mem>>)
      %dma_wait3A_684 = arith.constant 0 : i32
      %dma_wait3A_685 = arith.constant 0 : i32
      %dma_wait3A_686 = tpu.memref_slice %arg22[%dma_wait3A_684, %dma_wait3A_685] : memref<10000x128xf32, #tpu.memory_space<vmem_shared>> -> memref<10000x128xf32, #tpu.memory_space<vmem_shared>>
      tpu.wait_indirect_dma semaphore(%arg41 : memref<!tpu.dma_semaphore, #tpu.memory_space<semaphore_mem>>) src(%arg20 : memref<50x128xf32, #tpu.memory_space<vmem>>) dst(%dma_wait3A_686 : memref<10000x128xf32, #tpu.memory_space<vmem_shared>>)
      %add3A_687 = arith.constant 3 : i32
      %add3A_688 = arith.addi %mul3A_383, %add3A_687 : i32
      %add3A_689 = arith.constant 5 : i32
      %add3A_690 = arith.addi %add3A_688, %add3A_689 : i32
      %dma_start3A_691 = arith.constant 0 : i32
      %dma_start3A_692 = arith.constant 0 : i32
      %dma_start3A_693 = tpu.memref_slice %arg3[%add3A, %dma_start3A_691, %dma_start3A_692] : memref<32x200x50xi32, #tpu.memory_space<hbm>> -> memref<1x200x50xi32, #tpu.memory_space<hbm>>
      %dma_start3A_694 = tpu.memref_squeeze %dma_start3A_693 : memref<1x200x50xi32, #tpu.memory_space<hbm>> -> memref<200x50xi32, #tpu.memory_space<hbm>>
      %dma_start3A_695 = arith.constant 0 : i32
      %dma_start3A_696 = tpu.memref_slice %dma_start3A_694[%add3A_690, %dma_start3A_695] : memref<200x50xi32, #tpu.memory_space<hbm>> -> memref<1x50xi32, #tpu.memory_space<hbm>>
      %dma_start3A_697 = tpu.memref_squeeze %dma_start3A_696 : memref<1x50xi32, #tpu.memory_space<hbm>> -> memref<50xi32, #tpu.memory_space<hbm>>
      %dma_start3A_698 = arith.constant 0 : i32
      %dma_start3A_699 = arith.constant 0 : i32
      %dma_start3A_700 = tpu.memref_slice %arg3[%add3A, %dma_start3A_698, %dma_start3A_699] : memref<32x200x50xi32, #tpu.memory_space<hbm>> -> memref<1x200x50xi32, #tpu.memory_space<hbm>>
      %dma_start3A_701 = tpu.memref_squeeze %dma_start3A_700 : memref<1x200x50xi32, #tpu.memory_space<hbm>> -> memref<200x50xi32, #tpu.memory_space<hbm>>
      %dma_start3A_702 = arith.constant 0 : i32
      %dma_start3A_703 = tpu.memref_slice %dma_start3A_701[%add3A_690, %dma_start3A_702] : memref<200x50xi32, #tpu.memory_space<hbm>> -> memref<1x50xi32, #tpu.memory_space<hbm>>
      %dma_start3A_704 = tpu.memref_squeeze %dma_start3A_703 : memref<1x50xi32, #tpu.memory_space<hbm>> -> memref<50xi32, #tpu.memory_space<hbm>>
      tpu.enqueue_dma source(%dma_start3A_704 : memref<50xi32, #tpu.memory_space<hbm>>) target(%arg10 : memref<50xi32, #tpu.memory_space<vmem>>) target_semaphore(%arg26 : memref<!tpu.dma_semaphore, #tpu.memory_space<semaphore_mem>>)
      %dma_start3A_705 = arith.constant 0 : i32
      %dma_start3A_706 = arith.constant 0 : i32
      %dma_start3A_707 = tpu.memref_slice %arg4[%add3A, %dma_start3A_705, %dma_start3A_706] : memref<32x200x50xi32, #tpu.memory_space<hbm>> -> memref<1x200x50xi32, #tpu.memory_space<hbm>>
      %dma_start3A_708 = tpu.memref_squeeze %dma_start3A_707 : memref<1x200x50xi32, #tpu.memory_space<hbm>> -> memref<200x50xi32, #tpu.memory_space<hbm>>
      %dma_start3A_709 = arith.constant 0 : i32
      %dma_start3A_710 = tpu.memref_slice %dma_start3A_708[%add3A_690, %dma_start3A_709] : memref<200x50xi32, #tpu.memory_space<hbm>> -> memref<1x50xi32, #tpu.memory_space<hbm>>
      %dma_start3A_711 = tpu.memref_squeeze %dma_start3A_710 : memref<1x50xi32, #tpu.memory_space<hbm>> -> memref<50xi32, #tpu.memory_space<hbm>>
      %dma_start3A_712 = arith.constant 0 : i32
      %dma_start3A_713 = arith.constant 0 : i32
      %dma_start3A_714 = tpu.memref_slice %arg4[%add3A, %dma_start3A_712, %dma_start3A_713] : memref<32x200x50xi32, #tpu.memory_space<hbm>> -> memref<1x200x50xi32, #tpu.memory_space<hbm>>
      %dma_start3A_715 = tpu.memref_squeeze %dma_start3A_714 : memref<1x200x50xi32, #tpu.memory_space<hbm>> -> memref<200x50xi32, #tpu.memory_space<hbm>>
      %dma_start3A_716 = arith.constant 0 : i32
      %dma_start3A_717 = tpu.memref_slice %dma_start3A_715[%add3A_690, %dma_start3A_716] : memref<200x50xi32, #tpu.memory_space<hbm>> -> memref<1x50xi32, #tpu.memory_space<hbm>>
      %dma_start3A_718 = tpu.memref_squeeze %dma_start3A_717 : memref<1x50xi32, #tpu.memory_space<hbm>> -> memref<50xi32, #tpu.memory_space<hbm>>
      tpu.enqueue_dma source(%dma_start3A_718 : memref<50xi32, #tpu.memory_space<hbm>>) target(%arg15 : memref<50xi32, #tpu.memory_space<vmem>>) target_semaphore(%arg31 : memref<!tpu.dma_semaphore, #tpu.memory_space<semaphore_mem>>)
      %dma_wait3A_719 = arith.constant 0 : i32
      %dma_wait3A_720 = arith.constant 0 : i32
      %dma_wait3A_721 = tpu.memref_slice %arg22[%dma_wait3A_719, %dma_wait3A_720] : memref<10000x128xf32, #tpu.memory_space<vmem_shared>> -> memref<10000x128xf32, #tpu.memory_space<vmem_shared>>
      tpu.wait_indirect_dma semaphore(%arg42 : memref<!tpu.dma_semaphore, #tpu.memory_space<semaphore_mem>>) src(%arg21 : memref<50x128xf32, #tpu.memory_space<vmem>>) dst(%dma_wait3A_721 : memref<10000x128xf32, #tpu.memory_space<vmem_shared>>)
      %add3A_722 = arith.constant 4 : i32
      %add3A_723 = arith.addi %mul3A_383, %add3A_722 : i32
      %add3A_724 = arith.constant 5 : i32
      %add3A_725 = arith.addi %add3A_723, %add3A_724 : i32
      %dma_start3A_726 = arith.constant 0 : i32
      %dma_start3A_727 = arith.constant 0 : i32
      %dma_start3A_728 = tpu.memref_slice %arg3[%add3A, %dma_start3A_726, %dma_start3A_727] : memref<32x200x50xi32, #tpu.memory_space<hbm>> -> memref<1x200x50xi32, #tpu.memory_space<hbm>>
      %dma_start3A_729 = tpu.memref_squeeze %dma_start3A_728 : memref<1x200x50xi32, #tpu.memory_space<hbm>> -> memref<200x50xi32, #tpu.memory_space<hbm>>
      %dma_start3A_730 = arith.constant 0 : i32
      %dma_start3A_731 = tpu.memref_slice %dma_start3A_729[%add3A_725, %dma_start3A_730] : memref<200x50xi32, #tpu.memory_space<hbm>> -> memref<1x50xi32, #tpu.memory_space<hbm>>
      %dma_start3A_732 = tpu.memref_squeeze %dma_start3A_731 : memref<1x50xi32, #tpu.memory_space<hbm>> -> memref<50xi32, #tpu.memory_space<hbm>>
      %dma_start3A_733 = arith.constant 0 : i32
      %dma_start3A_734 = arith.constant 0 : i32
      %dma_start3A_735 = tpu.memref_slice %arg3[%add3A, %dma_start3A_733, %dma_start3A_734] : memref<32x200x50xi32, #tpu.memory_space<hbm>> -> memref<1x200x50xi32, #tpu.memory_space<hbm>>
      %dma_start3A_736 = tpu.memref_squeeze %dma_start3A_735 : memref<1x200x50xi32, #tpu.memory_space<hbm>> -> memref<200x50xi32, #tpu.memory_space<hbm>>
      %dma_start3A_737 = arith.constant 0 : i32
      %dma_start3A_738 = tpu.memref_slice %dma_start3A_736[%add3A_725, %dma_start3A_737] : memref<200x50xi32, #tpu.memory_space<hbm>> -> memref<1x50xi32, #tpu.memory_space<hbm>>
      %dma_start3A_739 = tpu.memref_squeeze %dma_start3A_738 : memref<1x50xi32, #tpu.memory_space<hbm>> -> memref<50xi32, #tpu.memory_space<hbm>>
      tpu.enqueue_dma source(%dma_start3A_739 : memref<50xi32, #tpu.memory_space<hbm>>) target(%arg11 : memref<50xi32, #tpu.memory_space<vmem>>) target_semaphore(%arg27 : memref<!tpu.dma_semaphore, #tpu.memory_space<semaphore_mem>>)
      %dma_start3A_740 = arith.constant 0 : i32
      %dma_start3A_741 = arith.constant 0 : i32
      %dma_start3A_742 = tpu.memref_slice %arg4[%add3A, %dma_start3A_740, %dma_start3A_741] : memref<32x200x50xi32, #tpu.memory_space<hbm>> -> memref<1x200x50xi32, #tpu.memory_space<hbm>>
      %dma_start3A_743 = tpu.memref_squeeze %dma_start3A_742 : memref<1x200x50xi32, #tpu.memory_space<hbm>> -> memref<200x50xi32, #tpu.memory_space<hbm>>
      %dma_start3A_744 = arith.constant 0 : i32
      %dma_start3A_745 = tpu.memref_slice %dma_start3A_743[%add3A_725, %dma_start3A_744] : memref<200x50xi32, #tpu.memory_space<hbm>> -> memref<1x50xi32, #tpu.memory_space<hbm>>
      %dma_start3A_746 = tpu.memref_squeeze %dma_start3A_745 : memref<1x50xi32, #tpu.memory_space<hbm>> -> memref<50xi32, #tpu.memory_space<hbm>>
      %dma_start3A_747 = arith.constant 0 : i32
      %dma_start3A_748 = arith.constant 0 : i32
      %dma_start3A_749 = tpu.memref_slice %arg4[%add3A, %dma_start3A_747, %dma_start3A_748] : memref<32x200x50xi32, #tpu.memory_space<hbm>> -> memref<1x200x50xi32, #tpu.memory_space<hbm>>
      %dma_start3A_750 = tpu.memref_squeeze %dma_start3A_749 : memref<1x200x50xi32, #tpu.memory_space<hbm>> -> memref<200x50xi32, #tpu.memory_space<hbm>>
      %dma_start3A_751 = arith.constant 0 : i32
      %dma_start3A_752 = tpu.memref_slice %dma_start3A_750[%add3A_725, %dma_start3A_751] : memref<200x50xi32, #tpu.memory_space<hbm>> -> memref<1x50xi32, #tpu.memory_space<hbm>>
      %dma_start3A_753 = tpu.memref_squeeze %dma_start3A_752 : memref<1x50xi32, #tpu.memory_space<hbm>> -> memref<50xi32, #tpu.memory_space<hbm>>
      tpu.enqueue_dma source(%dma_start3A_753 : memref<50xi32, #tpu.memory_space<hbm>>) target(%arg16 : memref<50xi32, #tpu.memory_space<vmem>>) target_semaphore(%arg32 : memref<!tpu.dma_semaphore, #tpu.memory_space<semaphore_mem>>)
    }
    %scan3A_167 = arith.constant 39 : i32
    %dma_wait3A = arith.constant 0 : i32
    %dma_wait3A_168 = arith.constant 0 : i32
    %dma_wait3A_169 = arith.constant 0 : i32
    %dma_wait3A_170 = tpu.memref_slice %arg3[%add3A, %dma_wait3A_168, %dma_wait3A_169] : memref<32x200x50xi32, #tpu.memory_space<hbm>> -> memref<1x200x50xi32, #tpu.memory_space<hbm>>
    %dma_wait3A_171 = tpu.memref_squeeze %dma_wait3A_170 : memref<1x200x50xi32, #tpu.memory_space<hbm>> -> memref<200x50xi32, #tpu.memory_space<hbm>>
    %dma_wait3A_172 = arith.constant 0 : i32
    %dma_wait3A_173 = tpu.memref_slice %dma_wait3A_171[%dma_wait3A, %dma_wait3A_172] : memref<200x50xi32, #tpu.memory_space<hbm>> -> memref<1x50xi32, #tpu.memory_space<hbm>>
    %dma_wait3A_174 = tpu.memref_squeeze %dma_wait3A_173 : memref<1x50xi32, #tpu.memory_space<hbm>> -> memref<50xi32, #tpu.memory_space<hbm>>
    %dma_wait3A_175 = arith.constant 0 : i32
    %dma_wait3A_176 = arith.constant 0 : i32
    %dma_wait3A_177 = tpu.memref_slice %arg3[%add3A, %dma_wait3A_175, %dma_wait3A_176] : memref<32x200x50xi32, #tpu.memory_space<hbm>> -> memref<1x200x50xi32, #tpu.memory_space<hbm>>
    %dma_wait3A_178 = tpu.memref_squeeze %dma_wait3A_177 : memref<1x200x50xi32, #tpu.memory_space<hbm>> -> memref<200x50xi32, #tpu.memory_space<hbm>>
    %dma_wait3A_179 = arith.constant 0 : i32
    %dma_wait3A_180 = tpu.memref_slice %dma_wait3A_178[%dma_wait3A, %dma_wait3A_179] : memref<200x50xi32, #tpu.memory_space<hbm>> -> memref<1x50xi32, #tpu.memory_space<hbm>>
    %dma_wait3A_181 = tpu.memref_squeeze %dma_wait3A_180 : memref<1x50xi32, #tpu.memory_space<hbm>> -> memref<50xi32, #tpu.memory_space<hbm>>
    tpu.wait_dma2 semaphore(%arg23 : memref<!tpu.dma_semaphore, #tpu.memory_space<semaphore_mem>>) src(%dma_wait3A_181 : memref<50xi32, #tpu.memory_space<hbm>>) dst(%arg7 : memref<50xi32, #tpu.memory_space<vmem>>)
    %dma_wait3A_182 = arith.constant 0 : i32
    %dma_wait3A_183 = arith.constant 0 : i32
    %dma_wait3A_184 = arith.constant 0 : i32
    %dma_wait3A_185 = tpu.memref_slice %arg4[%add3A, %dma_wait3A_183, %dma_wait3A_184] : memref<32x200x50xi32, #tpu.memory_space<hbm>> -> memref<1x200x50xi32, #tpu.memory_space<hbm>>
    %dma_wait3A_186 = tpu.memref_squeeze %dma_wait3A_185 : memref<1x200x50xi32, #tpu.memory_space<hbm>> -> memref<200x50xi32, #tpu.memory_space<hbm>>
    %dma_wait3A_187 = arith.constant 0 : i32
    %dma_wait3A_188 = tpu.memref_slice %dma_wait3A_186[%dma_wait3A_182, %dma_wait3A_187] : memref<200x50xi32, #tpu.memory_space<hbm>> -> memref<1x50xi32, #tpu.memory_space<hbm>>
    %dma_wait3A_189 = tpu.memref_squeeze %dma_wait3A_188 : memref<1x50xi32, #tpu.memory_space<hbm>> -> memref<50xi32, #tpu.memory_space<hbm>>
    %dma_wait3A_190 = arith.constant 0 : i32
    %dma_wait3A_191 = arith.constant 0 : i32
    %dma_wait3A_192 = tpu.memref_slice %arg4[%add3A, %dma_wait3A_190, %dma_wait3A_191] : memref<32x200x50xi32, #tpu.memory_space<hbm>> -> memref<1x200x50xi32, #tpu.memory_space<hbm>>
    %dma_wait3A_193 = tpu.memref_squeeze %dma_wait3A_192 : memref<1x200x50xi32, #tpu.memory_space<hbm>> -> memref<200x50xi32, #tpu.memory_space<hbm>>
    %dma_wait3A_194 = arith.constant 0 : i32
    %dma_wait3A_195 = tpu.memref_slice %dma_wait3A_193[%dma_wait3A_182, %dma_wait3A_194] : memref<200x50xi32, #tpu.memory_space<hbm>> -> memref<1x50xi32, #tpu.memory_space<hbm>>
    %dma_wait3A_196 = tpu.memref_squeeze %dma_wait3A_195 : memref<1x50xi32, #tpu.memory_space<hbm>> -> memref<50xi32, #tpu.memory_space<hbm>>
    tpu.wait_dma2 semaphore(%arg28 : memref<!tpu.dma_semaphore, #tpu.memory_space<semaphore_mem>>) src(%dma_wait3A_196 : memref<50xi32, #tpu.memory_space<hbm>>) dst(%arg12 : memref<50xi32, #tpu.memory_space<vmem>>)
    %dma_start3A_197 = arith.constant 0 : i32
    %dma_start3A_198 = arith.constant 0 : i32
    %dma_start3A_199 = tpu.memref_slice %arg2[%dma_start3A_197, %dma_start3A_198] : memref<10000x128xf32, #tpu.memory_space<hbm>> -> memref<10000x128xf32, #tpu.memory_space<hbm>>
    tpu.enqueue_indirect_dma source(%dma_start3A_199 : memref<10000x128xf32, #tpu.memory_space<hbm>>) target(%arg17 : memref<50x128xf32, #tpu.memory_space<vmem>>) offsets(%arg7 : memref<50xi32, #tpu.memory_space<vmem>>) semaphore(%arg33 : memref<!tpu.dma_semaphore, #tpu.memory_space<semaphore_mem>>)
    %dma_wait3A_200 = arith.constant 0 : i32
    %dma_wait3A_201 = arith.constant 0 : i32
    %dma_wait3A_202 = arith.constant 0 : i32
    %dma_wait3A_203 = tpu.memref_slice %arg3[%add3A, %dma_wait3A_201, %dma_wait3A_202] : memref<32x200x50xi32, #tpu.memory_space<hbm>> -> memref<1x200x50xi32, #tpu.memory_space<hbm>>
    %dma_wait3A_204 = tpu.memref_squeeze %dma_wait3A_203 : memref<1x200x50xi32, #tpu.memory_space<hbm>> -> memref<200x50xi32, #tpu.memory_space<hbm>>
    %dma_wait3A_205 = arith.constant 0 : i32
    %dma_wait3A_206 = tpu.memref_slice %dma_wait3A_204[%dma_wait3A_200, %dma_wait3A_205] : memref<200x50xi32, #tpu.memory_space<hbm>> -> memref<1x50xi32, #tpu.memory_space<hbm>>
    %dma_wait3A_207 = tpu.memref_squeeze %dma_wait3A_206 : memref<1x50xi32, #tpu.memory_space<hbm>> -> memref<50xi32, #tpu.memory_space<hbm>>
    %dma_wait3A_208 = arith.constant 0 : i32
    %dma_wait3A_209 = arith.constant 0 : i32
    %dma_wait3A_210 = tpu.memref_slice %arg3[%add3A, %dma_wait3A_208, %dma_wait3A_209] : memref<32x200x50xi32, #tpu.memory_space<hbm>> -> memref<1x200x50xi32, #tpu.memory_space<hbm>>
    %dma_wait3A_211 = tpu.memref_squeeze %dma_wait3A_210 : memref<1x200x50xi32, #tpu.memory_space<hbm>> -> memref<200x50xi32, #tpu.memory_space<hbm>>
    %dma_wait3A_212 = arith.constant 0 : i32
    %dma_wait3A_213 = tpu.memref_slice %dma_wait3A_211[%dma_wait3A_200, %dma_wait3A_212] : memref<200x50xi32, #tpu.memory_space<hbm>> -> memref<1x50xi32, #tpu.memory_space<hbm>>
    %dma_wait3A_214 = tpu.memref_squeeze %dma_wait3A_213 : memref<1x50xi32, #tpu.memory_space<hbm>> -> memref<50xi32, #tpu.memory_space<hbm>>
    tpu.wait_dma2 semaphore(%arg24 : memref<!tpu.dma_semaphore, #tpu.memory_space<semaphore_mem>>) src(%dma_wait3A_214 : memref<50xi32, #tpu.memory_space<hbm>>) dst(%arg8 : memref<50xi32, #tpu.memory_space<vmem>>)
    %dma_wait3A_215 = arith.constant 0 : i32
    %dma_wait3A_216 = arith.constant 0 : i32
    %dma_wait3A_217 = arith.constant 0 : i32
    %dma_wait3A_218 = tpu.memref_slice %arg4[%add3A, %dma_wait3A_216, %dma_wait3A_217] : memref<32x200x50xi32, #tpu.memory_space<hbm>> -> memref<1x200x50xi32, #tpu.memory_space<hbm>>
    %dma_wait3A_219 = tpu.memref_squeeze %dma_wait3A_218 : memref<1x200x50xi32, #tpu.memory_space<hbm>> -> memref<200x50xi32, #tpu.memory_space<hbm>>
    %dma_wait3A_220 = arith.constant 0 : i32
    %dma_wait3A_221 = tpu.memref_slice %dma_wait3A_219[%dma_wait3A_215, %dma_wait3A_220] : memref<200x50xi32, #tpu.memory_space<hbm>> -> memref<1x50xi32, #tpu.memory_space<hbm>>
    %dma_wait3A_222 = tpu.memref_squeeze %dma_wait3A_221 : memref<1x50xi32, #tpu.memory_space<hbm>> -> memref<50xi32, #tpu.memory_space<hbm>>
    %dma_wait3A_223 = arith.constant 0 : i32
    %dma_wait3A_224 = arith.constant 0 : i32
    %dma_wait3A_225 = tpu.memref_slice %arg4[%add3A, %dma_wait3A_223, %dma_wait3A_224] : memref<32x200x50xi32, #tpu.memory_space<hbm>> -> memref<1x200x50xi32, #tpu.memory_space<hbm>>
    %dma_wait3A_226 = tpu.memref_squeeze %dma_wait3A_225 : memref<1x200x50xi32, #tpu.memory_space<hbm>> -> memref<200x50xi32, #tpu.memory_space<hbm>>
    %dma_wait3A_227 = arith.constant 0 : i32
    %dma_wait3A_228 = tpu.memref_slice %dma_wait3A_226[%dma_wait3A_215, %dma_wait3A_227] : memref<200x50xi32, #tpu.memory_space<hbm>> -> memref<1x50xi32, #tpu.memory_space<hbm>>
    %dma_wait3A_229 = tpu.memref_squeeze %dma_wait3A_228 : memref<1x50xi32, #tpu.memory_space<hbm>> -> memref<50xi32, #tpu.memory_space<hbm>>
    tpu.wait_dma2 semaphore(%arg29 : memref<!tpu.dma_semaphore, #tpu.memory_space<semaphore_mem>>) src(%dma_wait3A_229 : memref<50xi32, #tpu.memory_space<hbm>>) dst(%arg13 : memref<50xi32, #tpu.memory_space<vmem>>)
    %dma_start3A_230 = arith.constant 0 : i32
    %dma_start3A_231 = arith.constant 0 : i32
    %dma_start3A_232 = tpu.memref_slice %arg2[%dma_start3A_230, %dma_start3A_231] : memref<10000x128xf32, #tpu.memory_space<hbm>> -> memref<10000x128xf32, #tpu.memory_space<hbm>>
    tpu.enqueue_indirect_dma source(%dma_start3A_232 : memref<10000x128xf32, #tpu.memory_space<hbm>>) target(%arg18 : memref<50x128xf32, #tpu.memory_space<vmem>>) offsets(%arg8 : memref<50xi32, #tpu.memory_space<vmem>>) semaphore(%arg34 : memref<!tpu.dma_semaphore, #tpu.memory_space<semaphore_mem>>)
    %dma_wait3A_233 = arith.constant 0 : i32
    %dma_wait3A_234 = arith.constant 0 : i32
    %dma_wait3A_235 = arith.constant 0 : i32
    %dma_wait3A_236 = tpu.memref_slice %arg3[%add3A, %dma_wait3A_234, %dma_wait3A_235] : memref<32x200x50xi32, #tpu.memory_space<hbm>> -> memref<1x200x50xi32, #tpu.memory_space<hbm>>
    %dma_wait3A_237 = tpu.memref_squeeze %dma_wait3A_236 : memref<1x200x50xi32, #tpu.memory_space<hbm>> -> memref<200x50xi32, #tpu.memory_space<hbm>>
    %dma_wait3A_238 = arith.constant 0 : i32
    %dma_wait3A_239 = tpu.memref_slice %dma_wait3A_237[%dma_wait3A_233, %dma_wait3A_238] : memref<200x50xi32, #tpu.memory_space<hbm>> -> memref<1x50xi32, #tpu.memory_space<hbm>>
    %dma_wait3A_240 = tpu.memref_squeeze %dma_wait3A_239 : memref<1x50xi32, #tpu.memory_space<hbm>> -> memref<50xi32, #tpu.memory_space<hbm>>
    %dma_wait3A_241 = arith.constant 0 : i32
    %dma_wait3A_242 = arith.constant 0 : i32
    %dma_wait3A_243 = tpu.memref_slice %arg3[%add3A, %dma_wait3A_241, %dma_wait3A_242] : memref<32x200x50xi32, #tpu.memory_space<hbm>> -> memref<1x200x50xi32, #tpu.memory_space<hbm>>
    %dma_wait3A_244 = tpu.memref_squeeze %dma_wait3A_243 : memref<1x200x50xi32, #tpu.memory_space<hbm>> -> memref<200x50xi32, #tpu.memory_space<hbm>>
    %dma_wait3A_245 = arith.constant 0 : i32
    %dma_wait3A_246 = tpu.memref_slice %dma_wait3A_244[%dma_wait3A_233, %dma_wait3A_245] : memref<200x50xi32, #tpu.memory_space<hbm>> -> memref<1x50xi32, #tpu.memory_space<hbm>>
    %dma_wait3A_247 = tpu.memref_squeeze %dma_wait3A_246 : memref<1x50xi32, #tpu.memory_space<hbm>> -> memref<50xi32, #tpu.memory_space<hbm>>
    tpu.wait_dma2 semaphore(%arg25 : memref<!tpu.dma_semaphore, #tpu.memory_space<semaphore_mem>>) src(%dma_wait3A_247 : memref<50xi32, #tpu.memory_space<hbm>>) dst(%arg9 : memref<50xi32, #tpu.memory_space<vmem>>)
    %dma_wait3A_248 = arith.constant 0 : i32
    %dma_wait3A_249 = arith.constant 0 : i32
    %dma_wait3A_250 = arith.constant 0 : i32
    %dma_wait3A_251 = tpu.memref_slice %arg4[%add3A, %dma_wait3A_249, %dma_wait3A_250] : memref<32x200x50xi32, #tpu.memory_space<hbm>> -> memref<1x200x50xi32, #tpu.memory_space<hbm>>
    %dma_wait3A_252 = tpu.memref_squeeze %dma_wait3A_251 : memref<1x200x50xi32, #tpu.memory_space<hbm>> -> memref<200x50xi32, #tpu.memory_space<hbm>>
    %dma_wait3A_253 = arith.constant 0 : i32
    %dma_wait3A_254 = tpu.memref_slice %dma_wait3A_252[%dma_wait3A_248, %dma_wait3A_253] : memref<200x50xi32, #tpu.memory_space<hbm>> -> memref<1x50xi32, #tpu.memory_space<hbm>>
    %dma_wait3A_255 = tpu.memref_squeeze %dma_wait3A_254 : memref<1x50xi32, #tpu.memory_space<hbm>> -> memref<50xi32, #tpu.memory_space<hbm>>
    %dma_wait3A_256 = arith.constant 0 : i32
    %dma_wait3A_257 = arith.constant 0 : i32
    %dma_wait3A_258 = tpu.memref_slice %arg4[%add3A, %dma_wait3A_256, %dma_wait3A_257] : memref<32x200x50xi32, #tpu.memory_space<hbm>> -> memref<1x200x50xi32, #tpu.memory_space<hbm>>
    %dma_wait3A_259 = tpu.memref_squeeze %dma_wait3A_258 : memref<1x200x50xi32, #tpu.memory_space<hbm>> -> memref<200x50xi32, #tpu.memory_space<hbm>>
    %dma_wait3A_260 = arith.constant 0 : i32
    %dma_wait3A_261 = tpu.memref_slice %dma_wait3A_259[%dma_wait3A_248, %dma_wait3A_260] : memref<200x50xi32, #tpu.memory_space<hbm>> -> memref<1x50xi32, #tpu.memory_space<hbm>>
    %dma_wait3A_262 = tpu.memref_squeeze %dma_wait3A_261 : memref<1x50xi32, #tpu.memory_space<hbm>> -> memref<50xi32, #tpu.memory_space<hbm>>
    tpu.wait_dma2 semaphore(%arg30 : memref<!tpu.dma_semaphore, #tpu.memory_space<semaphore_mem>>) src(%dma_wait3A_262 : memref<50xi32, #tpu.memory_space<hbm>>) dst(%arg14 : memref<50xi32, #tpu.memory_space<vmem>>)
    %dma_start3A_263 = arith.constant 0 : i32
    %dma_start3A_264 = arith.constant 0 : i32
    %dma_start3A_265 = tpu.memref_slice %arg2[%dma_start3A_263, %dma_start3A_264] : memref<10000x128xf32, #tpu.memory_space<hbm>> -> memref<10000x128xf32, #tpu.memory_space<hbm>>
    tpu.enqueue_indirect_dma source(%dma_start3A_265 : memref<10000x128xf32, #tpu.memory_space<hbm>>) target(%arg19 : memref<50x128xf32, #tpu.memory_space<vmem>>) offsets(%arg9 : memref<50xi32, #tpu.memory_space<vmem>>) semaphore(%arg35 : memref<!tpu.dma_semaphore, #tpu.memory_space<semaphore_mem>>)
    %dma_wait3A_266 = arith.constant 0 : i32
    %dma_wait3A_267 = arith.constant 0 : i32
    %dma_wait3A_268 = arith.constant 0 : i32
    %dma_wait3A_269 = tpu.memref_slice %arg3[%add3A, %dma_wait3A_267, %dma_wait3A_268] : memref<32x200x50xi32, #tpu.memory_space<hbm>> -> memref<1x200x50xi32, #tpu.memory_space<hbm>>
    %dma_wait3A_270 = tpu.memref_squeeze %dma_wait3A_269 : memref<1x200x50xi32, #tpu.memory_space<hbm>> -> memref<200x50xi32, #tpu.memory_space<hbm>>
    %dma_wait3A_271 = arith.constant 0 : i32
    %dma_wait3A_272 = tpu.memref_slice %dma_wait3A_270[%dma_wait3A_266, %dma_wait3A_271] : memref<200x50xi32, #tpu.memory_space<hbm>> -> memref<1x50xi32, #tpu.memory_space<hbm>>
    %dma_wait3A_273 = tpu.memref_squeeze %dma_wait3A_272 : memref<1x50xi32, #tpu.memory_space<hbm>> -> memref<50xi32, #tpu.memory_space<hbm>>
    %dma_wait3A_274 = arith.constant 0 : i32
    %dma_wait3A_275 = arith.constant 0 : i32
    %dma_wait3A_276 = tpu.memref_slice %arg3[%add3A, %dma_wait3A_274, %dma_wait3A_275] : memref<32x200x50xi32, #tpu.memory_space<hbm>> -> memref<1x200x50xi32, #tpu.memory_space<hbm>>
    %dma_wait3A_277 = tpu.memref_squeeze %dma_wait3A_276 : memref<1x200x50xi32, #tpu.memory_space<hbm>> -> memref<200x50xi32, #tpu.memory_space<hbm>>
    %dma_wait3A_278 = arith.constant 0 : i32
    %dma_wait3A_279 = tpu.memref_slice %dma_wait3A_277[%dma_wait3A_266, %dma_wait3A_278] : memref<200x50xi32, #tpu.memory_space<hbm>> -> memref<1x50xi32, #tpu.memory_space<hbm>>
    %dma_wait3A_280 = tpu.memref_squeeze %dma_wait3A_279 : memref<1x50xi32, #tpu.memory_space<hbm>> -> memref<50xi32, #tpu.memory_space<hbm>>
    tpu.wait_dma2 semaphore(%arg26 : memref<!tpu.dma_semaphore, #tpu.memory_space<semaphore_mem>>) src(%dma_wait3A_280 : memref<50xi32, #tpu.memory_space<hbm>>) dst(%arg10 : memref<50xi32, #tpu.memory_space<vmem>>)
    %dma_wait3A_281 = arith.constant 0 : i32
    %dma_wait3A_282 = arith.constant 0 : i32
    %dma_wait3A_283 = arith.constant 0 : i32
    %dma_wait3A_284 = tpu.memref_slice %arg4[%add3A, %dma_wait3A_282, %dma_wait3A_283] : memref<32x200x50xi32, #tpu.memory_space<hbm>> -> memref<1x200x50xi32, #tpu.memory_space<hbm>>
    %dma_wait3A_285 = tpu.memref_squeeze %dma_wait3A_284 : memref<1x200x50xi32, #tpu.memory_space<hbm>> -> memref<200x50xi32, #tpu.memory_space<hbm>>
    %dma_wait3A_286 = arith.constant 0 : i32
    %dma_wait3A_287 = tpu.memref_slice %dma_wait3A_285[%dma_wait3A_281, %dma_wait3A_286] : memref<200x50xi32, #tpu.memory_space<hbm>> -> memref<1x50xi32, #tpu.memory_space<hbm>>
    %dma_wait3A_288 = tpu.memref_squeeze %dma_wait3A_287 : memref<1x50xi32, #tpu.memory_space<hbm>> -> memref<50xi32, #tpu.memory_space<hbm>>
    %dma_wait3A_289 = arith.constant 0 : i32
    %dma_wait3A_290 = arith.constant 0 : i32
    %dma_wait3A_291 = tpu.memref_slice %arg4[%add3A, %dma_wait3A_289, %dma_wait3A_290] : memref<32x200x50xi32, #tpu.memory_space<hbm>> -> memref<1x200x50xi32, #tpu.memory_space<hbm>>
    %dma_wait3A_292 = tpu.memref_squeeze %dma_wait3A_291 : memref<1x200x50xi32, #tpu.memory_space<hbm>> -> memref<200x50xi32, #tpu.memory_space<hbm>>
    %dma_wait3A_293 = arith.constant 0 : i32
    %dma_wait3A_294 = tpu.memref_slice %dma_wait3A_292[%dma_wait3A_281, %dma_wait3A_293] : memref<200x50xi32, #tpu.memory_space<hbm>> -> memref<1x50xi32, #tpu.memory_space<hbm>>
    %dma_wait3A_295 = tpu.memref_squeeze %dma_wait3A_294 : memref<1x50xi32, #tpu.memory_space<hbm>> -> memref<50xi32, #tpu.memory_space<hbm>>
    tpu.wait_dma2 semaphore(%arg31 : memref<!tpu.dma_semaphore, #tpu.memory_space<semaphore_mem>>) src(%dma_wait3A_295 : memref<50xi32, #tpu.memory_space<hbm>>) dst(%arg15 : memref<50xi32, #tpu.memory_space<vmem>>)
    %dma_start3A_296 = arith.constant 0 : i32
    %dma_start3A_297 = arith.constant 0 : i32
    %dma_start3A_298 = tpu.memref_slice %arg2[%dma_start3A_296, %dma_start3A_297] : memref<10000x128xf32, #tpu.memory_space<hbm>> -> memref<10000x128xf32, #tpu.memory_space<hbm>>
    tpu.enqueue_indirect_dma source(%dma_start3A_298 : memref<10000x128xf32, #tpu.memory_space<hbm>>) target(%arg20 : memref<50x128xf32, #tpu.memory_space<vmem>>) offsets(%arg10 : memref<50xi32, #tpu.memory_space<vmem>>) semaphore(%arg36 : memref<!tpu.dma_semaphore, #tpu.memory_space<semaphore_mem>>)
    %dma_wait3A_299 = arith.constant 0 : i32
    %dma_wait3A_300 = arith.constant 0 : i32
    %dma_wait3A_301 = arith.constant 0 : i32
    %dma_wait3A_302 = tpu.memref_slice %arg3[%add3A, %dma_wait3A_300, %dma_wait3A_301] : memref<32x200x50xi32, #tpu.memory_space<hbm>> -> memref<1x200x50xi32, #tpu.memory_space<hbm>>
    %dma_wait3A_303 = tpu.memref_squeeze %dma_wait3A_302 : memref<1x200x50xi32, #tpu.memory_space<hbm>> -> memref<200x50xi32, #tpu.memory_space<hbm>>
    %dma_wait3A_304 = arith.constant 0 : i32
    %dma_wait3A_305 = tpu.memref_slice %dma_wait3A_303[%dma_wait3A_299, %dma_wait3A_304] : memref<200x50xi32, #tpu.memory_space<hbm>> -> memref<1x50xi32, #tpu.memory_space<hbm>>
    %dma_wait3A_306 = tpu.memref_squeeze %dma_wait3A_305 : memref<1x50xi32, #tpu.memory_space<hbm>> -> memref<50xi32, #tpu.memory_space<hbm>>
    %dma_wait3A_307 = arith.constant 0 : i32
    %dma_wait3A_308 = arith.constant 0 : i32
    %dma_wait3A_309 = tpu.memref_slice %arg3[%add3A, %dma_wait3A_307, %dma_wait3A_308] : memref<32x200x50xi32, #tpu.memory_space<hbm>> -> memref<1x200x50xi32, #tpu.memory_space<hbm>>
    %dma_wait3A_310 = tpu.memref_squeeze %dma_wait3A_309 : memref<1x200x50xi32, #tpu.memory_space<hbm>> -> memref<200x50xi32, #tpu.memory_space<hbm>>
    %dma_wait3A_311 = arith.constant 0 : i32
    %dma_wait3A_312 = tpu.memref_slice %dma_wait3A_310[%dma_wait3A_299, %dma_wait3A_311] : memref<200x50xi32, #tpu.memory_space<hbm>> -> memref<1x50xi32, #tpu.memory_space<hbm>>
    %dma_wait3A_313 = tpu.memref_squeeze %dma_wait3A_312 : memref<1x50xi32, #tpu.memory_space<hbm>> -> memref<50xi32, #tpu.memory_space<hbm>>
    tpu.wait_dma2 semaphore(%arg27 : memref<!tpu.dma_semaphore, #tpu.memory_space<semaphore_mem>>) src(%dma_wait3A_313 : memref<50xi32, #tpu.memory_space<hbm>>) dst(%arg11 : memref<50xi32, #tpu.memory_space<vmem>>)
    %dma_wait3A_314 = arith.constant 0 : i32
    %dma_wait3A_315 = arith.constant 0 : i32
    %dma_wait3A_316 = arith.constant 0 : i32
    %dma_wait3A_317 = tpu.memref_slice %arg4[%add3A, %dma_wait3A_315, %dma_wait3A_316] : memref<32x200x50xi32, #tpu.memory_space<hbm>> -> memref<1x200x50xi32, #tpu.memory_space<hbm>>
    %dma_wait3A_318 = tpu.memref_squeeze %dma_wait3A_317 : memref<1x200x50xi32, #tpu.memory_space<hbm>> -> memref<200x50xi32, #tpu.memory_space<hbm>>
    %dma_wait3A_319 = arith.constant 0 : i32
    %dma_wait3A_320 = tpu.memref_slice %dma_wait3A_318[%dma_wait3A_314, %dma_wait3A_319] : memref<200x50xi32, #tpu.memory_space<hbm>> -> memref<1x50xi32, #tpu.memory_space<hbm>>
    %dma_wait3A_321 = tpu.memref_squeeze %dma_wait3A_320 : memref<1x50xi32, #tpu.memory_space<hbm>> -> memref<50xi32, #tpu.memory_space<hbm>>
    %dma_wait3A_322 = arith.constant 0 : i32
    %dma_wait3A_323 = arith.constant 0 : i32
    %dma_wait3A_324 = tpu.memref_slice %arg4[%add3A, %dma_wait3A_322, %dma_wait3A_323] : memref<32x200x50xi32, #tpu.memory_space<hbm>> -> memref<1x200x50xi32, #tpu.memory_space<hbm>>
    %dma_wait3A_325 = tpu.memref_squeeze %dma_wait3A_324 : memref<1x200x50xi32, #tpu.memory_space<hbm>> -> memref<200x50xi32, #tpu.memory_space<hbm>>
    %dma_wait3A_326 = arith.constant 0 : i32
    %dma_wait3A_327 = tpu.memref_slice %dma_wait3A_325[%dma_wait3A_314, %dma_wait3A_326] : memref<200x50xi32, #tpu.memory_space<hbm>> -> memref<1x50xi32, #tpu.memory_space<hbm>>
    %dma_wait3A_328 = tpu.memref_squeeze %dma_wait3A_327 : memref<1x50xi32, #tpu.memory_space<hbm>> -> memref<50xi32, #tpu.memory_space<hbm>>
    tpu.wait_dma2 semaphore(%arg32 : memref<!tpu.dma_semaphore, #tpu.memory_space<semaphore_mem>>) src(%dma_wait3A_328 : memref<50xi32, #tpu.memory_space<hbm>>) dst(%arg16 : memref<50xi32, #tpu.memory_space<vmem>>)
    %dma_start3A_329 = arith.constant 0 : i32
    %dma_start3A_330 = arith.constant 0 : i32
    %dma_start3A_331 = tpu.memref_slice %arg2[%dma_start3A_329, %dma_start3A_330] : memref<10000x128xf32, #tpu.memory_space<hbm>> -> memref<10000x128xf32, #tpu.memory_space<hbm>>
    tpu.enqueue_indirect_dma source(%dma_start3A_331 : memref<10000x128xf32, #tpu.memory_space<hbm>>) target(%arg21 : memref<50x128xf32, #tpu.memory_space<vmem>>) offsets(%arg11 : memref<50xi32, #tpu.memory_space<vmem>>) semaphore(%arg37 : memref<!tpu.dma_semaphore, #tpu.memory_space<semaphore_mem>>)
    %dma_wait3A_332 = arith.constant 0 : i32
    %dma_wait3A_333 = arith.constant 0 : i32
    %dma_wait3A_334 = tpu.memref_slice %arg2[%dma_wait3A_332, %dma_wait3A_333] : memref<10000x128xf32, #tpu.memory_space<hbm>> -> memref<10000x128xf32, #tpu.memory_space<hbm>>
    tpu.wait_indirect_dma semaphore(%arg33 : memref<!tpu.dma_semaphore, #tpu.memory_space<semaphore_mem>>) src(%dma_wait3A_334 : memref<10000x128xf32, #tpu.memory_space<hbm>>) dst(%arg17 : memref<50x128xf32, #tpu.memory_space<vmem>>)
    %dma_start3A_335 = arith.constant 0 : i32
    %dma_start3A_336 = arith.constant 0 : i32
    %dma_start3A_337 = tpu.memref_slice %arg22[%dma_start3A_335, %dma_start3A_336] : memref<10000x128xf32, #tpu.memory_space<vmem_shared>> -> memref<10000x128xf32, #tpu.memory_space<vmem_shared>>
    tpu.enqueue_indirect_dma source(%arg17 : memref<50x128xf32, #tpu.memory_space<vmem>>) target(%dma_start3A_337 : memref<10000x128xf32, #tpu.memory_space<vmem_shared>>) offsets(%arg12 : memref<50xi32, #tpu.memory_space<vmem>>) semaphore(%arg38 : memref<!tpu.dma_semaphore, #tpu.memory_space<semaphore_mem>>) {add = true}
    %dma_wait3A_338 = arith.constant 0 : i32
    %dma_wait3A_339 = arith.constant 0 : i32
    %dma_wait3A_340 = tpu.memref_slice %arg22[%dma_wait3A_338, %dma_wait3A_339] : memref<10000x128xf32, #tpu.memory_space<vmem_shared>> -> memref<10000x128xf32, #tpu.memory_space<vmem_shared>>
    tpu.wait_indirect_dma semaphore(%arg38 : memref<!tpu.dma_semaphore, #tpu.memory_space<semaphore_mem>>) src(%arg17 : memref<50x128xf32, #tpu.memory_space<vmem>>) dst(%dma_wait3A_340 : memref<10000x128xf32, #tpu.memory_space<vmem_shared>>)
    %dma_wait3A_341 = arith.constant 0 : i32
    %dma_wait3A_342 = arith.constant 0 : i32
    %dma_wait3A_343 = tpu.memref_slice %arg2[%dma_wait3A_341, %dma_wait3A_342] : memref<10000x128xf32, #tpu.memory_space<hbm>> -> memref<10000x128xf32, #tpu.memory_space<hbm>>
    tpu.wait_indirect_dma semaphore(%arg34 : memref<!tpu.dma_semaphore, #tpu.memory_space<semaphore_mem>>) src(%dma_wait3A_343 : memref<10000x128xf32, #tpu.memory_space<hbm>>) dst(%arg18 : memref<50x128xf32, #tpu.memory_space<vmem>>)
    %dma_start3A_344 = arith.constant 0 : i32
    %dma_start3A_345 = arith.constant 0 : i32
    %dma_start3A_346 = tpu.memref_slice %arg22[%dma_start3A_344, %dma_start3A_345] : memref<10000x128xf32, #tpu.memory_space<vmem_shared>> -> memref<10000x128xf32, #tpu.memory_space<vmem_shared>>
    tpu.enqueue_indirect_dma source(%arg18 : memref<50x128xf32, #tpu.memory_space<vmem>>) target(%dma_start3A_346 : memref<10000x128xf32, #tpu.memory_space<vmem_shared>>) offsets(%arg13 : memref<50xi32, #tpu.memory_space<vmem>>) semaphore(%arg39 : memref<!tpu.dma_semaphore, #tpu.memory_space<semaphore_mem>>) {add = true}
    %dma_wait3A_347 = arith.constant 0 : i32
    %dma_wait3A_348 = arith.constant 0 : i32
    %dma_wait3A_349 = tpu.memref_slice %arg22[%dma_wait3A_347, %dma_wait3A_348] : memref<10000x128xf32, #tpu.memory_space<vmem_shared>> -> memref<10000x128xf32, #tpu.memory_space<vmem_shared>>
    tpu.wait_indirect_dma semaphore(%arg39 : memref<!tpu.dma_semaphore, #tpu.memory_space<semaphore_mem>>) src(%arg18 : memref<50x128xf32, #tpu.memory_space<vmem>>) dst(%dma_wait3A_349 : memref<10000x128xf32, #tpu.memory_space<vmem_shared>>)
    %dma_wait3A_350 = arith.constant 0 : i32
    %dma_wait3A_351 = arith.constant 0 : i32
    %dma_wait3A_352 = tpu.memref_slice %arg2[%dma_wait3A_350, %dma_wait3A_351] : memref<10000x128xf32, #tpu.memory_space<hbm>> -> memref<10000x128xf32, #tpu.memory_space<hbm>>
    tpu.wait_indirect_dma semaphore(%arg35 : memref<!tpu.dma_semaphore, #tpu.memory_space<semaphore_mem>>) src(%dma_wait3A_352 : memref<10000x128xf32, #tpu.memory_space<hbm>>) dst(%arg19 : memref<50x128xf32, #tpu.memory_space<vmem>>)
    %dma_start3A_353 = arith.constant 0 : i32
    %dma_start3A_354 = arith.constant 0 : i32
    %dma_start3A_355 = tpu.memref_slice %arg22[%dma_start3A_353, %dma_start3A_354] : memref<10000x128xf32, #tpu.memory_space<vmem_shared>> -> memref<10000x128xf32, #tpu.memory_space<vmem_shared>>
    tpu.enqueue_indirect_dma source(%arg19 : memref<50x128xf32, #tpu.memory_space<vmem>>) target(%dma_start3A_355 : memref<10000x128xf32, #tpu.memory_space<vmem_shared>>) offsets(%arg14 : memref<50xi32, #tpu.memory_space<vmem>>) semaphore(%arg40 : memref<!tpu.dma_semaphore, #tpu.memory_space<semaphore_mem>>) {add = true}
    %dma_wait3A_356 = arith.constant 0 : i32
    %dma_wait3A_357 = arith.constant 0 : i32
    %dma_wait3A_358 = tpu.memref_slice %arg22[%dma_wait3A_356, %dma_wait3A_357] : memref<10000x128xf32, #tpu.memory_space<vmem_shared>> -> memref<10000x128xf32, #tpu.memory_space<vmem_shared>>
    tpu.wait_indirect_dma semaphore(%arg40 : memref<!tpu.dma_semaphore, #tpu.memory_space<semaphore_mem>>) src(%arg19 : memref<50x128xf32, #tpu.memory_space<vmem>>) dst(%dma_wait3A_358 : memref<10000x128xf32, #tpu.memory_space<vmem_shared>>)
    %dma_wait3A_359 = arith.constant 0 : i32
    %dma_wait3A_360 = arith.constant 0 : i32
    %dma_wait3A_361 = tpu.memref_slice %arg2[%dma_wait3A_359, %dma_wait3A_360] : memref<10000x128xf32, #tpu.memory_space<hbm>> -> memref<10000x128xf32, #tpu.memory_space<hbm>>
    tpu.wait_indirect_dma semaphore(%arg36 : memref<!tpu.dma_semaphore, #tpu.memory_space<semaphore_mem>>) src(%dma_wait3A_361 : memref<10000x128xf32, #tpu.memory_space<hbm>>) dst(%arg20 : memref<50x128xf32, #tpu.memory_space<vmem>>)
    %dma_start3A_362 = arith.constant 0 : i32
    %dma_start3A_363 = arith.constant 0 : i32
    %dma_start3A_364 = tpu.memref_slice %arg22[%dma_start3A_362, %dma_start3A_363] : memref<10000x128xf32, #tpu.memory_space<vmem_shared>> -> memref<10000x128xf32, #tpu.memory_space<vmem_shared>>
    tpu.enqueue_indirect_dma source(%arg20 : memref<50x128xf32, #tpu.memory_space<vmem>>) target(%dma_start3A_364 : memref<10000x128xf32, #tpu.memory_space<vmem_shared>>) offsets(%arg15 : memref<50xi32, #tpu.memory_space<vmem>>) semaphore(%arg41 : memref<!tpu.dma_semaphore, #tpu.memory_space<semaphore_mem>>) {add = true}
    %dma_wait3A_365 = arith.constant 0 : i32
    %dma_wait3A_366 = arith.constant 0 : i32
    %dma_wait3A_367 = tpu.memref_slice %arg22[%dma_wait3A_365, %dma_wait3A_366] : memref<10000x128xf32, #tpu.memory_space<vmem_shared>> -> memref<10000x128xf32, #tpu.memory_space<vmem_shared>>
    tpu.wait_indirect_dma semaphore(%arg41 : memref<!tpu.dma_semaphore, #tpu.memory_space<semaphore_mem>>) src(%arg20 : memref<50x128xf32, #tpu.memory_space<vmem>>) dst(%dma_wait3A_367 : memref<10000x128xf32, #tpu.memory_space<vmem_shared>>)
    %dma_wait3A_368 = arith.constant 0 : i32
    %dma_wait3A_369 = arith.constant 0 : i32
    %dma_wait3A_370 = tpu.memref_slice %arg2[%dma_wait3A_368, %dma_wait3A_369] : memref<10000x128xf32, #tpu.memory_space<hbm>> -> memref<10000x128xf32, #tpu.memory_space<hbm>>
    tpu.wait_indirect_dma semaphore(%arg37 : memref<!tpu.dma_semaphore, #tpu.memory_space<semaphore_mem>>) src(%dma_wait3A_370 : memref<10000x128xf32, #tpu.memory_space<hbm>>) dst(%arg21 : memref<50x128xf32, #tpu.memory_space<vmem>>)
    %dma_start3A_371 = arith.constant 0 : i32
    %dma_start3A_372 = arith.constant 0 : i32
    %dma_start3A_373 = tpu.memref_slice %arg22[%dma_start3A_371, %dma_start3A_372] : memref<10000x128xf32, #tpu.memory_space<vmem_shared>> -> memref<10000x128xf32, #tpu.memory_space<vmem_shared>>
    tpu.enqueue_indirect_dma source(%arg21 : memref<50x128xf32, #tpu.memory_space<vmem>>) target(%dma_start3A_373 : memref<10000x128xf32, #tpu.memory_space<vmem_shared>>) offsets(%arg16 : memref<50xi32, #tpu.memory_space<vmem>>) semaphore(%arg42 : memref<!tpu.dma_semaphore, #tpu.memory_space<semaphore_mem>>) {add = true}
    %dma_wait3A_374 = arith.constant 0 : i32
    %dma_wait3A_375 = arith.constant 0 : i32
    %dma_wait3A_376 = tpu.memref_slice %arg22[%dma_wait3A_374, %dma_wait3A_375] : memref<10000x128xf32, #tpu.memory_space<vmem_shared>> -> memref<10000x128xf32, #tpu.memory_space<vmem_shared>>
    tpu.wait_indirect_dma semaphore(%arg42 : memref<!tpu.dma_semaphore, #tpu.memory_space<semaphore_mem>>) src(%arg21 : memref<50x128xf32, #tpu.memory_space<vmem>>) dst(%dma_wait3A_376 : memref<10000x128xf32, #tpu.memory_space<vmem_shared>>)
    %barrier3A = arith.constant 0 : index
    tpu.barrier barrier_id(%barrier3A)
    "tpu.region"() ({
      %run_scoped3A = tpu.sem_alloc : memref<!tpu.dma_semaphore, #tpu.memory_space<semaphore_mem>>
      %dma_start3A_381 = arith.constant 0 : i32
      %dma_start3A_382 = arith.constant 0 : i32
      %dma_start3A_383 = tpu.memref_slice %arg6[%arg0, %dma_start3A_381, %dma_start3A_382] : memref<2x10000x128xf32, #tpu.memory_space<hbm>> -> memref<1x10000x128xf32, #tpu.memory_space<hbm>>
      %dma_start3A_384 = tpu.memref_squeeze %dma_start3A_383 : memref<1x10000x128xf32, #tpu.memory_space<hbm>> -> memref<10000x128xf32, #tpu.memory_space<hbm>>
      %dma_start3A_385 = arith.constant 0 : i32
      %dma_start3A_386 = tpu.memref_slice %dma_start3A_384[%multiple_of3A, %dma_start3A_385] : memref<10000x128xf32, #tpu.memory_space<hbm>> -> memref<624x128xf32, #tpu.memory_space<hbm>>
      %dma_start3A_387 = arith.constant 0 : i32
      %dma_start3A_388 = tpu.memref_slice %arg22[%multiple_of3A, %dma_start3A_387] : memref<10000x128xf32, #tpu.memory_space<vmem_shared>> -> memref<624x128xf32, #tpu.memory_space<vmem_shared>>
      tpu.enqueue_dma source(%dma_start3A_388 : memref<624x128xf32, #tpu.memory_space<vmem_shared>>) target(%dma_start3A_386 : memref<624x128xf32, #tpu.memory_space<hbm>>) target_semaphore(%run_scoped3A : memref<!tpu.dma_semaphore, #tpu.memory_space<semaphore_mem>>)
      %dma_wait3A_389 = arith.constant 0 : i32
      %dma_wait3A_390 = arith.constant 0 : i32
      %dma_wait3A_391 = tpu.memref_slice %arg6[%arg0, %dma_wait3A_389, %dma_wait3A_390] : memref<2x10000x128xf32, #tpu.memory_space<hbm>> -> memref<1x10000x128xf32, #tpu.memory_space<hbm>>
      %dma_wait3A_392 = tpu.memref_squeeze %dma_wait3A_391 : memref<1x10000x128xf32, #tpu.memory_space<hbm>> -> memref<10000x128xf32, #tpu.memory_space<hbm>>
      %dma_wait3A_393 = arith.constant 0 : i32
      %dma_wait3A_394 = tpu.memref_slice %dma_wait3A_392[%multiple_of3A, %dma_wait3A_393] : memref<10000x128xf32, #tpu.memory_space<hbm>> -> memref<624x128xf32, #tpu.memory_space<hbm>>
      %dma_wait3A_395 = arith.constant 0 : i32
      %dma_wait3A_396 = tpu.memref_slice %arg22[%multiple_of3A, %dma_wait3A_395] : memref<10000x128xf32, #tpu.memory_space<vmem_shared>> -> memref<624x128xf32, #tpu.memory_space<vmem_shared>>
      tpu.wait_dma2 semaphore(%run_scoped3A : memref<!tpu.dma_semaphore, #tpu.memory_space<semaphore_mem>>) src(%dma_wait3A_396 : memref<624x128xf32, #tpu.memory_space<vmem_shared>>) dst(%dma_wait3A_394 : memref<624x128xf32, #tpu.memory_space<hbm>>)
      tpu.yield
    }) : () -> ()
    %lt3A = arith.constant 2 : i32
    %lt3A_377 = arith.cmpi slt, %arg1, %lt3A : i32
    %convert_element_type3A_378 = arith.extui %lt3A_377 : i1 to i32
    %cond3A_379 = arith.constant 0 : i32
    %cond3A_380 = arith.cmpi ne, %convert_element_type3A_378, %cond3A_379 : i32
    scf.if %cond3A_380 {
      "tpu.region"() ({
        %run_scoped3A = tpu.sem_alloc : memref<!tpu.dma_semaphore, #tpu.memory_space<semaphore_mem>>
        %dma_start3A_381 = arith.constant 0 : i32
        %dma_start3A_382 = arith.constant 0 : i32
        %dma_start3A_383 = tpu.memref_slice %arg6[%arg0, %dma_start3A_381, %dma_start3A_382] : memref<2x10000x128xf32, #tpu.memory_space<hbm>> -> memref<1x10000x128xf32, #tpu.memory_space<hbm>>
        %dma_start3A_384 = tpu.memref_squeeze %dma_start3A_383 : memref<1x10000x128xf32, #tpu.memory_space<hbm>> -> memref<10000x128xf32, #tpu.memory_space<hbm>>
        %dma_start3A_385 = arith.constant 0 : i32
        %dma_start3A_386 = tpu.memref_slice %dma_start3A_384[%multiple_of3A_7, %dma_start3A_385] : memref<10000x128xf32, #tpu.memory_space<hbm>> -> memref<8x128xf32, #tpu.memory_space<hbm>>
        %dma_start3A_387 = arith.constant 0 : i32
        %dma_start3A_388 = tpu.memref_slice %arg22[%multiple_of3A_7, %dma_start3A_387] : memref<10000x128xf32, #tpu.memory_space<vmem_shared>> -> memref<8x128xf32, #tpu.memory_space<vmem_shared>>
        tpu.enqueue_dma source(%dma_start3A_388 : memref<8x128xf32, #tpu.memory_space<vmem_shared>>) target(%dma_start3A_386 : memref<8x128xf32, #tpu.memory_space<hbm>>) target_semaphore(%run_scoped3A : memref<!tpu.dma_semaphore, #tpu.memory_space<semaphore_mem>>)
        %dma_wait3A_389 = arith.constant 0 : i32
        %dma_wait3A_390 = arith.constant 0 : i32
        %dma_wait3A_391 = tpu.memref_slice %arg6[%arg0, %dma_wait3A_389, %dma_wait3A_390] : memref<2x10000x128xf32, #tpu.memory_space<hbm>> -> memref<1x10000x128xf32, #tpu.memory_space<hbm>>
        %dma_wait3A_392 = tpu.memref_squeeze %dma_wait3A_391 : memref<1x10000x128xf32, #tpu.memory_space<hbm>> -> memref<10000x128xf32, #tpu.memory_space<hbm>>
        %dma_wait3A_393 = arith.constant 0 : i32
        %dma_wait3A_394 = tpu.memref_slice %dma_wait3A_392[%multiple_of3A_7, %dma_wait3A_393] : memref<10000x128xf32, #tpu.memory_space<hbm>> -> memref<8x128xf32, #tpu.memory_space<hbm>>
        %dma_wait3A_395 = arith.constant 0 : i32
        %dma_wait3A_396 = tpu.memref_slice %arg22[%multiple_of3A_7, %dma_wait3A_395] : memref<10000x128xf32, #tpu.memory_space<vmem_shared>> -> memref<8x128xf32, #tpu.memory_space<vmem_shared>>
        tpu.wait_dma2 semaphore(%run_scoped3A : memref<!tpu.dma_semaphore, #tpu.memory_space<semaphore_mem>>) src(%dma_wait3A_396 : memref<8x128xf32, #tpu.memory_space<vmem_shared>>) dst(%dma_wait3A_394 : memref<8x128xf32, #tpu.memory_space<hbm>>)
        tpu.yield
      }) : () -> ()
    } else {
    }
    return
  }
}

#map = affine_map<(d0, d1) -> (0, 0)>
#map1 = affine_map<(d0, d1) -> (0, 0, 0)>
module attributes {stable_mosaic.version = 14 : i64} {
  func.func @k(%arg0: i32, %arg1: i32, %arg2: memref<10000x128xf32, #tpu.memory_space<hbm>>, %arg3: memref<32x200x50xi32, #tpu.memory_space<hbm>>, %arg4: memref<32x200x50xi32, #tpu.memory_space<hbm>>, %arg5: memref<10000x128xf32, #tpu.memory_space<hbm>>, %arg6: memref<2x10000x128xf32, #tpu.memory_space<hbm>>, %arg7: memref<50xi32, #tpu.memory_space<vmem>>, %arg8: memref<50xi32, #tpu.memory_space<vmem>>, %arg9: memref<50xi32, #tpu.memory_space<vmem>>, %arg10: memref<50xi32, #tpu.memory_space<vmem>>, %arg11: memref<50xi32, #tpu.memory_space<vmem>>, %arg12: memref<50xi32, #tpu.memory_space<vmem>>, %arg13: memref<50xi32, #tpu.memory_space<vmem>>, %arg14: memref<50xi32, #tpu.memory_space<vmem>>, %arg15: memref<50xi32, #tpu.memory_space<vmem>>, %arg16: memref<50xi32, #tpu.memory_space<vmem>>, %arg17: memref<50x128xf32, #tpu.memory_space<vmem>>, %arg18: memref<50x128xf32, #tpu.memory_space<vmem>>, %arg19: memref<50x128xf32, #tpu.memory_space<vmem>>, %arg20: memref<50x128xf32, #tpu.memory_space<vmem>>, %arg21: memref<50x128xf32, #tpu.memory_space<vmem>>, %arg22: memref<10000x128xf32, #tpu.memory_space<vmem_shared>>, %arg23: memref<!tpu.dma_semaphore, #tpu.memory_space<semaphore_mem>>, %arg24: memref<!tpu.dma_semaphore, #tpu.memory_space<semaphore_mem>>, %arg25: memref<!tpu.dma_semaphore, #tpu.memory_space<semaphore_mem>>, %arg26: memref<!tpu.dma_semaphore, #tpu.memory_space<semaphore_mem>>, %arg27: memref<!tpu.dma_semaphore, #tpu.memory_space<semaphore_mem>>, %arg28: memref<!tpu.dma_semaphore, #tpu.memory_space<semaphore_mem>>, %arg29: memref<!tpu.dma_semaphore, #tpu.memory_space<semaphore_mem>>, %arg30: memref<!tpu.dma_semaphore, #tpu.memory_space<semaphore_mem>>, %arg31: memref<!tpu.dma_semaphore, #tpu.memory_space<semaphore_mem>>, %arg32: memref<!tpu.dma_semaphore, #tpu.memory_space<semaphore_mem>>, %arg33: memref<!tpu.dma_semaphore, #tpu.memory_space<semaphore_mem>>, %arg34: memref<!tpu.dma_semaphore, #tpu.memory_space<semaphore_mem>>, %arg35: memref<!tpu.dma_semaphore, #tpu.memory_space<semaphore_mem>>, %arg36: memref<!tpu.dma_semaphore, #tpu.memory_space<semaphore_mem>>, %arg37: memref<!tpu.dma_semaphore, #tpu.memory_space<semaphore_mem>>, %arg38: memref<!tpu.dma_semaphore, #tpu.memory_space<semaphore_mem>>, %arg39: memref<!tpu.dma_semaphore, #tpu.memory_space<semaphore_mem>>, %arg40: memref<!tpu.dma_semaphore, #tpu.memory_space<semaphore_mem>>, %arg41: memref<!tpu.dma_semaphore, #tpu.memory_space<semaphore_mem>>, %arg42: memref<!tpu.dma_semaphore, #tpu.memory_space<semaphore_mem>>) attributes {dimension_semantics = [#tpu.dimension_semantics<core_parallel>, #tpu.dimension_semantics<subcore_parallel>], iteration_bounds = array<i64: 2, 16>, scalar_prefetch = 0 : i64, scratch_operands = 36 : i64, tpu.core_type = #tpu.core_type<sc_vector_subcore>, window_params = [{transform_indices = #map}, {transform_indices = #map1}, {transform_indices = #map1}, {transform_indices = #map}, {transform_indices = #map1}]} {
    %mul3A = arith.constant 2 : i32
    %mul3A_0 = arith.muli %arg1, %mul3A : i32
    %add3A = arith.addi %mul3A_0, %arg0 : i32
    %mul3A_1 = arith.constant 624 : i32
    %mul3A_2 = arith.muli %arg1, %mul3A_1 : i32
    %multiple_of3A = tpu.assume_multiple %mul3A_2, 8 : i32
    %mul3A_3 = arith.constant 8 : i32
    %mul3A_4 = arith.muli %arg1, %mul3A_3 : i32
    %add3A_5 = arith.constant 9984 : i32
    %add3A_6 = arith.addi %add3A_5, %mul3A_4 : i32
    %multiple_of3A_7 = tpu.assume_multiple %add3A_6, 8 : i32
    %eq3A = arith.constant 0 : i32
    %eq3A_8 = arith.cmpi eq, %arg0, %eq3A : i32
    %convert_element_type3A = arith.extui %eq3A_8 : i1 to i32
    %cond3A = arith.constant 0 : i32
    %cond3A_9 = arith.cmpi ne, %convert_element_type3A, %cond3A : i32
    scf.if %cond3A_9 {
      "tpu.region"() ({
        %run_scoped3A = tpu.sem_alloc : memref<!tpu.dma_semaphore, #tpu.memory_space<semaphore_mem>>
        %dma_start3A_386 = arith.constant 0 : i32
        %dma_start3A_387 = tpu.memref_slice %arg22[%multiple_of3A, %dma_start3A_386] : memref<10000x128xf32, #tpu.memory_space<vmem_shared>> -> memref<624x128xf32, #tpu.memory_space<vmem_shared>>
        %dma_start3A_388 = arith.constant 0 : i32
        %dma_start3A_389 = tpu.memref_slice %arg2[%multiple_of3A, %dma_start3A_388] : memref<10000x128xf32, #tpu.memory_space<hbm>> -> memref<624x128xf32, #tpu.memory_space<hbm>>
        tpu.enqueue_dma source(%dma_start3A_389 : memref<624x128xf32, #tpu.memory_space<hbm>>) target(%dma_start3A_387 : memref<624x128xf32, #tpu.memory_space<vmem_shared>>) target_semaphore(%run_scoped3A : memref<!tpu.dma_semaphore, #tpu.memory_space<semaphore_mem>>)
        %dma_wait3A_390 = arith.constant 0 : i32
        %dma_wait3A_391 = tpu.memref_slice %arg22[%multiple_of3A, %dma_wait3A_390] : memref<10000x128xf32, #tpu.memory_space<vmem_shared>> -> memref<624x128xf32, #tpu.memory_space<vmem_shared>>
        %dma_wait3A_392 = arith.constant 0 : i32
        %dma_wait3A_393 = tpu.memref_slice %arg2[%multiple_of3A, %dma_wait3A_392] : memref<10000x128xf32, #tpu.memory_space<hbm>> -> memref<624x128xf32, #tpu.memory_space<hbm>>
        tpu.wait_dma2 semaphore(%run_scoped3A : memref<!tpu.dma_semaphore, #tpu.memory_space<semaphore_mem>>) src(%dma_wait3A_393 : memref<624x128xf32, #tpu.memory_space<hbm>>) dst(%dma_wait3A_391 : memref<624x128xf32, #tpu.memory_space<vmem_shared>>)
        tpu.yield
      }) : () -> ()
      %lt3A_381 = arith.constant 2 : i32
      %lt3A_382 = arith.cmpi slt, %arg1, %lt3A_381 : i32
      %convert_element_type3A_383 = arith.extui %lt3A_382 : i1 to i32
      %cond3A_384 = arith.constant 0 : i32
      %cond3A_385 = arith.cmpi ne, %convert_element_type3A_383, %cond3A_384 : i32
      scf.if %cond3A_385 {
        "tpu.region"() ({
          %run_scoped3A = tpu.sem_alloc : memref<!tpu.dma_semaphore, #tpu.memory_space<semaphore_mem>>
          %dma_start3A_386 = arith.constant 0 : i32
          %dma_start3A_387 = tpu.memref_slice %arg22[%multiple_of3A_7, %dma_start3A_386] : memref<10000x128xf32, #tpu.memory_space<vmem_shared>> -> memref<8x128xf32, #tpu.memory_space<vmem_shared>>
          %dma_start3A_388 = arith.constant 0 : i32
          %dma_start3A_389 = tpu.memref_slice %arg2[%multiple_of3A_7, %dma_start3A_388] : memref<10000x128xf32, #tpu.memory_space<hbm>> -> memref<8x128xf32, #tpu.memory_space<hbm>>
          tpu.enqueue_dma source(%dma_start3A_389 : memref<8x128xf32, #tpu.memory_space<hbm>>) target(%dma_start3A_387 : memref<8x128xf32, #tpu.memory_space<vmem_shared>>) target_semaphore(%run_scoped3A : memref<!tpu.dma_semaphore, #tpu.memory_space<semaphore_mem>>)
          %dma_wait3A_390 = arith.constant 0 : i32
          %dma_wait3A_391 = tpu.memref_slice %arg22[%multiple_of3A_7, %dma_wait3A_390] : memref<10000x128xf32, #tpu.memory_space<vmem_shared>> -> memref<8x128xf32, #tpu.memory_space<vmem_shared>>
          %dma_wait3A_392 = arith.constant 0 : i32
          %dma_wait3A_393 = tpu.memref_slice %arg2[%multiple_of3A_7, %dma_wait3A_392] : memref<10000x128xf32, #tpu.memory_space<hbm>> -> memref<8x128xf32, #tpu.memory_space<hbm>>
          tpu.wait_dma2 semaphore(%run_scoped3A : memref<!tpu.dma_semaphore, #tpu.memory_space<semaphore_mem>>) src(%dma_wait3A_393 : memref<8x128xf32, #tpu.memory_space<hbm>>) dst(%dma_wait3A_391 : memref<8x128xf32, #tpu.memory_space<vmem_shared>>)
          tpu.yield
        }) : () -> ()
      } else {
      }
    } else {
    }
    %ne3A = arith.constant 0 : i32
    %ne3A_10 = arith.cmpi ne, %arg0, %ne3A : i32
    %convert_element_type3A_11 = arith.extui %ne3A_10 : i1 to i32
    %cond3A_12 = arith.constant 0 : i32
    %cond3A_13 = arith.cmpi ne, %convert_element_type3A_11, %cond3A_12 : i32
    scf.if %cond3A_13 {
      "tpu.region"() ({
        %run_scoped3A = tpu.sem_alloc : memref<!tpu.dma_semaphore, #tpu.memory_space<semaphore_mem>>
        %dma_start3A_386 = arith.constant 0 : i32
        %dma_start3A_387 = tpu.memref_slice %arg22[%multiple_of3A, %dma_start3A_386] : memref<10000x128xf32, #tpu.memory_space<vmem_shared>> -> memref<624x128xf32, #tpu.memory_space<vmem_shared>>
        %dma_start3A_388 = arith.constant 0 : i32
        %dma_start3A_389 = tpu.memref_slice %arg5[%multiple_of3A, %dma_start3A_388] : memref<10000x128xf32, #tpu.memory_space<hbm>> -> memref<624x128xf32, #tpu.memory_space<hbm>>
        tpu.enqueue_dma source(%dma_start3A_389 : memref<624x128xf32, #tpu.memory_space<hbm>>) target(%dma_start3A_387 : memref<624x128xf32, #tpu.memory_space<vmem_shared>>) target_semaphore(%run_scoped3A : memref<!tpu.dma_semaphore, #tpu.memory_space<semaphore_mem>>)
        %dma_wait3A_390 = arith.constant 0 : i32
        %dma_wait3A_391 = tpu.memref_slice %arg22[%multiple_of3A, %dma_wait3A_390] : memref<10000x128xf32, #tpu.memory_space<vmem_shared>> -> memref<624x128xf32, #tpu.memory_space<vmem_shared>>
        %dma_wait3A_392 = arith.constant 0 : i32
        %dma_wait3A_393 = tpu.memref_slice %arg5[%multiple_of3A, %dma_wait3A_392] : memref<10000x128xf32, #tpu.memory_space<hbm>> -> memref<624x128xf32, #tpu.memory_space<hbm>>
        tpu.wait_dma2 semaphore(%run_scoped3A : memref<!tpu.dma_semaphore, #tpu.memory_space<semaphore_mem>>) src(%dma_wait3A_393 : memref<624x128xf32, #tpu.memory_space<hbm>>) dst(%dma_wait3A_391 : memref<624x128xf32, #tpu.memory_space<vmem_shared>>)
        tpu.yield
      }) : () -> ()
      %lt3A_381 = arith.constant 2 : i32
      %lt3A_382 = arith.cmpi slt, %arg1, %lt3A_381 : i32
      %convert_element_type3A_383 = arith.extui %lt3A_382 : i1 to i32
      %cond3A_384 = arith.constant 0 : i32
      %cond3A_385 = arith.cmpi ne, %convert_element_type3A_383, %cond3A_384 : i32
      scf.if %cond3A_385 {
        "tpu.region"() ({
          %run_scoped3A = tpu.sem_alloc : memref<!tpu.dma_semaphore, #tpu.memory_space<semaphore_mem>>
          %dma_start3A_386 = arith.constant 0 : i32
          %dma_start3A_387 = tpu.memref_slice %arg22[%multiple_of3A_7, %dma_start3A_386] : memref<10000x128xf32, #tpu.memory_space<vmem_shared>> -> memref<8x128xf32, #tpu.memory_space<vmem_shared>>
          %dma_start3A_388 = arith.constant 0 : i32
          %dma_start3A_389 = tpu.memref_slice %arg5[%multiple_of3A_7, %dma_start3A_388] : memref<10000x128xf32, #tpu.memory_space<hbm>> -> memref<8x128xf32, #tpu.memory_space<hbm>>
          tpu.enqueue_dma source(%dma_start3A_389 : memref<8x128xf32, #tpu.memory_space<hbm>>) target(%dma_start3A_387 : memref<8x128xf32, #tpu.memory_space<vmem_shared>>) target_semaphore(%run_scoped3A : memref<!tpu.dma_semaphore, #tpu.memory_space<semaphore_mem>>)
          %dma_wait3A_390 = arith.constant 0 : i32
          %dma_wait3A_391 = tpu.memref_slice %arg22[%multiple_of3A_7, %dma_wait3A_390] : memref<10000x128xf32, #tpu.memory_space<vmem_shared>> -> memref<8x128xf32, #tpu.memory_space<vmem_shared>>
          %dma_wait3A_392 = arith.constant 0 : i32
          %dma_wait3A_393 = tpu.memref_slice %arg5[%multiple_of3A_7, %dma_wait3A_392] : memref<10000x128xf32, #tpu.memory_space<hbm>> -> memref<8x128xf32, #tpu.memory_space<hbm>>
          tpu.wait_dma2 semaphore(%run_scoped3A : memref<!tpu.dma_semaphore, #tpu.memory_space<semaphore_mem>>) src(%dma_wait3A_393 : memref<8x128xf32, #tpu.memory_space<hbm>>) dst(%dma_wait3A_391 : memref<8x128xf32, #tpu.memory_space<vmem_shared>>)
          tpu.yield
        }) : () -> ()
      } else {
      }
    } else {
    }
    %dma_start3A = arith.constant 0 : i32
    %dma_start3A_14 = arith.constant 0 : i32
    %dma_start3A_15 = arith.constant 0 : i32
    %dma_start3A_16 = tpu.memref_slice %arg3[%add3A, %dma_start3A_14, %dma_start3A_15] : memref<32x200x50xi32, #tpu.memory_space<hbm>> -> memref<1x200x50xi32, #tpu.memory_space<hbm>>
    %dma_start3A_17 = tpu.memref_squeeze %dma_start3A_16 : memref<1x200x50xi32, #tpu.memory_space<hbm>> -> memref<200x50xi32, #tpu.memory_space<hbm>>
    %dma_start3A_18 = arith.constant 0 : i32
    %dma_start3A_19 = tpu.memref_slice %dma_start3A_17[%dma_start3A, %dma_start3A_18] : memref<200x50xi32, #tpu.memory_space<hbm>> -> memref<1x50xi32, #tpu.memory_space<hbm>>
    %dma_start3A_20 = tpu.memref_squeeze %dma_start3A_19 : memref<1x50xi32, #tpu.memory_space<hbm>> -> memref<50xi32, #tpu.memory_space<hbm>>
    %dma_start3A_21 = arith.constant 0 : i32
    %dma_start3A_22 = arith.constant 0 : i32
    %dma_start3A_23 = tpu.memref_slice %arg3[%add3A, %dma_start3A_21, %dma_start3A_22] : memref<32x200x50xi32, #tpu.memory_space<hbm>> -> memref<1x200x50xi32, #tpu.memory_space<hbm>>
    %dma_start3A_24 = tpu.memref_squeeze %dma_start3A_23 : memref<1x200x50xi32, #tpu.memory_space<hbm>> -> memref<200x50xi32, #tpu.memory_space<hbm>>
    %dma_start3A_25 = arith.constant 0 : i32
    %dma_start3A_26 = tpu.memref_slice %dma_start3A_24[%dma_start3A, %dma_start3A_25] : memref<200x50xi32, #tpu.memory_space<hbm>> -> memref<1x50xi32, #tpu.memory_space<hbm>>
    %dma_start3A_27 = tpu.memref_squeeze %dma_start3A_26 : memref<1x50xi32, #tpu.memory_space<hbm>> -> memref<50xi32, #tpu.memory_space<hbm>>
    tpu.enqueue_dma source(%dma_start3A_27 : memref<50xi32, #tpu.memory_space<hbm>>) target(%arg7 : memref<50xi32, #tpu.memory_space<vmem>>) target_semaphore(%arg23 : memref<!tpu.dma_semaphore, #tpu.memory_space<semaphore_mem>>)
    %dma_start3A_28 = arith.constant 0 : i32
    %dma_start3A_29 = arith.constant 0 : i32
    %dma_start3A_30 = arith.constant 0 : i32
    %dma_start3A_31 = tpu.memref_slice %arg4[%add3A, %dma_start3A_29, %dma_start3A_30] : memref<32x200x50xi32, #tpu.memory_space<hbm>> -> memref<1x200x50xi32, #tpu.memory_space<hbm>>
    %dma_start3A_32 = tpu.memref_squeeze %dma_start3A_31 : memref<1x200x50xi32, #tpu.memory_space<hbm>> -> memref<200x50xi32, #tpu.memory_space<hbm>>
    %dma_start3A_33 = arith.constant 0 : i32
    %dma_start3A_34 = tpu.memref_slice %dma_start3A_32[%dma_start3A_28, %dma_start3A_33] : memref<200x50xi32, #tpu.memory_space<hbm>> -> memref<1x50xi32, #tpu.memory_space<hbm>>
    %dma_start3A_35 = tpu.memref_squeeze %dma_start3A_34 : memref<1x50xi32, #tpu.memory_space<hbm>> -> memref<50xi32, #tpu.memory_space<hbm>>
    %dma_start3A_36 = arith.constant 0 : i32
    %dma_start3A_37 = arith.constant 0 : i32
    %dma_start3A_38 = tpu.memref_slice %arg4[%add3A, %dma_start3A_36, %dma_start3A_37] : memref<32x200x50xi32, #tpu.memory_space<hbm>> -> memref<1x200x50xi32, #tpu.memory_space<hbm>>
    %dma_start3A_39 = tpu.memref_squeeze %dma_start3A_38 : memref<1x200x50xi32, #tpu.memory_space<hbm>> -> memref<200x50xi32, #tpu.memory_space<hbm>>
    %dma_start3A_40 = arith.constant 0 : i32
    %dma_start3A_41 = tpu.memref_slice %dma_start3A_39[%dma_start3A_28, %dma_start3A_40] : memref<200x50xi32, #tpu.memory_space<hbm>> -> memref<1x50xi32, #tpu.memory_space<hbm>>
    %dma_start3A_42 = tpu.memref_squeeze %dma_start3A_41 : memref<1x50xi32, #tpu.memory_space<hbm>> -> memref<50xi32, #tpu.memory_space<hbm>>
    tpu.enqueue_dma source(%dma_start3A_42 : memref<50xi32, #tpu.memory_space<hbm>>) target(%arg12 : memref<50xi32, #tpu.memory_space<vmem>>) target_semaphore(%arg28 : memref<!tpu.dma_semaphore, #tpu.memory_space<semaphore_mem>>)
    %dma_start3A_43 = arith.constant 1 : i32
    %dma_start3A_44 = arith.constant 0 : i32
    %dma_start3A_45 = arith.constant 0 : i32
    %dma_start3A_46 = tpu.memref_slice %arg3[%add3A, %dma_start3A_44, %dma_start3A_45] : memref<32x200x50xi32, #tpu.memory_space<hbm>> -> memref<1x200x50xi32, #tpu.memory_space<hbm>>
    %dma_start3A_47 = tpu.memref_squeeze %dma_start3A_46 : memref<1x200x50xi32, #tpu.memory_space<hbm>> -> memref<200x50xi32, #tpu.memory_space<hbm>>
    %dma_start3A_48 = arith.constant 0 : i32
    %dma_start3A_49 = tpu.memref_slice %dma_start3A_47[%dma_start3A_43, %dma_start3A_48] : memref<200x50xi32, #tpu.memory_space<hbm>> -> memref<1x50xi32, #tpu.memory_space<hbm>>
    %dma_start3A_50 = tpu.memref_squeeze %dma_start3A_49 : memref<1x50xi32, #tpu.memory_space<hbm>> -> memref<50xi32, #tpu.memory_space<hbm>>
    %dma_start3A_51 = arith.constant 0 : i32
    %dma_start3A_52 = arith.constant 0 : i32
    %dma_start3A_53 = tpu.memref_slice %arg3[%add3A, %dma_start3A_51, %dma_start3A_52] : memref<32x200x50xi32, #tpu.memory_space<hbm>> -> memref<1x200x50xi32, #tpu.memory_space<hbm>>
    %dma_start3A_54 = tpu.memref_squeeze %dma_start3A_53 : memref<1x200x50xi32, #tpu.memory_space<hbm>> -> memref<200x50xi32, #tpu.memory_space<hbm>>
    %dma_start3A_55 = arith.constant 0 : i32
    %dma_start3A_56 = tpu.memref_slice %dma_start3A_54[%dma_start3A_43, %dma_start3A_55] : memref<200x50xi32, #tpu.memory_space<hbm>> -> memref<1x50xi32, #tpu.memory_space<hbm>>
    %dma_start3A_57 = tpu.memref_squeeze %dma_start3A_56 : memref<1x50xi32, #tpu.memory_space<hbm>> -> memref<50xi32, #tpu.memory_space<hbm>>
    tpu.enqueue_dma source(%dma_start3A_57 : memref<50xi32, #tpu.memory_space<hbm>>) target(%arg8 : memref<50xi32, #tpu.memory_space<vmem>>) target_semaphore(%arg24 : memref<!tpu.dma_semaphore, #tpu.memory_space<semaphore_mem>>)
    %dma_start3A_58 = arith.constant 1 : i32
    %dma_start3A_59 = arith.constant 0 : i32
    %dma_start3A_60 = arith.constant 0 : i32
    %dma_start3A_61 = tpu.memref_slice %arg4[%add3A, %dma_start3A_59, %dma_start3A_60] : memref<32x200x50xi32, #tpu.memory_space<hbm>> -> memref<1x200x50xi32, #tpu.memory_space<hbm>>
    %dma_start3A_62 = tpu.memref_squeeze %dma_start3A_61 : memref<1x200x50xi32, #tpu.memory_space<hbm>> -> memref<200x50xi32, #tpu.memory_space<hbm>>
    %dma_start3A_63 = arith.constant 0 : i32
    %dma_start3A_64 = tpu.memref_slice %dma_start3A_62[%dma_start3A_58, %dma_start3A_63] : memref<200x50xi32, #tpu.memory_space<hbm>> -> memref<1x50xi32, #tpu.memory_space<hbm>>
    %dma_start3A_65 = tpu.memref_squeeze %dma_start3A_64 : memref<1x50xi32, #tpu.memory_space<hbm>> -> memref<50xi32, #tpu.memory_space<hbm>>
    %dma_start3A_66 = arith.constant 0 : i32
    %dma_start3A_67 = arith.constant 0 : i32
    %dma_start3A_68 = tpu.memref_slice %arg4[%add3A, %dma_start3A_66, %dma_start3A_67] : memref<32x200x50xi32, #tpu.memory_space<hbm>> -> memref<1x200x50xi32, #tpu.memory_space<hbm>>
    %dma_start3A_69 = tpu.memref_squeeze %dma_start3A_68 : memref<1x200x50xi32, #tpu.memory_space<hbm>> -> memref<200x50xi32, #tpu.memory_space<hbm>>
    %dma_start3A_70 = arith.constant 0 : i32
    %dma_start3A_71 = tpu.memref_slice %dma_start3A_69[%dma_start3A_58, %dma_start3A_70] : memref<200x50xi32, #tpu.memory_space<hbm>> -> memref<1x50xi32, #tpu.memory_space<hbm>>
    %dma_start3A_72 = tpu.memref_squeeze %dma_start3A_71 : memref<1x50xi32, #tpu.memory_space<hbm>> -> memref<50xi32, #tpu.memory_space<hbm>>
    tpu.enqueue_dma source(%dma_start3A_72 : memref<50xi32, #tpu.memory_space<hbm>>) target(%arg13 : memref<50xi32, #tpu.memory_space<vmem>>) target_semaphore(%arg29 : memref<!tpu.dma_semaphore, #tpu.memory_space<semaphore_mem>>)
    %dma_start3A_73 = arith.constant 2 : i32
    %dma_start3A_74 = arith.constant 0 : i32
    %dma_start3A_75 = arith.constant 0 : i32
    %dma_start3A_76 = tpu.memref_slice %arg3[%add3A, %dma_start3A_74, %dma_start3A_75] : memref<32x200x50xi32, #tpu.memory_space<hbm>> -> memref<1x200x50xi32, #tpu.memory_space<hbm>>
    %dma_start3A_77 = tpu.memref_squeeze %dma_start3A_76 : memref<1x200x50xi32, #tpu.memory_space<hbm>> -> memref<200x50xi32, #tpu.memory_space<hbm>>
    %dma_start3A_78 = arith.constant 0 : i32
    %dma_start3A_79 = tpu.memref_slice %dma_start3A_77[%dma_start3A_73, %dma_start3A_78] : memref<200x50xi32, #tpu.memory_space<hbm>> -> memref<1x50xi32, #tpu.memory_space<hbm>>
    %dma_start3A_80 = tpu.memref_squeeze %dma_start3A_79 : memref<1x50xi32, #tpu.memory_space<hbm>> -> memref<50xi32, #tpu.memory_space<hbm>>
    %dma_start3A_81 = arith.constant 0 : i32
    %dma_start3A_82 = arith.constant 0 : i32
    %dma_start3A_83 = tpu.memref_slice %arg3[%add3A, %dma_start3A_81, %dma_start3A_82] : memref<32x200x50xi32, #tpu.memory_space<hbm>> -> memref<1x200x50xi32, #tpu.memory_space<hbm>>
    %dma_start3A_84 = tpu.memref_squeeze %dma_start3A_83 : memref<1x200x50xi32, #tpu.memory_space<hbm>> -> memref<200x50xi32, #tpu.memory_space<hbm>>
    %dma_start3A_85 = arith.constant 0 : i32
    %dma_start3A_86 = tpu.memref_slice %dma_start3A_84[%dma_start3A_73, %dma_start3A_85] : memref<200x50xi32, #tpu.memory_space<hbm>> -> memref<1x50xi32, #tpu.memory_space<hbm>>
    %dma_start3A_87 = tpu.memref_squeeze %dma_start3A_86 : memref<1x50xi32, #tpu.memory_space<hbm>> -> memref<50xi32, #tpu.memory_space<hbm>>
    tpu.enqueue_dma source(%dma_start3A_87 : memref<50xi32, #tpu.memory_space<hbm>>) target(%arg9 : memref<50xi32, #tpu.memory_space<vmem>>) target_semaphore(%arg25 : memref<!tpu.dma_semaphore, #tpu.memory_space<semaphore_mem>>)
    %dma_start3A_88 = arith.constant 2 : i32
    %dma_start3A_89 = arith.constant 0 : i32
    %dma_start3A_90 = arith.constant 0 : i32
    %dma_start3A_91 = tpu.memref_slice %arg4[%add3A, %dma_start3A_89, %dma_start3A_90] : memref<32x200x50xi32, #tpu.memory_space<hbm>> -> memref<1x200x50xi32, #tpu.memory_space<hbm>>
    %dma_start3A_92 = tpu.memref_squeeze %dma_start3A_91 : memref<1x200x50xi32, #tpu.memory_space<hbm>> -> memref<200x50xi32, #tpu.memory_space<hbm>>
    %dma_start3A_93 = arith.constant 0 : i32
    %dma_start3A_94 = tpu.memref_slice %dma_start3A_92[%dma_start3A_88, %dma_start3A_93] : memref<200x50xi32, #tpu.memory_space<hbm>> -> memref<1x50xi32, #tpu.memory_space<hbm>>
    %dma_start3A_95 = tpu.memref_squeeze %dma_start3A_94 : memref<1x50xi32, #tpu.memory_space<hbm>> -> memref<50xi32, #tpu.memory_space<hbm>>
    %dma_start3A_96 = arith.constant 0 : i32
    %dma_start3A_97 = arith.constant 0 : i32
    %dma_start3A_98 = tpu.memref_slice %arg4[%add3A, %dma_start3A_96, %dma_start3A_97] : memref<32x200x50xi32, #tpu.memory_space<hbm>> -> memref<1x200x50xi32, #tpu.memory_space<hbm>>
    %dma_start3A_99 = tpu.memref_squeeze %dma_start3A_98 : memref<1x200x50xi32, #tpu.memory_space<hbm>> -> memref<200x50xi32, #tpu.memory_space<hbm>>
    %dma_start3A_100 = arith.constant 0 : i32
    %dma_start3A_101 = tpu.memref_slice %dma_start3A_99[%dma_start3A_88, %dma_start3A_100] : memref<200x50xi32, #tpu.memory_space<hbm>> -> memref<1x50xi32, #tpu.memory_space<hbm>>
    %dma_start3A_102 = tpu.memref_squeeze %dma_start3A_101 : memref<1x50xi32, #tpu.memory_space<hbm>> -> memref<50xi32, #tpu.memory_space<hbm>>
    tpu.enqueue_dma source(%dma_start3A_102 : memref<50xi32, #tpu.memory_space<hbm>>) target(%arg14 : memref<50xi32, #tpu.memory_space<vmem>>) target_semaphore(%arg30 : memref<!tpu.dma_semaphore, #tpu.memory_space<semaphore_mem>>)
    %dma_start3A_103 = arith.constant 3 : i32
    %dma_start3A_104 = arith.constant 0 : i32
    %dma_start3A_105 = arith.constant 0 : i32
    %dma_start3A_106 = tpu.memref_slice %arg3[%add3A, %dma_start3A_104, %dma_start3A_105] : memref<32x200x50xi32, #tpu.memory_space<hbm>> -> memref<1x200x50xi32, #tpu.memory_space<hbm>>
    %dma_start3A_107 = tpu.memref_squeeze %dma_start3A_106 : memref<1x200x50xi32, #tpu.memory_space<hbm>> -> memref<200x50xi32, #tpu.memory_space<hbm>>
    %dma_start3A_108 = arith.constant 0 : i32
    %dma_start3A_109 = tpu.memref_slice %dma_start3A_107[%dma_start3A_103, %dma_start3A_108] : memref<200x50xi32, #tpu.memory_space<hbm>> -> memref<1x50xi32, #tpu.memory_space<hbm>>
    %dma_start3A_110 = tpu.memref_squeeze %dma_start3A_109 : memref<1x50xi32, #tpu.memory_space<hbm>> -> memref<50xi32, #tpu.memory_space<hbm>>
    %dma_start3A_111 = arith.constant 0 : i32
    %dma_start3A_112 = arith.constant 0 : i32
    %dma_start3A_113 = tpu.memref_slice %arg3[%add3A, %dma_start3A_111, %dma_start3A_112] : memref<32x200x50xi32, #tpu.memory_space<hbm>> -> memref<1x200x50xi32, #tpu.memory_space<hbm>>
    %dma_start3A_114 = tpu.memref_squeeze %dma_start3A_113 : memref<1x200x50xi32, #tpu.memory_space<hbm>> -> memref<200x50xi32, #tpu.memory_space<hbm>>
    %dma_start3A_115 = arith.constant 0 : i32
    %dma_start3A_116 = tpu.memref_slice %dma_start3A_114[%dma_start3A_103, %dma_start3A_115] : memref<200x50xi32, #tpu.memory_space<hbm>> -> memref<1x50xi32, #tpu.memory_space<hbm>>
    %dma_start3A_117 = tpu.memref_squeeze %dma_start3A_116 : memref<1x50xi32, #tpu.memory_space<hbm>> -> memref<50xi32, #tpu.memory_space<hbm>>
    tpu.enqueue_dma source(%dma_start3A_117 : memref<50xi32, #tpu.memory_space<hbm>>) target(%arg10 : memref<50xi32, #tpu.memory_space<vmem>>) target_semaphore(%arg26 : memref<!tpu.dma_semaphore, #tpu.memory_space<semaphore_mem>>)
    %dma_start3A_118 = arith.constant 3 : i32
    %dma_start3A_119 = arith.constant 0 : i32
    %dma_start3A_120 = arith.constant 0 : i32
    %dma_start3A_121 = tpu.memref_slice %arg4[%add3A, %dma_start3A_119, %dma_start3A_120] : memref<32x200x50xi32, #tpu.memory_space<hbm>> -> memref<1x200x50xi32, #tpu.memory_space<hbm>>
    %dma_start3A_122 = tpu.memref_squeeze %dma_start3A_121 : memref<1x200x50xi32, #tpu.memory_space<hbm>> -> memref<200x50xi32, #tpu.memory_space<hbm>>
    %dma_start3A_123 = arith.constant 0 : i32
    %dma_start3A_124 = tpu.memref_slice %dma_start3A_122[%dma_start3A_118, %dma_start3A_123] : memref<200x50xi32, #tpu.memory_space<hbm>> -> memref<1x50xi32, #tpu.memory_space<hbm>>
    %dma_start3A_125 = tpu.memref_squeeze %dma_start3A_124 : memref<1x50xi32, #tpu.memory_space<hbm>> -> memref<50xi32, #tpu.memory_space<hbm>>
    %dma_start3A_126 = arith.constant 0 : i32
    %dma_start3A_127 = arith.constant 0 : i32
    %dma_start3A_128 = tpu.memref_slice %arg4[%add3A, %dma_start3A_126, %dma_start3A_127] : memref<32x200x50xi32, #tpu.memory_space<hbm>> -> memref<1x200x50xi32, #tpu.memory_space<hbm>>
    %dma_start3A_129 = tpu.memref_squeeze %dma_start3A_128 : memref<1x200x50xi32, #tpu.memory_space<hbm>> -> memref<200x50xi32, #tpu.memory_space<hbm>>
    %dma_start3A_130 = arith.constant 0 : i32
    %dma_start3A_131 = tpu.memref_slice %dma_start3A_129[%dma_start3A_118, %dma_start3A_130] : memref<200x50xi32, #tpu.memory_space<hbm>> -> memref<1x50xi32, #tpu.memory_space<hbm>>
    %dma_start3A_132 = tpu.memref_squeeze %dma_start3A_131 : memref<1x50xi32, #tpu.memory_space<hbm>> -> memref<50xi32, #tpu.memory_space<hbm>>
    tpu.enqueue_dma source(%dma_start3A_132 : memref<50xi32, #tpu.memory_space<hbm>>) target(%arg15 : memref<50xi32, #tpu.memory_space<vmem>>) target_semaphore(%arg31 : memref<!tpu.dma_semaphore, #tpu.memory_space<semaphore_mem>>)
    %dma_start3A_133 = arith.constant 4 : i32
    %dma_start3A_134 = arith.constant 0 : i32
    %dma_start3A_135 = arith.constant 0 : i32
    %dma_start3A_136 = tpu.memref_slice %arg3[%add3A, %dma_start3A_134, %dma_start3A_135] : memref<32x200x50xi32, #tpu.memory_space<hbm>> -> memref<1x200x50xi32, #tpu.memory_space<hbm>>
    %dma_start3A_137 = tpu.memref_squeeze %dma_start3A_136 : memref<1x200x50xi32, #tpu.memory_space<hbm>> -> memref<200x50xi32, #tpu.memory_space<hbm>>
    %dma_start3A_138 = arith.constant 0 : i32
    %dma_start3A_139 = tpu.memref_slice %dma_start3A_137[%dma_start3A_133, %dma_start3A_138] : memref<200x50xi32, #tpu.memory_space<hbm>> -> memref<1x50xi32, #tpu.memory_space<hbm>>
    %dma_start3A_140 = tpu.memref_squeeze %dma_start3A_139 : memref<1x50xi32, #tpu.memory_space<hbm>> -> memref<50xi32, #tpu.memory_space<hbm>>
    %dma_start3A_141 = arith.constant 0 : i32
    %dma_start3A_142 = arith.constant 0 : i32
    %dma_start3A_143 = tpu.memref_slice %arg3[%add3A, %dma_start3A_141, %dma_start3A_142] : memref<32x200x50xi32, #tpu.memory_space<hbm>> -> memref<1x200x50xi32, #tpu.memory_space<hbm>>
    %dma_start3A_144 = tpu.memref_squeeze %dma_start3A_143 : memref<1x200x50xi32, #tpu.memory_space<hbm>> -> memref<200x50xi32, #tpu.memory_space<hbm>>
    %dma_start3A_145 = arith.constant 0 : i32
    %dma_start3A_146 = tpu.memref_slice %dma_start3A_144[%dma_start3A_133, %dma_start3A_145] : memref<200x50xi32, #tpu.memory_space<hbm>> -> memref<1x50xi32, #tpu.memory_space<hbm>>
    %dma_start3A_147 = tpu.memref_squeeze %dma_start3A_146 : memref<1x50xi32, #tpu.memory_space<hbm>> -> memref<50xi32, #tpu.memory_space<hbm>>
    tpu.enqueue_dma source(%dma_start3A_147 : memref<50xi32, #tpu.memory_space<hbm>>) target(%arg11 : memref<50xi32, #tpu.memory_space<vmem>>) target_semaphore(%arg27 : memref<!tpu.dma_semaphore, #tpu.memory_space<semaphore_mem>>)
    %dma_start3A_148 = arith.constant 4 : i32
    %dma_start3A_149 = arith.constant 0 : i32
    %dma_start3A_150 = arith.constant 0 : i32
    %dma_start3A_151 = tpu.memref_slice %arg4[%add3A, %dma_start3A_149, %dma_start3A_150] : memref<32x200x50xi32, #tpu.memory_space<hbm>> -> memref<1x200x50xi32, #tpu.memory_space<hbm>>
    %dma_start3A_152 = tpu.memref_squeeze %dma_start3A_151 : memref<1x200x50xi32, #tpu.memory_space<hbm>> -> memref<200x50xi32, #tpu.memory_space<hbm>>
    %dma_start3A_153 = arith.constant 0 : i32
    %dma_start3A_154 = tpu.memref_slice %dma_start3A_152[%dma_start3A_148, %dma_start3A_153] : memref<200x50xi32, #tpu.memory_space<hbm>> -> memref<1x50xi32, #tpu.memory_space<hbm>>
    %dma_start3A_155 = tpu.memref_squeeze %dma_start3A_154 : memref<1x50xi32, #tpu.memory_space<hbm>> -> memref<50xi32, #tpu.memory_space<hbm>>
    %dma_start3A_156 = arith.constant 0 : i32
    %dma_start3A_157 = arith.constant 0 : i32
    %dma_start3A_158 = tpu.memref_slice %arg4[%add3A, %dma_start3A_156, %dma_start3A_157] : memref<32x200x50xi32, #tpu.memory_space<hbm>> -> memref<1x200x50xi32, #tpu.memory_space<hbm>>
    %dma_start3A_159 = tpu.memref_squeeze %dma_start3A_158 : memref<1x200x50xi32, #tpu.memory_space<hbm>> -> memref<200x50xi32, #tpu.memory_space<hbm>>
    %dma_start3A_160 = arith.constant 0 : i32
    %dma_start3A_161 = tpu.memref_slice %dma_start3A_159[%dma_start3A_148, %dma_start3A_160] : memref<200x50xi32, #tpu.memory_space<hbm>> -> memref<1x50xi32, #tpu.memory_space<hbm>>
    %dma_start3A_162 = tpu.memref_squeeze %dma_start3A_161 : memref<1x50xi32, #tpu.memory_space<hbm>> -> memref<50xi32, #tpu.memory_space<hbm>>
    tpu.enqueue_dma source(%dma_start3A_162 : memref<50xi32, #tpu.memory_space<hbm>>) target(%arg16 : memref<50xi32, #tpu.memory_space<vmem>>) target_semaphore(%arg32 : memref<!tpu.dma_semaphore, #tpu.memory_space<semaphore_mem>>)
    %scan3A = arith.constant 0 : i32
    %scan3A_163 = arith.constant 0 : i32
    %scan3A_164 = arith.constant 39 : i32
    %scan3A_165 = arith.addi %scan3A_163, %scan3A_164 : i32
    %scan3A_166 = arith.constant 1 : i32
    scf.for %scan3A_381 = %scan3A_163 to %scan3A_165 step %scan3A_166  : i32 {
      %mul3A_382 = arith.constant 5 : i32
      %mul3A_383 = arith.muli %scan3A_381, %mul3A_382 : i32
      %dma_wait3A_384 = arith.constant 0 : i32
      %dma_wait3A_385 = arith.constant 0 : i32
      %dma_wait3A_386 = arith.constant 0 : i32
      %dma_wait3A_387 = tpu.memref_slice %arg3[%add3A, %dma_wait3A_385, %dma_wait3A_386] : memref<32x200x50xi32, #tpu.memory_space<hbm>> -> memref<1x200x50xi32, #tpu.memory_space<hbm>>
      %dma_wait3A_388 = tpu.memref_squeeze %dma_wait3A_387 : memref<1x200x50xi32, #tpu.memory_space<hbm>> -> memref<200x50xi32, #tpu.memory_space<hbm>>
      %dma_wait3A_389 = arith.constant 0 : i32
      %dma_wait3A_390 = tpu.memref_slice %dma_wait3A_388[%dma_wait3A_384, %dma_wait3A_389] : memref<200x50xi32, #tpu.memory_space<hbm>> -> memref<1x50xi32, #tpu.memory_space<hbm>>
      %dma_wait3A_391 = tpu.memref_squeeze %dma_wait3A_390 : memref<1x50xi32, #tpu.memory_space<hbm>> -> memref<50xi32, #tpu.memory_space<hbm>>
      %dma_wait3A_392 = arith.constant 0 : i32
      %dma_wait3A_393 = arith.constant 0 : i32
      %dma_wait3A_394 = tpu.memref_slice %arg3[%add3A, %dma_wait3A_392, %dma_wait3A_393] : memref<32x200x50xi32, #tpu.memory_space<hbm>> -> memref<1x200x50xi32, #tpu.memory_space<hbm>>
      %dma_wait3A_395 = tpu.memref_squeeze %dma_wait3A_394 : memref<1x200x50xi32, #tpu.memory_space<hbm>> -> memref<200x50xi32, #tpu.memory_space<hbm>>
      %dma_wait3A_396 = arith.constant 0 : i32
      %dma_wait3A_397 = tpu.memref_slice %dma_wait3A_395[%dma_wait3A_384, %dma_wait3A_396] : memref<200x50xi32, #tpu.memory_space<hbm>> -> memref<1x50xi32, #tpu.memory_space<hbm>>
      %dma_wait3A_398 = tpu.memref_squeeze %dma_wait3A_397 : memref<1x50xi32, #tpu.memory_space<hbm>> -> memref<50xi32, #tpu.memory_space<hbm>>
      tpu.wait_dma2 semaphore(%arg23 : memref<!tpu.dma_semaphore, #tpu.memory_space<semaphore_mem>>) src(%dma_wait3A_398 : memref<50xi32, #tpu.memory_space<hbm>>) dst(%arg7 : memref<50xi32, #tpu.memory_space<vmem>>)
      %dma_wait3A_399 = arith.constant 0 : i32
      %dma_wait3A_400 = arith.constant 0 : i32
      %dma_wait3A_401 = arith.constant 0 : i32
      %dma_wait3A_402 = tpu.memref_slice %arg4[%add3A, %dma_wait3A_400, %dma_wait3A_401] : memref<32x200x50xi32, #tpu.memory_space<hbm>> -> memref<1x200x50xi32, #tpu.memory_space<hbm>>
      %dma_wait3A_403 = tpu.memref_squeeze %dma_wait3A_402 : memref<1x200x50xi32, #tpu.memory_space<hbm>> -> memref<200x50xi32, #tpu.memory_space<hbm>>
      %dma_wait3A_404 = arith.constant 0 : i32
      %dma_wait3A_405 = tpu.memref_slice %dma_wait3A_403[%dma_wait3A_399, %dma_wait3A_404] : memref<200x50xi32, #tpu.memory_space<hbm>> -> memref<1x50xi32, #tpu.memory_space<hbm>>
      %dma_wait3A_406 = tpu.memref_squeeze %dma_wait3A_405 : memref<1x50xi32, #tpu.memory_space<hbm>> -> memref<50xi32, #tpu.memory_space<hbm>>
      %dma_wait3A_407 = arith.constant 0 : i32
      %dma_wait3A_408 = arith.constant 0 : i32
      %dma_wait3A_409 = tpu.memref_slice %arg4[%add3A, %dma_wait3A_407, %dma_wait3A_408] : memref<32x200x50xi32, #tpu.memory_space<hbm>> -> memref<1x200x50xi32, #tpu.memory_space<hbm>>
      %dma_wait3A_410 = tpu.memref_squeeze %dma_wait3A_409 : memref<1x200x50xi32, #tpu.memory_space<hbm>> -> memref<200x50xi32, #tpu.memory_space<hbm>>
      %dma_wait3A_411 = arith.constant 0 : i32
      %dma_wait3A_412 = tpu.memref_slice %dma_wait3A_410[%dma_wait3A_399, %dma_wait3A_411] : memref<200x50xi32, #tpu.memory_space<hbm>> -> memref<1x50xi32, #tpu.memory_space<hbm>>
      %dma_wait3A_413 = tpu.memref_squeeze %dma_wait3A_412 : memref<1x50xi32, #tpu.memory_space<hbm>> -> memref<50xi32, #tpu.memory_space<hbm>>
      tpu.wait_dma2 semaphore(%arg28 : memref<!tpu.dma_semaphore, #tpu.memory_space<semaphore_mem>>) src(%dma_wait3A_413 : memref<50xi32, #tpu.memory_space<hbm>>) dst(%arg12 : memref<50xi32, #tpu.memory_space<vmem>>)
      %dma_start3A_414 = arith.constant 0 : i32
      %dma_start3A_415 = arith.constant 0 : i32
      %dma_start3A_416 = tpu.memref_slice %arg2[%dma_start3A_414, %dma_start3A_415] : memref<10000x128xf32, #tpu.memory_space<hbm>> -> memref<10000x128xf32, #tpu.memory_space<hbm>>
      tpu.enqueue_indirect_dma source(%dma_start3A_416 : memref<10000x128xf32, #tpu.memory_space<hbm>>) target(%arg17 : memref<50x128xf32, #tpu.memory_space<vmem>>) offsets(%arg7 : memref<50xi32, #tpu.memory_space<vmem>>) semaphore(%arg33 : memref<!tpu.dma_semaphore, #tpu.memory_space<semaphore_mem>>)
      %dma_wait3A_417 = arith.constant 0 : i32
      %dma_wait3A_418 = arith.constant 0 : i32
      %dma_wait3A_419 = arith.constant 0 : i32
      %dma_wait3A_420 = tpu.memref_slice %arg3[%add3A, %dma_wait3A_418, %dma_wait3A_419] : memref<32x200x50xi32, #tpu.memory_space<hbm>> -> memref<1x200x50xi32, #tpu.memory_space<hbm>>
      %dma_wait3A_421 = tpu.memref_squeeze %dma_wait3A_420 : memref<1x200x50xi32, #tpu.memory_space<hbm>> -> memref<200x50xi32, #tpu.memory_space<hbm>>
      %dma_wait3A_422 = arith.constant 0 : i32
      %dma_wait3A_423 = tpu.memref_slice %dma_wait3A_421[%dma_wait3A_417, %dma_wait3A_422] : memref<200x50xi32, #tpu.memory_space<hbm>> -> memref<1x50xi32, #tpu.memory_space<hbm>>
      %dma_wait3A_424 = tpu.memref_squeeze %dma_wait3A_423 : memref<1x50xi32, #tpu.memory_space<hbm>> -> memref<50xi32, #tpu.memory_space<hbm>>
      %dma_wait3A_425 = arith.constant 0 : i32
      %dma_wait3A_426 = arith.constant 0 : i32
      %dma_wait3A_427 = tpu.memref_slice %arg3[%add3A, %dma_wait3A_425, %dma_wait3A_426] : memref<32x200x50xi32, #tpu.memory_space<hbm>> -> memref<1x200x50xi32, #tpu.memory_space<hbm>>
      %dma_wait3A_428 = tpu.memref_squeeze %dma_wait3A_427 : memref<1x200x50xi32, #tpu.memory_space<hbm>> -> memref<200x50xi32, #tpu.memory_space<hbm>>
      %dma_wait3A_429 = arith.constant 0 : i32
      %dma_wait3A_430 = tpu.memref_slice %dma_wait3A_428[%dma_wait3A_417, %dma_wait3A_429] : memref<200x50xi32, #tpu.memory_space<hbm>> -> memref<1x50xi32, #tpu.memory_space<hbm>>
      %dma_wait3A_431 = tpu.memref_squeeze %dma_wait3A_430 : memref<1x50xi32, #tpu.memory_space<hbm>> -> memref<50xi32, #tpu.memory_space<hbm>>
      tpu.wait_dma2 semaphore(%arg24 : memref<!tpu.dma_semaphore, #tpu.memory_space<semaphore_mem>>) src(%dma_wait3A_431 : memref<50xi32, #tpu.memory_space<hbm>>) dst(%arg8 : memref<50xi32, #tpu.memory_space<vmem>>)
      %dma_wait3A_432 = arith.constant 0 : i32
      %dma_wait3A_433 = arith.constant 0 : i32
      %dma_wait3A_434 = arith.constant 0 : i32
      %dma_wait3A_435 = tpu.memref_slice %arg4[%add3A, %dma_wait3A_433, %dma_wait3A_434] : memref<32x200x50xi32, #tpu.memory_space<hbm>> -> memref<1x200x50xi32, #tpu.memory_space<hbm>>
      %dma_wait3A_436 = tpu.memref_squeeze %dma_wait3A_435 : memref<1x200x50xi32, #tpu.memory_space<hbm>> -> memref<200x50xi32, #tpu.memory_space<hbm>>
      %dma_wait3A_437 = arith.constant 0 : i32
      %dma_wait3A_438 = tpu.memref_slice %dma_wait3A_436[%dma_wait3A_432, %dma_wait3A_437] : memref<200x50xi32, #tpu.memory_space<hbm>> -> memref<1x50xi32, #tpu.memory_space<hbm>>
      %dma_wait3A_439 = tpu.memref_squeeze %dma_wait3A_438 : memref<1x50xi32, #tpu.memory_space<hbm>> -> memref<50xi32, #tpu.memory_space<hbm>>
      %dma_wait3A_440 = arith.constant 0 : i32
      %dma_wait3A_441 = arith.constant 0 : i32
      %dma_wait3A_442 = tpu.memref_slice %arg4[%add3A, %dma_wait3A_440, %dma_wait3A_441] : memref<32x200x50xi32, #tpu.memory_space<hbm>> -> memref<1x200x50xi32, #tpu.memory_space<hbm>>
      %dma_wait3A_443 = tpu.memref_squeeze %dma_wait3A_442 : memref<1x200x50xi32, #tpu.memory_space<hbm>> -> memref<200x50xi32, #tpu.memory_space<hbm>>
      %dma_wait3A_444 = arith.constant 0 : i32
      %dma_wait3A_445 = tpu.memref_slice %dma_wait3A_443[%dma_wait3A_432, %dma_wait3A_444] : memref<200x50xi32, #tpu.memory_space<hbm>> -> memref<1x50xi32, #tpu.memory_space<hbm>>
      %dma_wait3A_446 = tpu.memref_squeeze %dma_wait3A_445 : memref<1x50xi32, #tpu.memory_space<hbm>> -> memref<50xi32, #tpu.memory_space<hbm>>
      tpu.wait_dma2 semaphore(%arg29 : memref<!tpu.dma_semaphore, #tpu.memory_space<semaphore_mem>>) src(%dma_wait3A_446 : memref<50xi32, #tpu.memory_space<hbm>>) dst(%arg13 : memref<50xi32, #tpu.memory_space<vmem>>)
      %dma_start3A_447 = arith.constant 0 : i32
      %dma_start3A_448 = arith.constant 0 : i32
      %dma_start3A_449 = tpu.memref_slice %arg2[%dma_start3A_447, %dma_start3A_448] : memref<10000x128xf32, #tpu.memory_space<hbm>> -> memref<10000x128xf32, #tpu.memory_space<hbm>>
      tpu.enqueue_indirect_dma source(%dma_start3A_449 : memref<10000x128xf32, #tpu.memory_space<hbm>>) target(%arg18 : memref<50x128xf32, #tpu.memory_space<vmem>>) offsets(%arg8 : memref<50xi32, #tpu.memory_space<vmem>>) semaphore(%arg34 : memref<!tpu.dma_semaphore, #tpu.memory_space<semaphore_mem>>)
      %dma_wait3A_450 = arith.constant 0 : i32
      %dma_wait3A_451 = arith.constant 0 : i32
      %dma_wait3A_452 = arith.constant 0 : i32
      %dma_wait3A_453 = tpu.memref_slice %arg3[%add3A, %dma_wait3A_451, %dma_wait3A_452] : memref<32x200x50xi32, #tpu.memory_space<hbm>> -> memref<1x200x50xi32, #tpu.memory_space<hbm>>
      %dma_wait3A_454 = tpu.memref_squeeze %dma_wait3A_453 : memref<1x200x50xi32, #tpu.memory_space<hbm>> -> memref<200x50xi32, #tpu.memory_space<hbm>>
      %dma_wait3A_455 = arith.constant 0 : i32
      %dma_wait3A_456 = tpu.memref_slice %dma_wait3A_454[%dma_wait3A_450, %dma_wait3A_455] : memref<200x50xi32, #tpu.memory_space<hbm>> -> memref<1x50xi32, #tpu.memory_space<hbm>>
      %dma_wait3A_457 = tpu.memref_squeeze %dma_wait3A_456 : memref<1x50xi32, #tpu.memory_space<hbm>> -> memref<50xi32, #tpu.memory_space<hbm>>
      %dma_wait3A_458 = arith.constant 0 : i32
      %dma_wait3A_459 = arith.constant 0 : i32
      %dma_wait3A_460 = tpu.memref_slice %arg3[%add3A, %dma_wait3A_458, %dma_wait3A_459] : memref<32x200x50xi32, #tpu.memory_space<hbm>> -> memref<1x200x50xi32, #tpu.memory_space<hbm>>
      %dma_wait3A_461 = tpu.memref_squeeze %dma_wait3A_460 : memref<1x200x50xi32, #tpu.memory_space<hbm>> -> memref<200x50xi32, #tpu.memory_space<hbm>>
      %dma_wait3A_462 = arith.constant 0 : i32
      %dma_wait3A_463 = tpu.memref_slice %dma_wait3A_461[%dma_wait3A_450, %dma_wait3A_462] : memref<200x50xi32, #tpu.memory_space<hbm>> -> memref<1x50xi32, #tpu.memory_space<hbm>>
      %dma_wait3A_464 = tpu.memref_squeeze %dma_wait3A_463 : memref<1x50xi32, #tpu.memory_space<hbm>> -> memref<50xi32, #tpu.memory_space<hbm>>
      tpu.wait_dma2 semaphore(%arg25 : memref<!tpu.dma_semaphore, #tpu.memory_space<semaphore_mem>>) src(%dma_wait3A_464 : memref<50xi32, #tpu.memory_space<hbm>>) dst(%arg9 : memref<50xi32, #tpu.memory_space<vmem>>)
      %dma_wait3A_465 = arith.constant 0 : i32
      %dma_wait3A_466 = arith.constant 0 : i32
      %dma_wait3A_467 = arith.constant 0 : i32
      %dma_wait3A_468 = tpu.memref_slice %arg4[%add3A, %dma_wait3A_466, %dma_wait3A_467] : memref<32x200x50xi32, #tpu.memory_space<hbm>> -> memref<1x200x50xi32, #tpu.memory_space<hbm>>
      %dma_wait3A_469 = tpu.memref_squeeze %dma_wait3A_468 : memref<1x200x50xi32, #tpu.memory_space<hbm>> -> memref<200x50xi32, #tpu.memory_space<hbm>>
      %dma_wait3A_470 = arith.constant 0 : i32
      %dma_wait3A_471 = tpu.memref_slice %dma_wait3A_469[%dma_wait3A_465, %dma_wait3A_470] : memref<200x50xi32, #tpu.memory_space<hbm>> -> memref<1x50xi32, #tpu.memory_space<hbm>>
      %dma_wait3A_472 = tpu.memref_squeeze %dma_wait3A_471 : memref<1x50xi32, #tpu.memory_space<hbm>> -> memref<50xi32, #tpu.memory_space<hbm>>
      %dma_wait3A_473 = arith.constant 0 : i32
      %dma_wait3A_474 = arith.constant 0 : i32
      %dma_wait3A_475 = tpu.memref_slice %arg4[%add3A, %dma_wait3A_473, %dma_wait3A_474] : memref<32x200x50xi32, #tpu.memory_space<hbm>> -> memref<1x200x50xi32, #tpu.memory_space<hbm>>
      %dma_wait3A_476 = tpu.memref_squeeze %dma_wait3A_475 : memref<1x200x50xi32, #tpu.memory_space<hbm>> -> memref<200x50xi32, #tpu.memory_space<hbm>>
      %dma_wait3A_477 = arith.constant 0 : i32
      %dma_wait3A_478 = tpu.memref_slice %dma_wait3A_476[%dma_wait3A_465, %dma_wait3A_477] : memref<200x50xi32, #tpu.memory_space<hbm>> -> memref<1x50xi32, #tpu.memory_space<hbm>>
      %dma_wait3A_479 = tpu.memref_squeeze %dma_wait3A_478 : memref<1x50xi32, #tpu.memory_space<hbm>> -> memref<50xi32, #tpu.memory_space<hbm>>
      tpu.wait_dma2 semaphore(%arg30 : memref<!tpu.dma_semaphore, #tpu.memory_space<semaphore_mem>>) src(%dma_wait3A_479 : memref<50xi32, #tpu.memory_space<hbm>>) dst(%arg14 : memref<50xi32, #tpu.memory_space<vmem>>)
      %dma_start3A_480 = arith.constant 0 : i32
      %dma_start3A_481 = arith.constant 0 : i32
      %dma_start3A_482 = tpu.memref_slice %arg2[%dma_start3A_480, %dma_start3A_481] : memref<10000x128xf32, #tpu.memory_space<hbm>> -> memref<10000x128xf32, #tpu.memory_space<hbm>>
      tpu.enqueue_indirect_dma source(%dma_start3A_482 : memref<10000x128xf32, #tpu.memory_space<hbm>>) target(%arg19 : memref<50x128xf32, #tpu.memory_space<vmem>>) offsets(%arg9 : memref<50xi32, #tpu.memory_space<vmem>>) semaphore(%arg35 : memref<!tpu.dma_semaphore, #tpu.memory_space<semaphore_mem>>)
      %dma_wait3A_483 = arith.constant 0 : i32
      %dma_wait3A_484 = arith.constant 0 : i32
      %dma_wait3A_485 = arith.constant 0 : i32
      %dma_wait3A_486 = tpu.memref_slice %arg3[%add3A, %dma_wait3A_484, %dma_wait3A_485] : memref<32x200x50xi32, #tpu.memory_space<hbm>> -> memref<1x200x50xi32, #tpu.memory_space<hbm>>
      %dma_wait3A_487 = tpu.memref_squeeze %dma_wait3A_486 : memref<1x200x50xi32, #tpu.memory_space<hbm>> -> memref<200x50xi32, #tpu.memory_space<hbm>>
      %dma_wait3A_488 = arith.constant 0 : i32
      %dma_wait3A_489 = tpu.memref_slice %dma_wait3A_487[%dma_wait3A_483, %dma_wait3A_488] : memref<200x50xi32, #tpu.memory_space<hbm>> -> memref<1x50xi32, #tpu.memory_space<hbm>>
      %dma_wait3A_490 = tpu.memref_squeeze %dma_wait3A_489 : memref<1x50xi32, #tpu.memory_space<hbm>> -> memref<50xi32, #tpu.memory_space<hbm>>
      %dma_wait3A_491 = arith.constant 0 : i32
      %dma_wait3A_492 = arith.constant 0 : i32
      %dma_wait3A_493 = tpu.memref_slice %arg3[%add3A, %dma_wait3A_491, %dma_wait3A_492] : memref<32x200x50xi32, #tpu.memory_space<hbm>> -> memref<1x200x50xi32, #tpu.memory_space<hbm>>
      %dma_wait3A_494 = tpu.memref_squeeze %dma_wait3A_493 : memref<1x200x50xi32, #tpu.memory_space<hbm>> -> memref<200x50xi32, #tpu.memory_space<hbm>>
      %dma_wait3A_495 = arith.constant 0 : i32
      %dma_wait3A_496 = tpu.memref_slice %dma_wait3A_494[%dma_wait3A_483, %dma_wait3A_495] : memref<200x50xi32, #tpu.memory_space<hbm>> -> memref<1x50xi32, #tpu.memory_space<hbm>>
      %dma_wait3A_497 = tpu.memref_squeeze %dma_wait3A_496 : memref<1x50xi32, #tpu.memory_space<hbm>> -> memref<50xi32, #tpu.memory_space<hbm>>
      tpu.wait_dma2 semaphore(%arg26 : memref<!tpu.dma_semaphore, #tpu.memory_space<semaphore_mem>>) src(%dma_wait3A_497 : memref<50xi32, #tpu.memory_space<hbm>>) dst(%arg10 : memref<50xi32, #tpu.memory_space<vmem>>)
      %dma_wait3A_498 = arith.constant 0 : i32
      %dma_wait3A_499 = arith.constant 0 : i32
      %dma_wait3A_500 = arith.constant 0 : i32
      %dma_wait3A_501 = tpu.memref_slice %arg4[%add3A, %dma_wait3A_499, %dma_wait3A_500] : memref<32x200x50xi32, #tpu.memory_space<hbm>> -> memref<1x200x50xi32, #tpu.memory_space<hbm>>
      %dma_wait3A_502 = tpu.memref_squeeze %dma_wait3A_501 : memref<1x200x50xi32, #tpu.memory_space<hbm>> -> memref<200x50xi32, #tpu.memory_space<hbm>>
      %dma_wait3A_503 = arith.constant 0 : i32
      %dma_wait3A_504 = tpu.memref_slice %dma_wait3A_502[%dma_wait3A_498, %dma_wait3A_503] : memref<200x50xi32, #tpu.memory_space<hbm>> -> memref<1x50xi32, #tpu.memory_space<hbm>>
      %dma_wait3A_505 = tpu.memref_squeeze %dma_wait3A_504 : memref<1x50xi32, #tpu.memory_space<hbm>> -> memref<50xi32, #tpu.memory_space<hbm>>
      %dma_wait3A_506 = arith.constant 0 : i32
      %dma_wait3A_507 = arith.constant 0 : i32
      %dma_wait3A_508 = tpu.memref_slice %arg4[%add3A, %dma_wait3A_506, %dma_wait3A_507] : memref<32x200x50xi32, #tpu.memory_space<hbm>> -> memref<1x200x50xi32, #tpu.memory_space<hbm>>
      %dma_wait3A_509 = tpu.memref_squeeze %dma_wait3A_508 : memref<1x200x50xi32, #tpu.memory_space<hbm>> -> memref<200x50xi32, #tpu.memory_space<hbm>>
      %dma_wait3A_510 = arith.constant 0 : i32
      %dma_wait3A_511 = tpu.memref_slice %dma_wait3A_509[%dma_wait3A_498, %dma_wait3A_510] : memref<200x50xi32, #tpu.memory_space<hbm>> -> memref<1x50xi32, #tpu.memory_space<hbm>>
      %dma_wait3A_512 = tpu.memref_squeeze %dma_wait3A_511 : memref<1x50xi32, #tpu.memory_space<hbm>> -> memref<50xi32, #tpu.memory_space<hbm>>
      tpu.wait_dma2 semaphore(%arg31 : memref<!tpu.dma_semaphore, #tpu.memory_space<semaphore_mem>>) src(%dma_wait3A_512 : memref<50xi32, #tpu.memory_space<hbm>>) dst(%arg15 : memref<50xi32, #tpu.memory_space<vmem>>)
      %dma_start3A_513 = arith.constant 0 : i32
      %dma_start3A_514 = arith.constant 0 : i32
      %dma_start3A_515 = tpu.memref_slice %arg2[%dma_start3A_513, %dma_start3A_514] : memref<10000x128xf32, #tpu.memory_space<hbm>> -> memref<10000x128xf32, #tpu.memory_space<hbm>>
      tpu.enqueue_indirect_dma source(%dma_start3A_515 : memref<10000x128xf32, #tpu.memory_space<hbm>>) target(%arg20 : memref<50x128xf32, #tpu.memory_space<vmem>>) offsets(%arg10 : memref<50xi32, #tpu.memory_space<vmem>>) semaphore(%arg36 : memref<!tpu.dma_semaphore, #tpu.memory_space<semaphore_mem>>)
      %dma_wait3A_516 = arith.constant 0 : i32
      %dma_wait3A_517 = arith.constant 0 : i32
      %dma_wait3A_518 = arith.constant 0 : i32
      %dma_wait3A_519 = tpu.memref_slice %arg3[%add3A, %dma_wait3A_517, %dma_wait3A_518] : memref<32x200x50xi32, #tpu.memory_space<hbm>> -> memref<1x200x50xi32, #tpu.memory_space<hbm>>
      %dma_wait3A_520 = tpu.memref_squeeze %dma_wait3A_519 : memref<1x200x50xi32, #tpu.memory_space<hbm>> -> memref<200x50xi32, #tpu.memory_space<hbm>>
      %dma_wait3A_521 = arith.constant 0 : i32
      %dma_wait3A_522 = tpu.memref_slice %dma_wait3A_520[%dma_wait3A_516, %dma_wait3A_521] : memref<200x50xi32, #tpu.memory_space<hbm>> -> memref<1x50xi32, #tpu.memory_space<hbm>>
      %dma_wait3A_523 = tpu.memref_squeeze %dma_wait3A_522 : memref<1x50xi32, #tpu.memory_space<hbm>> -> memref<50xi32, #tpu.memory_space<hbm>>
      %dma_wait3A_524 = arith.constant 0 : i32
      %dma_wait3A_525 = arith.constant 0 : i32
      %dma_wait3A_526 = tpu.memref_slice %arg3[%add3A, %dma_wait3A_524, %dma_wait3A_525] : memref<32x200x50xi32, #tpu.memory_space<hbm>> -> memref<1x200x50xi32, #tpu.memory_space<hbm>>
      %dma_wait3A_527 = tpu.memref_squeeze %dma_wait3A_526 : memref<1x200x50xi32, #tpu.memory_space<hbm>> -> memref<200x50xi32, #tpu.memory_space<hbm>>
      %dma_wait3A_528 = arith.constant 0 : i32
      %dma_wait3A_529 = tpu.memref_slice %dma_wait3A_527[%dma_wait3A_516, %dma_wait3A_528] : memref<200x50xi32, #tpu.memory_space<hbm>> -> memref<1x50xi32, #tpu.memory_space<hbm>>
      %dma_wait3A_530 = tpu.memref_squeeze %dma_wait3A_529 : memref<1x50xi32, #tpu.memory_space<hbm>> -> memref<50xi32, #tpu.memory_space<hbm>>
      tpu.wait_dma2 semaphore(%arg27 : memref<!tpu.dma_semaphore, #tpu.memory_space<semaphore_mem>>) src(%dma_wait3A_530 : memref<50xi32, #tpu.memory_space<hbm>>) dst(%arg11 : memref<50xi32, #tpu.memory_space<vmem>>)
      %dma_wait3A_531 = arith.constant 0 : i32
      %dma_wait3A_532 = arith.constant 0 : i32
      %dma_wait3A_533 = arith.constant 0 : i32
      %dma_wait3A_534 = tpu.memref_slice %arg4[%add3A, %dma_wait3A_532, %dma_wait3A_533] : memref<32x200x50xi32, #tpu.memory_space<hbm>> -> memref<1x200x50xi32, #tpu.memory_space<hbm>>
      %dma_wait3A_535 = tpu.memref_squeeze %dma_wait3A_534 : memref<1x200x50xi32, #tpu.memory_space<hbm>> -> memref<200x50xi32, #tpu.memory_space<hbm>>
      %dma_wait3A_536 = arith.constant 0 : i32
      %dma_wait3A_537 = tpu.memref_slice %dma_wait3A_535[%dma_wait3A_531, %dma_wait3A_536] : memref<200x50xi32, #tpu.memory_space<hbm>> -> memref<1x50xi32, #tpu.memory_space<hbm>>
      %dma_wait3A_538 = tpu.memref_squeeze %dma_wait3A_537 : memref<1x50xi32, #tpu.memory_space<hbm>> -> memref<50xi32, #tpu.memory_space<hbm>>
      %dma_wait3A_539 = arith.constant 0 : i32
      %dma_wait3A_540 = arith.constant 0 : i32
      %dma_wait3A_541 = tpu.memref_slice %arg4[%add3A, %dma_wait3A_539, %dma_wait3A_540] : memref<32x200x50xi32, #tpu.memory_space<hbm>> -> memref<1x200x50xi32, #tpu.memory_space<hbm>>
      %dma_wait3A_542 = tpu.memref_squeeze %dma_wait3A_541 : memref<1x200x50xi32, #tpu.memory_space<hbm>> -> memref<200x50xi32, #tpu.memory_space<hbm>>
      %dma_wait3A_543 = arith.constant 0 : i32
      %dma_wait3A_544 = tpu.memref_slice %dma_wait3A_542[%dma_wait3A_531, %dma_wait3A_543] : memref<200x50xi32, #tpu.memory_space<hbm>> -> memref<1x50xi32, #tpu.memory_space<hbm>>
      %dma_wait3A_545 = tpu.memref_squeeze %dma_wait3A_544 : memref<1x50xi32, #tpu.memory_space<hbm>> -> memref<50xi32, #tpu.memory_space<hbm>>
      tpu.wait_dma2 semaphore(%arg32 : memref<!tpu.dma_semaphore, #tpu.memory_space<semaphore_mem>>) src(%dma_wait3A_545 : memref<50xi32, #tpu.memory_space<hbm>>) dst(%arg16 : memref<50xi32, #tpu.memory_space<vmem>>)
      %dma_start3A_546 = arith.constant 0 : i32
      %dma_start3A_547 = arith.constant 0 : i32
      %dma_start3A_548 = tpu.memref_slice %arg2[%dma_start3A_546, %dma_start3A_547] : memref<10000x128xf32, #tpu.memory_space<hbm>> -> memref<10000x128xf32, #tpu.memory_space<hbm>>
      tpu.enqueue_indirect_dma source(%dma_start3A_548 : memref<10000x128xf32, #tpu.memory_space<hbm>>) target(%arg21 : memref<50x128xf32, #tpu.memory_space<vmem>>) offsets(%arg11 : memref<50xi32, #tpu.memory_space<vmem>>) semaphore(%arg37 : memref<!tpu.dma_semaphore, #tpu.memory_space<semaphore_mem>>)
      %dma_wait3A_549 = arith.constant 0 : i32
      %dma_wait3A_550 = arith.constant 0 : i32
      %dma_wait3A_551 = tpu.memref_slice %arg2[%dma_wait3A_549, %dma_wait3A_550] : memref<10000x128xf32, #tpu.memory_space<hbm>> -> memref<10000x128xf32, #tpu.memory_space<hbm>>
      tpu.wait_indirect_dma semaphore(%arg33 : memref<!tpu.dma_semaphore, #tpu.memory_space<semaphore_mem>>) src(%dma_wait3A_551 : memref<10000x128xf32, #tpu.memory_space<hbm>>) dst(%arg17 : memref<50x128xf32, #tpu.memory_space<vmem>>)
      %dma_start3A_552 = arith.constant 0 : i32
      %dma_start3A_553 = arith.constant 0 : i32
      %dma_start3A_554 = tpu.memref_slice %arg22[%dma_start3A_552, %dma_start3A_553] : memref<10000x128xf32, #tpu.memory_space<vmem_shared>> -> memref<10000x128xf32, #tpu.memory_space<vmem_shared>>
      tpu.enqueue_indirect_dma source(%arg17 : memref<50x128xf32, #tpu.memory_space<vmem>>) target(%dma_start3A_554 : memref<10000x128xf32, #tpu.memory_space<vmem_shared>>) offsets(%arg12 : memref<50xi32, #tpu.memory_space<vmem>>) semaphore(%arg38 : memref<!tpu.dma_semaphore, #tpu.memory_space<semaphore_mem>>) {add = true}
      %dma_wait3A_555 = arith.constant 0 : i32
      %dma_wait3A_556 = arith.constant 0 : i32
      %dma_wait3A_557 = tpu.memref_slice %arg2[%dma_wait3A_555, %dma_wait3A_556] : memref<10000x128xf32, #tpu.memory_space<hbm>> -> memref<10000x128xf32, #tpu.memory_space<hbm>>
      tpu.wait_indirect_dma semaphore(%arg34 : memref<!tpu.dma_semaphore, #tpu.memory_space<semaphore_mem>>) src(%dma_wait3A_557 : memref<10000x128xf32, #tpu.memory_space<hbm>>) dst(%arg18 : memref<50x128xf32, #tpu.memory_space<vmem>>)
      %dma_start3A_558 = arith.constant 0 : i32
      %dma_start3A_559 = arith.constant 0 : i32
      %dma_start3A_560 = tpu.memref_slice %arg22[%dma_start3A_558, %dma_start3A_559] : memref<10000x128xf32, #tpu.memory_space<vmem_shared>> -> memref<10000x128xf32, #tpu.memory_space<vmem_shared>>
      tpu.enqueue_indirect_dma source(%arg18 : memref<50x128xf32, #tpu.memory_space<vmem>>) target(%dma_start3A_560 : memref<10000x128xf32, #tpu.memory_space<vmem_shared>>) offsets(%arg13 : memref<50xi32, #tpu.memory_space<vmem>>) semaphore(%arg39 : memref<!tpu.dma_semaphore, #tpu.memory_space<semaphore_mem>>) {add = true}
      %dma_wait3A_561 = arith.constant 0 : i32
      %dma_wait3A_562 = arith.constant 0 : i32
      %dma_wait3A_563 = tpu.memref_slice %arg2[%dma_wait3A_561, %dma_wait3A_562] : memref<10000x128xf32, #tpu.memory_space<hbm>> -> memref<10000x128xf32, #tpu.memory_space<hbm>>
      tpu.wait_indirect_dma semaphore(%arg35 : memref<!tpu.dma_semaphore, #tpu.memory_space<semaphore_mem>>) src(%dma_wait3A_563 : memref<10000x128xf32, #tpu.memory_space<hbm>>) dst(%arg19 : memref<50x128xf32, #tpu.memory_space<vmem>>)
      %dma_start3A_564 = arith.constant 0 : i32
      %dma_start3A_565 = arith.constant 0 : i32
      %dma_start3A_566 = tpu.memref_slice %arg22[%dma_start3A_564, %dma_start3A_565] : memref<10000x128xf32, #tpu.memory_space<vmem_shared>> -> memref<10000x128xf32, #tpu.memory_space<vmem_shared>>
      tpu.enqueue_indirect_dma source(%arg19 : memref<50x128xf32, #tpu.memory_space<vmem>>) target(%dma_start3A_566 : memref<10000x128xf32, #tpu.memory_space<vmem_shared>>) offsets(%arg14 : memref<50xi32, #tpu.memory_space<vmem>>) semaphore(%arg40 : memref<!tpu.dma_semaphore, #tpu.memory_space<semaphore_mem>>) {add = true}
      %dma_wait3A_567 = arith.constant 0 : i32
      %dma_wait3A_568 = arith.constant 0 : i32
      %dma_wait3A_569 = tpu.memref_slice %arg2[%dma_wait3A_567, %dma_wait3A_568] : memref<10000x128xf32, #tpu.memory_space<hbm>> -> memref<10000x128xf32, #tpu.memory_space<hbm>>
      tpu.wait_indirect_dma semaphore(%arg36 : memref<!tpu.dma_semaphore, #tpu.memory_space<semaphore_mem>>) src(%dma_wait3A_569 : memref<10000x128xf32, #tpu.memory_space<hbm>>) dst(%arg20 : memref<50x128xf32, #tpu.memory_space<vmem>>)
      %dma_start3A_570 = arith.constant 0 : i32
      %dma_start3A_571 = arith.constant 0 : i32
      %dma_start3A_572 = tpu.memref_slice %arg22[%dma_start3A_570, %dma_start3A_571] : memref<10000x128xf32, #tpu.memory_space<vmem_shared>> -> memref<10000x128xf32, #tpu.memory_space<vmem_shared>>
      tpu.enqueue_indirect_dma source(%arg20 : memref<50x128xf32, #tpu.memory_space<vmem>>) target(%dma_start3A_572 : memref<10000x128xf32, #tpu.memory_space<vmem_shared>>) offsets(%arg15 : memref<50xi32, #tpu.memory_space<vmem>>) semaphore(%arg41 : memref<!tpu.dma_semaphore, #tpu.memory_space<semaphore_mem>>) {add = true}
      %dma_wait3A_573 = arith.constant 0 : i32
      %dma_wait3A_574 = arith.constant 0 : i32
      %dma_wait3A_575 = tpu.memref_slice %arg2[%dma_wait3A_573, %dma_wait3A_574] : memref<10000x128xf32, #tpu.memory_space<hbm>> -> memref<10000x128xf32, #tpu.memory_space<hbm>>
      tpu.wait_indirect_dma semaphore(%arg37 : memref<!tpu.dma_semaphore, #tpu.memory_space<semaphore_mem>>) src(%dma_wait3A_575 : memref<10000x128xf32, #tpu.memory_space<hbm>>) dst(%arg21 : memref<50x128xf32, #tpu.memory_space<vmem>>)
      %dma_start3A_576 = arith.constant 0 : i32
      %dma_start3A_577 = arith.constant 0 : i32
      %dma_start3A_578 = tpu.memref_slice %arg22[%dma_start3A_576, %dma_start3A_577] : memref<10000x128xf32, #tpu.memory_space<vmem_shared>> -> memref<10000x128xf32, #tpu.memory_space<vmem_shared>>
      tpu.enqueue_indirect_dma source(%arg21 : memref<50x128xf32, #tpu.memory_space<vmem>>) target(%dma_start3A_578 : memref<10000x128xf32, #tpu.memory_space<vmem_shared>>) offsets(%arg16 : memref<50xi32, #tpu.memory_space<vmem>>) semaphore(%arg42 : memref<!tpu.dma_semaphore, #tpu.memory_space<semaphore_mem>>) {add = true}
      %dma_wait3A_579 = arith.constant 0 : i32
      %dma_wait3A_580 = arith.constant 0 : i32
      %dma_wait3A_581 = tpu.memref_slice %arg22[%dma_wait3A_579, %dma_wait3A_580] : memref<10000x128xf32, #tpu.memory_space<vmem_shared>> -> memref<10000x128xf32, #tpu.memory_space<vmem_shared>>
      tpu.wait_indirect_dma semaphore(%arg38 : memref<!tpu.dma_semaphore, #tpu.memory_space<semaphore_mem>>) src(%arg17 : memref<50x128xf32, #tpu.memory_space<vmem>>) dst(%dma_wait3A_581 : memref<10000x128xf32, #tpu.memory_space<vmem_shared>>)
      %add3A_582 = arith.constant 0 : i32
      %add3A_583 = arith.addi %mul3A_383, %add3A_582 : i32
      %add3A_584 = arith.constant 5 : i32
      %add3A_585 = arith.addi %add3A_583, %add3A_584 : i32
      %dma_start3A_586 = arith.constant 0 : i32
      %dma_start3A_587 = arith.constant 0 : i32
      %dma_start3A_588 = tpu.memref_slice %arg3[%add3A, %dma_start3A_586, %dma_start3A_587] : memref<32x200x50xi32, #tpu.memory_space<hbm>> -> memref<1x200x50xi32, #tpu.memory_space<hbm>>
      %dma_start3A_589 = tpu.memref_squeeze %dma_start3A_588 : memref<1x200x50xi32, #tpu.memory_space<hbm>> -> memref<200x50xi32, #tpu.memory_space<hbm>>
      %dma_start3A_590 = arith.constant 0 : i32
      %dma_start3A_591 = tpu.memref_slice %dma_start3A_589[%add3A_585, %dma_start3A_590] : memref<200x50xi32, #tpu.memory_space<hbm>> -> memref<1x50xi32, #tpu.memory_space<hbm>>
      %dma_start3A_592 = tpu.memref_squeeze %dma_start3A_591 : memref<1x50xi32, #tpu.memory_space<hbm>> -> memref<50xi32, #tpu.memory_space<hbm>>
      %dma_start3A_593 = arith.constant 0 : i32
      %dma_start3A_594 = arith.constant 0 : i32
      %dma_start3A_595 = tpu.memref_slice %arg3[%add3A, %dma_start3A_593, %dma_start3A_594] : memref<32x200x50xi32, #tpu.memory_space<hbm>> -> memref<1x200x50xi32, #tpu.memory_space<hbm>>
      %dma_start3A_596 = tpu.memref_squeeze %dma_start3A_595 : memref<1x200x50xi32, #tpu.memory_space<hbm>> -> memref<200x50xi32, #tpu.memory_space<hbm>>
      %dma_start3A_597 = arith.constant 0 : i32
      %dma_start3A_598 = tpu.memref_slice %dma_start3A_596[%add3A_585, %dma_start3A_597] : memref<200x50xi32, #tpu.memory_space<hbm>> -> memref<1x50xi32, #tpu.memory_space<hbm>>
      %dma_start3A_599 = tpu.memref_squeeze %dma_start3A_598 : memref<1x50xi32, #tpu.memory_space<hbm>> -> memref<50xi32, #tpu.memory_space<hbm>>
      tpu.enqueue_dma source(%dma_start3A_599 : memref<50xi32, #tpu.memory_space<hbm>>) target(%arg7 : memref<50xi32, #tpu.memory_space<vmem>>) target_semaphore(%arg23 : memref<!tpu.dma_semaphore, #tpu.memory_space<semaphore_mem>>)
      %dma_start3A_600 = arith.constant 0 : i32
      %dma_start3A_601 = arith.constant 0 : i32
      %dma_start3A_602 = tpu.memref_slice %arg4[%add3A, %dma_start3A_600, %dma_start3A_601] : memref<32x200x50xi32, #tpu.memory_space<hbm>> -> memref<1x200x50xi32, #tpu.memory_space<hbm>>
      %dma_start3A_603 = tpu.memref_squeeze %dma_start3A_602 : memref<1x200x50xi32, #tpu.memory_space<hbm>> -> memref<200x50xi32, #tpu.memory_space<hbm>>
      %dma_start3A_604 = arith.constant 0 : i32
      %dma_start3A_605 = tpu.memref_slice %dma_start3A_603[%add3A_585, %dma_start3A_604] : memref<200x50xi32, #tpu.memory_space<hbm>> -> memref<1x50xi32, #tpu.memory_space<hbm>>
      %dma_start3A_606 = tpu.memref_squeeze %dma_start3A_605 : memref<1x50xi32, #tpu.memory_space<hbm>> -> memref<50xi32, #tpu.memory_space<hbm>>
      %dma_start3A_607 = arith.constant 0 : i32
      %dma_start3A_608 = arith.constant 0 : i32
      %dma_start3A_609 = tpu.memref_slice %arg4[%add3A, %dma_start3A_607, %dma_start3A_608] : memref<32x200x50xi32, #tpu.memory_space<hbm>> -> memref<1x200x50xi32, #tpu.memory_space<hbm>>
      %dma_start3A_610 = tpu.memref_squeeze %dma_start3A_609 : memref<1x200x50xi32, #tpu.memory_space<hbm>> -> memref<200x50xi32, #tpu.memory_space<hbm>>
      %dma_start3A_611 = arith.constant 0 : i32
      %dma_start3A_612 = tpu.memref_slice %dma_start3A_610[%add3A_585, %dma_start3A_611] : memref<200x50xi32, #tpu.memory_space<hbm>> -> memref<1x50xi32, #tpu.memory_space<hbm>>
      %dma_start3A_613 = tpu.memref_squeeze %dma_start3A_612 : memref<1x50xi32, #tpu.memory_space<hbm>> -> memref<50xi32, #tpu.memory_space<hbm>>
      tpu.enqueue_dma source(%dma_start3A_613 : memref<50xi32, #tpu.memory_space<hbm>>) target(%arg12 : memref<50xi32, #tpu.memory_space<vmem>>) target_semaphore(%arg28 : memref<!tpu.dma_semaphore, #tpu.memory_space<semaphore_mem>>)
      %dma_wait3A_614 = arith.constant 0 : i32
      %dma_wait3A_615 = arith.constant 0 : i32
      %dma_wait3A_616 = tpu.memref_slice %arg22[%dma_wait3A_614, %dma_wait3A_615] : memref<10000x128xf32, #tpu.memory_space<vmem_shared>> -> memref<10000x128xf32, #tpu.memory_space<vmem_shared>>
      tpu.wait_indirect_dma semaphore(%arg39 : memref<!tpu.dma_semaphore, #tpu.memory_space<semaphore_mem>>) src(%arg18 : memref<50x128xf32, #tpu.memory_space<vmem>>) dst(%dma_wait3A_616 : memref<10000x128xf32, #tpu.memory_space<vmem_shared>>)
      %add3A_617 = arith.constant 1 : i32
      %add3A_618 = arith.addi %mul3A_383, %add3A_617 : i32
      %add3A_619 = arith.constant 5 : i32
      %add3A_620 = arith.addi %add3A_618, %add3A_619 : i32
      %dma_start3A_621 = arith.constant 0 : i32
      %dma_start3A_622 = arith.constant 0 : i32
      %dma_start3A_623 = tpu.memref_slice %arg3[%add3A, %dma_start3A_621, %dma_start3A_622] : memref<32x200x50xi32, #tpu.memory_space<hbm>> -> memref<1x200x50xi32, #tpu.memory_space<hbm>>
      %dma_start3A_624 = tpu.memref_squeeze %dma_start3A_623 : memref<1x200x50xi32, #tpu.memory_space<hbm>> -> memref<200x50xi32, #tpu.memory_space<hbm>>
      %dma_start3A_625 = arith.constant 0 : i32
      %dma_start3A_626 = tpu.memref_slice %dma_start3A_624[%add3A_620, %dma_start3A_625] : memref<200x50xi32, #tpu.memory_space<hbm>> -> memref<1x50xi32, #tpu.memory_space<hbm>>
      %dma_start3A_627 = tpu.memref_squeeze %dma_start3A_626 : memref<1x50xi32, #tpu.memory_space<hbm>> -> memref<50xi32, #tpu.memory_space<hbm>>
      %dma_start3A_628 = arith.constant 0 : i32
      %dma_start3A_629 = arith.constant 0 : i32
      %dma_start3A_630 = tpu.memref_slice %arg3[%add3A, %dma_start3A_628, %dma_start3A_629] : memref<32x200x50xi32, #tpu.memory_space<hbm>> -> memref<1x200x50xi32, #tpu.memory_space<hbm>>
      %dma_start3A_631 = tpu.memref_squeeze %dma_start3A_630 : memref<1x200x50xi32, #tpu.memory_space<hbm>> -> memref<200x50xi32, #tpu.memory_space<hbm>>
      %dma_start3A_632 = arith.constant 0 : i32
      %dma_start3A_633 = tpu.memref_slice %dma_start3A_631[%add3A_620, %dma_start3A_632] : memref<200x50xi32, #tpu.memory_space<hbm>> -> memref<1x50xi32, #tpu.memory_space<hbm>>
      %dma_start3A_634 = tpu.memref_squeeze %dma_start3A_633 : memref<1x50xi32, #tpu.memory_space<hbm>> -> memref<50xi32, #tpu.memory_space<hbm>>
      tpu.enqueue_dma source(%dma_start3A_634 : memref<50xi32, #tpu.memory_space<hbm>>) target(%arg8 : memref<50xi32, #tpu.memory_space<vmem>>) target_semaphore(%arg24 : memref<!tpu.dma_semaphore, #tpu.memory_space<semaphore_mem>>)
      %dma_start3A_635 = arith.constant 0 : i32
      %dma_start3A_636 = arith.constant 0 : i32
      %dma_start3A_637 = tpu.memref_slice %arg4[%add3A, %dma_start3A_635, %dma_start3A_636] : memref<32x200x50xi32, #tpu.memory_space<hbm>> -> memref<1x200x50xi32, #tpu.memory_space<hbm>>
      %dma_start3A_638 = tpu.memref_squeeze %dma_start3A_637 : memref<1x200x50xi32, #tpu.memory_space<hbm>> -> memref<200x50xi32, #tpu.memory_space<hbm>>
      %dma_start3A_639 = arith.constant 0 : i32
      %dma_start3A_640 = tpu.memref_slice %dma_start3A_638[%add3A_620, %dma_start3A_639] : memref<200x50xi32, #tpu.memory_space<hbm>> -> memref<1x50xi32, #tpu.memory_space<hbm>>
      %dma_start3A_641 = tpu.memref_squeeze %dma_start3A_640 : memref<1x50xi32, #tpu.memory_space<hbm>> -> memref<50xi32, #tpu.memory_space<hbm>>
      %dma_start3A_642 = arith.constant 0 : i32
      %dma_start3A_643 = arith.constant 0 : i32
      %dma_start3A_644 = tpu.memref_slice %arg4[%add3A, %dma_start3A_642, %dma_start3A_643] : memref<32x200x50xi32, #tpu.memory_space<hbm>> -> memref<1x200x50xi32, #tpu.memory_space<hbm>>
      %dma_start3A_645 = tpu.memref_squeeze %dma_start3A_644 : memref<1x200x50xi32, #tpu.memory_space<hbm>> -> memref<200x50xi32, #tpu.memory_space<hbm>>
      %dma_start3A_646 = arith.constant 0 : i32
      %dma_start3A_647 = tpu.memref_slice %dma_start3A_645[%add3A_620, %dma_start3A_646] : memref<200x50xi32, #tpu.memory_space<hbm>> -> memref<1x50xi32, #tpu.memory_space<hbm>>
      %dma_start3A_648 = tpu.memref_squeeze %dma_start3A_647 : memref<1x50xi32, #tpu.memory_space<hbm>> -> memref<50xi32, #tpu.memory_space<hbm>>
      tpu.enqueue_dma source(%dma_start3A_648 : memref<50xi32, #tpu.memory_space<hbm>>) target(%arg13 : memref<50xi32, #tpu.memory_space<vmem>>) target_semaphore(%arg29 : memref<!tpu.dma_semaphore, #tpu.memory_space<semaphore_mem>>)
      %dma_wait3A_649 = arith.constant 0 : i32
      %dma_wait3A_650 = arith.constant 0 : i32
      %dma_wait3A_651 = tpu.memref_slice %arg22[%dma_wait3A_649, %dma_wait3A_650] : memref<10000x128xf32, #tpu.memory_space<vmem_shared>> -> memref<10000x128xf32, #tpu.memory_space<vmem_shared>>
      tpu.wait_indirect_dma semaphore(%arg40 : memref<!tpu.dma_semaphore, #tpu.memory_space<semaphore_mem>>) src(%arg19 : memref<50x128xf32, #tpu.memory_space<vmem>>) dst(%dma_wait3A_651 : memref<10000x128xf32, #tpu.memory_space<vmem_shared>>)
      %add3A_652 = arith.constant 2 : i32
      %add3A_653 = arith.addi %mul3A_383, %add3A_652 : i32
      %add3A_654 = arith.constant 5 : i32
      %add3A_655 = arith.addi %add3A_653, %add3A_654 : i32
      %dma_start3A_656 = arith.constant 0 : i32
      %dma_start3A_657 = arith.constant 0 : i32
      %dma_start3A_658 = tpu.memref_slice %arg3[%add3A, %dma_start3A_656, %dma_start3A_657] : memref<32x200x50xi32, #tpu.memory_space<hbm>> -> memref<1x200x50xi32, #tpu.memory_space<hbm>>
      %dma_start3A_659 = tpu.memref_squeeze %dma_start3A_658 : memref<1x200x50xi32, #tpu.memory_space<hbm>> -> memref<200x50xi32, #tpu.memory_space<hbm>>
      %dma_start3A_660 = arith.constant 0 : i32
      %dma_start3A_661 = tpu.memref_slice %dma_start3A_659[%add3A_655, %dma_start3A_660] : memref<200x50xi32, #tpu.memory_space<hbm>> -> memref<1x50xi32, #tpu.memory_space<hbm>>
      %dma_start3A_662 = tpu.memref_squeeze %dma_start3A_661 : memref<1x50xi32, #tpu.memory_space<hbm>> -> memref<50xi32, #tpu.memory_space<hbm>>
      %dma_start3A_663 = arith.constant 0 : i32
      %dma_start3A_664 = arith.constant 0 : i32
      %dma_start3A_665 = tpu.memref_slice %arg3[%add3A, %dma_start3A_663, %dma_start3A_664] : memref<32x200x50xi32, #tpu.memory_space<hbm>> -> memref<1x200x50xi32, #tpu.memory_space<hbm>>
      %dma_start3A_666 = tpu.memref_squeeze %dma_start3A_665 : memref<1x200x50xi32, #tpu.memory_space<hbm>> -> memref<200x50xi32, #tpu.memory_space<hbm>>
      %dma_start3A_667 = arith.constant 0 : i32
      %dma_start3A_668 = tpu.memref_slice %dma_start3A_666[%add3A_655, %dma_start3A_667] : memref<200x50xi32, #tpu.memory_space<hbm>> -> memref<1x50xi32, #tpu.memory_space<hbm>>
      %dma_start3A_669 = tpu.memref_squeeze %dma_start3A_668 : memref<1x50xi32, #tpu.memory_space<hbm>> -> memref<50xi32, #tpu.memory_space<hbm>>
      tpu.enqueue_dma source(%dma_start3A_669 : memref<50xi32, #tpu.memory_space<hbm>>) target(%arg9 : memref<50xi32, #tpu.memory_space<vmem>>) target_semaphore(%arg25 : memref<!tpu.dma_semaphore, #tpu.memory_space<semaphore_mem>>)
      %dma_start3A_670 = arith.constant 0 : i32
      %dma_start3A_671 = arith.constant 0 : i32
      %dma_start3A_672 = tpu.memref_slice %arg4[%add3A, %dma_start3A_670, %dma_start3A_671] : memref<32x200x50xi32, #tpu.memory_space<hbm>> -> memref<1x200x50xi32, #tpu.memory_space<hbm>>
      %dma_start3A_673 = tpu.memref_squeeze %dma_start3A_672 : memref<1x200x50xi32, #tpu.memory_space<hbm>> -> memref<200x50xi32, #tpu.memory_space<hbm>>
      %dma_start3A_674 = arith.constant 0 : i32
      %dma_start3A_675 = tpu.memref_slice %dma_start3A_673[%add3A_655, %dma_start3A_674] : memref<200x50xi32, #tpu.memory_space<hbm>> -> memref<1x50xi32, #tpu.memory_space<hbm>>
      %dma_start3A_676 = tpu.memref_squeeze %dma_start3A_675 : memref<1x50xi32, #tpu.memory_space<hbm>> -> memref<50xi32, #tpu.memory_space<hbm>>
      %dma_start3A_677 = arith.constant 0 : i32
      %dma_start3A_678 = arith.constant 0 : i32
      %dma_start3A_679 = tpu.memref_slice %arg4[%add3A, %dma_start3A_677, %dma_start3A_678] : memref<32x200x50xi32, #tpu.memory_space<hbm>> -> memref<1x200x50xi32, #tpu.memory_space<hbm>>
      %dma_start3A_680 = tpu.memref_squeeze %dma_start3A_679 : memref<1x200x50xi32, #tpu.memory_space<hbm>> -> memref<200x50xi32, #tpu.memory_space<hbm>>
      %dma_start3A_681 = arith.constant 0 : i32
      %dma_start3A_682 = tpu.memref_slice %dma_start3A_680[%add3A_655, %dma_start3A_681] : memref<200x50xi32, #tpu.memory_space<hbm>> -> memref<1x50xi32, #tpu.memory_space<hbm>>
      %dma_start3A_683 = tpu.memref_squeeze %dma_start3A_682 : memref<1x50xi32, #tpu.memory_space<hbm>> -> memref<50xi32, #tpu.memory_space<hbm>>
      tpu.enqueue_dma source(%dma_start3A_683 : memref<50xi32, #tpu.memory_space<hbm>>) target(%arg14 : memref<50xi32, #tpu.memory_space<vmem>>) target_semaphore(%arg30 : memref<!tpu.dma_semaphore, #tpu.memory_space<semaphore_mem>>)
      %dma_wait3A_684 = arith.constant 0 : i32
      %dma_wait3A_685 = arith.constant 0 : i32
      %dma_wait3A_686 = tpu.memref_slice %arg22[%dma_wait3A_684, %dma_wait3A_685] : memref<10000x128xf32, #tpu.memory_space<vmem_shared>> -> memref<10000x128xf32, #tpu.memory_space<vmem_shared>>
      tpu.wait_indirect_dma semaphore(%arg41 : memref<!tpu.dma_semaphore, #tpu.memory_space<semaphore_mem>>) src(%arg20 : memref<50x128xf32, #tpu.memory_space<vmem>>) dst(%dma_wait3A_686 : memref<10000x128xf32, #tpu.memory_space<vmem_shared>>)
      %add3A_687 = arith.constant 3 : i32
      %add3A_688 = arith.addi %mul3A_383, %add3A_687 : i32
      %add3A_689 = arith.constant 5 : i32
      %add3A_690 = arith.addi %add3A_688, %add3A_689 : i32
      %dma_start3A_691 = arith.constant 0 : i32
      %dma_start3A_692 = arith.constant 0 : i32
      %dma_start3A_693 = tpu.memref_slice %arg3[%add3A, %dma_start3A_691, %dma_start3A_692] : memref<32x200x50xi32, #tpu.memory_space<hbm>> -> memref<1x200x50xi32, #tpu.memory_space<hbm>>
      %dma_start3A_694 = tpu.memref_squeeze %dma_start3A_693 : memref<1x200x50xi32, #tpu.memory_space<hbm>> -> memref<200x50xi32, #tpu.memory_space<hbm>>
      %dma_start3A_695 = arith.constant 0 : i32
      %dma_start3A_696 = tpu.memref_slice %dma_start3A_694[%add3A_690, %dma_start3A_695] : memref<200x50xi32, #tpu.memory_space<hbm>> -> memref<1x50xi32, #tpu.memory_space<hbm>>
      %dma_start3A_697 = tpu.memref_squeeze %dma_start3A_696 : memref<1x50xi32, #tpu.memory_space<hbm>> -> memref<50xi32, #tpu.memory_space<hbm>>
      %dma_start3A_698 = arith.constant 0 : i32
      %dma_start3A_699 = arith.constant 0 : i32
      %dma_start3A_700 = tpu.memref_slice %arg3[%add3A, %dma_start3A_698, %dma_start3A_699] : memref<32x200x50xi32, #tpu.memory_space<hbm>> -> memref<1x200x50xi32, #tpu.memory_space<hbm>>
      %dma_start3A_701 = tpu.memref_squeeze %dma_start3A_700 : memref<1x200x50xi32, #tpu.memory_space<hbm>> -> memref<200x50xi32, #tpu.memory_space<hbm>>
      %dma_start3A_702 = arith.constant 0 : i32
      %dma_start3A_703 = tpu.memref_slice %dma_start3A_701[%add3A_690, %dma_start3A_702] : memref<200x50xi32, #tpu.memory_space<hbm>> -> memref<1x50xi32, #tpu.memory_space<hbm>>
      %dma_start3A_704 = tpu.memref_squeeze %dma_start3A_703 : memref<1x50xi32, #tpu.memory_space<hbm>> -> memref<50xi32, #tpu.memory_space<hbm>>
      tpu.enqueue_dma source(%dma_start3A_704 : memref<50xi32, #tpu.memory_space<hbm>>) target(%arg10 : memref<50xi32, #tpu.memory_space<vmem>>) target_semaphore(%arg26 : memref<!tpu.dma_semaphore, #tpu.memory_space<semaphore_mem>>)
      %dma_start3A_705 = arith.constant 0 : i32
      %dma_start3A_706 = arith.constant 0 : i32
      %dma_start3A_707 = tpu.memref_slice %arg4[%add3A, %dma_start3A_705, %dma_start3A_706] : memref<32x200x50xi32, #tpu.memory_space<hbm>> -> memref<1x200x50xi32, #tpu.memory_space<hbm>>
      %dma_start3A_708 = tpu.memref_squeeze %dma_start3A_707 : memref<1x200x50xi32, #tpu.memory_space<hbm>> -> memref<200x50xi32, #tpu.memory_space<hbm>>
      %dma_start3A_709 = arith.constant 0 : i32
      %dma_start3A_710 = tpu.memref_slice %dma_start3A_708[%add3A_690, %dma_start3A_709] : memref<200x50xi32, #tpu.memory_space<hbm>> -> memref<1x50xi32, #tpu.memory_space<hbm>>
      %dma_start3A_711 = tpu.memref_squeeze %dma_start3A_710 : memref<1x50xi32, #tpu.memory_space<hbm>> -> memref<50xi32, #tpu.memory_space<hbm>>
      %dma_start3A_712 = arith.constant 0 : i32
      %dma_start3A_713 = arith.constant 0 : i32
      %dma_start3A_714 = tpu.memref_slice %arg4[%add3A, %dma_start3A_712, %dma_start3A_713] : memref<32x200x50xi32, #tpu.memory_space<hbm>> -> memref<1x200x50xi32, #tpu.memory_space<hbm>>
      %dma_start3A_715 = tpu.memref_squeeze %dma_start3A_714 : memref<1x200x50xi32, #tpu.memory_space<hbm>> -> memref<200x50xi32, #tpu.memory_space<hbm>>
      %dma_start3A_716 = arith.constant 0 : i32
      %dma_start3A_717 = tpu.memref_slice %dma_start3A_715[%add3A_690, %dma_start3A_716] : memref<200x50xi32, #tpu.memory_space<hbm>> -> memref<1x50xi32, #tpu.memory_space<hbm>>
      %dma_start3A_718 = tpu.memref_squeeze %dma_start3A_717 : memref<1x50xi32, #tpu.memory_space<hbm>> -> memref<50xi32, #tpu.memory_space<hbm>>
      tpu.enqueue_dma source(%dma_start3A_718 : memref<50xi32, #tpu.memory_space<hbm>>) target(%arg15 : memref<50xi32, #tpu.memory_space<vmem>>) target_semaphore(%arg31 : memref<!tpu.dma_semaphore, #tpu.memory_space<semaphore_mem>>)
      %dma_wait3A_719 = arith.constant 0 : i32
      %dma_wait3A_720 = arith.constant 0 : i32
      %dma_wait3A_721 = tpu.memref_slice %arg22[%dma_wait3A_719, %dma_wait3A_720] : memref<10000x128xf32, #tpu.memory_space<vmem_shared>> -> memref<10000x128xf32, #tpu.memory_space<vmem_shared>>
      tpu.wait_indirect_dma semaphore(%arg42 : memref<!tpu.dma_semaphore, #tpu.memory_space<semaphore_mem>>) src(%arg21 : memref<50x128xf32, #tpu.memory_space<vmem>>) dst(%dma_wait3A_721 : memref<10000x128xf32, #tpu.memory_space<vmem_shared>>)
      %add3A_722 = arith.constant 4 : i32
      %add3A_723 = arith.addi %mul3A_383, %add3A_722 : i32
      %add3A_724 = arith.constant 5 : i32
      %add3A_725 = arith.addi %add3A_723, %add3A_724 : i32
      %dma_start3A_726 = arith.constant 0 : i32
      %dma_start3A_727 = arith.constant 0 : i32
      %dma_start3A_728 = tpu.memref_slice %arg3[%add3A, %dma_start3A_726, %dma_start3A_727] : memref<32x200x50xi32, #tpu.memory_space<hbm>> -> memref<1x200x50xi32, #tpu.memory_space<hbm>>
      %dma_start3A_729 = tpu.memref_squeeze %dma_start3A_728 : memref<1x200x50xi32, #tpu.memory_space<hbm>> -> memref<200x50xi32, #tpu.memory_space<hbm>>
      %dma_start3A_730 = arith.constant 0 : i32
      %dma_start3A_731 = tpu.memref_slice %dma_start3A_729[%add3A_725, %dma_start3A_730] : memref<200x50xi32, #tpu.memory_space<hbm>> -> memref<1x50xi32, #tpu.memory_space<hbm>>
      %dma_start3A_732 = tpu.memref_squeeze %dma_start3A_731 : memref<1x50xi32, #tpu.memory_space<hbm>> -> memref<50xi32, #tpu.memory_space<hbm>>
      %dma_start3A_733 = arith.constant 0 : i32
      %dma_start3A_734 = arith.constant 0 : i32
      %dma_start3A_735 = tpu.memref_slice %arg3[%add3A, %dma_start3A_733, %dma_start3A_734] : memref<32x200x50xi32, #tpu.memory_space<hbm>> -> memref<1x200x50xi32, #tpu.memory_space<hbm>>
      %dma_start3A_736 = tpu.memref_squeeze %dma_start3A_735 : memref<1x200x50xi32, #tpu.memory_space<hbm>> -> memref<200x50xi32, #tpu.memory_space<hbm>>
      %dma_start3A_737 = arith.constant 0 : i32
      %dma_start3A_738 = tpu.memref_slice %dma_start3A_736[%add3A_725, %dma_start3A_737] : memref<200x50xi32, #tpu.memory_space<hbm>> -> memref<1x50xi32, #tpu.memory_space<hbm>>
      %dma_start3A_739 = tpu.memref_squeeze %dma_start3A_738 : memref<1x50xi32, #tpu.memory_space<hbm>> -> memref<50xi32, #tpu.memory_space<hbm>>
      tpu.enqueue_dma source(%dma_start3A_739 : memref<50xi32, #tpu.memory_space<hbm>>) target(%arg11 : memref<50xi32, #tpu.memory_space<vmem>>) target_semaphore(%arg27 : memref<!tpu.dma_semaphore, #tpu.memory_space<semaphore_mem>>)
      %dma_start3A_740 = arith.constant 0 : i32
      %dma_start3A_741 = arith.constant 0 : i32
      %dma_start3A_742 = tpu.memref_slice %arg4[%add3A, %dma_start3A_740, %dma_start3A_741] : memref<32x200x50xi32, #tpu.memory_space<hbm>> -> memref<1x200x50xi32, #tpu.memory_space<hbm>>
      %dma_start3A_743 = tpu.memref_squeeze %dma_start3A_742 : memref<1x200x50xi32, #tpu.memory_space<hbm>> -> memref<200x50xi32, #tpu.memory_space<hbm>>
      %dma_start3A_744 = arith.constant 0 : i32
      %dma_start3A_745 = tpu.memref_slice %dma_start3A_743[%add3A_725, %dma_start3A_744] : memref<200x50xi32, #tpu.memory_space<hbm>> -> memref<1x50xi32, #tpu.memory_space<hbm>>
      %dma_start3A_746 = tpu.memref_squeeze %dma_start3A_745 : memref<1x50xi32, #tpu.memory_space<hbm>> -> memref<50xi32, #tpu.memory_space<hbm>>
      %dma_start3A_747 = arith.constant 0 : i32
      %dma_start3A_748 = arith.constant 0 : i32
      %dma_start3A_749 = tpu.memref_slice %arg4[%add3A, %dma_start3A_747, %dma_start3A_748] : memref<32x200x50xi32, #tpu.memory_space<hbm>> -> memref<1x200x50xi32, #tpu.memory_space<hbm>>
      %dma_start3A_750 = tpu.memref_squeeze %dma_start3A_749 : memref<1x200x50xi32, #tpu.memory_space<hbm>> -> memref<200x50xi32, #tpu.memory_space<hbm>>
      %dma_start3A_751 = arith.constant 0 : i32
      %dma_start3A_752 = tpu.memref_slice %dma_start3A_750[%add3A_725, %dma_start3A_751] : memref<200x50xi32, #tpu.memory_space<hbm>> -> memref<1x50xi32, #tpu.memory_space<hbm>>
      %dma_start3A_753 = tpu.memref_squeeze %dma_start3A_752 : memref<1x50xi32, #tpu.memory_space<hbm>> -> memref<50xi32, #tpu.memory_space<hbm>>
      tpu.enqueue_dma source(%dma_start3A_753 : memref<50xi32, #tpu.memory_space<hbm>>) target(%arg16 : memref<50xi32, #tpu.memory_space<vmem>>) target_semaphore(%arg32 : memref<!tpu.dma_semaphore, #tpu.memory_space<semaphore_mem>>)
    }
    %scan3A_167 = arith.constant 39 : i32
    %dma_wait3A = arith.constant 0 : i32
    %dma_wait3A_168 = arith.constant 0 : i32
    %dma_wait3A_169 = arith.constant 0 : i32
    %dma_wait3A_170 = tpu.memref_slice %arg3[%add3A, %dma_wait3A_168, %dma_wait3A_169] : memref<32x200x50xi32, #tpu.memory_space<hbm>> -> memref<1x200x50xi32, #tpu.memory_space<hbm>>
    %dma_wait3A_171 = tpu.memref_squeeze %dma_wait3A_170 : memref<1x200x50xi32, #tpu.memory_space<hbm>> -> memref<200x50xi32, #tpu.memory_space<hbm>>
    %dma_wait3A_172 = arith.constant 0 : i32
    %dma_wait3A_173 = tpu.memref_slice %dma_wait3A_171[%dma_wait3A, %dma_wait3A_172] : memref<200x50xi32, #tpu.memory_space<hbm>> -> memref<1x50xi32, #tpu.memory_space<hbm>>
    %dma_wait3A_174 = tpu.memref_squeeze %dma_wait3A_173 : memref<1x50xi32, #tpu.memory_space<hbm>> -> memref<50xi32, #tpu.memory_space<hbm>>
    %dma_wait3A_175 = arith.constant 0 : i32
    %dma_wait3A_176 = arith.constant 0 : i32
    %dma_wait3A_177 = tpu.memref_slice %arg3[%add3A, %dma_wait3A_175, %dma_wait3A_176] : memref<32x200x50xi32, #tpu.memory_space<hbm>> -> memref<1x200x50xi32, #tpu.memory_space<hbm>>
    %dma_wait3A_178 = tpu.memref_squeeze %dma_wait3A_177 : memref<1x200x50xi32, #tpu.memory_space<hbm>> -> memref<200x50xi32, #tpu.memory_space<hbm>>
    %dma_wait3A_179 = arith.constant 0 : i32
    %dma_wait3A_180 = tpu.memref_slice %dma_wait3A_178[%dma_wait3A, %dma_wait3A_179] : memref<200x50xi32, #tpu.memory_space<hbm>> -> memref<1x50xi32, #tpu.memory_space<hbm>>
    %dma_wait3A_181 = tpu.memref_squeeze %dma_wait3A_180 : memref<1x50xi32, #tpu.memory_space<hbm>> -> memref<50xi32, #tpu.memory_space<hbm>>
    tpu.wait_dma2 semaphore(%arg23 : memref<!tpu.dma_semaphore, #tpu.memory_space<semaphore_mem>>) src(%dma_wait3A_181 : memref<50xi32, #tpu.memory_space<hbm>>) dst(%arg7 : memref<50xi32, #tpu.memory_space<vmem>>)
    %dma_wait3A_182 = arith.constant 0 : i32
    %dma_wait3A_183 = arith.constant 0 : i32
    %dma_wait3A_184 = arith.constant 0 : i32
    %dma_wait3A_185 = tpu.memref_slice %arg4[%add3A, %dma_wait3A_183, %dma_wait3A_184] : memref<32x200x50xi32, #tpu.memory_space<hbm>> -> memref<1x200x50xi32, #tpu.memory_space<hbm>>
    %dma_wait3A_186 = tpu.memref_squeeze %dma_wait3A_185 : memref<1x200x50xi32, #tpu.memory_space<hbm>> -> memref<200x50xi32, #tpu.memory_space<hbm>>
    %dma_wait3A_187 = arith.constant 0 : i32
    %dma_wait3A_188 = tpu.memref_slice %dma_wait3A_186[%dma_wait3A_182, %dma_wait3A_187] : memref<200x50xi32, #tpu.memory_space<hbm>> -> memref<1x50xi32, #tpu.memory_space<hbm>>
    %dma_wait3A_189 = tpu.memref_squeeze %dma_wait3A_188 : memref<1x50xi32, #tpu.memory_space<hbm>> -> memref<50xi32, #tpu.memory_space<hbm>>
    %dma_wait3A_190 = arith.constant 0 : i32
    %dma_wait3A_191 = arith.constant 0 : i32
    %dma_wait3A_192 = tpu.memref_slice %arg4[%add3A, %dma_wait3A_190, %dma_wait3A_191] : memref<32x200x50xi32, #tpu.memory_space<hbm>> -> memref<1x200x50xi32, #tpu.memory_space<hbm>>
    %dma_wait3A_193 = tpu.memref_squeeze %dma_wait3A_192 : memref<1x200x50xi32, #tpu.memory_space<hbm>> -> memref<200x50xi32, #tpu.memory_space<hbm>>
    %dma_wait3A_194 = arith.constant 0 : i32
    %dma_wait3A_195 = tpu.memref_slice %dma_wait3A_193[%dma_wait3A_182, %dma_wait3A_194] : memref<200x50xi32, #tpu.memory_space<hbm>> -> memref<1x50xi32, #tpu.memory_space<hbm>>
    %dma_wait3A_196 = tpu.memref_squeeze %dma_wait3A_195 : memref<1x50xi32, #tpu.memory_space<hbm>> -> memref<50xi32, #tpu.memory_space<hbm>>
    tpu.wait_dma2 semaphore(%arg28 : memref<!tpu.dma_semaphore, #tpu.memory_space<semaphore_mem>>) src(%dma_wait3A_196 : memref<50xi32, #tpu.memory_space<hbm>>) dst(%arg12 : memref<50xi32, #tpu.memory_space<vmem>>)
    %dma_start3A_197 = arith.constant 0 : i32
    %dma_start3A_198 = arith.constant 0 : i32
    %dma_start3A_199 = tpu.memref_slice %arg2[%dma_start3A_197, %dma_start3A_198] : memref<10000x128xf32, #tpu.memory_space<hbm>> -> memref<10000x128xf32, #tpu.memory_space<hbm>>
    tpu.enqueue_indirect_dma source(%dma_start3A_199 : memref<10000x128xf32, #tpu.memory_space<hbm>>) target(%arg17 : memref<50x128xf32, #tpu.memory_space<vmem>>) offsets(%arg7 : memref<50xi32, #tpu.memory_space<vmem>>) semaphore(%arg33 : memref<!tpu.dma_semaphore, #tpu.memory_space<semaphore_mem>>)
    %dma_wait3A_200 = arith.constant 0 : i32
    %dma_wait3A_201 = arith.constant 0 : i32
    %dma_wait3A_202 = arith.constant 0 : i32
    %dma_wait3A_203 = tpu.memref_slice %arg3[%add3A, %dma_wait3A_201, %dma_wait3A_202] : memref<32x200x50xi32, #tpu.memory_space<hbm>> -> memref<1x200x50xi32, #tpu.memory_space<hbm>>
    %dma_wait3A_204 = tpu.memref_squeeze %dma_wait3A_203 : memref<1x200x50xi32, #tpu.memory_space<hbm>> -> memref<200x50xi32, #tpu.memory_space<hbm>>
    %dma_wait3A_205 = arith.constant 0 : i32
    %dma_wait3A_206 = tpu.memref_slice %dma_wait3A_204[%dma_wait3A_200, %dma_wait3A_205] : memref<200x50xi32, #tpu.memory_space<hbm>> -> memref<1x50xi32, #tpu.memory_space<hbm>>
    %dma_wait3A_207 = tpu.memref_squeeze %dma_wait3A_206 : memref<1x50xi32, #tpu.memory_space<hbm>> -> memref<50xi32, #tpu.memory_space<hbm>>
    %dma_wait3A_208 = arith.constant 0 : i32
    %dma_wait3A_209 = arith.constant 0 : i32
    %dma_wait3A_210 = tpu.memref_slice %arg3[%add3A, %dma_wait3A_208, %dma_wait3A_209] : memref<32x200x50xi32, #tpu.memory_space<hbm>> -> memref<1x200x50xi32, #tpu.memory_space<hbm>>
    %dma_wait3A_211 = tpu.memref_squeeze %dma_wait3A_210 : memref<1x200x50xi32, #tpu.memory_space<hbm>> -> memref<200x50xi32, #tpu.memory_space<hbm>>
    %dma_wait3A_212 = arith.constant 0 : i32
    %dma_wait3A_213 = tpu.memref_slice %dma_wait3A_211[%dma_wait3A_200, %dma_wait3A_212] : memref<200x50xi32, #tpu.memory_space<hbm>> -> memref<1x50xi32, #tpu.memory_space<hbm>>
    %dma_wait3A_214 = tpu.memref_squeeze %dma_wait3A_213 : memref<1x50xi32, #tpu.memory_space<hbm>> -> memref<50xi32, #tpu.memory_space<hbm>>
    tpu.wait_dma2 semaphore(%arg24 : memref<!tpu.dma_semaphore, #tpu.memory_space<semaphore_mem>>) src(%dma_wait3A_214 : memref<50xi32, #tpu.memory_space<hbm>>) dst(%arg8 : memref<50xi32, #tpu.memory_space<vmem>>)
    %dma_wait3A_215 = arith.constant 0 : i32
    %dma_wait3A_216 = arith.constant 0 : i32
    %dma_wait3A_217 = arith.constant 0 : i32
    %dma_wait3A_218 = tpu.memref_slice %arg4[%add3A, %dma_wait3A_216, %dma_wait3A_217] : memref<32x200x50xi32, #tpu.memory_space<hbm>> -> memref<1x200x50xi32, #tpu.memory_space<hbm>>
    %dma_wait3A_219 = tpu.memref_squeeze %dma_wait3A_218 : memref<1x200x50xi32, #tpu.memory_space<hbm>> -> memref<200x50xi32, #tpu.memory_space<hbm>>
    %dma_wait3A_220 = arith.constant 0 : i32
    %dma_wait3A_221 = tpu.memref_slice %dma_wait3A_219[%dma_wait3A_215, %dma_wait3A_220] : memref<200x50xi32, #tpu.memory_space<hbm>> -> memref<1x50xi32, #tpu.memory_space<hbm>>
    %dma_wait3A_222 = tpu.memref_squeeze %dma_wait3A_221 : memref<1x50xi32, #tpu.memory_space<hbm>> -> memref<50xi32, #tpu.memory_space<hbm>>
    %dma_wait3A_223 = arith.constant 0 : i32
    %dma_wait3A_224 = arith.constant 0 : i32
    %dma_wait3A_225 = tpu.memref_slice %arg4[%add3A, %dma_wait3A_223, %dma_wait3A_224] : memref<32x200x50xi32, #tpu.memory_space<hbm>> -> memref<1x200x50xi32, #tpu.memory_space<hbm>>
    %dma_wait3A_226 = tpu.memref_squeeze %dma_wait3A_225 : memref<1x200x50xi32, #tpu.memory_space<hbm>> -> memref<200x50xi32, #tpu.memory_space<hbm>>
    %dma_wait3A_227 = arith.constant 0 : i32
    %dma_wait3A_228 = tpu.memref_slice %dma_wait3A_226[%dma_wait3A_215, %dma_wait3A_227] : memref<200x50xi32, #tpu.memory_space<hbm>> -> memref<1x50xi32, #tpu.memory_space<hbm>>
    %dma_wait3A_229 = tpu.memref_squeeze %dma_wait3A_228 : memref<1x50xi32, #tpu.memory_space<hbm>> -> memref<50xi32, #tpu.memory_space<hbm>>
    tpu.wait_dma2 semaphore(%arg29 : memref<!tpu.dma_semaphore, #tpu.memory_space<semaphore_mem>>) src(%dma_wait3A_229 : memref<50xi32, #tpu.memory_space<hbm>>) dst(%arg13 : memref<50xi32, #tpu.memory_space<vmem>>)
    %dma_start3A_230 = arith.constant 0 : i32
    %dma_start3A_231 = arith.constant 0 : i32
    %dma_start3A_232 = tpu.memref_slice %arg2[%dma_start3A_230, %dma_start3A_231] : memref<10000x128xf32, #tpu.memory_space<hbm>> -> memref<10000x128xf32, #tpu.memory_space<hbm>>
    tpu.enqueue_indirect_dma source(%dma_start3A_232 : memref<10000x128xf32, #tpu.memory_space<hbm>>) target(%arg18 : memref<50x128xf32, #tpu.memory_space<vmem>>) offsets(%arg8 : memref<50xi32, #tpu.memory_space<vmem>>) semaphore(%arg34 : memref<!tpu.dma_semaphore, #tpu.memory_space<semaphore_mem>>)
    %dma_wait3A_233 = arith.constant 0 : i32
    %dma_wait3A_234 = arith.constant 0 : i32
    %dma_wait3A_235 = arith.constant 0 : i32
    %dma_wait3A_236 = tpu.memref_slice %arg3[%add3A, %dma_wait3A_234, %dma_wait3A_235] : memref<32x200x50xi32, #tpu.memory_space<hbm>> -> memref<1x200x50xi32, #tpu.memory_space<hbm>>
    %dma_wait3A_237 = tpu.memref_squeeze %dma_wait3A_236 : memref<1x200x50xi32, #tpu.memory_space<hbm>> -> memref<200x50xi32, #tpu.memory_space<hbm>>
    %dma_wait3A_238 = arith.constant 0 : i32
    %dma_wait3A_239 = tpu.memref_slice %dma_wait3A_237[%dma_wait3A_233, %dma_wait3A_238] : memref<200x50xi32, #tpu.memory_space<hbm>> -> memref<1x50xi32, #tpu.memory_space<hbm>>
    %dma_wait3A_240 = tpu.memref_squeeze %dma_wait3A_239 : memref<1x50xi32, #tpu.memory_space<hbm>> -> memref<50xi32, #tpu.memory_space<hbm>>
    %dma_wait3A_241 = arith.constant 0 : i32
    %dma_wait3A_242 = arith.constant 0 : i32
    %dma_wait3A_243 = tpu.memref_slice %arg3[%add3A, %dma_wait3A_241, %dma_wait3A_242] : memref<32x200x50xi32, #tpu.memory_space<hbm>> -> memref<1x200x50xi32, #tpu.memory_space<hbm>>
    %dma_wait3A_244 = tpu.memref_squeeze %dma_wait3A_243 : memref<1x200x50xi32, #tpu.memory_space<hbm>> -> memref<200x50xi32, #tpu.memory_space<hbm>>
    %dma_wait3A_245 = arith.constant 0 : i32
    %dma_wait3A_246 = tpu.memref_slice %dma_wait3A_244[%dma_wait3A_233, %dma_wait3A_245] : memref<200x50xi32, #tpu.memory_space<hbm>> -> memref<1x50xi32, #tpu.memory_space<hbm>>
    %dma_wait3A_247 = tpu.memref_squeeze %dma_wait3A_246 : memref<1x50xi32, #tpu.memory_space<hbm>> -> memref<50xi32, #tpu.memory_space<hbm>>
    tpu.wait_dma2 semaphore(%arg25 : memref<!tpu.dma_semaphore, #tpu.memory_space<semaphore_mem>>) src(%dma_wait3A_247 : memref<50xi32, #tpu.memory_space<hbm>>) dst(%arg9 : memref<50xi32, #tpu.memory_space<vmem>>)
    %dma_wait3A_248 = arith.constant 0 : i32
    %dma_wait3A_249 = arith.constant 0 : i32
    %dma_wait3A_250 = arith.constant 0 : i32
    %dma_wait3A_251 = tpu.memref_slice %arg4[%add3A, %dma_wait3A_249, %dma_wait3A_250] : memref<32x200x50xi32, #tpu.memory_space<hbm>> -> memref<1x200x50xi32, #tpu.memory_space<hbm>>
    %dma_wait3A_252 = tpu.memref_squeeze %dma_wait3A_251 : memref<1x200x50xi32, #tpu.memory_space<hbm>> -> memref<200x50xi32, #tpu.memory_space<hbm>>
    %dma_wait3A_253 = arith.constant 0 : i32
    %dma_wait3A_254 = tpu.memref_slice %dma_wait3A_252[%dma_wait3A_248, %dma_wait3A_253] : memref<200x50xi32, #tpu.memory_space<hbm>> -> memref<1x50xi32, #tpu.memory_space<hbm>>
    %dma_wait3A_255 = tpu.memref_squeeze %dma_wait3A_254 : memref<1x50xi32, #tpu.memory_space<hbm>> -> memref<50xi32, #tpu.memory_space<hbm>>
    %dma_wait3A_256 = arith.constant 0 : i32
    %dma_wait3A_257 = arith.constant 0 : i32
    %dma_wait3A_258 = tpu.memref_slice %arg4[%add3A, %dma_wait3A_256, %dma_wait3A_257] : memref<32x200x50xi32, #tpu.memory_space<hbm>> -> memref<1x200x50xi32, #tpu.memory_space<hbm>>
    %dma_wait3A_259 = tpu.memref_squeeze %dma_wait3A_258 : memref<1x200x50xi32, #tpu.memory_space<hbm>> -> memref<200x50xi32, #tpu.memory_space<hbm>>
    %dma_wait3A_260 = arith.constant 0 : i32
    %dma_wait3A_261 = tpu.memref_slice %dma_wait3A_259[%dma_wait3A_248, %dma_wait3A_260] : memref<200x50xi32, #tpu.memory_space<hbm>> -> memref<1x50xi32, #tpu.memory_space<hbm>>
    %dma_wait3A_262 = tpu.memref_squeeze %dma_wait3A_261 : memref<1x50xi32, #tpu.memory_space<hbm>> -> memref<50xi32, #tpu.memory_space<hbm>>
    tpu.wait_dma2 semaphore(%arg30 : memref<!tpu.dma_semaphore, #tpu.memory_space<semaphore_mem>>) src(%dma_wait3A_262 : memref<50xi32, #tpu.memory_space<hbm>>) dst(%arg14 : memref<50xi32, #tpu.memory_space<vmem>>)
    %dma_start3A_263 = arith.constant 0 : i32
    %dma_start3A_264 = arith.constant 0 : i32
    %dma_start3A_265 = tpu.memref_slice %arg2[%dma_start3A_263, %dma_start3A_264] : memref<10000x128xf32, #tpu.memory_space<hbm>> -> memref<10000x128xf32, #tpu.memory_space<hbm>>
    tpu.enqueue_indirect_dma source(%dma_start3A_265 : memref<10000x128xf32, #tpu.memory_space<hbm>>) target(%arg19 : memref<50x128xf32, #tpu.memory_space<vmem>>) offsets(%arg9 : memref<50xi32, #tpu.memory_space<vmem>>) semaphore(%arg35 : memref<!tpu.dma_semaphore, #tpu.memory_space<semaphore_mem>>)
    %dma_wait3A_266 = arith.constant 0 : i32
    %dma_wait3A_267 = arith.constant 0 : i32
    %dma_wait3A_268 = arith.constant 0 : i32
    %dma_wait3A_269 = tpu.memref_slice %arg3[%add3A, %dma_wait3A_267, %dma_wait3A_268] : memref<32x200x50xi32, #tpu.memory_space<hbm>> -> memref<1x200x50xi32, #tpu.memory_space<hbm>>
    %dma_wait3A_270 = tpu.memref_squeeze %dma_wait3A_269 : memref<1x200x50xi32, #tpu.memory_space<hbm>> -> memref<200x50xi32, #tpu.memory_space<hbm>>
    %dma_wait3A_271 = arith.constant 0 : i32
    %dma_wait3A_272 = tpu.memref_slice %dma_wait3A_270[%dma_wait3A_266, %dma_wait3A_271] : memref<200x50xi32, #tpu.memory_space<hbm>> -> memref<1x50xi32, #tpu.memory_space<hbm>>
    %dma_wait3A_273 = tpu.memref_squeeze %dma_wait3A_272 : memref<1x50xi32, #tpu.memory_space<hbm>> -> memref<50xi32, #tpu.memory_space<hbm>>
    %dma_wait3A_274 = arith.constant 0 : i32
    %dma_wait3A_275 = arith.constant 0 : i32
    %dma_wait3A_276 = tpu.memref_slice %arg3[%add3A, %dma_wait3A_274, %dma_wait3A_275] : memref<32x200x50xi32, #tpu.memory_space<hbm>> -> memref<1x200x50xi32, #tpu.memory_space<hbm>>
    %dma_wait3A_277 = tpu.memref_squeeze %dma_wait3A_276 : memref<1x200x50xi32, #tpu.memory_space<hbm>> -> memref<200x50xi32, #tpu.memory_space<hbm>>
    %dma_wait3A_278 = arith.constant 0 : i32
    %dma_wait3A_279 = tpu.memref_slice %dma_wait3A_277[%dma_wait3A_266, %dma_wait3A_278] : memref<200x50xi32, #tpu.memory_space<hbm>> -> memref<1x50xi32, #tpu.memory_space<hbm>>
    %dma_wait3A_280 = tpu.memref_squeeze %dma_wait3A_279 : memref<1x50xi32, #tpu.memory_space<hbm>> -> memref<50xi32, #tpu.memory_space<hbm>>
    tpu.wait_dma2 semaphore(%arg26 : memref<!tpu.dma_semaphore, #tpu.memory_space<semaphore_mem>>) src(%dma_wait3A_280 : memref<50xi32, #tpu.memory_space<hbm>>) dst(%arg10 : memref<50xi32, #tpu.memory_space<vmem>>)
    %dma_wait3A_281 = arith.constant 0 : i32
    %dma_wait3A_282 = arith.constant 0 : i32
    %dma_wait3A_283 = arith.constant 0 : i32
    %dma_wait3A_284 = tpu.memref_slice %arg4[%add3A, %dma_wait3A_282, %dma_wait3A_283] : memref<32x200x50xi32, #tpu.memory_space<hbm>> -> memref<1x200x50xi32, #tpu.memory_space<hbm>>
    %dma_wait3A_285 = tpu.memref_squeeze %dma_wait3A_284 : memref<1x200x50xi32, #tpu.memory_space<hbm>> -> memref<200x50xi32, #tpu.memory_space<hbm>>
    %dma_wait3A_286 = arith.constant 0 : i32
    %dma_wait3A_287 = tpu.memref_slice %dma_wait3A_285[%dma_wait3A_281, %dma_wait3A_286] : memref<200x50xi32, #tpu.memory_space<hbm>> -> memref<1x50xi32, #tpu.memory_space<hbm>>
    %dma_wait3A_288 = tpu.memref_squeeze %dma_wait3A_287 : memref<1x50xi32, #tpu.memory_space<hbm>> -> memref<50xi32, #tpu.memory_space<hbm>>
    %dma_wait3A_289 = arith.constant 0 : i32
    %dma_wait3A_290 = arith.constant 0 : i32
    %dma_wait3A_291 = tpu.memref_slice %arg4[%add3A, %dma_wait3A_289, %dma_wait3A_290] : memref<32x200x50xi32, #tpu.memory_space<hbm>> -> memref<1x200x50xi32, #tpu.memory_space<hbm>>
    %dma_wait3A_292 = tpu.memref_squeeze %dma_wait3A_291 : memref<1x200x50xi32, #tpu.memory_space<hbm>> -> memref<200x50xi32, #tpu.memory_space<hbm>>
    %dma_wait3A_293 = arith.constant 0 : i32
    %dma_wait3A_294 = tpu.memref_slice %dma_wait3A_292[%dma_wait3A_281, %dma_wait3A_293] : memref<200x50xi32, #tpu.memory_space<hbm>> -> memref<1x50xi32, #tpu.memory_space<hbm>>
    %dma_wait3A_295 = tpu.memref_squeeze %dma_wait3A_294 : memref<1x50xi32, #tpu.memory_space<hbm>> -> memref<50xi32, #tpu.memory_space<hbm>>
    tpu.wait_dma2 semaphore(%arg31 : memref<!tpu.dma_semaphore, #tpu.memory_space<semaphore_mem>>) src(%dma_wait3A_295 : memref<50xi32, #tpu.memory_space<hbm>>) dst(%arg15 : memref<50xi32, #tpu.memory_space<vmem>>)
    %dma_start3A_296 = arith.constant 0 : i32
    %dma_start3A_297 = arith.constant 0 : i32
    %dma_start3A_298 = tpu.memref_slice %arg2[%dma_start3A_296, %dma_start3A_297] : memref<10000x128xf32, #tpu.memory_space<hbm>> -> memref<10000x128xf32, #tpu.memory_space<hbm>>
    tpu.enqueue_indirect_dma source(%dma_start3A_298 : memref<10000x128xf32, #tpu.memory_space<hbm>>) target(%arg20 : memref<50x128xf32, #tpu.memory_space<vmem>>) offsets(%arg10 : memref<50xi32, #tpu.memory_space<vmem>>) semaphore(%arg36 : memref<!tpu.dma_semaphore, #tpu.memory_space<semaphore_mem>>)
    %dma_wait3A_299 = arith.constant 0 : i32
    %dma_wait3A_300 = arith.constant 0 : i32
    %dma_wait3A_301 = arith.constant 0 : i32
    %dma_wait3A_302 = tpu.memref_slice %arg3[%add3A, %dma_wait3A_300, %dma_wait3A_301] : memref<32x200x50xi32, #tpu.memory_space<hbm>> -> memref<1x200x50xi32, #tpu.memory_space<hbm>>
    %dma_wait3A_303 = tpu.memref_squeeze %dma_wait3A_302 : memref<1x200x50xi32, #tpu.memory_space<hbm>> -> memref<200x50xi32, #tpu.memory_space<hbm>>
    %dma_wait3A_304 = arith.constant 0 : i32
    %dma_wait3A_305 = tpu.memref_slice %dma_wait3A_303[%dma_wait3A_299, %dma_wait3A_304] : memref<200x50xi32, #tpu.memory_space<hbm>> -> memref<1x50xi32, #tpu.memory_space<hbm>>
    %dma_wait3A_306 = tpu.memref_squeeze %dma_wait3A_305 : memref<1x50xi32, #tpu.memory_space<hbm>> -> memref<50xi32, #tpu.memory_space<hbm>>
    %dma_wait3A_307 = arith.constant 0 : i32
    %dma_wait3A_308 = arith.constant 0 : i32
    %dma_wait3A_309 = tpu.memref_slice %arg3[%add3A, %dma_wait3A_307, %dma_wait3A_308] : memref<32x200x50xi32, #tpu.memory_space<hbm>> -> memref<1x200x50xi32, #tpu.memory_space<hbm>>
    %dma_wait3A_310 = tpu.memref_squeeze %dma_wait3A_309 : memref<1x200x50xi32, #tpu.memory_space<hbm>> -> memref<200x50xi32, #tpu.memory_space<hbm>>
    %dma_wait3A_311 = arith.constant 0 : i32
    %dma_wait3A_312 = tpu.memref_slice %dma_wait3A_310[%dma_wait3A_299, %dma_wait3A_311] : memref<200x50xi32, #tpu.memory_space<hbm>> -> memref<1x50xi32, #tpu.memory_space<hbm>>
    %dma_wait3A_313 = tpu.memref_squeeze %dma_wait3A_312 : memref<1x50xi32, #tpu.memory_space<hbm>> -> memref<50xi32, #tpu.memory_space<hbm>>
    tpu.wait_dma2 semaphore(%arg27 : memref<!tpu.dma_semaphore, #tpu.memory_space<semaphore_mem>>) src(%dma_wait3A_313 : memref<50xi32, #tpu.memory_space<hbm>>) dst(%arg11 : memref<50xi32, #tpu.memory_space<vmem>>)
    %dma_wait3A_314 = arith.constant 0 : i32
    %dma_wait3A_315 = arith.constant 0 : i32
    %dma_wait3A_316 = arith.constant 0 : i32
    %dma_wait3A_317 = tpu.memref_slice %arg4[%add3A, %dma_wait3A_315, %dma_wait3A_316] : memref<32x200x50xi32, #tpu.memory_space<hbm>> -> memref<1x200x50xi32, #tpu.memory_space<hbm>>
    %dma_wait3A_318 = tpu.memref_squeeze %dma_wait3A_317 : memref<1x200x50xi32, #tpu.memory_space<hbm>> -> memref<200x50xi32, #tpu.memory_space<hbm>>
    %dma_wait3A_319 = arith.constant 0 : i32
    %dma_wait3A_320 = tpu.memref_slice %dma_wait3A_318[%dma_wait3A_314, %dma_wait3A_319] : memref<200x50xi32, #tpu.memory_space<hbm>> -> memref<1x50xi32, #tpu.memory_space<hbm>>
    %dma_wait3A_321 = tpu.memref_squeeze %dma_wait3A_320 : memref<1x50xi32, #tpu.memory_space<hbm>> -> memref<50xi32, #tpu.memory_space<hbm>>
    %dma_wait3A_322 = arith.constant 0 : i32
    %dma_wait3A_323 = arith.constant 0 : i32
    %dma_wait3A_324 = tpu.memref_slice %arg4[%add3A, %dma_wait3A_322, %dma_wait3A_323] : memref<32x200x50xi32, #tpu.memory_space<hbm>> -> memref<1x200x50xi32, #tpu.memory_space<hbm>>
    %dma_wait3A_325 = tpu.memref_squeeze %dma_wait3A_324 : memref<1x200x50xi32, #tpu.memory_space<hbm>> -> memref<200x50xi32, #tpu.memory_space<hbm>>
    %dma_wait3A_326 = arith.constant 0 : i32
    %dma_wait3A_327 = tpu.memref_slice %dma_wait3A_325[%dma_wait3A_314, %dma_wait3A_326] : memref<200x50xi32, #tpu.memory_space<hbm>> -> memref<1x50xi32, #tpu.memory_space<hbm>>
    %dma_wait3A_328 = tpu.memref_squeeze %dma_wait3A_327 : memref<1x50xi32, #tpu.memory_space<hbm>> -> memref<50xi32, #tpu.memory_space<hbm>>
    tpu.wait_dma2 semaphore(%arg32 : memref<!tpu.dma_semaphore, #tpu.memory_space<semaphore_mem>>) src(%dma_wait3A_328 : memref<50xi32, #tpu.memory_space<hbm>>) dst(%arg16 : memref<50xi32, #tpu.memory_space<vmem>>)
    %dma_start3A_329 = arith.constant 0 : i32
    %dma_start3A_330 = arith.constant 0 : i32
    %dma_start3A_331 = tpu.memref_slice %arg2[%dma_start3A_329, %dma_start3A_330] : memref<10000x128xf32, #tpu.memory_space<hbm>> -> memref<10000x128xf32, #tpu.memory_space<hbm>>
    tpu.enqueue_indirect_dma source(%dma_start3A_331 : memref<10000x128xf32, #tpu.memory_space<hbm>>) target(%arg21 : memref<50x128xf32, #tpu.memory_space<vmem>>) offsets(%arg11 : memref<50xi32, #tpu.memory_space<vmem>>) semaphore(%arg37 : memref<!tpu.dma_semaphore, #tpu.memory_space<semaphore_mem>>)
    %dma_wait3A_332 = arith.constant 0 : i32
    %dma_wait3A_333 = arith.constant 0 : i32
    %dma_wait3A_334 = tpu.memref_slice %arg2[%dma_wait3A_332, %dma_wait3A_333] : memref<10000x128xf32, #tpu.memory_space<hbm>> -> memref<10000x128xf32, #tpu.memory_space<hbm>>
    tpu.wait_indirect_dma semaphore(%arg33 : memref<!tpu.dma_semaphore, #tpu.memory_space<semaphore_mem>>) src(%dma_wait3A_334 : memref<10000x128xf32, #tpu.memory_space<hbm>>) dst(%arg17 : memref<50x128xf32, #tpu.memory_space<vmem>>)
    %dma_start3A_335 = arith.constant 0 : i32
    %dma_start3A_336 = arith.constant 0 : i32
    %dma_start3A_337 = tpu.memref_slice %arg22[%dma_start3A_335, %dma_start3A_336] : memref<10000x128xf32, #tpu.memory_space<vmem_shared>> -> memref<10000x128xf32, #tpu.memory_space<vmem_shared>>
    tpu.enqueue_indirect_dma source(%arg17 : memref<50x128xf32, #tpu.memory_space<vmem>>) target(%dma_start3A_337 : memref<10000x128xf32, #tpu.memory_space<vmem_shared>>) offsets(%arg12 : memref<50xi32, #tpu.memory_space<vmem>>) semaphore(%arg38 : memref<!tpu.dma_semaphore, #tpu.memory_space<semaphore_mem>>) {add = true}
    %dma_wait3A_338 = arith.constant 0 : i32
    %dma_wait3A_339 = arith.constant 0 : i32
    %dma_wait3A_340 = tpu.memref_slice %arg22[%dma_wait3A_338, %dma_wait3A_339] : memref<10000x128xf32, #tpu.memory_space<vmem_shared>> -> memref<10000x128xf32, #tpu.memory_space<vmem_shared>>
    tpu.wait_indirect_dma semaphore(%arg38 : memref<!tpu.dma_semaphore, #tpu.memory_space<semaphore_mem>>) src(%arg17 : memref<50x128xf32, #tpu.memory_space<vmem>>) dst(%dma_wait3A_340 : memref<10000x128xf32, #tpu.memory_space<vmem_shared>>)
    %dma_wait3A_341 = arith.constant 0 : i32
    %dma_wait3A_342 = arith.constant 0 : i32
    %dma_wait3A_343 = tpu.memref_slice %arg2[%dma_wait3A_341, %dma_wait3A_342] : memref<10000x128xf32, #tpu.memory_space<hbm>> -> memref<10000x128xf32, #tpu.memory_space<hbm>>
    tpu.wait_indirect_dma semaphore(%arg34 : memref<!tpu.dma_semaphore, #tpu.memory_space<semaphore_mem>>) src(%dma_wait3A_343 : memref<10000x128xf32, #tpu.memory_space<hbm>>) dst(%arg18 : memref<50x128xf32, #tpu.memory_space<vmem>>)
    %dma_start3A_344 = arith.constant 0 : i32
    %dma_start3A_345 = arith.constant 0 : i32
    %dma_start3A_346 = tpu.memref_slice %arg22[%dma_start3A_344, %dma_start3A_345] : memref<10000x128xf32, #tpu.memory_space<vmem_shared>> -> memref<10000x128xf32, #tpu.memory_space<vmem_shared>>
    tpu.enqueue_indirect_dma source(%arg18 : memref<50x128xf32, #tpu.memory_space<vmem>>) target(%dma_start3A_346 : memref<10000x128xf32, #tpu.memory_space<vmem_shared>>) offsets(%arg13 : memref<50xi32, #tpu.memory_space<vmem>>) semaphore(%arg39 : memref<!tpu.dma_semaphore, #tpu.memory_space<semaphore_mem>>) {add = true}
    %dma_wait3A_347 = arith.constant 0 : i32
    %dma_wait3A_348 = arith.constant 0 : i32
    %dma_wait3A_349 = tpu.memref_slice %arg22[%dma_wait3A_347, %dma_wait3A_348] : memref<10000x128xf32, #tpu.memory_space<vmem_shared>> -> memref<10000x128xf32, #tpu.memory_space<vmem_shared>>
    tpu.wait_indirect_dma semaphore(%arg39 : memref<!tpu.dma_semaphore, #tpu.memory_space<semaphore_mem>>) src(%arg18 : memref<50x128xf32, #tpu.memory_space<vmem>>) dst(%dma_wait3A_349 : memref<10000x128xf32, #tpu.memory_space<vmem_shared>>)
    %dma_wait3A_350 = arith.constant 0 : i32
    %dma_wait3A_351 = arith.constant 0 : i32
    %dma_wait3A_352 = tpu.memref_slice %arg2[%dma_wait3A_350, %dma_wait3A_351] : memref<10000x128xf32, #tpu.memory_space<hbm>> -> memref<10000x128xf32, #tpu.memory_space<hbm>>
    tpu.wait_indirect_dma semaphore(%arg35 : memref<!tpu.dma_semaphore, #tpu.memory_space<semaphore_mem>>) src(%dma_wait3A_352 : memref<10000x128xf32, #tpu.memory_space<hbm>>) dst(%arg19 : memref<50x128xf32, #tpu.memory_space<vmem>>)
    %dma_start3A_353 = arith.constant 0 : i32
    %dma_start3A_354 = arith.constant 0 : i32
    %dma_start3A_355 = tpu.memref_slice %arg22[%dma_start3A_353, %dma_start3A_354] : memref<10000x128xf32, #tpu.memory_space<vmem_shared>> -> memref<10000x128xf32, #tpu.memory_space<vmem_shared>>
    tpu.enqueue_indirect_dma source(%arg19 : memref<50x128xf32, #tpu.memory_space<vmem>>) target(%dma_start3A_355 : memref<10000x128xf32, #tpu.memory_space<vmem_shared>>) offsets(%arg14 : memref<50xi32, #tpu.memory_space<vmem>>) semaphore(%arg40 : memref<!tpu.dma_semaphore, #tpu.memory_space<semaphore_mem>>) {add = true}
    %dma_wait3A_356 = arith.constant 0 : i32
    %dma_wait3A_357 = arith.constant 0 : i32
    %dma_wait3A_358 = tpu.memref_slice %arg22[%dma_wait3A_356, %dma_wait3A_357] : memref<10000x128xf32, #tpu.memory_space<vmem_shared>> -> memref<10000x128xf32, #tpu.memory_space<vmem_shared>>
    tpu.wait_indirect_dma semaphore(%arg40 : memref<!tpu.dma_semaphore, #tpu.memory_space<semaphore_mem>>) src(%arg19 : memref<50x128xf32, #tpu.memory_space<vmem>>) dst(%dma_wait3A_358 : memref<10000x128xf32, #tpu.memory_space<vmem_shared>>)
    %dma_wait3A_359 = arith.constant 0 : i32
    %dma_wait3A_360 = arith.constant 0 : i32
    %dma_wait3A_361 = tpu.memref_slice %arg2[%dma_wait3A_359, %dma_wait3A_360] : memref<10000x128xf32, #tpu.memory_space<hbm>> -> memref<10000x128xf32, #tpu.memory_space<hbm>>
    tpu.wait_indirect_dma semaphore(%arg36 : memref<!tpu.dma_semaphore, #tpu.memory_space<semaphore_mem>>) src(%dma_wait3A_361 : memref<10000x128xf32, #tpu.memory_space<hbm>>) dst(%arg20 : memref<50x128xf32, #tpu.memory_space<vmem>>)
    %dma_start3A_362 = arith.constant 0 : i32
    %dma_start3A_363 = arith.constant 0 : i32
    %dma_start3A_364 = tpu.memref_slice %arg22[%dma_start3A_362, %dma_start3A_363] : memref<10000x128xf32, #tpu.memory_space<vmem_shared>> -> memref<10000x128xf32, #tpu.memory_space<vmem_shared>>
    tpu.enqueue_indirect_dma source(%arg20 : memref<50x128xf32, #tpu.memory_space<vmem>>) target(%dma_start3A_364 : memref<10000x128xf32, #tpu.memory_space<vmem_shared>>) offsets(%arg15 : memref<50xi32, #tpu.memory_space<vmem>>) semaphore(%arg41 : memref<!tpu.dma_semaphore, #tpu.memory_space<semaphore_mem>>) {add = true}
    %dma_wait3A_365 = arith.constant 0 : i32
    %dma_wait3A_366 = arith.constant 0 : i32
    %dma_wait3A_367 = tpu.memref_slice %arg22[%dma_wait3A_365, %dma_wait3A_366] : memref<10000x128xf32, #tpu.memory_space<vmem_shared>> -> memref<10000x128xf32, #tpu.memory_space<vmem_shared>>
    tpu.wait_indirect_dma semaphore(%arg41 : memref<!tpu.dma_semaphore, #tpu.memory_space<semaphore_mem>>) src(%arg20 : memref<50x128xf32, #tpu.memory_space<vmem>>) dst(%dma_wait3A_367 : memref<10000x128xf32, #tpu.memory_space<vmem_shared>>)
    %dma_wait3A_368 = arith.constant 0 : i32
    %dma_wait3A_369 = arith.constant 0 : i32
    %dma_wait3A_370 = tpu.memref_slice %arg2[%dma_wait3A_368, %dma_wait3A_369] : memref<10000x128xf32, #tpu.memory_space<hbm>> -> memref<10000x128xf32, #tpu.memory_space<hbm>>
    tpu.wait_indirect_dma semaphore(%arg37 : memref<!tpu.dma_semaphore, #tpu.memory_space<semaphore_mem>>) src(%dma_wait3A_370 : memref<10000x128xf32, #tpu.memory_space<hbm>>) dst(%arg21 : memref<50x128xf32, #tpu.memory_space<vmem>>)
    %dma_start3A_371 = arith.constant 0 : i32
    %dma_start3A_372 = arith.constant 0 : i32
    %dma_start3A_373 = tpu.memref_slice %arg22[%dma_start3A_371, %dma_start3A_372] : memref<10000x128xf32, #tpu.memory_space<vmem_shared>> -> memref<10000x128xf32, #tpu.memory_space<vmem_shared>>
    tpu.enqueue_indirect_dma source(%arg21 : memref<50x128xf32, #tpu.memory_space<vmem>>) target(%dma_start3A_373 : memref<10000x128xf32, #tpu.memory_space<vmem_shared>>) offsets(%arg16 : memref<50xi32, #tpu.memory_space<vmem>>) semaphore(%arg42 : memref<!tpu.dma_semaphore, #tpu.memory_space<semaphore_mem>>) {add = true}
    %dma_wait3A_374 = arith.constant 0 : i32
    %dma_wait3A_375 = arith.constant 0 : i32
    %dma_wait3A_376 = tpu.memref_slice %arg22[%dma_wait3A_374, %dma_wait3A_375] : memref<10000x128xf32, #tpu.memory_space<vmem_shared>> -> memref<10000x128xf32, #tpu.memory_space<vmem_shared>>
    tpu.wait_indirect_dma semaphore(%arg42 : memref<!tpu.dma_semaphore, #tpu.memory_space<semaphore_mem>>) src(%arg21 : memref<50x128xf32, #tpu.memory_space<vmem>>) dst(%dma_wait3A_376 : memref<10000x128xf32, #tpu.memory_space<vmem_shared>>)
    %barrier3A = arith.constant 0 : index
    tpu.barrier barrier_id(%barrier3A)
    "tpu.region"() ({
      %run_scoped3A = tpu.sem_alloc : memref<!tpu.dma_semaphore, #tpu.memory_space<semaphore_mem>>
      %dma_start3A_381 = arith.constant 0 : i32
      %dma_start3A_382 = arith.constant 0 : i32
      %dma_start3A_383 = tpu.memref_slice %arg6[%arg0, %dma_start3A_381, %dma_start3A_382] : memref<2x10000x128xf32, #tpu.memory_space<hbm>> -> memref<1x10000x128xf32, #tpu.memory_space<hbm>>
      %dma_start3A_384 = tpu.memref_squeeze %dma_start3A_383 : memref<1x10000x128xf32, #tpu.memory_space<hbm>> -> memref<10000x128xf32, #tpu.memory_space<hbm>>
      %dma_start3A_385 = arith.constant 0 : i32
      %dma_start3A_386 = tpu.memref_slice %dma_start3A_384[%multiple_of3A, %dma_start3A_385] : memref<10000x128xf32, #tpu.memory_space<hbm>> -> memref<624x128xf32, #tpu.memory_space<hbm>>
      %dma_start3A_387 = arith.constant 0 : i32
      %dma_start3A_388 = tpu.memref_slice %arg22[%multiple_of3A, %dma_start3A_387] : memref<10000x128xf32, #tpu.memory_space<vmem_shared>> -> memref<624x128xf32, #tpu.memory_space<vmem_shared>>
      tpu.enqueue_dma source(%dma_start3A_388 : memref<624x128xf32, #tpu.memory_space<vmem_shared>>) target(%dma_start3A_386 : memref<624x128xf32, #tpu.memory_space<hbm>>) target_semaphore(%run_scoped3A : memref<!tpu.dma_semaphore, #tpu.memory_space<semaphore_mem>>)
      %dma_wait3A_389 = arith.constant 0 : i32
      %dma_wait3A_390 = arith.constant 0 : i32
      %dma_wait3A_391 = tpu.memref_slice %arg6[%arg0, %dma_wait3A_389, %dma_wait3A_390] : memref<2x10000x128xf32, #tpu.memory_space<hbm>> -> memref<1x10000x128xf32, #tpu.memory_space<hbm>>
      %dma_wait3A_392 = tpu.memref_squeeze %dma_wait3A_391 : memref<1x10000x128xf32, #tpu.memory_space<hbm>> -> memref<10000x128xf32, #tpu.memory_space<hbm>>
      %dma_wait3A_393 = arith.constant 0 : i32
      %dma_wait3A_394 = tpu.memref_slice %dma_wait3A_392[%multiple_of3A, %dma_wait3A_393] : memref<10000x128xf32, #tpu.memory_space<hbm>> -> memref<624x128xf32, #tpu.memory_space<hbm>>
      %dma_wait3A_395 = arith.constant 0 : i32
      %dma_wait3A_396 = tpu.memref_slice %arg22[%multiple_of3A, %dma_wait3A_395] : memref<10000x128xf32, #tpu.memory_space<vmem_shared>> -> memref<624x128xf32, #tpu.memory_space<vmem_shared>>
      tpu.wait_dma2 semaphore(%run_scoped3A : memref<!tpu.dma_semaphore, #tpu.memory_space<semaphore_mem>>) src(%dma_wait3A_396 : memref<624x128xf32, #tpu.memory_space<vmem_shared>>) dst(%dma_wait3A_394 : memref<624x128xf32, #tpu.memory_space<hbm>>)
      tpu.yield
    }) : () -> ()
    %lt3A = arith.constant 2 : i32
    %lt3A_377 = arith.cmpi slt, %arg1, %lt3A : i32
    %convert_element_type3A_378 = arith.extui %lt3A_377 : i1 to i32
    %cond3A_379 = arith.constant 0 : i32
    %cond3A_380 = arith.cmpi ne, %convert_element_type3A_378, %cond3A_379 : i32
    scf.if %cond3A_380 {
      "tpu.region"() ({
        %run_scoped3A = tpu.sem_alloc : memref<!tpu.dma_semaphore, #tpu.memory_space<semaphore_mem>>
        %dma_start3A_381 = arith.constant 0 : i32
        %dma_start3A_382 = arith.constant 0 : i32
        %dma_start3A_383 = tpu.memref_slice %arg6[%arg0, %dma_start3A_381, %dma_start3A_382] : memref<2x10000x128xf32, #tpu.memory_space<hbm>> -> memref<1x10000x128xf32, #tpu.memory_space<hbm>>
        %dma_start3A_384 = tpu.memref_squeeze %dma_start3A_383 : memref<1x10000x128xf32, #tpu.memory_space<hbm>> -> memref<10000x128xf32, #tpu.memory_space<hbm>>
        %dma_start3A_385 = arith.constant 0 : i32
        %dma_start3A_386 = tpu.memref_slice %dma_start3A_384[%multiple_of3A_7, %dma_start3A_385] : memref<10000x128xf32, #tpu.memory_space<hbm>> -> memref<8x128xf32, #tpu.memory_space<hbm>>
        %dma_start3A_387 = arith.constant 0 : i32
        %dma_start3A_388 = tpu.memref_slice %arg22[%multiple_of3A_7, %dma_start3A_387] : memref<10000x128xf32, #tpu.memory_space<vmem_shared>> -> memref<8x128xf32, #tpu.memory_space<vmem_shared>>
        tpu.enqueue_dma source(%dma_start3A_388 : memref<8x128xf32, #tpu.memory_space<vmem_shared>>) target(%dma_start3A_386 : memref<8x128xf32, #tpu.memory_space<hbm>>) target_semaphore(%run_scoped3A : memref<!tpu.dma_semaphore, #tpu.memory_space<semaphore_mem>>)
        %dma_wait3A_389 = arith.constant 0 : i32
        %dma_wait3A_390 = arith.constant 0 : i32
        %dma_wait3A_391 = tpu.memref_slice %arg6[%arg0, %dma_wait3A_389, %dma_wait3A_390] : memref<2x10000x128xf32, #tpu.memory_space<hbm>> -> memref<1x10000x128xf32, #tpu.memory_space<hbm>>
        %dma_wait3A_392 = tpu.memref_squeeze %dma_wait3A_391 : memref<1x10000x128xf32, #tpu.memory_space<hbm>> -> memref<10000x128xf32, #tpu.memory_space<hbm>>
        %dma_wait3A_393 = arith.constant 0 : i32
        %dma_wait3A_394 = tpu.memref_slice %dma_wait3A_392[%multiple_of3A_7, %dma_wait3A_393] : memref<10000x128xf32, #tpu.memory_space<hbm>> -> memref<8x128xf32, #tpu.memory_space<hbm>>
        %dma_wait3A_395 = arith.constant 0 : i32
        %dma_wait3A_396 = tpu.memref_slice %arg22[%multiple_of3A_7, %dma_wait3A_395] : memref<10000x128xf32, #tpu.memory_space<vmem_shared>> -> memref<8x128xf32, #tpu.memory_space<vmem_shared>>
        tpu.wait_dma2 semaphore(%run_scoped3A : memref<!tpu.dma_semaphore, #tpu.memory_space<semaphore_mem>>) src(%dma_wait3A_396 : memref<8x128xf32, #tpu.memory_space<vmem_shared>>) dst(%dma_wait3A_394 : memref<8x128xf32, #tpu.memory_space<hbm>>)
        tpu.yield
      }) : () -> ()
    } else {
    }
    return
  }
}

module attributes {stable_mosaic.version = 14 : i64} {
  func.func @body(%arg0: memref<2x10000x128xf32, #tpu.memory_space<vmem>>, %arg1: memref<128x128xf32, #tpu.memory_space<vmem>>, %arg2: memref<1x128xf32, #tpu.memory_space<vmem>>, %arg3: memref<1x128xf32, #tpu.memory_space<vmem>>, %arg4: memref<1x128xf32, #tpu.memory_space<vmem>>, %arg5: memref<128x128xf32, #tpu.memory_space<vmem>>, %arg6: memref<1x128xf32, #tpu.memory_space<vmem>>, %arg7: memref<10000x128xf32, #tpu.memory_space<vmem>>) attributes {dimension_semantics = [], scalar_prefetch = 0 : i64, scratch_operands = 0 : i64, tpu.core_type = #tpu.core_type<tc>} {
    %get3A = arith.constant 0 : index
    %get3A_0 = arith.constant 0 : index
    %get3A_1 = arith.constant 0 : index
    %get3A_2 = vector.load %arg0[%get3A, %get3A_0, %get3A_1] : memref<2x10000x128xf32, #tpu.memory_space<vmem>>, vector<1x10000x128xf32>
    %get3A_3 = vector.shape_cast %get3A_2 : vector<1x10000x128xf32> to vector<10000x128xf32>
    %get3A_4 = arith.constant 1 : index
    %get3A_5 = arith.constant 0 : index
    %get3A_6 = arith.constant 0 : index
    %get3A_7 = vector.load %arg0[%get3A_4, %get3A_5, %get3A_6] : memref<2x10000x128xf32, #tpu.memory_space<vmem>>, vector<1x10000x128xf32>
    %get3A_8 = vector.shape_cast %get3A_7 : vector<1x10000x128xf32> to vector<10000x128xf32>
    %add3A = arith.addf %get3A_3, %get3A_8 : vector<10000x128xf32>
    %get3A_9 = arith.constant 0 : index
    %get3A_10 = arith.constant 0 : index
    %get3A_11 = vector.load %arg1[%get3A_9, %get3A_10] : memref<128x128xf32, #tpu.memory_space<vmem>>, vector<128x128xf32>
    %dot_general3A = arith.constant dense<0.000000e+00> : vector<10000x128xf32>
    %dot_general3A_12 = tpu.matmul %add3A, %get3A_11, %dot_general3A {dimension_numbers = #tpu.dot_dimension_numbers<[1], [0], [0], [1], [0, 0, 1, 1], [], []>, precision = #tpu.contract_precision<fp32>, transpose_lhs_hint = false} : vector<10000x128xf32>, vector<128x128xf32>, vector<10000x128xf32> -> vector<10000x128xf32>
    %get3A_13 = arith.constant 0 : index
    %get3A_14 = arith.constant 0 : index
    %get3A_15 = vector.load %arg2[%get3A_13, %get3A_14] : memref<1x128xf32, #tpu.memory_space<vmem>>, vector<1x128xf32>
    %add3A_16 = vector.broadcast %get3A_15 : vector<1x128xf32> to vector<10000x128xf32>
    %add3A_17 = arith.addf %dot_general3A_12, %add3A_16 : vector<10000x128xf32>
    %reduce_sum3A = arith.constant dense<0.000000e+00> : vector<128xf32>
    %reduce_sum3A_18 = vector.multi_reduction <add>, %add3A_17, %reduce_sum3A [0] : vector<10000x128xf32> to vector<128xf32>
    %broadcast_in_dim3A = vector.shape_cast %reduce_sum3A_18 : vector<128xf32> to vector<1x128xf32>
    %div3A = arith.constant 1.000000e+04 : f32
    %div3A_19 = vector.broadcast %div3A : f32 to vector<1x128xf32>
    %div3A_20 = arith.divf %broadcast_in_dim3A, %div3A_19 : vector<1x128xf32>
    %sub3A = vector.broadcast %div3A_20 : vector<1x128xf32> to vector<10000x128xf32>
    %sub3A_21 = arith.subf %add3A_17, %sub3A : vector<10000x128xf32>
    %mul3A = arith.mulf %sub3A_21, %sub3A_21 : vector<10000x128xf32>
    %reduce_sum3A_22 = arith.constant dense<0.000000e+00> : vector<128xf32>
    %reduce_sum3A_23 = vector.multi_reduction <add>, %mul3A, %reduce_sum3A_22 [0] : vector<10000x128xf32> to vector<128xf32>
    %broadcast_in_dim3A_24 = vector.shape_cast %reduce_sum3A_23 : vector<128xf32> to vector<1x128xf32>
    %mul3A_25 = arith.constant 9.99999974E-5 : f32
    %mul3A_26 = vector.broadcast %mul3A_25 : f32 to vector<1x128xf32>
    %mul3A_27 = arith.mulf %broadcast_in_dim3A_24, %mul3A_26 : vector<1x128xf32>
    %get3A_28 = arith.constant 0 : index
    %get3A_29 = arith.constant 0 : index
    %get3A_30 = vector.load %arg3[%get3A_28, %get3A_29] : memref<1x128xf32, #tpu.memory_space<vmem>>, vector<1x128xf32>
    %add3A_31 = arith.constant 9.99999974E-6 : f32
    %add3A_32 = vector.broadcast %add3A_31 : f32 to vector<1x128xf32>
    %add3A_33 = arith.addf %mul3A_27, %add3A_32 : vector<1x128xf32>
    %rsqrt3A = math.rsqrt %add3A_33 : vector<1x128xf32>
    %mul3A_34 = arith.mulf %get3A_30, %rsqrt3A : vector<1x128xf32>
    %mul3A_35 = vector.broadcast %mul3A_34 : vector<1x128xf32> to vector<10000x128xf32>
    %mul3A_36 = arith.mulf %sub3A_21, %mul3A_35 : vector<10000x128xf32>
    %get3A_37 = arith.constant 0 : index
    %get3A_38 = arith.constant 0 : index
    %get3A_39 = vector.load %arg4[%get3A_37, %get3A_38] : memref<1x128xf32, #tpu.memory_space<vmem>>, vector<1x128xf32>
    %add3A_40 = vector.broadcast %get3A_39 : vector<1x128xf32> to vector<10000x128xf32>
    %add3A_41 = arith.addf %mul3A_36, %add3A_40 : vector<10000x128xf32>
    %max3A = arith.constant 0.000000e+00 : f32
    %max3A_42 = vector.broadcast %max3A : f32 to vector<10000x128xf32>
    %max3A_43 = arith.maximumf %add3A_41, %max3A_42 : vector<10000x128xf32>
    %get3A_44 = arith.constant 0 : index
    %get3A_45 = arith.constant 0 : index
    %get3A_46 = vector.load %arg5[%get3A_44, %get3A_45] : memref<128x128xf32, #tpu.memory_space<vmem>>, vector<128x128xf32>
    %dot_general3A_47 = arith.constant dense<0.000000e+00> : vector<10000x128xf32>
    %dot_general3A_48 = tpu.matmul %max3A_43, %get3A_46, %dot_general3A_47 {dimension_numbers = #tpu.dot_dimension_numbers<[1], [0], [0], [1], [0, 0, 1, 1], [], []>, precision = #tpu.contract_precision<fp32>, transpose_lhs_hint = false} : vector<10000x128xf32>, vector<128x128xf32>, vector<10000x128xf32> -> vector<10000x128xf32>
    %get3A_49 = arith.constant 0 : index
    %get3A_50 = arith.constant 0 : index
    %get3A_51 = vector.load %arg6[%get3A_49, %get3A_50] : memref<1x128xf32, #tpu.memory_space<vmem>>, vector<1x128xf32>
    %add3A_52 = vector.broadcast %get3A_51 : vector<1x128xf32> to vector<10000x128xf32>
    %add3A_53 = arith.addf %dot_general3A_48, %add3A_52 : vector<10000x128xf32>
    %max3A_54 = arith.constant 0.000000e+00 : f32
    %max3A_55 = vector.broadcast %max3A_54 : f32 to vector<10000x128xf32>
    %max3A_56 = arith.maximumf %add3A_53, %max3A_55 : vector<10000x128xf32>
    %swap3A = arith.constant 0 : index
    %swap3A_57 = arith.constant 0 : index
    %swap3A_58 = vector.load %arg7[%swap3A, %swap3A_57] : memref<10000x128xf32, #tpu.memory_space<vmem>>, vector<10000x128xf32>
    tpu.vector_store %arg7[%swap3A, %swap3A_57], %max3A_56 {strides = array<i32>} : memref<10000x128xf32, #tpu.memory_space<vmem>>, vector<10000x128xf32>,
    return
  }
}

module attributes {stable_mosaic.version = 14 : i64} {
  func.func @body(%arg0: memref<2x10000x128xf32, #tpu.memory_space<vmem>>, %arg1: memref<128x128xf32, #tpu.memory_space<vmem>>, %arg2: memref<1x128xf32, #tpu.memory_space<vmem>>, %arg3: memref<1x128xf32, #tpu.memory_space<vmem>>, %arg4: memref<1x128xf32, #tpu.memory_space<vmem>>, %arg5: memref<128x128xf32, #tpu.memory_space<vmem>>, %arg6: memref<1x128xf32, #tpu.memory_space<vmem>>, %arg7: memref<10000x1xf32, #tpu.memory_space<vmem>>, %arg8: memref<64x128xf32, #tpu.memory_space<vmem>>) attributes {dimension_semantics = [], scalar_prefetch = 0 : i64, scratch_operands = 0 : i64, tpu.core_type = #tpu.core_type<tc>} {
    %get3A = arith.constant 0 : index
    %get3A_0 = arith.constant 0 : index
    %get3A_1 = arith.constant 0 : index
    %get3A_2 = vector.load %arg0[%get3A, %get3A_0, %get3A_1] : memref<2x10000x128xf32, #tpu.memory_space<vmem>>, vector<1x10000x128xf32>
    %get3A_3 = vector.shape_cast %get3A_2 : vector<1x10000x128xf32> to vector<10000x128xf32>
    %get3A_4 = arith.constant 1 : index
    %get3A_5 = arith.constant 0 : index
    %get3A_6 = arith.constant 0 : index
    %get3A_7 = vector.load %arg0[%get3A_4, %get3A_5, %get3A_6] : memref<2x10000x128xf32, #tpu.memory_space<vmem>>, vector<1x10000x128xf32>
    %get3A_8 = vector.shape_cast %get3A_7 : vector<1x10000x128xf32> to vector<10000x128xf32>
    %add3A = arith.addf %get3A_3, %get3A_8 : vector<10000x128xf32>
    %get3A_9 = arith.constant 0 : index
    %get3A_10 = arith.constant 0 : index
    %get3A_11 = vector.load %arg1[%get3A_9, %get3A_10] : memref<128x128xf32, #tpu.memory_space<vmem>>, vector<128x128xf32>
    %dot_general3A = arith.constant dense<0.000000e+00> : vector<10000x128xf32>
    %dot_general3A_12 = tpu.matmul %add3A, %get3A_11, %dot_general3A {dimension_numbers = #tpu.dot_dimension_numbers<[1], [0], [0], [1], [0, 0, 1, 1], [], []>, precision = #tpu.contract_precision<fp32>, transpose_lhs_hint = false} : vector<10000x128xf32>, vector<128x128xf32>, vector<10000x128xf32> -> vector<10000x128xf32>
    %get3A_13 = arith.constant 0 : index
    %get3A_14 = arith.constant 0 : index
    %get3A_15 = vector.load %arg2[%get3A_13, %get3A_14] : memref<1x128xf32, #tpu.memory_space<vmem>>, vector<1x128xf32>
    %add3A_16 = vector.broadcast %get3A_15 : vector<1x128xf32> to vector<10000x128xf32>
    %add3A_17 = arith.addf %dot_general3A_12, %add3A_16 : vector<10000x128xf32>
    %reduce_sum3A = arith.constant dense<0.000000e+00> : vector<128xf32>
    %reduce_sum3A_18 = vector.multi_reduction <add>, %add3A_17, %reduce_sum3A [0] : vector<10000x128xf32> to vector<128xf32>
    %broadcast_in_dim3A = vector.shape_cast %reduce_sum3A_18 : vector<128xf32> to vector<1x128xf32>
    %div3A = arith.constant 1.000000e+04 : f32
    %div3A_19 = vector.broadcast %div3A : f32 to vector<1x128xf32>
    %div3A_20 = arith.divf %broadcast_in_dim3A, %div3A_19 : vector<1x128xf32>
    %sub3A = vector.broadcast %div3A_20 : vector<1x128xf32> to vector<10000x128xf32>
    %sub3A_21 = arith.subf %add3A_17, %sub3A : vector<10000x128xf32>
    %mul3A = arith.mulf %sub3A_21, %sub3A_21 : vector<10000x128xf32>
    %reduce_sum3A_22 = arith.constant dense<0.000000e+00> : vector<128xf32>
    %reduce_sum3A_23 = vector.multi_reduction <add>, %mul3A, %reduce_sum3A_22 [0] : vector<10000x128xf32> to vector<128xf32>
    %broadcast_in_dim3A_24 = vector.shape_cast %reduce_sum3A_23 : vector<128xf32> to vector<1x128xf32>
    %mul3A_25 = arith.constant 9.99999974E-5 : f32
    %mul3A_26 = vector.broadcast %mul3A_25 : f32 to vector<1x128xf32>
    %mul3A_27 = arith.mulf %broadcast_in_dim3A_24, %mul3A_26 : vector<1x128xf32>
    %get3A_28 = arith.constant 0 : index
    %get3A_29 = arith.constant 0 : index
    %get3A_30 = vector.load %arg3[%get3A_28, %get3A_29] : memref<1x128xf32, #tpu.memory_space<vmem>>, vector<1x128xf32>
    %add3A_31 = arith.constant 9.99999974E-6 : f32
    %add3A_32 = vector.broadcast %add3A_31 : f32 to vector<1x128xf32>
    %add3A_33 = arith.addf %mul3A_27, %add3A_32 : vector<1x128xf32>
    %rsqrt3A = math.rsqrt %add3A_33 : vector<1x128xf32>
    %mul3A_34 = arith.mulf %get3A_30, %rsqrt3A : vector<1x128xf32>
    %mul3A_35 = vector.broadcast %mul3A_34 : vector<1x128xf32> to vector<10000x128xf32>
    %mul3A_36 = arith.mulf %sub3A_21, %mul3A_35 : vector<10000x128xf32>
    %get3A_37 = arith.constant 0 : index
    %get3A_38 = arith.constant 0 : index
    %get3A_39 = vector.load %arg4[%get3A_37, %get3A_38] : memref<1x128xf32, #tpu.memory_space<vmem>>, vector<1x128xf32>
    %add3A_40 = vector.broadcast %get3A_39 : vector<1x128xf32> to vector<10000x128xf32>
    %add3A_41 = arith.addf %mul3A_36, %add3A_40 : vector<10000x128xf32>
    %max3A = arith.constant 0.000000e+00 : f32
    %max3A_42 = vector.broadcast %max3A : f32 to vector<10000x128xf32>
    %max3A_43 = arith.maximumf %add3A_41, %max3A_42 : vector<10000x128xf32>
    %get3A_44 = arith.constant 0 : index
    %get3A_45 = arith.constant 0 : index
    %get3A_46 = vector.load %arg5[%get3A_44, %get3A_45] : memref<128x128xf32, #tpu.memory_space<vmem>>, vector<128x128xf32>
    %dot_general3A_47 = arith.constant dense<0.000000e+00> : vector<10000x128xf32>
    %dot_general3A_48 = tpu.matmul %max3A_43, %get3A_46, %dot_general3A_47 {dimension_numbers = #tpu.dot_dimension_numbers<[1], [0], [0], [1], [0, 0, 1, 1], [], []>, precision = #tpu.contract_precision<fp32>, transpose_lhs_hint = false} : vector<10000x128xf32>, vector<128x128xf32>, vector<10000x128xf32> -> vector<10000x128xf32>
    %get3A_49 = arith.constant 0 : index
    %get3A_50 = arith.constant 0 : index
    %get3A_51 = vector.load %arg6[%get3A_49, %get3A_50] : memref<1x128xf32, #tpu.memory_space<vmem>>, vector<1x128xf32>
    %add3A_52 = vector.broadcast %get3A_51 : vector<1x128xf32> to vector<10000x128xf32>
    %add3A_53 = arith.addf %dot_general3A_48, %add3A_52 : vector<10000x128xf32>
    %max3A_54 = arith.constant 0.000000e+00 : f32
    %max3A_55 = vector.broadcast %max3A_54 : f32 to vector<10000x128xf32>
    %max3A_56 = arith.maximumf %add3A_53, %max3A_55 : vector<10000x128xf32>
    %get3A_57 = arith.constant 0 : index
    %get3A_58 = arith.constant 0 : index
    %get3A_59 = vector.load %arg7[%get3A_57, %get3A_58] : memref<10000x1xf32, #tpu.memory_space<vmem>>, vector<10000x1xf32>
    %iota3A = tpu.iota {dimensions = array<i32: 1>} : vector<10000x64xi32>
    %convert_element_type3A = arith.sitofp %iota3A : vector<10000x64xi32> to vector<10000x64xf32>
    %eq3A = vector.broadcast %get3A_59 : vector<10000x1xf32> to vector<10000x64xf32>
    %eq3A_60 = arith.cmpf oeq, %eq3A, %convert_element_type3A : vector<10000x64xf32>
    %convert_element_type3A_61 = arith.extui %eq3A_60 : vector<10000x64xi1> to vector<10000x64xi32>
    %convert_element_type3A_62 = arith.sitofp %convert_element_type3A_61 : vector<10000x64xi32> to vector<10000x64xf32>
    %dot_general3A_63 = arith.constant dense<0.000000e+00> : vector<64x128xf32>
    %dot_general3A_64 = tpu.matmul %convert_element_type3A_62, %max3A_56, %dot_general3A_63 {dimension_numbers = #tpu.dot_dimension_numbers<[0], [0], [1], [1], [0, 1, 1, 1], [], []>, precision = #tpu.contract_precision<fp32>, transpose_lhs_hint = false} : vector<10000x64xf32>, vector<10000x128xf32>, vector<64x128xf32> -> vector<64x128xf32>
    %reduce_sum3A_65 = arith.constant dense<0.000000e+00> : vector<64xf32>
    %reduce_sum3A_66 = vector.multi_reduction <add>, %convert_element_type3A_62, %reduce_sum3A_65 [0] : vector<10000x64xf32> to vector<64xf32>
    %broadcast_in_dim3A_67 = vector.shape_cast %reduce_sum3A_66 : vector<64xf32> to vector<64x1xf32>
    %max3A_68 = arith.constant 1.000000e+00 : f32
    %max3A_69 = vector.broadcast %max3A_68 : f32 to vector<64x1xf32>
    %max3A_70 = arith.maximumf %broadcast_in_dim3A_67, %max3A_69 : vector<64x1xf32>
    %div3A_71 = vector.broadcast %max3A_70 : vector<64x1xf32> to vector<64x128xf32>
    %div3A_72 = arith.divf %dot_general3A_64, %div3A_71 : vector<64x128xf32>
    %swap3A = arith.constant 0 : index
    %swap3A_73 = arith.constant 0 : index
    %swap3A_74 = vector.load %arg8[%swap3A, %swap3A_73] : memref<64x128xf32, #tpu.memory_space<vmem>>, vector<64x128xf32>
    tpu.vector_store %arg8[%swap3A, %swap3A_73], %div3A_72 {strides = array<i32>} : memref<64x128xf32, #tpu.memory_space<vmem>>, vector<64x128xf32>,
    return
  }
}

</mosaic_0001>

<sc_bundles>
// kernel: kernel.6.cloned.1.call-start
scs
__scs_entry_jumppad:
0x0: {  	(pc) =	sbr.rel $0x88, $3  }
0x1: {  	(tag) =	ssettag $0x0;
	lr =	simm.s32 $0x1  }
0x2: {  	[smem:$0x3F92] =	sst lr;
	_ =	strace $0xD0000000  }
0x3: {  	_ = 	snop  }
0x4: {  	_ = 	snop  }
0x5: {  	_ = 	snop  }
0x6: {  	_ = 	snop  }
0x7: {  	_ = 	snop  }
__scs_overlays_trampoline_lowered:
0x8: {  	[smem:$0x3FA1] =	sst s0  }
0x9: {  	[smem:$0x3FA2] =	sst s1  }
0xa: {  	[smem:$0x3FA3] =	sst s2  }
0xb: {  	[smem:$0x3FA4] =	sst s3  }
0xc: {  	[smem:$0x3FA5] =	sst s4  }
0xd: {  	[smem:$0x3FA6] =	sst s5  }
0xe: {  	[smem:$0x3FA7] =	sst s6  }
0xf: {  	[smem:$0x3FA8] =	sst s7  }
0x10: {  	[smem:$0x3FA9] =	sst s8  }
0x11: {  	[smem:$0x3FAA] =	sst s9;
	s0 =	simm.s32 @!p0 $0x0  }
0x12: {  	s1 =	sld [smem:$0x3F90];
	s0 =	simm.s32 @p0 $0x1  }
0x13: {  	[smem:$0x3FAB] =	sst s0;
	s0 =	simm.s32 @!p1 $0x0  }
0x14: {  	s2 =	sld [smem:$0x3F8F];
	s0 =	simm.s32 @p1 $0x1  }
0x15: {  	[smem:$0x3FAC] =	sst s0;
	s0 =	simm.s32 @!p2 $0x0  }
0x16: {  	s3 =	sld [smem:$0x3FDB];
	s0 =	simm.s32 @p2 $0x1  }
0x17: {  	s4 =	simm.s32 $0x1BF5;
	[smem:$0x3FAE] =	sst s0  }
0x18: {  	s0 =	sld [smem:$0x3F91];
	_ =	swait.ge [sflag:s4], $0x0  }
0x19: {  	s7 =	sld [smem:$0x3F92]  }
0x1a: {  	s8 =	sadd.s32 $0xFFFFE003, lr  }
0x1b: {  	s9 =	sadd.s32 $0xFFFFFEF7, lr;
	s5 =	simm.s32 $0xFFFFFFFF;
	p2 =	slt.u32 s8, $0xFFFFF086  }
0x1c: {  	p1 =	slt.u32 s9, $0xF7A;
	s5 =	simm.s32 @!p2 $0x0  }
0x1d: {  	s5 =	simm.s32 @p1 $0x1;
	p0 =	seq.s32 s7, s2  }
0x1e: {  	s7 =	smul.u32 @!p0 $0xF7A, s2;
	p2 =	seq.s32 @!p0 s5, $0x0  }
0x1f: {  	s9 =	smul.u32 $0xF7A, s1;
	s8 =	simm.s32 @!p0 $0x1BF5;
	p2 =	por !p2, p0  }
0x20: {  	[sflag:s8] =	ssyncset.s32 @!p0 $0xFFFFF086;
	s6 =	sadd.s32 @!p0 s3, s7;
	s7 =	simm.s32 @!p0 $0x108  }
0x21: {  	s3 =	sadd.s32 s3, s9;
	s6 =	sadd.s32 @!p0 $0x88, s6;
	s7 =	simm.s32 @p2 $0x1082  }
0x22: {  	[simem:s7], [sflag:s8] =	dma.local @!p0 [hbm:s6], $0xF7A  }
0x23: {  	s9 =	sor.u32 $0xD0000000, s2;
	s6 =	simm.s32 $0x108;
	_ =	swait.ge @!p0 [sflag:s8], $0x0  }
0x24: {  	s3 =	sadd.s32 $0x88, s3;
	s6 =	simm.s32 @!p1 $0x1082;
	[sflag:s4] =	ssyncset.s32 $0xFFFFF086  }
0x25: {  	[simem:s6], [sflag:s4] =	dma.local [hbm:s3], $0xF7A  }
0x26: {  	[smem:$0x3F92] =	sst s1;
	(tag) =	ssettag s2;
	_ =	strace s9  }
0x27: {  	s1 =	sld [smem:$0x3FA2]  }
0x28: {  	s2 =	sld [smem:$0x3FA3]  }
0x29: {  	s4 =	sld [smem:$0x3FA5]  }
0x2a: {  	p0 =	seq.s32 s5, $0x0;
	s5 =	sld [smem:$0x3FA6]  }
0x2b: {  	s6 =	sld [smem:$0x3FA7]  }
0x2c: {  	s7 =	sld [smem:$0x3FA8]  }
0x2d: {  	s3 =	simm.s32 $0x108;
	s8 =	sld [smem:$0x3FA9]  }
0x2e: {  	s3 =	simm.s32 @!p0 $0x1082;
	s9 =	sld [smem:$0x3FAA]  }
0x2f: {  	lr =	sadd.s32 s0, s3;
	s0 =	sld [smem:$0x3FA1]  }
0x30: {  	s3 =	sld [smem:$0x3FA4]  }
0x31: {  	[smem:$0x3FAD] =	sst s10  }
0x32: {  	s10 =	sld [smem:$0x3FAB];
	_ =	sdelay $0x3  }
0x33: {  	p0 =	seq.s32 s10, $0x1;
	s10 =	sld [smem:$0x3FAD];
	_ =	sdelay $0x3  }
0x34: {  	[smem:$0x3FAD] =	sst s10  }
0x35: {  	s10 =	sld [smem:$0x3FAC];
	_ =	sdelay $0x3  }
0x36: {  	p1 =	seq.s32 s10, $0x1;
	s10 =	sld [smem:$0x3FAD];
	_ =	sdelay $0x3  }
0x37: {  	[smem:$0x3FAD] =	sst s10  }
0x38: {  	s10 =	sld [smem:$0x3FAE]  }
0x39: {  	_ = 	snop;
	(pc) =	sbr.ind lr, $3  }
0x3a: {  	_ = 	snop  }
0x3b: {  	_ = 	snop  }
0x3c: {  	p2 =	seq.s32 s10, $0x1;
	s10 =	sld [smem:$0x3FAD]  }
0x3d: {  	_ =	shalt  }
0x3e: {  	_ =	shalt  }
0x3f: {  	_ =	shalt  }
0x40: {  	_ =	shalt  }
0x41: {  	_ =	shalt  }
0x42: {  	_ =	shalt  }
0x43: {  	_ =	shalt  }
0x44: {  	_ =	shalt  }
0x45: {  	_ =	shalt  }
0x46: {  	_ =	shalt  }
0x47: {  	_ =	shalt  }
0x48: {  	_ =	shalt  }
0x49: {  	_ =	shalt  }
0x4a: {  	_ =	shalt  }
0x4b: {  	_ =	shalt  }
0x4c: {  	_ =	shalt  }
0x4d: {  	_ =	shalt  }
0x4e: {  	_ =	shalt  }
0x4f: {  	_ =	shalt  }
0x50: {  	_ =	shalt  }
0x51: {  	_ =	shalt  }
0x52: {  	_ =	shalt  }
0x53: {  	_ =	shalt  }
0x54: {  	_ =	shalt  }
0x55: {  	_ =	shalt  }
0x56: {  	_ =	shalt  }
0x57: {  	_ =	shalt  }
0x58: {  	_ =	shalt  }
0x59: {  	_ =	shalt  }
0x5a: {  	_ =	shalt  }
0x5b: {  	_ =	shalt  }
0x5c: {  	_ =	shalt  }
0x5d: {  	_ =	shalt  }
0x5e: {  	_ =	shalt  }
0x5f: {  	_ =	shalt  }
0x60: {  	_ =	shalt  }
0x61: {  	_ =	shalt  }
0x62: {  	_ =	shalt  }
0x63: {  	_ =	shalt  }
0x64: {  	_ =	shalt  }
0x65: {  	_ =	shalt  }
0x66: {  	_ =	shalt  }
0x67: {  	_ =	shalt  }
0x68: {  	_ =	shalt  }
0x69: {  	_ =	shalt  }
0x6a: {  	_ =	shalt  }
0x6b: {  	_ =	shalt  }
0x6c: {  	_ =	shalt  }
0x6d: {  	_ =	shalt  }
0x6e: {  	_ =	shalt  }
0x6f: {  	_ =	shalt  }
0x70: {  	_ =	shalt  }
0x71: {  	_ =	shalt  }
0x72: {  	_ =	shalt  }
0x73: {  	_ =	shalt  }
0x74: {  	_ =	shalt  }
0x75: {  	_ =	shalt  }
0x76: {  	_ =	shalt  }
0x77: {  	_ =	shalt  }
0x78: {  	_ =	shalt  }
0x79: {  	_ =	shalt  }
0x7a: {  	_ =	shalt  }
0x7b: {  	_ =	shalt  }
0x7c: {  	_ =	shalt  }
0x7d: {  	_ =	shalt  }
0x7e: {  	_ =	shalt  }
0x7f: {  	_ =	shalt  }
0x80: {  	_ =	shalt  }
0x81: {  	_ =	shalt  }
0x82: {  	_ =	shalt  }
0x83: {  	_ =	shalt  }
0x84: {  	_ =	shalt  }
0x85: {  	_ =	shalt  }
0x86: {  	_ =	shalt  }
0x87: {  	_ =	shalt  }
.Lfunc_end0:
.L_simem_size_0:
called_computation_lowered:
.L_overlay_start_0:
0x88: {  	s2 =	sld [smem:$0x3FD9]  }
0x89: {  	s3 =	sld [smem:$0x3FFE];
	_ =	sdelay $0x1  }
0x8a: {  	s1 =	srdreg.scid  }
0x8b: {  	s0 =	sand.u32 $0x1, s1  }
0x8c: {  	s17 =	sshll.u32 s0, $0xA;
	s2 =	sadd.s32 s3, s2  }
0x8d: {  	s2 =	sadd.s32 s2, s17  }
0x8e: {  	[smem:$0x3FB9] =	sst s2  }
0x8f: {  	_ = 	snop  }
0x90: {  	s2 =	sld [smem:$0x3FC9];
	(tm) =	ssettm $0x1  }
0x91: {  	s18 =	sld [smem:$0x3FFB];
	_ =	sdelay $0x3  }
0x92: {  	_ =	strace s18  }
0x93: {  	s3 =	sld [smem:$0x3FFC];
	_ =	sdelay $0x3  }
0x94: {  	_ =	strace s3  }
0x95: {  	s3 =	sld [smem:$0x3FFD];
	_ =	sdelay $0x3  }
0x96: {  	_ =	strace s3  }
0x97: {  	_ =	strace $0x8FFFFFFF  }
0x98: {  	s19 =	sld [smem:$0x3FDB];
	_ =	sdelay $0x1  }
0x99: {  	s4 =	simm.s32 $_scs_section_size  }
0x9a: {  	s5 =	simm.s32 $_size__tile_overlayer_lowered;
	s6 =	simm.s32 $_tile_overlayer_lowered  }
0x9b: {  	s22 =	simm.s32 $0x1BFF;
	s21 =	sshll.u32 s6, $0x1;
	s3 =	sadd.s32 s4, s19  }
0x9c: {  	s7 =	simm.s32 $0x0;
	s20 =	sshll.u32 s5, $0x1;
	s5 =	sadd.s32 s21, s3  }
0x9d: {  	[timem:s7], [sflag:s22] =	dma.local [hbm:s5], s20  }
0x9e: {  	_ =	swait.ge [sflag:s22], s20  }
0x9f: {  	s4 =	ssub.s32 $0x0, s20;
	[sflag:s22] =	ssyncset.done $0x0  }
0xa0: {  	[sflag:s22] =	ssyncadd.s32 s4;
	_ =	sdelay $0x1  }
0xa1: {  	s23 =	simm.s32 $0x1B8B  }
0xa2: {  	_ =	swait.ge [sflag:s23], $0x1  }
0xa3: {  	[sflag:s23] =	ssyncset.done $0x0  }
0xa4: {  	s25 =	simm.s32 $0x1B8E;
	s24 =	sld [smem:$0x3FFE];
	[sflag:s23] =	ssyncadd.s32 $0xFFFFFFFF  }
0xa5: {  	s26 =	simm.s32 $execute0_lowered;
	[smem:$0x3FD2] =	sst s25  }
0xa6: {  	s5 =	sshll.u32 s26, $0x1;
	_ =	strace $0x80000046;
	[dreg:$0x1] =	wrdreg $0xFFFFFFFF  }
0xa7: {  	s28 =	simm.s32 $_size_execute0_lowered;
	s3 =	sadd.s32 s3, s5;
	[dreg:$0x0] =	wrdreg $0x0  }
0xa8: {  	s5 =	sshll.u32 s28, $0x1;
	[dreg:$0x2] =	wrdreg s3  }
0xa9: {  	[dreg:$0x3] =	wrdreg s5  }
0xaa: {  	[dreg:$0x4] =	wrdreg $0xC0  }
0xab: {  	_ =	task [dreg:s7], $0x5FFFF  }
0xac: {  	[dreg:$0x1] =	wrdreg $0xFFFFFFFF  }
0xad: {  	[dreg:$0x0] =	wrdreg $0x60  }
0xae: {  	[dreg:$0x2] =	wrdreg s2  }
0xaf: {  	[dreg:$0x3] =	wrdreg s24  }
0xb0: {  	[dreg:$0x4] =	wrdreg $0x91000  }
0xb1: {  	[dreg:$0x5] =	wrdreg $0x9  }
0xb2: {  	_ =	task.clear_ibuf [dreg:s7], $0x6FFFF;
	_ =	strace $0x90000046  }
0xb3: {  	s29 =	simm.s32 $0x9;
	_ =	strace $0x80000048  }
0xb4: {  	_ =	swait.ge [sflag:s29], $0x1  }
0xb5: {  	[sflag:s29] =	ssyncadd.s32 $0xFFFFFFFF  }
0xb6: {  	_ =	strace $0x90000048  }
0xb7: {  	_ =	sfence  }
0xb8: {  	s30 =	sld [smem:$0x0];
	_ =	sdelay $0x2  }
0xb9: {  	s31 =	sshll.u32 s1, $0xD;
	s1 =	sshrl.u32 s1, $0x2  }
0xba: {  	s3 =	sand.u32 $0x4000, s31;
	s1 =	sadd.s32 s1, s30  }
0xbb: {  	s0 =	sor.u32 s3, s0;
	s1 =	sshll.u32 s1, $0x11  }
0xbc: {  	s0 =	sor.u32 s1, s0  }
0xbd: {  	s0 =	sadd.s32 $0x8F2B, s0  }
0xbe: {  	[sflag:s0] =	ssyncadd.remote.s32 $0x1  }
0xbf: {  	_ =	sfence.sel $0xFFFF  }
0xc0: {  	[dreg:$0x0] =	wrdreg $0xFFFFFFFF;
	(pc) =	sbr.abs _section_cstart, $3  }
0xc1: {  	[dreg:$0x1] =	wrdreg $0xFFFFFFFF  }
0xc2: {  	_ =	task.clear_ibuf [dreg:s7], $0x2FFFF;
	_ =	strace $0x9FFFFFFF  }
0xc3: {  	(tm) =	ssettm $0x7FFFFFFF  }
tec
execute0_lowered:
.L_overlay_start_1:
0x0: {  	(tag) =	ssettag $0x1  }
0x1: {  	s1 =	rddreg [dreg:$0x0]  }
0x2: {  	s0 =	srdreg.scid;
	s2 =	rddreg [dreg:$0x1]  }
0x3: {  	s10 =	stileid.u32;
	s3 =	rddreg [dreg:$0x2]  }
0x4: {  	s23 =	simm.s32 $0x15;
	s30 =	simm.s32 $0x7500;
	s31 =	simm.s32 $0x11  }
0x5: {  	s28 =	simm.s32 $0x14;
	s0 =	sand.u32 $0x1, s0;
	s4 =	sshll.u32 s10, $0x1  }
0x6: {  	s11 =	sadd.s32 $0x34000, s2;
	s7 =	smul.u32 $0x4E000, s10;
	s9 =	sshll.u32 s10, $0x3  }
0x7: {  	s12 =	smul.u32 $0x2700, s10;
	s21 =	sshll.u32 s10, $0x6;
	p1 =	slt.u32 s10, $0x2  }
0x8: {  	p2 =	sgt.u32 s10, $0x1;
	s10 =	simm.s32 $0x32;
	s5 =	sor.u32 s0, s4  }
0x9: {  	s4 =	simm.s32 $0x0;
	s6 =	smul.u32 $0x27100, s0;
	s15 =	ssub.s32 $0x2, s0  }
0xa: {  	s16 =	sor.u32 $0x2700, s9;
	p0 =	sne.s32 s0, $0x0;
	[smem:$0x7FF] =	sst s4  }
0xb: {  	s17 =	sadd.s32 s11, s12;
	_ =	strace $0x80000047;
	[dreg:$0x4] =	wrdreg s11  }
0xc: {  	s0 =	sor.u32 $0x1C15, s21;
	s5 =	smul.u32 $0xC80, s5;
	[dreg:$0x6] =	wrdreg s17  }
0xd: {  	s8 =	sshrl.u32 s15, $0x1;
	s19 =	sadd.s32 s1, s12;
	[dreg:$0x5] =	wrdreg s12  }
0xe: {  	s7 =	sshrl.u32 s7, $0x2;
	s18 =	sshll.u32 s16, $0x7;
	[dreg:$0x9] =	wrdreg s19  }
0xf: {  	s7 =	sadd.s32 s7, s3;
	s9 =	sadd.s32 s18, s3;
	[dreg:$0xc] =	wrdreg s21  }
0x10: {  	[dreg:$0xd] =	wrdreg s0;
	s5 =	sadd.s32 s5, s2;
	s2 =	sadd.s32 s6, s2  }
0x11: {  	s6 =	ssub.s32 s15, s8;
	s8 =	sshll.u32 s16, $0x4;
	[dreg:$0x7] =	wrdreg s9  }
0x12: {  	s21 =	simm.s32 $0x7;
	s22 =	sshrl.u32 s9, $0x3;
	[dreg:$0x8] =	wrdreg s8  }
0x13: {  	s18 =	simm.s32 $0x5;
	s17 =	sshrl.u32 s7, $0x3;
	[dreg:$0xf] =	wrdreg s22  }
0x14: {  	s7 =	simm.s32 $0x400;
	s2 =	sadd.s32 $0x5B200, s2;
	[dreg:$0xe] =	wrdreg s17  }
0x15: {  	s12 =	sadd.s32 $0x2000, s5;
	s20 =	smax.u32 s6, $0x1;
	[dreg:$0xa] =	wrdreg s2  }
0x16: {  	s29 =	sadd.s32 $0x1B000, s5;
	[dreg:$0xb] =	wrdreg s20;
	s24 =	sadd.s32 $0x10, s12  }
0x17: {  	s22 =	simm.s32 $0xB;
	s25 =	sadd.s32 $0x10, s29;
	[dreg:$0x10] =	wrdreg s24  }
0x18: {  	s26 =	sadd.s32 $0x20, s12;
	s2 =	simm.s32 $0x0;
	[dreg:$0x11] =	wrdreg s25  }
0x19: {  	s20 =	simm.s32 $0xA;
	[dreg:$0x12] =	wrdreg s26;
	s25 =	simm.s32 $0x3  }
.LBB2_1:
.Ltmp0:
0x1a: {  	(pc) =	sbr.rel @p0 .LBB2_3-.Ltmp0, $2  }
0x1b: {  	_ =	sdelay $0x2  }
0x1c: {  	[dreg:$0x13] =	wrdreg s2  }
0x1d: {  	s0 =	rddreg [dreg:$0x9]  }
0x1e: {  	s8 =	rddreg [dreg:$0xd]  }
0x1f: {  	[spmem:s17], [sflag:s8] =	dma.local [hbm:s0], $0x2700  }
.Ltmp1:
0x20: {  	_ = 	snop;
	(pc) =	sbr.rel @p1 .LBB2_4-.Ltmp1, $4  }
.Ltmp2:
0x21: {  	_ = 	snop;
	(pc) =	sbr.rel @!p1 .LBB2_5-.Ltmp2, $4  }
0x22: {  	_ =	swait.ge [sflag:s23], $0x2700  }
0x23: {  	[sflag:s23] =	ssyncset.done $0x0  }
0x24: {  	s19 =	smov.u32 s1;
	s9 =	simm.s32 $0x200;
	[sflag:s23] =	ssyncadd.s32 $0xFFFFD900  }
0x25: {  	_ = 	snop  }
.LBB2_3:
0x26: {  	s0 =	rddreg [dreg:$0xc]  }
.Ltmp3:
0x27: {  	s26 =	rddreg [dreg:$0x6];
	s8 =	sor.u32 $0x1C15, s0;
	(pc) =	sbr.rel @p2 .LBB2_5-.Ltmp3, $4  }
0x28: {  	[spmem:s17], [sflag:s8] =	dma.local [hbm:s26], $0x2700  }
0x29: {  	_ =	swait.ge [sflag:s23], $0x2700  }
0x2a: {  	[sflag:s23] =	ssyncset.done $0x0  }
0x2b: {  	s9 =	simm.s32 $0x200;
	s19 =	rddreg [dreg:$0x4];
	[sflag:s23] =	ssyncadd.s32 $0xFFFFD900  }
.LBB2_4:
0x2c: {  	s0 =	rddreg [dreg:$0x8]  }
0x2d: {  	s26 =	rddreg [dreg:$0xf];
	s19 =	sadd.s32 s19, s0  }
0x2e: {  	[spmem:s26], [sflag:s8] =	dma.local [hbm:s19], $0x80  }
0x2f: {  	_ =	swait.ge [sflag:s23], $0x80  }
0x30: {  	[sflag:s23] =	ssyncset.done $0x0  }
0x31: {  	[sflag:s23] =	ssyncadd.s32 $0xFFFFFF80  }
.LBB2_5:
0x32: {  	s16 =	simm.s32 $0x0  }
0x33: {  	[tilespmem:s16], [sflag:$0x1] =	stream.linear.gather [hbm4b:s12+s16], $0x80, $0x38;
	[tilespmem:$0x1C980] =	vst v63  }
0x34: {  	s0 =	simm.s32 $0x280  }
0x35: {  	[tilespmem:s0], [sflag:$0x6] =	stream.linear.gather [hbm4b:s29+s16], $0x80, $0x38;
	[tilespmem:$0x1C980] =	vst v63  }
0x36: {  	s8 =	rddreg [dreg:$0x10];
	s15 =	simm.s32 $0x80  }
0x37: {  	[tilespmem:s15], [sflag:$0x2] =	stream.linear.gather [hbm4b:s8+s16], $0x80, $0x38;
	[tilespmem:$0x1C980] =	vst v63  }
0x38: {  	s26 =	rddreg [dreg:$0x11];
	s5 =	simm.s32 $0x300  }
0x39: {  	[tilespmem:s5], [sflag:$0x7] =	stream.linear.gather [hbm4b:s26+s16], $0x80, $0x38;
	[tilespmem:$0x1C980] =	vst v63  }
0x3a: {  	s2 =	rddreg [dreg:$0x12];
	s14 =	simm.s32 $0x100  }
0x3b: {  	[tilespmem:s14], [sflag:$0x3] =	stream.linear.gather [hbm4b:s2+s16], $0x80, $0x38;
	[tilespmem:$0x1C980] =	vst v63  }
0x3c: {  	s19 =	sadd.s32 $0x20, s29;
	s8 =	simm.s32 $0x380  }
0x3d: {  	[tilespmem:s8], [sflag:$0x8] =	stream.linear.gather [hbm4b:s19+s16], $0x80, $0x38;
	[tilespmem:$0x1C980] =	vst v63  }
0x3e: {  	s6 =	sadd.s32 $0x30, s12;
	s17 =	simm.s32 $0x180  }
0x3f: {  	[tilespmem:s17], [sflag:$0x4] =	stream.linear.gather [hbm4b:s6+s16], $0x80, $0x38;
	[tilespmem:$0x1C980] =	vst v63  }
0x40: {  	s11 =	sadd.s32 $0x30, s29  }
0x41: {  	[tilespmem:s7], [sflag:$0x9] =	stream.linear.gather [hbm4b:s11+s16], $0x80, $0x38;
	[tilespmem:$0x1C980] =	vst v63  }
0x42: {  	s13 =	sadd.s32 $0x40, s12  }
0x43: {  	[tilespmem:s9], [sflag:$0x5] =	stream.linear.gather [hbm4b:s13+s16], $0x80, $0x38;
	[tilespmem:$0x1C980] =	vst v63  }
0x44: {  	s23 =	sadd.s32 $0x40, s29;
	s2 =	simm.s32 $0x480;
	s6 =	simm.s32 $0x1  }
0x45: {  	[tilespmem:s2], [sflag:$0xA] =	stream.linear.gather [hbm4b:s23+s16], $0x80, $0x38;
	[tilespmem:$0x1C980] =	vst v63  }
0x46: {  	_ =	swait.ge [sflag:s6], $0x80  }
0x47: {  	[sflag:s6] =	ssyncset.done $0x0  }
0x48: {  	s24 =	simm.s32 $0x6;
	[sflag:s6] =	ssyncadd.s32 $0xFFFFFF80  }
0x49: {  	_ =	swait.ge [sflag:s24], $0x80  }
0x4a: {  	[sflag:s24] =	ssyncset.done $0x0  }
0x4b: {  	s11 =	simm.s32 $0x2;
	s6 =	simm.s32 $0x500;
	[sflag:s24] =	ssyncadd.s32 $0xFFFFFF80  }
0x4c: {  	[tilespmem:s6], [sflag:$0xB] =	stream.indirect.gather [hbm4b:s1+s10], $0x80, s4, s10, $0xb8;
	[tilespmem:$0x1C980] =	vst v63  }
0x4d: {  	_ =	swait.ge [sflag:s11], $0x80  }
0x4e: {  	[sflag:s11] =	ssyncset.done $0x0  }
0x4f: {  	[sflag:s11] =	ssyncadd.s32 $0xFFFFFF80  }
0x50: {  	_ =	swait.ge [sflag:s21], $0x80  }
0x51: {  	[sflag:s21] =	ssyncset.done $0x0  }
0x52: {  	s11 =	simm.s32 $0x2100;
	[sflag:s21] =	ssyncadd.s32 $0xFFFFFF80  }
0x53: {  	[tilespmem:s11], [sflag:$0xC] =	stream.indirect.gather [hbm4b:s1+s10], $0x80, s15, s10, $0xb8;
	[tilespmem:$0x1C980] =	vst v63  }
0x54: {  	_ =	swait.ge [sflag:s25], $0x80  }
0x55: {  	[sflag:s25] =	ssyncset.done $0x0  }
0x56: {  	s13 =	simm.s32 $0x8;
	[sflag:s25] =	ssyncadd.s32 $0xFFFFFF80  }
0x57: {  	_ =	swait.ge [sflag:s13], $0x80  }
0x58: {  	[sflag:s13] =	ssyncset.done $0x0  }
0x59: {  	s26 =	simm.s32 $0x4;
	s19 =	simm.s32 $0x3D00;
	[sflag:s13] =	ssyncadd.s32 $0xFFFFFF80  }
0x5a: {  	[tilespmem:s19], [sflag:$0xD] =	stream.indirect.gather [hbm4b:s1+s10], $0x80, s14, s10, $0xb8;
	[tilespmem:$0x1C980] =	vst v63  }
0x5b: {  	_ =	swait.ge [sflag:s26], $0x80  }
0x5c: {  	[sflag:s26] =	ssyncset.done $0x0  }
0x5d: {  	s23 =	simm.s32 $0x9;
	[sflag:s26] =	ssyncadd.s32 $0xFFFFFF80  }
0x5e: {  	_ =	swait.ge [sflag:s23], $0x80  }
0x5f: {  	[sflag:s23] =	ssyncset.done $0x0  }
0x60: {  	s24 =	simm.s32 $0x5900;
	[sflag:s23] =	ssyncadd.s32 $0xFFFFFF80  }
0x61: {  	[tilespmem:s24], [sflag:$0xE] =	stream.indirect.gather [hbm4b:s1+s10], $0x80, s17, s10, $0xb8;
	[tilespmem:$0x1C980] =	vst v63  }
0x62: {  	_ =	swait.ge [sflag:s18], $0x80  }
0x63: {  	[sflag:s18] =	ssyncset.done $0x0  }
0x64: {  	[sflag:s18] =	ssyncadd.s32 $0xFFFFFF80  }
0x65: {  	_ =	swait.ge [sflag:s20], $0x80  }
0x66: {  	[sflag:s20] =	ssyncset.done $0x0  }
0x67: {  	[sflag:s20] =	ssyncadd.s32 $0xFFFFFF80  }
0x68: {  	[tilespmem:s30], [sflag:$0xF] =	stream.indirect.gather [hbm4b:s1+s10], $0x80, s9, s10, $0xb8;
	[tilespmem:$0x1C980] =	vst v63  }
0x69: {  	_ =	swait.ge [sflag:s22], $0x1900  }
0x6a: {  	[sflag:s22] =	ssyncset.done $0x0  }
0x6b: {  	s26 =	simm.s32 $0xC;
	[sflag:s22] =	ssyncadd.s32 $0xFFFFE700  }
0x6c: {  	[spmem:s3] =	stream.indirect.scatter.add.f32 [tilespmem:s6], [sflag:$0x10], $0x80, s0, s10, $0xb8;
	[tilespmem:$0x1C980] =	vst v63  }
0x6d: {  	_ =	swait.ge [sflag:s26], $0x1900  }
0x6e: {  	[sflag:s26] =	ssyncset.done $0x0  }
0x6f: {  	[sflag:s26] =	ssyncadd.s32 $0xFFFFE700  }
0x70: {  	[spmem:s3] =	stream.indirect.scatter.add.f32 [tilespmem:s11], [sflag:$0x11], $0x80, s5, s10, $0xb8;
	[tilespmem:$0x1C980] =	vst v63  }
0x71: {  	s11 =	simm.s32 $0xD  }
0x72: {  	_ =	swait.ge [sflag:s11], $0x1900  }
0x73: {  	[sflag:s11] =	ssyncset.done $0x0  }
0x74: {  	[sflag:s11] =	ssyncadd.s32 $0xFFFFE700  }
0x75: {  	[spmem:s3] =	stream.indirect.scatter.add.f32 [tilespmem:s19], [sflag:$0x12], $0x80, s8, s10, $0xb8;
	[tilespmem:$0x1C980] =	vst v63  }
0x76: {  	s19 =	simm.s32 $0xE  }
0x77: {  	_ =	swait.ge [sflag:s19], $0x1900  }
0x78: {  	[sflag:s19] =	ssyncset.done $0x0  }
0x79: {  	s23 =	simm.s32 $0xF;
	[sflag:s19] =	ssyncadd.s32 $0xFFFFE700  }
0x7a: {  	[spmem:s3] =	stream.indirect.scatter.add.f32 [tilespmem:s24], [sflag:$0x13], $0x80, s7, s10, $0xb8;
	[tilespmem:$0x1C980] =	vst v63  }
0x7b: {  	_ =	swait.ge [sflag:s23], $0x1900  }
0x7c: {  	[sflag:s23] =	ssyncset.done $0x0  }
0x7d: {  	[sflag:s23] =	ssyncadd.s32 $0xFFFFE700  }
0x7e: {  	[spmem:s3] =	stream.indirect.scatter.add.f32 [tilespmem:s30], [sflag:$0x14], $0x80, s2, s10, $0xb8;
	[tilespmem:$0x1C980] =	vst v63  }
0x7f: {  	s30 =	simm.s32 $0x10  }
0x80: {  	_ =	swait.ge [sflag:s30], $0x1900  }
0x81: {  	s19 =	sadd.s32 $0x0, s12;
	[sflag:s30] =	ssyncset.done $0x0  }
0x82: {  	s6 =	sadd.s32 $0x0, s29;
	s23 =	sadd.s32 $0x50, s19;
	[sflag:s30] =	ssyncadd.s32 $0xFFFFE700  }
0x83: {  	[tilespmem:s4], [sflag:$0x1] =	stream.linear.gather [hbm4b:s23+s4], $0x80, $0x38;
	[tilespmem:$0x1C980] =	vst v63  }
0x84: {  	s24 =	sadd.s32 $0x50, s6  }
0x85: {  	[tilespmem:s0], [sflag:$0x6] =	stream.linear.gather [hbm4b:s24+s4], $0x80, $0x38;
	[tilespmem:$0x1C980] =	vst v63  }
0x86: {  	_ =	swait.ge [sflag:s31], $0x1900  }
0x87: {  	[sflag:s31] =	ssyncset.done $0x0  }
0x88: {  	s26 =	sadd.s32 $0x60, s19;
	[sflag:s31] =	ssyncadd.s32 $0xFFFFE700  }
0x89: {  	[tilespmem:s15], [sflag:$0x2] =	stream.linear.gather [hbm4b:s26+s4], $0x80, $0x38;
	[tilespmem:$0x1C980] =	vst v63  }
0x8a: {  	s2 =	sadd.s32 $0x60, s6  }
0x8b: {  	[tilespmem:s5], [sflag:$0x7] =	stream.linear.gather [hbm4b:s2+s4], $0x80, $0x38;
	[tilespmem:$0x1C980] =	vst v63  }
0x8c: {  	s2 =	simm.s32 $0x12  }
0x8d: {  	_ =	swait.ge [sflag:s2], $0x1900  }
0x8e: {  	[sflag:s2] =	ssyncset.done $0x0  }
0x8f: {  	s11 =	sadd.s32 $0x70, s19;
	[sflag:s2] =	ssyncadd.s32 $0xFFFFE700  }
0x90: {  	[tilespmem:s14], [sflag:$0x3] =	stream.linear.gather [hbm4b:s11+s4], $0x80, $0x38;
	[tilespmem:$0x1C980] =	vst v63  }
0x91: {  	s13 =	sadd.s32 $0x70, s6;
	s14 =	sand.u32 $0xFF80, s16;
	s11 =	simm.s32 $0x13  }
0x92: {  	[tilespmem:s8], [sflag:$0x8] =	stream.linear.gather [hbm4b:s13+s4], $0x80, $0x38;
	[tilespmem:$0x1C980] =	vst v63  }
0x93: {  	s15 =	sadd.s32 $0x400, s14;
	_ =	swait.ge [sflag:s11], $0x1900  }
0x94: {  	s23 =	sshrl.u32 s15, $0x3;
	[sflag:s11] =	ssyncset.done $0x0  }
0x95: {  	s16 =	sadd.s32 s12, s23;
	[sflag:s11] =	ssyncadd.s32 $0xFFFFE700  }
0x96: {  	[tilespmem:s17], [sflag:$0x4] =	stream.linear.gather [hbm4b:s16+s4], $0x80, $0x38;
	[tilespmem:$0x1C980] =	vst v63  }
0x97: {  	s24 =	sadd.s32 s29, s23  }
0x98: {  	[tilespmem:s7], [sflag:$0x9] =	stream.linear.gather [hbm4b:s24+s4], $0x80, $0x38;
	[tilespmem:$0x1C980] =	vst v63  }
0x99: {  	_ =	swait.ge [sflag:s28], $0x1900  }
0x9a: {  	s26 =	sadd.s32 $0x90, s19;
	s19 =	simm.s32 $0x50;
	[sflag:s28] =	ssyncset.done $0x0  }
0x9b: {  	s8 =	simm.s32 $0x280;
	s23 =	sadd.s32 $0x90, s6;
	[sflag:s28] =	ssyncadd.s32 $0xFFFFE700  }
0x9c: {  	[tilespmem:s9], [sflag:$0x5] =	stream.linear.gather [hbm4b:s26+s4], $0x80, $0x38;
	[tilespmem:$0x1C980] =	vst v63  }
.LBB2_6:
0x9d: {  	s26 =	simm.s32 $0x480  }
0x9e: {  	[tilespmem:s26], [sflag:$0xA] =	stream.linear.gather [hbm4b:s23+s4], $0x80, $0x38;
	[tilespmem:$0x1C980] =	vst v63  }
0x9f: {  	s5 =	simm.s32 $0x1;
	s23 =	smov.u32 s19  }
0xa0: {  	p3 =	sne.s32 s19, $0xBE0;
	s19 =	sadd.s32 $0x50, s19;
	_ =	swait.ge [sflag:s5], $0x80  }
0xa1: {  	[sflag:s5] =	ssyncset.done $0x0  }
0xa2: {  	[sflag:s5] =	ssyncadd.s32 $0xFFFFFF80;
	s5 =	simm.s32 $0x6  }
0xa3: {  	_ =	swait.ge [sflag:s5], $0x80  }
0xa4: {  	[sflag:s5] =	ssyncset.done $0x0  }
0xa5: {  	s6 =	simm.s32 $0x2;
	[sflag:s5] =	ssyncadd.s32 $0xFFFFFF80;
	s5 =	simm.s32 $0x500  }
0xa6: {  	[tilespmem:s5], [sflag:$0xB] =	stream.indirect.gather [hbm4b:s1+s10], $0x80, s4, s10, $0xb8;
	[tilespmem:$0x1C980] =	vst v63  }
0xa7: {  	_ =	swait.ge [sflag:s6], $0x80  }
0xa8: {  	[sflag:s6] =	ssyncset.done $0x0  }
0xa9: {  	[sflag:s6] =	ssyncadd.s32 $0xFFFFFF80  }
0xaa: {  	_ =	swait.ge [sflag:s21], $0x80  }
0xab: {  	[sflag:s21] =	ssyncset.done $0x0  }
0xac: {  	s24 =	simm.s32 $0x2100;
	s16 =	simm.s32 $0x80;
	[sflag:s21] =	ssyncadd.s32 $0xFFFFFF80  }
0xad: {  	[tilespmem:s24], [sflag:$0xC] =	stream.indirect.gather [hbm4b:s1+s10], $0x80, s16, s10, $0xb8;
	[tilespmem:$0x1C980] =	vst v63  }
0xae: {  	_ =	swait.ge [sflag:s25], $0x80  }
0xaf: {  	[sflag:s25] =	ssyncset.done $0x0  }
0xb0: {  	s6 =	simm.s32 $0x8;
	[sflag:s25] =	ssyncadd.s32 $0xFFFFFF80  }
0xb1: {  	_ =	swait.ge [sflag:s6], $0x80  }
0xb2: {  	s13 =	simm.s32 $0x3D00;
	[sflag:s6] =	ssyncset.done $0x0  }
0xb3: {  	s15 =	simm.s32 $0x100;
	[sflag:s6] =	ssyncadd.s32 $0xFFFFFF80;
	s6 =	simm.s32 $0x4  }
0xb4: {  	[tilespmem:s13], [sflag:$0xD] =	stream.indirect.gather [hbm4b:s1+s10], $0x80, s15, s10, $0xb8;
	[tilespmem:$0x1C980] =	vst v63  }
0xb5: {  	_ =	swait.ge [sflag:s6], $0x80  }
0xb6: {  	[sflag:s6] =	ssyncset.done $0x0  }
0xb7: {  	[sflag:s6] =	ssyncadd.s32 $0xFFFFFF80;
	s6 =	simm.s32 $0x9  }
0xb8: {  	_ =	swait.ge [sflag:s6], $0x80  }
0xb9: {  	[sflag:s6] =	ssyncset.done $0x0  }
0xba: {  	s14 =	simm.s32 $0x5900;
	[sflag:s6] =	ssyncadd.s32 $0xFFFFFF80  }
0xbb: {  	[tilespmem:s14], [sflag:$0xE] =	stream.indirect.gather [hbm4b:s1+s10], $0x80, s17, s10, $0xb8;
	[tilespmem:$0x1C980] =	vst v63  }
0xbc: {  	_ =	swait.ge [sflag:s18], $0x80  }
0xbd: {  	[sflag:s18] =	ssyncset.done $0x0  }
0xbe: {  	[sflag:s18] =	ssyncadd.s32 $0xFFFFFF80  }
0xbf: {  	_ =	swait.ge [sflag:s20], $0x80  }
0xc0: {  	[sflag:s20] =	ssyncset.done $0x0  }
0xc1: {  	s17 =	simm.s32 $0x7500;
	[sflag:s20] =	ssyncadd.s32 $0xFFFFFF80  }
0xc2: {  	[tilespmem:s17], [sflag:$0xF] =	stream.indirect.gather [hbm4b:s1+s10], $0x80, s9, s10, $0xb8;
	[tilespmem:$0x1C980] =	vst v63  }
0xc3: {  	_ =	swait.ge [sflag:s22], $0x1900  }
0xc4: {  	[sflag:s22] =	ssyncset.done $0x0  }
0xc5: {  	[sflag:s22] =	ssyncadd.s32 $0xFFFFE700  }
0xc6: {  	[spmem:s3] =	stream.indirect.scatter.add.f32 [tilespmem:s5], [sflag:$0x10], $0x80, s0, s10, $0xb8;
	[tilespmem:$0x1C980] =	vst v63  }
0xc7: {  	s5 =	simm.s32 $0xC  }
0xc8: {  	_ =	swait.ge [sflag:s5], $0x1900  }
0xc9: {  	[sflag:s5] =	ssyncset.done $0x0  }
0xca: {  	s6 =	simm.s32 $0x300;
	[sflag:s5] =	ssyncadd.s32 $0xFFFFE700;
	s5 =	simm.s32 $0xD  }
0xcb: {  	[spmem:s3] =	stream.indirect.scatter.add.f32 [tilespmem:s24], [sflag:$0x11], $0x80, s6, s10, $0xb8;
	[tilespmem:$0x1C980] =	vst v63  }
0xcc: {  	_ =	swait.ge [sflag:s5], $0x1900  }
0xcd: {  	[sflag:s5] =	ssyncset.done $0x0  }
0xce: {  	s24 =	simm.s32 $0x380;
	[sflag:s5] =	ssyncadd.s32 $0xFFFFE700;
	s5 =	simm.s32 $0xE  }
0xcf: {  	[spmem:s3] =	stream.indirect.scatter.add.f32 [tilespmem:s13], [sflag:$0x12], $0x80, s24, s10, $0xb8;
	[tilespmem:$0x1C980] =	vst v63  }
0xd0: {  	_ =	swait.ge [sflag:s5], $0x1900  }
0xd1: {  	[sflag:s5] =	ssyncset.done $0x0  }
0xd2: {  	[sflag:s5] =	ssyncadd.s32 $0xFFFFE700;
	s5 =	simm.s32 $0xF  }
0xd3: {  	[spmem:s3] =	stream.indirect.scatter.add.f32 [tilespmem:s14], [sflag:$0x13], $0x80, s7, s10, $0xb8;
	[tilespmem:$0x1C980] =	vst v63  }
0xd4: {  	_ =	swait.ge [sflag:s5], $0x1900  }
0xd5: {  	[sflag:s5] =	ssyncset.done $0x0  }
0xd6: {  	[sflag:s5] =	ssyncadd.s32 $0xFFFFE700  }
0xd7: {  	[spmem:s3] =	stream.indirect.scatter.add.f32 [tilespmem:s17], [sflag:$0x14], $0x80, s26, s10, $0xb8;
	[tilespmem:$0x1C980] =	vst v63  }
0xd8: {  	_ =	swait.ge [sflag:s30], $0x1900  }
0xd9: {  	s9 =	sadd.s32 s23, s12;
	s23 =	sadd.s32 s23, s29;
	[sflag:s30] =	ssyncset.done $0x0  }
0xda: {  	s7 =	simm.s32 $0x180;
	s17 =	sadd.s32 $0x50, s9;
	[sflag:s30] =	ssyncadd.s32 $0xFFFFE700  }
0xdb: {  	[tilespmem:s4], [sflag:$0x1] =	stream.linear.gather [hbm4b:s17+s4], $0x80, $0x38;
	[tilespmem:$0x1C980] =	vst v63  }
0xdc: {  	s17 =	sadd.s32 $0x50, s23  }
0xdd: {  	[tilespmem:s0], [sflag:$0x6] =	stream.linear.gather [hbm4b:s17+s4], $0x80, $0x38;
	[tilespmem:$0x1C980] =	vst v63  }
0xde: {  	_ =	swait.ge [sflag:s31], $0x1900  }
0xdf: {  	[sflag:s31] =	ssyncset.done $0x0  }
0xe0: {  	s13 =	simm.s32 $0x80;
	s17 =	sadd.s32 $0x60, s9;
	[sflag:s31] =	ssyncadd.s32 $0xFFFFE700  }
0xe1: {  	[tilespmem:s16], [sflag:$0x2] =	stream.linear.gather [hbm4b:s17+s4], $0x80, $0x38;
	[tilespmem:$0x1C980] =	vst v63  }
0xe2: {  	s5 =	simm.s32 $0x300;
	s17 =	sadd.s32 $0x60, s23  }
0xe3: {  	[tilespmem:s6], [sflag:$0x7] =	stream.linear.gather [hbm4b:s17+s4], $0x80, $0x38;
	[tilespmem:$0x1C980] =	vst v63  }
0xe4: {  	_ =	swait.ge [sflag:s2], $0x1900  }
0xe5: {  	[sflag:s2] =	ssyncset.done $0x0  }
0xe6: {  	s17 =	sadd.s32 $0x70, s9;
	s6 =	simm.s32 $0x100;
	[sflag:s2] =	ssyncadd.s32 $0xFFFFE700  }
0xe7: {  	[tilespmem:s15], [sflag:$0x3] =	stream.linear.gather [hbm4b:s17+s4], $0x80, $0x38;
	[tilespmem:$0x1C980] =	vst v63  }
0xe8: {  	s26 =	simm.s32 $0x380;
	s0 =	sand.u32 $0xFF80, s8;
	s17 =	sadd.s32 $0x70, s23  }
0xe9: {  	[tilespmem:s24], [sflag:$0x8] =	stream.linear.gather [hbm4b:s17+s4], $0x80, $0x38;
	[tilespmem:$0x1C980] =	vst v63  }
0xea: {  	s0 =	sadd.s32 $0x400, s0;
	_ =	swait.ge [sflag:s11], $0x1900  }
0xeb: {  	s0 =	sshrl.u32 s0, $0x3;
	[sflag:s11] =	ssyncset.done $0x0  }
0xec: {  	s17 =	sadd.s32 s12, s0;
	[sflag:s11] =	ssyncadd.s32 $0xFFFFE700  }
0xed: {  	[tilespmem:s7], [sflag:$0x4] =	stream.linear.gather [hbm4b:s17+s4], $0x80, $0x38;
	[tilespmem:$0x1C980] =	vst v63  }
0xee: {  	s7 =	simm.s32 $0x400;
	s17 =	simm.s32 $0x180  }
0xef: {  	s0 =	sadd.s32 s29, s0  }
0xf0: {  	[tilespmem:s7], [sflag:$0x9] =	stream.linear.gather [hbm4b:s0+s4], $0x80, $0x38;
	[tilespmem:$0x1C980] =	vst v63  }
0xf1: {  	_ =	swait.ge [sflag:s28], $0x1900  }
.Ltmp4:
0xf2: {  	[sflag:s28] =	ssyncset.done $0x0;
	(pc) =	sbr.rel @p3 .LBB2_6-.Ltmp4, $4  }
0xf3: {  	s0 =	sadd.s32 $0x90, s9;
	s9 =	simm.s32 $0x200;
	[sflag:s28] =	ssyncadd.s32 $0xFFFFE700  }
0xf4: {  	[tilespmem:s9], [sflag:$0x5] =	stream.linear.gather [hbm4b:s0+s4], $0x80, $0x38;
	[tilespmem:$0x1C980] =	vst v63  }
0xf5: {  	s0 =	simm.s32 $0x280  }
0xf6: {  	s8 =	sadd.s32 $0x280, s8;
	s23 =	sadd.s32 $0x90, s23  }
0xf7: {  	s8 =	simm.s32 $0x480;
	s14 =	simm.s32 $0x1  }
0xf8: {  	[tilespmem:s8], [sflag:$0xA] =	stream.linear.gather [hbm4b:s23+s4], $0x80, $0x38;
	[tilespmem:$0x1C980] =	vst v63  }
0xf9: {  	_ =	swait.ge [sflag:s14], $0x80  }
0xfa: {  	[sflag:s14] =	ssyncset.done $0x0  }
0xfb: {  	s23 =	simm.s32 $0x6;
	[sflag:s14] =	ssyncadd.s32 $0xFFFFFF80  }
0xfc: {  	_ =	swait.ge [sflag:s23], $0x80  }
0xfd: {  	[sflag:s23] =	ssyncset.done $0x0  }
0xfe: {  	s19 =	simm.s32 $0x500;
	s24 =	simm.s32 $0x2;
	[sflag:s23] =	ssyncadd.s32 $0xFFFFFF80  }
0xff: {  	[tilespmem:s19], [sflag:$0xB] =	stream.indirect.gather [hbm4b:s1+s10], $0x80, s4, s10, $0xb8;
	[tilespmem:$0x1C980] =	vst v63  }
0x100: {  	_ =	swait.ge [sflag:s24], $0x80  }
0x101: {  	[sflag:s24] =	ssyncset.done $0x0  }
0x102: {  	[sflag:s24] =	ssyncadd.s32 $0xFFFFFF80  }
0x103: {  	_ =	swait.ge [sflag:s21], $0x80  }
0x104: {  	[sflag:s21] =	ssyncset.done $0x0  }
0x105: {  	s14 =	simm.s32 $0x2100;
	[sflag:s21] =	ssyncadd.s32 $0xFFFFFF80  }
0x106: {  	[tilespmem:s14], [sflag:$0xC] =	stream.indirect.gather [hbm4b:s1+s10], $0x80, s13, s10, $0xb8;
	[tilespmem:$0x1C980] =	vst v63  }
0x107: {  	_ =	swait.ge [sflag:s25], $0x80  }
0x108: {  	[sflag:s25] =	ssyncset.done $0x0  }
0x109: {  	s15 =	simm.s32 $0x8;
	[sflag:s25] =	ssyncadd.s32 $0xFFFFFF80  }
0x10a: {  	_ =	swait.ge [sflag:s15], $0x80  }
0x10b: {  	[sflag:s15] =	ssyncset.done $0x0  }
0x10c: {  	s16 =	simm.s32 $0x4;
	s13 =	simm.s32 $0x3D00;
	[sflag:s15] =	ssyncadd.s32 $0xFFFFFF80  }
0x10d: {  	[tilespmem:s13], [sflag:$0xD] =	stream.indirect.gather [hbm4b:s1+s10], $0x80, s6, s10, $0xb8;
	[tilespmem:$0x1C980] =	vst v63  }
0x10e: {  	_ =	swait.ge [sflag:s16], $0x80  }
0x10f: {  	[sflag:s16] =	ssyncset.done $0x0  }
0x110: {  	s23 =	simm.s32 $0x9;
	[sflag:s16] =	ssyncadd.s32 $0xFFFFFF80  }
0x111: {  	_ =	swait.ge [sflag:s23], $0x80  }
0x112: {  	[sflag:s23] =	ssyncset.done $0x0  }
0x113: {  	s15 =	simm.s32 $0x5900;
	[sflag:s23] =	ssyncadd.s32 $0xFFFFFF80  }
0x114: {  	[tilespmem:s15], [sflag:$0xE] =	stream.indirect.gather [hbm4b:s1+s10], $0x80, s17, s10, $0xb8;
	[tilespmem:$0x1C980] =	vst v63  }
0x115: {  	_ =	swait.ge [sflag:s18], $0x80  }
0x116: {  	[sflag:s18] =	ssyncset.done $0x0  }
0x117: {  	[sflag:s18] =	ssyncadd.s32 $0xFFFFFF80  }
0x118: {  	_ =	swait.ge [sflag:s20], $0x80  }
0x119: {  	[sflag:s20] =	ssyncset.done $0x0  }
0x11a: {  	s24 =	simm.s32 $0x7500;
	[sflag:s20] =	ssyncadd.s32 $0xFFFFFF80  }
0x11b: {  	[tilespmem:s24], [sflag:$0xF] =	stream.indirect.gather [hbm4b:s1+s10], $0x80, s9, s10, $0xb8;
	[tilespmem:$0x1C980] =	vst v63  }
0x11c: {  	_ =	swait.ge [sflag:s22], $0x1900  }
0x11d: {  	[sflag:s22] =	ssyncset.done $0x0  }
0x11e: {  	[sflag:s22] =	ssyncadd.s32 $0xFFFFE700  }
0x11f: {  	[spmem:s3] =	stream.indirect.scatter.add.f32 [tilespmem:s19], [sflag:$0x10], $0x80, s0, s10, $0xb8;
	[tilespmem:$0x1C980] =	vst v63  }
0x120: {  	_ =	swait.ge [sflag:s30], $0x1900  }
0x121: {  	[sflag:s30] =	ssyncset.done $0x0  }
0x122: {  	s9 =	simm.s32 $0xC;
	[sflag:s30] =	ssyncadd.s32 $0xFFFFE700  }
0x123: {  	_ =	swait.ge [sflag:s9], $0x1900  }
0x124: {  	[sflag:s9] =	ssyncset.done $0x0  }
0x125: {  	[sflag:s9] =	ssyncadd.s32 $0xFFFFE700  }
0x126: {  	[spmem:s3] =	stream.indirect.scatter.add.f32 [tilespmem:s14], [sflag:$0x11], $0x80, s5, s10, $0xb8;
	[tilespmem:$0x1C980] =	vst v63  }
0x127: {  	_ =	swait.ge [sflag:s31], $0x1900  }
0x128: {  	[sflag:s31] =	ssyncset.done $0x0  }
0x129: {  	s14 =	simm.s32 $0xD;
	[sflag:s31] =	ssyncadd.s32 $0xFFFFE700  }
0x12a: {  	_ =	swait.ge [sflag:s14], $0x1900  }
0x12b: {  	[sflag:s14] =	ssyncset.done $0x0  }
0x12c: {  	[sflag:s14] =	ssyncadd.s32 $0xFFFFE700  }
0x12d: {  	[spmem:s3] =	stream.indirect.scatter.add.f32 [tilespmem:s13], [sflag:$0x12], $0x80, s26, s10, $0xb8;
	[tilespmem:$0x1C980] =	vst v63  }
0x12e: {  	_ =	swait.ge [sflag:s2], $0x1900  }
0x12f: {  	[sflag:s2] =	ssyncset.done $0x0  }
0x130: {  	s16 =	simm.s32 $0xE;
	[sflag:s2] =	ssyncadd.s32 $0xFFFFE700  }
0x131: {  	_ =	swait.ge [sflag:s16], $0x1900  }
0x132: {  	[sflag:s16] =	ssyncset.done $0x0  }
0x133: {  	[sflag:s16] =	ssyncadd.s32 $0xFFFFE700  }
0x134: {  	[spmem:s3] =	stream.indirect.scatter.add.f32 [tilespmem:s15], [sflag:$0x13], $0x80, s7, s10, $0xb8;
	[tilespmem:$0x1C980] =	vst v63  }
0x135: {  	_ =	swait.ge [sflag:s11], $0x1900  }
0x136: {  	[sflag:s11] =	ssyncset.done $0x0  }
0x137: {  	s17 =	simm.s32 $0xF;
	[sflag:s11] =	ssyncadd.s32 $0xFFFFE700  }
0x138: {  	_ =	swait.ge [sflag:s17], $0x1900  }
0x139: {  	[sflag:s17] =	ssyncset.done $0x0  }
0x13a: {  	[sflag:s17] =	ssyncadd.s32 $0xFFFFE700  }
0x13b: {  	[spmem:s3] =	stream.indirect.scatter.add.f32 [tilespmem:s24], [sflag:$0x14], $0x80, s8, s10, $0xb8;
	[tilespmem:$0x1C980] =	vst v63  }
0x13c: {  	_ =	swait.ge [sflag:s28], $0x1900  }
0x13d: {  	[sflag:s28] =	ssyncset.done $0x0  }
0x13e: {  	[sflag:s28] =	ssyncadd.s32 $0xFFFFE700  }
0x13f: {  	[bflag:$0x0] =	sbarrier.arrive $0xFFFF  }
0x140: {  	s19 =	rddreg [dreg:$0x5]  }
0x141: {  	s9 =	rddreg [dreg:$0xa]  }
0x142: {  	s23 =	rddreg [dreg:$0xc]  }
0x143: {  	s17 =	rddreg [dreg:$0xe]  }
0x144: {  	s0 =	sadd.s32 s19, s9;
	s8 =	sor.u32 $0x1C15, s23;
	s23 =	simm.s32 $0x15  }
0x145: {  	[hbm:s0], [sflag:s8] =	dma.local [spmem:s17], $0x2700  }
0x146: {  	_ =	swait.ge [sflag:s23], $0x2700  }
0x147: {  	s0 =	rddreg [dreg:$0x8]  }
0x148: {  	[sflag:s23] =	ssyncset.done $0x0;
	s0 =	sadd.s32 @!p2 s0, s9;
	s9 =	rddreg [dreg:$0x7]  }
0x149: {  	[sflag:s23] =	ssyncadd.s32 $0xFFFFD900;
	s9 =	sshrl.u32 @!p2 s9, $0x3  }
0x14a: {  	[hbm:s0], [sflag:s8] =	dma.local @!p2 [spmem:s9], $0x80  }
0x14b: {  	s0 =	simm.s32 @!p2 $0x15  }
0x14c: {  	_ =	swait.ge @!p2 [sflag:s0], $0x80  }
0x14d: {  	s24 =	rddreg [dreg:$0x13]  }
0x14e: {  	s26 =	rddreg [dreg:$0xb];
	s2 =	sadd.s32 $0x1, s24  }
0x14f: {  	p3 =	sne.s32 s2, s26  }
.Ltmp5:
0x150: {  	_ = 	snop;
	(pc) =	sbr.rel @p3 .LBB2_1-.Ltmp5, $3  }
0x151: {  	_ =	sdelay $0x1  }
0x152: {  	[sflag:s0] =	ssyncset.done @!p2 $0x0  }
0x153: {  	s30 =	simm.s32 $0x7500;
	[sflag:s0] =	ssyncadd.s32 @!p2 $0xFFFFFF80  }
0x154: {  	_ =	sfence.sel $0x180000  }
0x155: {  	[bflag:$0x0] =	sbarrier.arrive $0xFFFF  }
0x156: {  	_ =	strace $0x90000047  }
0x157: {  	s0 =	stileid.u32;
	[bflag:$0x2] =	sbarrier.arrive $0xFFFF  }
0x158: {  	p0 =	sne.s32 s0, $0x0;
	s0 =	rddreg [dreg:$0x3]  }
0x159: {  	s0 =	sadd.s32 @!p0 $0x100000, s0  }
0x15a: {  	[sflag:s0] =	ssyncadd.tile.s32 @!p0 $0x1;
	_ =	shalt  }
.Lfunc_end2:
_tile_overlayer_lowered:
.L_overlay_start_2:
0x15b: {  	(tag) =	ssettag $0x2  }
0x15c: {  	s0 =	rddreg [dreg:$0x0];
	s2 =	stileid.u32  }
0x15d: {  	s1 =	rddreg [dreg:$0x1];
	p0 =	sne.s32 s2, $0x0  }
0x15e: {  	s3 =	rddreg [dreg:$0x2];
	[bflag:$0x3] =	sbarrier.arrive $0xFFFF;
	s2 =	simm.s32 @!p0 $0x1C15  }
0x15f: {  	[timem:s3], [sflag:s2] =	dma.local @!p0 [hbm:s0], s1  }
0x160: {  	s0 =	simm.s32 @!p0 $0x15  }
0x161: {  	_ =	swait.ge @!p0 [sflag:s0], s1  }
0x162: {  	s1 =	ssub.s32 @!p0 $0x0, s1;
	[sflag:s0] =	ssyncset.done @!p0 $0x0  }
0x163: {  	[sflag:s0] =	ssyncadd.s32 @!p0 s1  }
0x164: {  	[bflag:$0x3] =	sbarrier.arrive $0xFFFF  }
0x165: {  	_ =	shalt  }

// kernel: kernel.9.cloned.1.call-start
scs
__scs_entry_jumppad:
0x0: {  	(pc) =	sbr.rel $0x88, $3  }
0x1: {  	(tag) =	ssettag $0x0;
	lr =	simm.s32 $0x1  }
0x2: {  	[smem:$0x3F92] =	sst lr;
	_ =	strace $0xD0000000  }
0x3: {  	_ = 	snop  }
0x4: {  	_ = 	snop  }
0x5: {  	_ = 	snop  }
0x6: {  	_ = 	snop  }
0x7: {  	_ = 	snop  }
__scs_overlays_trampoline_lowered:
0x8: {  	[smem:$0x3FA1] =	sst s0  }
0x9: {  	[smem:$0x3FA2] =	sst s1  }
0xa: {  	[smem:$0x3FA3] =	sst s2  }
0xb: {  	[smem:$0x3FA4] =	sst s3  }
0xc: {  	[smem:$0x3FA5] =	sst s4  }
0xd: {  	[smem:$0x3FA6] =	sst s5  }
0xe: {  	[smem:$0x3FA7] =	sst s6  }
0xf: {  	[smem:$0x3FA8] =	sst s7  }
0x10: {  	[smem:$0x3FA9] =	sst s8  }
0x11: {  	[smem:$0x3FAA] =	sst s9;
	s0 =	simm.s32 @!p0 $0x0  }
0x12: {  	s1 =	sld [smem:$0x3F90];
	s0 =	simm.s32 @p0 $0x1  }
0x13: {  	[smem:$0x3FAB] =	sst s0;
	s0 =	simm.s32 @!p1 $0x0  }
0x14: {  	s2 =	sld [smem:$0x3F8F];
	s0 =	simm.s32 @p1 $0x1  }
0x15: {  	[smem:$0x3FAC] =	sst s0;
	s0 =	simm.s32 @!p2 $0x0  }
0x16: {  	s3 =	sld [smem:$0x3FDB];
	s0 =	simm.s32 @p2 $0x1  }
0x17: {  	s4 =	simm.s32 $0x1BF5;
	[smem:$0x3FAE] =	sst s0  }
0x18: {  	s0 =	sld [smem:$0x3F91];
	_ =	swait.ge [sflag:s4], $0x0  }
0x19: {  	s7 =	sld [smem:$0x3F92]  }
0x1a: {  	s8 =	sadd.s32 $0xFFFFE003, lr  }
0x1b: {  	s9 =	sadd.s32 $0xFFFFFEF7, lr;
	s5 =	simm.s32 $0xFFFFFFFF;
	p2 =	slt.u32 s8, $0xFFFFF086  }
0x1c: {  	p1 =	slt.u32 s9, $0xF7A;
	s5 =	simm.s32 @!p2 $0x0  }
0x1d: {  	s5 =	simm.s32 @p1 $0x1;
	p0 =	seq.s32 s7, s2  }
0x1e: {  	s7 =	smul.u32 @!p0 $0xF7A, s2;
	p2 =	seq.s32 @!p0 s5, $0x0  }
0x1f: {  	s9 =	smul.u32 $0xF7A, s1;
	s8 =	simm.s32 @!p0 $0x1BF5;
	p2 =	por !p2, p0  }
0x20: {  	[sflag:s8] =	ssyncset.s32 @!p0 $0xFFFFF086;
	s6 =	sadd.s32 @!p0 s3, s7;
	s7 =	simm.s32 @!p0 $0x108  }
0x21: {  	s3 =	sadd.s32 s3, s9;
	s6 =	sadd.s32 @!p0 $0x88, s6;
	s7 =	simm.s32 @p2 $0x1082  }
0x22: {  	[simem:s7], [sflag:s8] =	dma.local @!p0 [hbm:s6], $0xF7A  }
0x23: {  	s9 =	sor.u32 $0xD0000000, s2;
	s6 =	simm.s32 $0x108;
	_ =	swait.ge @!p0 [sflag:s8], $0x0  }
0x24: {  	s3 =	sadd.s32 $0x88, s3;
	s6 =	simm.s32 @!p1 $0x1082;
	[sflag:s4] =	ssyncset.s32 $0xFFFFF086  }
0x25: {  	[simem:s6], [sflag:s4] =	dma.local [hbm:s3], $0xF7A  }
0x26: {  	[smem:$0x3F92] =	sst s1;
	(tag) =	ssettag s2;
	_ =	strace s9  }
0x27: {  	s1 =	sld [smem:$0x3FA2]  }
0x28: {  	s2 =	sld [smem:$0x3FA3]  }
0x29: {  	s4 =	sld [smem:$0x3FA5]  }
0x2a: {  	p0 =	seq.s32 s5, $0x0;
	s5 =	sld [smem:$0x3FA6]  }
0x2b: {  	s6 =	sld [smem:$0x3FA7]  }
0x2c: {  	s7 =	sld [smem:$0x3FA8]  }
0x2d: {  	s3 =	simm.s32 $0x108;
	s8 =	sld [smem:$0x3FA9]  }
0x2e: {  	s3 =	simm.s32 @!p0 $0x1082;
	s9 =	sld [smem:$0x3FAA]  }
0x2f: {  	lr =	sadd.s32 s0, s3;
	s0 =	sld [smem:$0x3FA1]  }
0x30: {  	s3 =	sld [smem:$0x3FA4]  }
0x31: {  	[smem:$0x3FAD] =	sst s10  }
0x32: {  	s10 =	sld [smem:$0x3FAB];
	_ =	sdelay $0x3  }
0x33: {  	p0 =	seq.s32 s10, $0x1;
	s10 =	sld [smem:$0x3FAD];
	_ =	sdelay $0x3  }
0x34: {  	[smem:$0x3FAD] =	sst s10  }
0x35: {  	s10 =	sld [smem:$0x3FAC];
	_ =	sdelay $0x3  }
0x36: {  	p1 =	seq.s32 s10, $0x1;
	s10 =	sld [smem:$0x3FAD];
	_ =	sdelay $0x3  }
0x37: {  	[smem:$0x3FAD] =	sst s10  }
0x38: {  	s10 =	sld [smem:$0x3FAE]  }
0x39: {  	_ = 	snop;
	(pc) =	sbr.ind lr, $3  }
0x3a: {  	_ = 	snop  }
0x3b: {  	_ = 	snop  }
0x3c: {  	p2 =	seq.s32 s10, $0x1;
	s10 =	sld [smem:$0x3FAD]  }
0x3d: {  	_ =	shalt  }
0x3e: {  	_ =	shalt  }
0x3f: {  	_ =	shalt  }
0x40: {  	_ =	shalt  }
0x41: {  	_ =	shalt  }
0x42: {  	_ =	shalt  }
0x43: {  	_ =	shalt  }
0x44: {  	_ =	shalt  }
0x45: {  	_ =	shalt  }
0x46: {  	_ =	shalt  }
0x47: {  	_ =	shalt  }
0x48: {  	_ =	shalt  }
0x49: {  	_ =	shalt  }
0x4a: {  	_ =	shalt  }
0x4b: {  	_ =	shalt  }
0x4c: {  	_ =	shalt  }
0x4d: {  	_ =	shalt  }
0x4e: {  	_ =	shalt  }
0x4f: {  	_ =	shalt  }
0x50: {  	_ =	shalt  }
0x51: {  	_ =	shalt  }
0x52: {  	_ =	shalt  }
0x53: {  	_ =	shalt  }
0x54: {  	_ =	shalt  }
0x55: {  	_ =	shalt  }
0x56: {  	_ =	shalt  }
0x57: {  	_ =	shalt  }
0x58: {  	_ =	shalt  }
0x59: {  	_ =	shalt  }
0x5a: {  	_ =	shalt  }
0x5b: {  	_ =	shalt  }
0x5c: {  	_ =	shalt  }
0x5d: {  	_ =	shalt  }
0x5e: {  	_ =	shalt  }
0x5f: {  	_ =	shalt  }
0x60: {  	_ =	shalt  }
0x61: {  	_ =	shalt  }
0x62: {  	_ =	shalt  }
0x63: {  	_ =	shalt  }
0x64: {  	_ =	shalt  }
0x65: {  	_ =	shalt  }
0x66: {  	_ =	shalt  }
0x67: {  	_ =	shalt  }
0x68: {  	_ =	shalt  }
0x69: {  	_ =	shalt  }
0x6a: {  	_ =	shalt  }
0x6b: {  	_ =	shalt  }
0x6c: {  	_ =	shalt  }
0x6d: {  	_ =	shalt  }
0x6e: {  	_ =	shalt  }
0x6f: {  	_ =	shalt  }
0x70: {  	_ =	shalt  }
0x71: {  	_ =	shalt  }
0x72: {  	_ =	shalt  }
0x73: {  	_ =	shalt  }
0x74: {  	_ =	shalt  }
0x75: {  	_ =	shalt  }
0x76: {  	_ =	shalt  }
0x77: {  	_ =	shalt  }
0x78: {  	_ =	shalt  }
0x79: {  	_ =	shalt  }
0x7a: {  	_ =	shalt  }
0x7b: {  	_ =	shalt  }
0x7c: {  	_ =	shalt  }
0x7d: {  	_ =	shalt  }
0x7e: {  	_ =	shalt  }
0x7f: {  	_ =	shalt  }
0x80: {  	_ =	shalt  }
0x81: {  	_ =	shalt  }
0x82: {  	_ =	shalt  }
0x83: {  	_ =	shalt  }
0x84: {  	_ =	shalt  }
0x85: {  	_ =	shalt  }
0x86: {  	_ =	shalt  }
0x87: {  	_ =	shalt  }
.Lfunc_end0:
.L_simem_size_0:
called_computation.1_lowered:
.L_overlay_start_0:
0x88: {  	s2 =	sld [smem:$0x3FD9]  }
0x89: {  	s3 =	sld [smem:$0x3FFE];
	_ =	sdelay $0x1  }
0x8a: {  	s1 =	srdreg.scid  }
0x8b: {  	s0 =	sand.u32 $0x1, s1  }
0x8c: {  	s16 =	sshll.u32 s0, $0xA;
	s2 =	sadd.s32 s3, s2  }
0x8d: {  	s2 =	sadd.s32 s2, s16  }
0x8e: {  	[smem:$0x3FB9] =	sst s2  }
0x8f: {  	_ = 	snop  }
0x90: {  	(tm) =	ssettm $0x1  }
0x91: {  	s17 =	sld [smem:$0x3FFB];
	_ =	sdelay $0x3  }
0x92: {  	_ =	strace s17  }
0x93: {  	s2 =	sld [smem:$0x3FFC];
	_ =	sdelay $0x3  }
0x94: {  	_ =	strace s2  }
0x95: {  	s2 =	sld [smem:$0x3FFD];
	_ =	sdelay $0x3  }
0x96: {  	_ =	strace s2  }
0x97: {  	_ =	strace $0x8FFFFFFF  }
0x98: {  	s18 =	sld [smem:$0x3FDB];
	_ =	sdelay $0x1  }
0x99: {  	s19 =	simm.s32 $_scs_section_size  }
0x9a: {  	s4 =	simm.s32 $_size__tile_overlayer_lowered;
	s5 =	simm.s32 $_tile_overlayer_lowered  }
0x9b: {  	s22 =	simm.s32 $0x1BFF;
	s21 =	sshll.u32 s5, $0x1;
	s2 =	sadd.s32 s19, s18  }
0x9c: {  	s6 =	simm.s32 $0x0;
	s20 =	sshll.u32 s4, $0x1;
	s4 =	sadd.s32 s21, s2  }
0x9d: {  	[timem:s6], [sflag:s22] =	dma.local [hbm:s4], s20  }
0x9e: {  	_ =	swait.ge [sflag:s22], s20  }
0x9f: {  	s3 =	ssub.s32 $0x0, s20;
	[sflag:s22] =	ssyncset.done $0x0  }
0xa0: {  	[sflag:s22] =	ssyncadd.s32 s3;
	_ =	sdelay $0x1  }
0xa1: {  	s23 =	simm.s32 $0x1B8B  }
0xa2: {  	_ =	swait.ge [sflag:s23], $0x1  }
0xa3: {  	[sflag:s23] =	ssyncset.done $0x0  }
0xa4: {  	s25 =	simm.s32 $0x1B8E;
	s24 =	sld [smem:$0x3FFE];
	[sflag:s23] =	ssyncadd.s32 $0xFFFFFFFF  }
0xa5: {  	s26 =	simm.s32 $execute0_lowered;
	[smem:$0x3FD2] =	sst s25  }
0xa6: {  	s4 =	sshll.u32 s26, $0x1;
	_ =	strace $0x80000049;
	[dreg:$0x1] =	wrdreg $0xFFFFFFFF  }
0xa7: {  	s28 =	simm.s32 $_size_execute0_lowered;
	s2 =	sadd.s32 s2, s4;
	[dreg:$0x0] =	wrdreg $0x0  }
0xa8: {  	s4 =	sshll.u32 s28, $0x1;
	[dreg:$0x2] =	wrdreg s2  }
0xa9: {  	[dreg:$0x3] =	wrdreg s4  }
0xaa: {  	[dreg:$0x4] =	wrdreg $0xC0  }
0xab: {  	_ =	task [dreg:s6], $0x5FFFF  }
0xac: {  	[dreg:$0x1] =	wrdreg $0xFFFFFFFF  }
0xad: {  	[dreg:$0x0] =	wrdreg $0x60  }
0xae: {  	[dreg:$0x2] =	wrdreg s24  }
0xaf: {  	[dreg:$0x3] =	wrdreg $0x91000  }
0xb0: {  	[dreg:$0x4] =	wrdreg $0x9  }
0xb1: {  	_ =	task.clear_ibuf [dreg:s6], $0x5FFFF;
	_ =	strace $0x90000049  }
0xb2: {  	s29 =	simm.s32 $0x9;
	_ =	strace $0x8000004B  }
0xb3: {  	_ =	swait.ge [sflag:s29], $0x1  }
0xb4: {  	[sflag:s29] =	ssyncadd.s32 $0xFFFFFFFF  }
0xb5: {  	_ =	strace $0x9000004B  }
0xb6: {  	_ =	sfence  }
0xb7: {  	s30 =	sld [smem:$0x0];
	_ =	sdelay $0x2  }
0xb8: {  	s31 =	sshll.u32 s1, $0xD;
	s1 =	sshrl.u32 s1, $0x2  }
0xb9: {  	s3 =	sand.u32 $0x4000, s31;
	s1 =	sadd.s32 s1, s30  }
0xba: {  	s0 =	sor.u32 s3, s0;
	s1 =	sshll.u32 s1, $0x11  }
0xbb: {  	s0 =	sor.u32 s1, s0  }
0xbc: {  	s0 =	sadd.s32 $0x8F2B, s0  }
0xbd: {  	[sflag:s0] =	ssyncadd.remote.s32 $0x1  }
0xbe: {  	_ =	sfence.sel $0xFFFF  }
0xbf: {  	[dreg:$0x0] =	wrdreg $0xFFFFFFFF;
	(pc) =	sbr.abs _section_cstart, $3  }
0xc0: {  	[dreg:$0x1] =	wrdreg $0xFFFFFFFF  }
0xc1: {  	_ =	task.clear_ibuf [dreg:s6], $0x2FFFF;
	_ =	strace $0x9FFFFFFF  }
0xc2: {  	(tm) =	ssettm $0x7FFFFFFF  }
0xc3: {  	_ =	shalt  }
tec
execute0_lowered:
.L_overlay_start_1:
0x0: {  	(tag) =	ssettag $0x1  }
0x1: {  	s0 =	rddreg [dreg:$0x0];
	s1 =	srdreg.scid  }
0x2: {  	s10 =	stileid.u32;
	s24 =	rddreg [dreg:$0x1];
	s3 =	simm.s32 $0x0  }
0x3: {  	s23 =	simm.s32 $0x15;
	s30 =	simm.s32 $0x7500;
	s31 =	simm.s32 $0x11  }
0x4: {  	s28 =	simm.s32 $0x14;
	s1 =	sand.u32 $0x1, s1;
	s4 =	sshll.u32 s10, $0x1  }
0x5: {  	[smem:$0x7FF] =	sst s3;
	s11 =	sadd.s32 $0x34000, s0;
	s7 =	smul.u32 $0x4E000, s10  }
0x6: {  	s9 =	sshll.u32 s10, $0x3;
	s12 =	smul.u32 $0x2700, s10;
	s20 =	sshll.u32 s10, $0x6  }
0x7: {  	p1 =	slt.u32 s10, $0x2;
	p2 =	sgt.u32 s10, $0x1;
	s10 =	simm.s32 $0x32  }
0x8: {  	s4 =	sor.u32 s1, s4;
	_ =	strace $0x8000004A;
	s6 =	smul.u32 $0x27100, s1  }
0x9: {  	s14 =	ssub.s32 $0x2, s1;
	s15 =	sor.u32 $0x2700, s9;
	[dreg:$0x3] =	wrdreg s11  }
0xa: {  	p0 =	sne.s32 s1, $0x0;
	[dreg:$0xb] =	wrdreg s20;
	s5 =	smul.u32 $0xC80, s4  }
0xb: {  	s4 =	sadd.s32 $0x5B200, s0;
	s8 =	sshrl.u32 s14, $0x1;
	s7 =	sshrl.u32 s7, $0x2  }
0xc: {  	s16 =	sadd.s32 s11, s12;
	s17 =	sshll.u32 s15, $0x7;
	[dreg:$0x4] =	wrdreg s12  }
0xd: {  	[dreg:$0x5] =	wrdreg s16;
	s9 =	sadd.s32 s17, s24;
	s18 =	sadd.s32 s4, s12  }
0xe: {  	s5 =	sadd.s32 s5, s0;
	s0 =	sadd.s32 s6, s0;
	[dreg:$0x8] =	wrdreg s18  }
0xf: {  	s6 =	ssub.s32 s14, s8;
	s8 =	sshll.u32 s15, $0x4;
	[dreg:$0x6] =	wrdreg s9  }
0x10: {  	s7 =	sadd.s32 s7, s24;
	s21 =	sshrl.u32 s9, $0x3;
	[dreg:$0x7] =	wrdreg s8  }
0x11: {  	s1 =	simm.s32 $0x0;
	s17 =	sshrl.u32 s7, $0x3;
	[dreg:$0xe] =	wrdreg s21  }
0x12: {  	s7 =	simm.s32 $0x400;
	s0 =	sadd.s32 $0x82400, s0;
	[dreg:$0xd] =	wrdreg s17  }
0x13: {  	s18 =	simm.s32 $0x5;
	s19 =	smax.u32 s6, $0x1;
	[dreg:$0x9] =	wrdreg s0  }
0x14: {  	s12 =	sadd.s32 $0x2000, s5;
	[dreg:$0xa] =	wrdreg s19;
	s0 =	sor.u32 $0x1C15, s20  }
0x15: {  	s29 =	sadd.s32 $0x1B000, s5;
	s22 =	sadd.s32 $0x10, s12;
	[dreg:$0xc] =	wrdreg s0  }
0x16: {  	s21 =	simm.s32 $0x7;
	s25 =	sadd.s32 $0x10, s29;
	[dreg:$0xf] =	wrdreg s22  }
0x17: {  	s26 =	sadd.s32 $0x20, s12;
	s20 =	simm.s32 $0xA;
	[dreg:$0x10] =	wrdreg s25  }
0x18: {  	[dreg:$0x11] =	wrdreg s26;
	s25 =	simm.s32 $0x3;
	s22 =	simm.s32 $0xB  }
.LBB2_1:
.Ltmp0:
0x19: {  	(pc) =	sbr.rel @p0 .LBB2_3-.Ltmp0, $2  }
0x1a: {  	_ =	sdelay $0x2  }
0x1b: {  	[dreg:$0x12] =	wrdreg s1  }
0x1c: {  	s0 =	rddreg [dreg:$0x8]  }
0x1d: {  	s8 =	rddreg [dreg:$0xc]  }
0x1e: {  	[spmem:s17], [sflag:s8] =	dma.local [hbm:s0], $0x2700  }
.Ltmp1:
0x1f: {  	_ = 	snop;
	(pc) =	sbr.rel @p1 .LBB2_4-.Ltmp1, $4  }
.Ltmp2:
0x20: {  	_ = 	snop;
	(pc) =	sbr.rel @!p1 .LBB2_5-.Ltmp2, $4  }
0x21: {  	_ =	swait.ge [sflag:s23], $0x2700  }
0x22: {  	[sflag:s23] =	ssyncset.done $0x0  }
0x23: {  	s19 =	smov.u32 s4;
	s9 =	simm.s32 $0x200;
	[sflag:s23] =	ssyncadd.s32 $0xFFFFD900  }
0x24: {  	_ = 	snop  }
.LBB2_3:
0x25: {  	s0 =	rddreg [dreg:$0xb]  }
.Ltmp3:
0x26: {  	s26 =	rddreg [dreg:$0x5];
	s8 =	sor.u32 $0x1C15, s0;
	(pc) =	sbr.rel @p2 .LBB2_5-.Ltmp3, $4  }
0x27: {  	[spmem:s17], [sflag:s8] =	dma.local [hbm:s26], $0x2700  }
0x28: {  	_ =	swait.ge [sflag:s23], $0x2700  }
0x29: {  	[sflag:s23] =	ssyncset.done $0x0  }
0x2a: {  	s9 =	simm.s32 $0x200;
	s19 =	rddreg [dreg:$0x3];
	[sflag:s23] =	ssyncadd.s32 $0xFFFFD900  }
.LBB2_4:
0x2b: {  	s0 =	rddreg [dreg:$0x7]  }
0x2c: {  	s26 =	rddreg [dreg:$0xe];
	s19 =	sadd.s32 s19, s0  }
0x2d: {  	[spmem:s26], [sflag:s8] =	dma.local [hbm:s19], $0x80  }
0x2e: {  	_ =	swait.ge [sflag:s23], $0x80  }
0x2f: {  	[sflag:s23] =	ssyncset.done $0x0  }
0x30: {  	[sflag:s23] =	ssyncadd.s32 $0xFFFFFF80  }
.LBB2_5:
0x31: {  	s16 =	simm.s32 $0x0  }
0x32: {  	[tilespmem:s16], [sflag:$0x1] =	stream.linear.gather [hbm4b:s12+s16], $0x80, $0x38;
	[tilespmem:$0x1C980] =	vst v63  }
0x33: {  	s0 =	simm.s32 $0x280  }
0x34: {  	[tilespmem:s0], [sflag:$0x6] =	stream.linear.gather [hbm4b:s29+s16], $0x80, $0x38;
	[tilespmem:$0x1C980] =	vst v63  }
0x35: {  	s8 =	rddreg [dreg:$0xf];
	s15 =	simm.s32 $0x80  }
0x36: {  	[tilespmem:s15], [sflag:$0x2] =	stream.linear.gather [hbm4b:s8+s16], $0x80, $0x38;
	[tilespmem:$0x1C980] =	vst v63  }
0x37: {  	s26 =	rddreg [dreg:$0x10];
	s2 =	simm.s32 $0x300  }
0x38: {  	[tilespmem:s2], [sflag:$0x7] =	stream.linear.gather [hbm4b:s26+s16], $0x80, $0x38;
	[tilespmem:$0x1C980] =	vst v63  }
0x39: {  	s1 =	rddreg [dreg:$0x11];
	s14 =	simm.s32 $0x100  }
0x3a: {  	[tilespmem:s14], [sflag:$0x3] =	stream.linear.gather [hbm4b:s1+s16], $0x80, $0x38;
	[tilespmem:$0x1C980] =	vst v63  }
0x3b: {  	s19 =	sadd.s32 $0x20, s29;
	s8 =	simm.s32 $0x380  }
0x3c: {  	[tilespmem:s8], [sflag:$0x8] =	stream.linear.gather [hbm4b:s19+s16], $0x80, $0x38;
	[tilespmem:$0x1C980] =	vst v63  }
0x3d: {  	s5 =	sadd.s32 $0x30, s12;
	s17 =	simm.s32 $0x180  }
0x3e: {  	[tilespmem:s17], [sflag:$0x4] =	stream.linear.gather [hbm4b:s5+s16], $0x80, $0x38;
	[tilespmem:$0x1C980] =	vst v63  }
0x3f: {  	s6 =	sadd.s32 $0x30, s29  }
0x40: {  	[tilespmem:s7], [sflag:$0x9] =	stream.linear.gather [hbm4b:s6+s16], $0x80, $0x38;
	[tilespmem:$0x1C980] =	vst v63  }
0x41: {  	s11 =	sadd.s32 $0x40, s12  }
0x42: {  	[tilespmem:s9], [sflag:$0x5] =	stream.linear.gather [hbm4b:s11+s16], $0x80, $0x38;
	[tilespmem:$0x1C980] =	vst v63  }
0x43: {  	s13 =	sadd.s32 $0x40, s29;
	s1 =	simm.s32 $0x480;
	s5 =	simm.s32 $0x1  }
0x44: {  	[tilespmem:s1], [sflag:$0xA] =	stream.linear.gather [hbm4b:s13+s16], $0x80, $0x38;
	[tilespmem:$0x1C980] =	vst v63  }
0x45: {  	_ =	swait.ge [sflag:s5], $0x80  }
0x46: {  	[sflag:s5] =	ssyncset.done $0x0  }
0x47: {  	s23 =	simm.s32 $0x6;
	[sflag:s5] =	ssyncadd.s32 $0xFFFFFF80  }
0x48: {  	_ =	swait.ge [sflag:s23], $0x80  }
0x49: {  	[sflag:s23] =	ssyncset.done $0x0  }
0x4a: {  	s26 =	simm.s32 $0x500;
	s6 =	simm.s32 $0x2;
	[sflag:s23] =	ssyncadd.s32 $0xFFFFFF80  }
0x4b: {  	[tilespmem:s26], [sflag:$0xB] =	stream.indirect.gather [hbm4b:s4+s10], $0x80, s3, s10, $0xb8;
	[tilespmem:$0x1C980] =	vst v63  }
0x4c: {  	_ =	swait.ge [sflag:s6], $0x80  }
0x4d: {  	[sflag:s6] =	ssyncset.done $0x0  }
0x4e: {  	[sflag:s6] =	ssyncadd.s32 $0xFFFFFF80  }
0x4f: {  	_ =	swait.ge [sflag:s21], $0x80  }
0x50: {  	[sflag:s21] =	ssyncset.done $0x0  }
0x51: {  	s6 =	simm.s32 $0x2100;
	[sflag:s21] =	ssyncadd.s32 $0xFFFFFF80  }
0x52: {  	[tilespmem:s6], [sflag:$0xC] =	stream.indirect.gather [hbm4b:s4+s10], $0x80, s15, s10, $0xb8;
	[tilespmem:$0x1C980] =	vst v63  }
0x53: {  	_ =	swait.ge [sflag:s25], $0x80  }
0x54: {  	[sflag:s25] =	ssyncset.done $0x0  }
0x55: {  	s11 =	simm.s32 $0x8;
	[sflag:s25] =	ssyncadd.s32 $0xFFFFFF80  }
0x56: {  	_ =	swait.ge [sflag:s11], $0x80  }
0x57: {  	[sflag:s11] =	ssyncset.done $0x0  }
0x58: {  	s13 =	simm.s32 $0x4;
	[sflag:s11] =	ssyncadd.s32 $0xFFFFFF80;
	s11 =	simm.s32 $0x3D00  }
0x59: {  	[tilespmem:s11], [sflag:$0xD] =	stream.indirect.gather [hbm4b:s4+s10], $0x80, s14, s10, $0xb8;
	[tilespmem:$0x1C980] =	vst v63  }
0x5a: {  	_ =	swait.ge [sflag:s13], $0x80  }
0x5b: {  	[sflag:s13] =	ssyncset.done $0x0  }
0x5c: {  	s19 =	simm.s32 $0x9;
	[sflag:s13] =	ssyncadd.s32 $0xFFFFFF80  }
0x5d: {  	_ =	swait.ge [sflag:s19], $0x80  }
0x5e: {  	[sflag:s19] =	ssyncset.done $0x0  }
0x5f: {  	s23 =	simm.s32 $0x5900;
	[sflag:s19] =	ssyncadd.s32 $0xFFFFFF80  }
0x60: {  	[tilespmem:s23], [sflag:$0xE] =	stream.indirect.gather [hbm4b:s4+s10], $0x80, s17, s10, $0xb8;
	[tilespmem:$0x1C980] =	vst v63  }
0x61: {  	_ =	swait.ge [sflag:s18], $0x80  }
0x62: {  	[sflag:s18] =	ssyncset.done $0x0  }
0x63: {  	[sflag:s18] =	ssyncadd.s32 $0xFFFFFF80  }
0x64: {  	_ =	swait.ge [sflag:s20], $0x80  }
0x65: {  	[sflag:s20] =	ssyncset.done $0x0  }
0x66: {  	[sflag:s20] =	ssyncadd.s32 $0xFFFFFF80  }
0x67: {  	[tilespmem:s30], [sflag:$0xF] =	stream.indirect.gather [hbm4b:s4+s10], $0x80, s9, s10, $0xb8;
	[tilespmem:$0x1C980] =	vst v63  }
0x68: {  	_ =	swait.ge [sflag:s22], $0x1900  }
0x69: {  	[sflag:s22] =	ssyncset.done $0x0  }
0x6a: {  	[sflag:s22] =	ssyncadd.s32 $0xFFFFE700  }
0x6b: {  	[spmem:s24] =	stream.indirect.scatter.add.f32 [tilespmem:s26], [sflag:$0x10], $0x80, s0, s10, $0xb8;
	[tilespmem:$0x1C980] =	vst v63  }
0x6c: {  	s26 =	simm.s32 $0xC  }
0x6d: {  	_ =	swait.ge [sflag:s26], $0x1900  }
0x6e: {  	[sflag:s26] =	ssyncset.done $0x0  }
0x6f: {  	[sflag:s26] =	ssyncadd.s32 $0xFFFFE700  }
0x70: {  	[spmem:s24] =	stream.indirect.scatter.add.f32 [tilespmem:s6], [sflag:$0x11], $0x80, s2, s10, $0xb8;
	[tilespmem:$0x1C980] =	vst v63  }
0x71: {  	s6 =	simm.s32 $0xD  }
0x72: {  	_ =	swait.ge [sflag:s6], $0x1900  }
0x73: {  	[sflag:s6] =	ssyncset.done $0x0  }
0x74: {  	s19 =	simm.s32 $0xE;
	[sflag:s6] =	ssyncadd.s32 $0xFFFFE700  }
0x75: {  	[spmem:s24] =	stream.indirect.scatter.add.f32 [tilespmem:s11], [sflag:$0x12], $0x80, s8, s10, $0xb8;
	[tilespmem:$0x1C980] =	vst v63  }
0x76: {  	_ =	swait.ge [sflag:s19], $0x1900  }
0x77: {  	[sflag:s19] =	ssyncset.done $0x0  }
0x78: {  	[sflag:s19] =	ssyncadd.s32 $0xFFFFE700  }
0x79: {  	[spmem:s24] =	stream.indirect.scatter.add.f32 [tilespmem:s23], [sflag:$0x13], $0x80, s7, s10, $0xb8;
	[tilespmem:$0x1C980] =	vst v63  }
0x7a: {  	s23 =	simm.s32 $0xF  }
0x7b: {  	_ =	swait.ge [sflag:s23], $0x1900  }
0x7c: {  	[sflag:s23] =	ssyncset.done $0x0  }
0x7d: {  	[sflag:s23] =	ssyncadd.s32 $0xFFFFE700  }
0x7e: {  	[spmem:s24] =	stream.indirect.scatter.add.f32 [tilespmem:s30], [sflag:$0x14], $0x80, s1, s10, $0xb8;
	[tilespmem:$0x1C980] =	vst v63  }
0x7f: {  	s30 =	simm.s32 $0x10  }
0x80: {  	_ =	swait.ge [sflag:s30], $0x1900  }
0x81: {  	s19 =	sadd.s32 $0x0, s12;
	[sflag:s30] =	ssyncset.done $0x0  }
0x82: {  	s5 =	sadd.s32 $0x0, s29;
	s23 =	sadd.s32 $0x50, s19;
	[sflag:s30] =	ssyncadd.s32 $0xFFFFE700  }
0x83: {  	[tilespmem:s3], [sflag:$0x1] =	stream.linear.gather [hbm4b:s23+s3], $0x80, $0x38;
	[tilespmem:$0x1C980] =	vst v63  }
0x84: {  	s26 =	sadd.s32 $0x50, s5  }
0x85: {  	[tilespmem:s0], [sflag:$0x6] =	stream.linear.gather [hbm4b:s26+s3], $0x80, $0x38;
	[tilespmem:$0x1C980] =	vst v63  }
0x86: {  	_ =	swait.ge [sflag:s31], $0x1900  }
0x87: {  	[sflag:s31] =	ssyncset.done $0x0  }
0x88: {  	s1 =	sadd.s32 $0x60, s19;
	[sflag:s31] =	ssyncadd.s32 $0xFFFFE700  }
0x89: {  	[tilespmem:s15], [sflag:$0x2] =	stream.linear.gather [hbm4b:s1+s3], $0x80, $0x38;
	[tilespmem:$0x1C980] =	vst v63  }
0x8a: {  	s6 =	sadd.s32 $0x60, s5;
	s1 =	simm.s32 $0x12  }
0x8b: {  	[tilespmem:s2], [sflag:$0x7] =	stream.linear.gather [hbm4b:s6+s3], $0x80, $0x38;
	[tilespmem:$0x1C980] =	vst v63  }
0x8c: {  	_ =	swait.ge [sflag:s1], $0x1900  }
0x8d: {  	[sflag:s1] =	ssyncset.done $0x0  }
0x8e: {  	s11 =	sadd.s32 $0x70, s19;
	[sflag:s1] =	ssyncadd.s32 $0xFFFFE700  }
0x8f: {  	[tilespmem:s14], [sflag:$0x3] =	stream.linear.gather [hbm4b:s11+s3], $0x80, $0x38;
	[tilespmem:$0x1C980] =	vst v63  }
0x90: {  	s13 =	sadd.s32 $0x70, s5;
	s14 =	sand.u32 $0xFF80, s16;
	s11 =	simm.s32 $0x13  }
0x91: {  	[tilespmem:s8], [sflag:$0x8] =	stream.linear.gather [hbm4b:s13+s3], $0x80, $0x38;
	[tilespmem:$0x1C980] =	vst v63  }
0x92: {  	s15 =	sadd.s32 $0x400, s14;
	_ =	swait.ge [sflag:s11], $0x1900  }
0x93: {  	s23 =	sshrl.u32 s15, $0x3;
	[sflag:s11] =	ssyncset.done $0x0  }
0x94: {  	s16 =	sadd.s32 s12, s23;
	[sflag:s11] =	ssyncadd.s32 $0xFFFFE700  }
0x95: {  	[tilespmem:s17], [sflag:$0x4] =	stream.linear.gather [hbm4b:s16+s3], $0x80, $0x38;
	[tilespmem:$0x1C980] =	vst v63  }
0x96: {  	s23 =	sadd.s32 s29, s23  }
0x97: {  	[tilespmem:s7], [sflag:$0x9] =	stream.linear.gather [hbm4b:s23+s3], $0x80, $0x38;
	[tilespmem:$0x1C980] =	vst v63  }
0x98: {  	s26 =	sadd.s32 $0x90, s19;
	_ =	swait.ge [sflag:s28], $0x1900  }
0x99: {  	s19 =	simm.s32 $0x50;
	s6 =	smov.u32 s24;
	[sflag:s28] =	ssyncset.done $0x0  }
0x9a: {  	s8 =	simm.s32 $0x280;
	s23 =	sadd.s32 $0x90, s5;
	[sflag:s28] =	ssyncadd.s32 $0xFFFFE700  }
0x9b: {  	[tilespmem:s9], [sflag:$0x5] =	stream.linear.gather [hbm4b:s26+s3], $0x80, $0x38;
	[tilespmem:$0x1C980] =	vst v63  }
.LBB2_6:
0x9c: {  	s26 =	simm.s32 $0x480  }
0x9d: {  	[tilespmem:s26], [sflag:$0xA] =	stream.linear.gather [hbm4b:s23+s3], $0x80, $0x38;
	[tilespmem:$0x1C980] =	vst v63  }
0x9e: {  	s2 =	simm.s32 $0x1;
	s23 =	smov.u32 s19  }
0x9f: {  	p3 =	sne.s32 s19, $0xBE0;
	s19 =	sadd.s32 $0x50, s19;
	_ =	swait.ge [sflag:s2], $0x80  }
0xa0: {  	[sflag:s2] =	ssyncset.done $0x0  }
0xa1: {  	[sflag:s2] =	ssyncadd.s32 $0xFFFFFF80;
	s2 =	simm.s32 $0x6  }
0xa2: {  	_ =	swait.ge [sflag:s2], $0x80  }
0xa3: {  	[sflag:s2] =	ssyncset.done $0x0  }
0xa4: {  	s5 =	simm.s32 $0x2;
	[sflag:s2] =	ssyncadd.s32 $0xFFFFFF80;
	s2 =	simm.s32 $0x500  }
0xa5: {  	[tilespmem:s2], [sflag:$0xB] =	stream.indirect.gather [hbm4b:s4+s10], $0x80, s3, s10, $0xb8;
	[tilespmem:$0x1C980] =	vst v63  }
0xa6: {  	_ =	swait.ge [sflag:s5], $0x80  }
0xa7: {  	[sflag:s5] =	ssyncset.done $0x0  }
0xa8: {  	[sflag:s5] =	ssyncadd.s32 $0xFFFFFF80  }
0xa9: {  	_ =	swait.ge [sflag:s21], $0x80  }
0xaa: {  	[sflag:s21] =	ssyncset.done $0x0  }
0xab: {  	s24 =	simm.s32 $0x2100;
	s16 =	simm.s32 $0x80;
	[sflag:s21] =	ssyncadd.s32 $0xFFFFFF80  }
0xac: {  	[tilespmem:s24], [sflag:$0xC] =	stream.indirect.gather [hbm4b:s4+s10], $0x80, s16, s10, $0xb8;
	[tilespmem:$0x1C980] =	vst v63  }
0xad: {  	_ =	swait.ge [sflag:s25], $0x80  }
0xae: {  	[sflag:s25] =	ssyncset.done $0x0  }
0xaf: {  	s5 =	simm.s32 $0x8;
	[sflag:s25] =	ssyncadd.s32 $0xFFFFFF80  }
0xb0: {  	_ =	swait.ge [sflag:s5], $0x80  }
0xb1: {  	s13 =	simm.s32 $0x3D00;
	[sflag:s5] =	ssyncset.done $0x0  }
0xb2: {  	s15 =	simm.s32 $0x100;
	[sflag:s5] =	ssyncadd.s32 $0xFFFFFF80;
	s5 =	simm.s32 $0x4  }
0xb3: {  	[tilespmem:s13], [sflag:$0xD] =	stream.indirect.gather [hbm4b:s4+s10], $0x80, s15, s10, $0xb8;
	[tilespmem:$0x1C980] =	vst v63  }
0xb4: {  	_ =	swait.ge [sflag:s5], $0x80  }
0xb5: {  	[sflag:s5] =	ssyncset.done $0x0  }
0xb6: {  	[sflag:s5] =	ssyncadd.s32 $0xFFFFFF80;
	s5 =	simm.s32 $0x9  }
0xb7: {  	_ =	swait.ge [sflag:s5], $0x80  }
0xb8: {  	[sflag:s5] =	ssyncset.done $0x0  }
0xb9: {  	s14 =	simm.s32 $0x5900;
	[sflag:s5] =	ssyncadd.s32 $0xFFFFFF80  }
0xba: {  	[tilespmem:s14], [sflag:$0xE] =	stream.indirect.gather [hbm4b:s4+s10], $0x80, s17, s10, $0xb8;
	[tilespmem:$0x1C980] =	vst v63  }
0xbb: {  	_ =	swait.ge [sflag:s18], $0x80  }
0xbc: {  	[sflag:s18] =	ssyncset.done $0x0  }
0xbd: {  	[sflag:s18] =	ssyncadd.s32 $0xFFFFFF80  }
0xbe: {  	_ =	swait.ge [sflag:s20], $0x80  }
0xbf: {  	[sflag:s20] =	ssyncset.done $0x0  }
0xc0: {  	s17 =	simm.s32 $0x7500;
	[sflag:s20] =	ssyncadd.s32 $0xFFFFFF80  }
0xc1: {  	[tilespmem:s17], [sflag:$0xF] =	stream.indirect.gather [hbm4b:s4+s10], $0x80, s9, s10, $0xb8;
	[tilespmem:$0x1C980] =	vst v63  }
0xc2: {  	_ =	swait.ge [sflag:s22], $0x1900  }
0xc3: {  	[sflag:s22] =	ssyncset.done $0x0  }
0xc4: {  	[sflag:s22] =	ssyncadd.s32 $0xFFFFE700  }
0xc5: {  	[spmem:s6] =	stream.indirect.scatter.add.f32 [tilespmem:s2], [sflag:$0x10], $0x80, s0, s10, $0xb8;
	[tilespmem:$0x1C980] =	vst v63  }
0xc6: {  	s2 =	simm.s32 $0xC  }
0xc7: {  	_ =	swait.ge [sflag:s2], $0x1900  }
0xc8: {  	[sflag:s2] =	ssyncset.done $0x0  }
0xc9: {  	s5 =	simm.s32 $0x300;
	[sflag:s2] =	ssyncadd.s32 $0xFFFFE700;
	s2 =	simm.s32 $0xD  }
0xca: {  	[spmem:s6] =	stream.indirect.scatter.add.f32 [tilespmem:s24], [sflag:$0x11], $0x80, s5, s10, $0xb8;
	[tilespmem:$0x1C980] =	vst v63  }
0xcb: {  	_ =	swait.ge [sflag:s2], $0x1900  }
0xcc: {  	[sflag:s2] =	ssyncset.done $0x0  }
0xcd: {  	s24 =	simm.s32 $0x380;
	[sflag:s2] =	ssyncadd.s32 $0xFFFFE700;
	s2 =	simm.s32 $0xE  }
0xce: {  	[spmem:s6] =	stream.indirect.scatter.add.f32 [tilespmem:s13], [sflag:$0x12], $0x80, s24, s10, $0xb8;
	[tilespmem:$0x1C980] =	vst v63  }
0xcf: {  	_ =	swait.ge [sflag:s2], $0x1900  }
0xd0: {  	[sflag:s2] =	ssyncset.done $0x0  }
0xd1: {  	[sflag:s2] =	ssyncadd.s32 $0xFFFFE700;
	s2 =	simm.s32 $0xF  }
0xd2: {  	[spmem:s6] =	stream.indirect.scatter.add.f32 [tilespmem:s14], [sflag:$0x13], $0x80, s7, s10, $0xb8;
	[tilespmem:$0x1C980] =	vst v63  }
0xd3: {  	_ =	swait.ge [sflag:s2], $0x1900  }
0xd4: {  	[sflag:s2] =	ssyncset.done $0x0  }
0xd5: {  	[sflag:s2] =	ssyncadd.s32 $0xFFFFE700  }
0xd6: {  	[spmem:s6] =	stream.indirect.scatter.add.f32 [tilespmem:s17], [sflag:$0x14], $0x80, s26, s10, $0xb8;
	[tilespmem:$0x1C980] =	vst v63  }
0xd7: {  	_ =	swait.ge [sflag:s30], $0x1900  }
0xd8: {  	s9 =	sadd.s32 s23, s12;
	s23 =	sadd.s32 s23, s29;
	[sflag:s30] =	ssyncset.done $0x0  }
0xd9: {  	s7 =	simm.s32 $0x180;
	s17 =	sadd.s32 $0x50, s9;
	[sflag:s30] =	ssyncadd.s32 $0xFFFFE700  }
0xda: {  	[tilespmem:s3], [sflag:$0x1] =	stream.linear.gather [hbm4b:s17+s3], $0x80, $0x38;
	[tilespmem:$0x1C980] =	vst v63  }
0xdb: {  	s17 =	sadd.s32 $0x50, s23  }
0xdc: {  	[tilespmem:s0], [sflag:$0x6] =	stream.linear.gather [hbm4b:s17+s3], $0x80, $0x38;
	[tilespmem:$0x1C980] =	vst v63  }
0xdd: {  	_ =	swait.ge [sflag:s31], $0x1900  }
0xde: {  	[sflag:s31] =	ssyncset.done $0x0  }
0xdf: {  	s13 =	simm.s32 $0x80;
	s17 =	sadd.s32 $0x60, s9;
	[sflag:s31] =	ssyncadd.s32 $0xFFFFE700  }
0xe0: {  	[tilespmem:s16], [sflag:$0x2] =	stream.linear.gather [hbm4b:s17+s3], $0x80, $0x38;
	[tilespmem:$0x1C980] =	vst v63  }
0xe1: {  	s2 =	simm.s32 $0x300;
	s17 =	sadd.s32 $0x60, s23  }
0xe2: {  	[tilespmem:s5], [sflag:$0x7] =	stream.linear.gather [hbm4b:s17+s3], $0x80, $0x38;
	[tilespmem:$0x1C980] =	vst v63  }
0xe3: {  	_ =	swait.ge [sflag:s1], $0x1900  }
0xe4: {  	[sflag:s1] =	ssyncset.done $0x0  }
0xe5: {  	s17 =	sadd.s32 $0x70, s9;
	s5 =	simm.s32 $0x100;
	[sflag:s1] =	ssyncadd.s32 $0xFFFFE700  }
0xe6: {  	[tilespmem:s15], [sflag:$0x3] =	stream.linear.gather [hbm4b:s17+s3], $0x80, $0x38;
	[tilespmem:$0x1C980] =	vst v63  }
0xe7: {  	s26 =	simm.s32 $0x380;
	s0 =	sand.u32 $0xFF80, s8;
	s17 =	sadd.s32 $0x70, s23  }
0xe8: {  	[tilespmem:s24], [sflag:$0x8] =	stream.linear.gather [hbm4b:s17+s3], $0x80, $0x38;
	[tilespmem:$0x1C980] =	vst v63  }
0xe9: {  	s0 =	sadd.s32 $0x400, s0;
	_ =	swait.ge [sflag:s11], $0x1900  }
0xea: {  	s0 =	sshrl.u32 s0, $0x3;
	[sflag:s11] =	ssyncset.done $0x0  }
0xeb: {  	s17 =	sadd.s32 s12, s0;
	[sflag:s11] =	ssyncadd.s32 $0xFFFFE700  }
0xec: {  	[tilespmem:s7], [sflag:$0x4] =	stream.linear.gather [hbm4b:s17+s3], $0x80, $0x38;
	[tilespmem:$0x1C980] =	vst v63  }
0xed: {  	s7 =	simm.s32 $0x400;
	s17 =	simm.s32 $0x180  }
0xee: {  	s0 =	sadd.s32 s29, s0  }
0xef: {  	[tilespmem:s7], [sflag:$0x9] =	stream.linear.gather [hbm4b:s0+s3], $0x80, $0x38;
	[tilespmem:$0x1C980] =	vst v63  }
0xf0: {  	_ =	swait.ge [sflag:s28], $0x1900  }
.Ltmp4:
0xf1: {  	[sflag:s28] =	ssyncset.done $0x0;
	(pc) =	sbr.rel @p3 .LBB2_6-.Ltmp4, $4  }
0xf2: {  	s0 =	sadd.s32 $0x90, s9;
	s9 =	simm.s32 $0x200;
	[sflag:s28] =	ssyncadd.s32 $0xFFFFE700  }
0xf3: {  	[tilespmem:s9], [sflag:$0x5] =	stream.linear.gather [hbm4b:s0+s3], $0x80, $0x38;
	[tilespmem:$0x1C980] =	vst v63  }
0xf4: {  	s0 =	simm.s32 $0x280  }
0xf5: {  	s8 =	sadd.s32 $0x280, s8;
	s23 =	sadd.s32 $0x90, s23  }
0xf6: {  	s8 =	simm.s32 $0x480;
	s14 =	simm.s32 $0x1  }
0xf7: {  	[tilespmem:s8], [sflag:$0xA] =	stream.linear.gather [hbm4b:s23+s3], $0x80, $0x38;
	[tilespmem:$0x1C980] =	vst v63  }
0xf8: {  	_ =	swait.ge [sflag:s14], $0x80  }
0xf9: {  	[sflag:s14] =	ssyncset.done $0x0  }
0xfa: {  	s23 =	simm.s32 $0x6;
	[sflag:s14] =	ssyncadd.s32 $0xFFFFFF80  }
0xfb: {  	_ =	swait.ge [sflag:s23], $0x80  }
0xfc: {  	[sflag:s23] =	ssyncset.done $0x0  }
0xfd: {  	s19 =	simm.s32 $0x500;
	s24 =	simm.s32 $0x2;
	[sflag:s23] =	ssyncadd.s32 $0xFFFFFF80  }
0xfe: {  	[tilespmem:s19], [sflag:$0xB] =	stream.indirect.gather [hbm4b:s4+s10], $0x80, s3, s10, $0xb8;
	[tilespmem:$0x1C980] =	vst v63  }
0xff: {  	_ =	swait.ge [sflag:s24], $0x80  }
0x100: {  	[sflag:s24] =	ssyncset.done $0x0  }
0x101: {  	[sflag:s24] =	ssyncadd.s32 $0xFFFFFF80  }
0x102: {  	_ =	swait.ge [sflag:s21], $0x80  }
0x103: {  	[sflag:s21] =	ssyncset.done $0x0  }
0x104: {  	s14 =	simm.s32 $0x2100;
	[sflag:s21] =	ssyncadd.s32 $0xFFFFFF80  }
0x105: {  	[tilespmem:s14], [sflag:$0xC] =	stream.indirect.gather [hbm4b:s4+s10], $0x80, s13, s10, $0xb8;
	[tilespmem:$0x1C980] =	vst v63  }
0x106: {  	_ =	swait.ge [sflag:s25], $0x80  }
0x107: {  	[sflag:s25] =	ssyncset.done $0x0  }
0x108: {  	s15 =	simm.s32 $0x8;
	[sflag:s25] =	ssyncadd.s32 $0xFFFFFF80  }
0x109: {  	_ =	swait.ge [sflag:s15], $0x80  }
0x10a: {  	[sflag:s15] =	ssyncset.done $0x0  }
0x10b: {  	s16 =	simm.s32 $0x4;
	s13 =	simm.s32 $0x3D00;
	[sflag:s15] =	ssyncadd.s32 $0xFFFFFF80  }
0x10c: {  	[tilespmem:s13], [sflag:$0xD] =	stream.indirect.gather [hbm4b:s4+s10], $0x80, s5, s10, $0xb8;
	[tilespmem:$0x1C980] =	vst v63  }
0x10d: {  	_ =	swait.ge [sflag:s16], $0x80  }
0x10e: {  	[sflag:s16] =	ssyncset.done $0x0  }
0x10f: {  	s23 =	simm.s32 $0x9;
	[sflag:s16] =	ssyncadd.s32 $0xFFFFFF80  }
0x110: {  	_ =	swait.ge [sflag:s23], $0x80  }
0x111: {  	[sflag:s23] =	ssyncset.done $0x0  }
0x112: {  	s15 =	simm.s32 $0x5900;
	[sflag:s23] =	ssyncadd.s32 $0xFFFFFF80  }
0x113: {  	[tilespmem:s15], [sflag:$0xE] =	stream.indirect.gather [hbm4b:s4+s10], $0x80, s17, s10, $0xb8;
	[tilespmem:$0x1C980] =	vst v63  }
0x114: {  	_ =	swait.ge [sflag:s18], $0x80  }
0x115: {  	[sflag:s18] =	ssyncset.done $0x0  }
0x116: {  	[sflag:s18] =	ssyncadd.s32 $0xFFFFFF80  }
0x117: {  	_ =	swait.ge [sflag:s20], $0x80  }
0x118: {  	[sflag:s20] =	ssyncset.done $0x0  }
0x119: {  	s24 =	simm.s32 $0x7500;
	[sflag:s20] =	ssyncadd.s32 $0xFFFFFF80  }
0x11a: {  	[tilespmem:s24], [sflag:$0xF] =	stream.indirect.gather [hbm4b:s4+s10], $0x80, s9, s10, $0xb8;
	[tilespmem:$0x1C980] =	vst v63  }
0x11b: {  	_ =	swait.ge [sflag:s22], $0x1900  }
0x11c: {  	[sflag:s22] =	ssyncset.done $0x0  }
0x11d: {  	[sflag:s22] =	ssyncadd.s32 $0xFFFFE700  }
0x11e: {  	[spmem:s6] =	stream.indirect.scatter.add.f32 [tilespmem:s19], [sflag:$0x10], $0x80, s0, s10, $0xb8;
	[tilespmem:$0x1C980] =	vst v63  }
0x11f: {  	_ =	swait.ge [sflag:s30], $0x1900  }
0x120: {  	[sflag:s30] =	ssyncset.done $0x0  }
0x121: {  	s9 =	simm.s32 $0xC;
	[sflag:s30] =	ssyncadd.s32 $0xFFFFE700  }
0x122: {  	_ =	swait.ge [sflag:s9], $0x1900  }
0x123: {  	[sflag:s9] =	ssyncset.done $0x0  }
0x124: {  	[sflag:s9] =	ssyncadd.s32 $0xFFFFE700  }
0x125: {  	[spmem:s6] =	stream.indirect.scatter.add.f32 [tilespmem:s14], [sflag:$0x11], $0x80, s2, s10, $0xb8;
	[tilespmem:$0x1C980] =	vst v63  }
0x126: {  	_ =	swait.ge [sflag:s31], $0x1900  }
0x127: {  	[sflag:s31] =	ssyncset.done $0x0  }
0x128: {  	s14 =	simm.s32 $0xD;
	[sflag:s31] =	ssyncadd.s32 $0xFFFFE700  }
0x129: {  	_ =	swait.ge [sflag:s14], $0x1900  }
0x12a: {  	[sflag:s14] =	ssyncset.done $0x0  }
0x12b: {  	[sflag:s14] =	ssyncadd.s32 $0xFFFFE700  }
0x12c: {  	[spmem:s6] =	stream.indirect.scatter.add.f32 [tilespmem:s13], [sflag:$0x12], $0x80, s26, s10, $0xb8;
	[tilespmem:$0x1C980] =	vst v63  }
0x12d: {  	_ =	swait.ge [sflag:s1], $0x1900  }
0x12e: {  	[sflag:s1] =	ssyncset.done $0x0  }
0x12f: {  	s16 =	simm.s32 $0xE;
	[sflag:s1] =	ssyncadd.s32 $0xFFFFE700  }
0x130: {  	_ =	swait.ge [sflag:s16], $0x1900  }
0x131: {  	[sflag:s16] =	ssyncset.done $0x0  }
0x132: {  	[sflag:s16] =	ssyncadd.s32 $0xFFFFE700  }
0x133: {  	[spmem:s6] =	stream.indirect.scatter.add.f32 [tilespmem:s15], [sflag:$0x13], $0x80, s7, s10, $0xb8;
	[tilespmem:$0x1C980] =	vst v63  }
0x134: {  	_ =	swait.ge [sflag:s11], $0x1900  }
0x135: {  	[sflag:s11] =	ssyncset.done $0x0  }
0x136: {  	s17 =	simm.s32 $0xF;
	[sflag:s11] =	ssyncadd.s32 $0xFFFFE700  }
0x137: {  	_ =	swait.ge [sflag:s17], $0x1900  }
0x138: {  	[sflag:s17] =	ssyncset.done $0x0  }
0x139: {  	[sflag:s17] =	ssyncadd.s32 $0xFFFFE700  }
0x13a: {  	[spmem:s6] =	stream.indirect.scatter.add.f32 [tilespmem:s24], [sflag:$0x14], $0x80, s8, s10, $0xb8;
	[tilespmem:$0x1C980] =	vst v63  }
0x13b: {  	_ =	swait.ge [sflag:s28], $0x1900  }
0x13c: {  	[sflag:s28] =	ssyncset.done $0x0  }
0x13d: {  	[sflag:s28] =	ssyncadd.s32 $0xFFFFE700  }
0x13e: {  	[bflag:$0x0] =	sbarrier.arrive $0xFFFF  }
0x13f: {  	s19 =	rddreg [dreg:$0x4]  }
0x140: {  	s9 =	rddreg [dreg:$0x9]  }
0x141: {  	s23 =	rddreg [dreg:$0xb]  }
0x142: {  	s17 =	rddreg [dreg:$0xd]  }
0x143: {  	s0 =	sadd.s32 s19, s9;
	s8 =	sor.u32 $0x1C15, s23;
	s23 =	simm.s32 $0x15  }
0x144: {  	[hbm:s0], [sflag:s8] =	dma.local [spmem:s17], $0x2700  }
0x145: {  	_ =	swait.ge [sflag:s23], $0x2700  }
0x146: {  	s0 =	rddreg [dreg:$0x7]  }
0x147: {  	[sflag:s23] =	ssyncset.done $0x0;
	s0 =	sadd.s32 @!p2 s0, s9;
	s9 =	rddreg [dreg:$0x6]  }
0x148: {  	[sflag:s23] =	ssyncadd.s32 $0xFFFFD900;
	s9 =	sshrl.u32 @!p2 s9, $0x3  }
0x149: {  	[hbm:s0], [sflag:s8] =	dma.local @!p2 [spmem:s9], $0x80  }
0x14a: {  	s0 =	simm.s32 @!p2 $0x15  }
0x14b: {  	_ =	swait.ge @!p2 [sflag:s0], $0x80  }
0x14c: {  	s24 =	rddreg [dreg:$0x12]  }
0x14d: {  	s26 =	rddreg [dreg:$0xa];
	s1 =	sadd.s32 $0x1, s24  }
0x14e: {  	p3 =	sne.s32 s1, s26  }
.Ltmp5:
0x14f: {  	_ = 	snop;
	(pc) =	sbr.rel @p3 .LBB2_1-.Ltmp5, $3  }
0x150: {  	_ =	sdelay $0x1  }
0x151: {  	[sflag:s0] =	ssyncset.done @!p2 $0x0  }
0x152: {  	s30 =	simm.s32 $0x7500;
	[sflag:s0] =	ssyncadd.s32 @!p2 $0xFFFFFF80;
	s24 =	smov.u32 s6  }
0x153: {  	_ =	sfence.sel $0x180000  }
0x154: {  	[bflag:$0x0] =	sbarrier.arrive $0xFFFF  }
0x155: {  	_ =	strace $0x9000004A  }
0x156: {  	s0 =	stileid.u32;
	[bflag:$0x2] =	sbarrier.arrive $0xFFFF  }
0x157: {  	p0 =	sne.s32 s0, $0x0;
	s0 =	rddreg [dreg:$0x2]  }
0x158: {  	s0 =	sadd.s32 @!p0 $0x100000, s0  }
0x159: {  	[sflag:s0] =	ssyncadd.tile.s32 @!p0 $0x1;
	_ =	shalt  }
.Lfunc_end2:
_tile_overlayer_lowered:
.L_overlay_start_2:
0x15a: {  	(tag) =	ssettag $0x2  }
0x15b: {  	s0 =	rddreg [dreg:$0x0];
	s2 =	stileid.u32  }
0x15c: {  	s1 =	rddreg [dreg:$0x1];
	p0 =	sne.s32 s2, $0x0  }
0x15d: {  	s3 =	rddreg [dreg:$0x2];
	[bflag:$0x3] =	sbarrier.arrive $0xFFFF;
	s2 =	simm.s32 @!p0 $0x1C15  }
0x15e: {  	[timem:s3], [sflag:s2] =	dma.local @!p0 [hbm:s0], s1  }
0x15f: {  	s0 =	simm.s32 @!p0 $0x15  }
0x160: {  	_ =	swait.ge @!p0 [sflag:s0], s1  }
0x161: {  	s1 =	ssub.s32 @!p0 $0x0, s1;
	[sflag:s0] =	ssyncset.done @!p0 $0x0  }
0x162: {  	[sflag:s0] =	ssyncadd.s32 @!p0 s1  }
0x163: {  	[bflag:$0x3] =	sbarrier.arrive $0xFFFF  }
0x164: {  	_ =	shalt  }

</sc_bundles>
